<compile_context>
chip_gen: v7x
topology: tpu7x:2x2x1
jax: 0.10.2.dev20260603
libtpu: 0.0.44.dev20260713+nightly
codegen_flags: <defaults>
</compile_context>

<pallas_src>
import functools

import jax
import jax.numpy as jnp
from jax import lax
from jax.experimental import pallas as pl
from jax.experimental.pallas import tpu as pltpu
from jax.experimental.pallas import tpu_sc as plsc

KP_EXTENT = 2.0
EPS = 1e-5


def _sc_gather(x, sx, sy, sz, inds_flat, chunk=400):
    n, c = x.shape
    e = inds_flat.shape[0]
    info = plsc.get_sparse_core_info()
    nw = info.num_cores * info.num_subcores
    per_w = e // nw
    assert e % nw == 0 and per_w % chunk == 0 and chunk % 16 == 0
    n_ch = per_w // chunk
    n_sub = chunk // 16
    mesh = plsc.VectorSubcoreMesh(core_axis_name="c", subcore_axis_name="s")

    @functools.partial(
        pl.kernel,
        mesh=mesh,
        out_type=(
            jax.ShapeDtypeStruct((e, c), jnp.float32),
            jax.ShapeDtypeStruct((e,), jnp.float32),
            jax.ShapeDtypeStruct((e,), jnp.float32),
            jax.ShapeDtypeStruct((e,), jnp.float32),
        ),
        scratch_types=[
            pltpu.VMEM((chunk,), jnp.int32),
            pltpu.VMEM((chunk, c), jnp.float32),
            pltpu.VMEM((n,), jnp.float32),
            pltpu.VMEM((n,), jnp.float32),
            pltpu.VMEM((n,), jnp.float32),
            pltpu.VMEM((chunk,), jnp.float32),
            pltpu.VMEM((chunk,), jnp.float32),
            pltpu.VMEM((chunk,), jnp.float32),
            pltpu.SemaphoreType.DMA,
        ],
        compiler_params=pltpu.CompilerParams(needs_layout_passes=False),
    )
    def gather_k(x_hbm, sx_hbm, sy_hbm, sz_hbm, idx_hbm,
                 feat_hbm, ox_hbm, oy_hbm, oz_hbm,
                 idx_v, rows_v, sxv, syv, szv, gxv, gyv, gzv, sem):
        wid = lax.axis_index("s") * info.num_cores + lax.axis_index("c")
        base0 = wid * per_w
        pltpu.sync_copy(sx_hbm, sxv)
        pltpu.sync_copy(sy_hbm, syv)
        pltpu.sync_copy(sz_hbm, szv)

        def chunk_body(i, carry):
            base = base0 + i * chunk
            pltpu.sync_copy(idx_hbm.at[pl.ds(base, chunk)], idx_v)
            pltpu.async_copy(x_hbm.at[idx_v], rows_v, sem).wait()

            def sub_body(j, carry2):
                off = j * 16
                iv = idx_v[pl.ds(off, 16)]
                gxv[pl.ds(off, 16)] = plsc.load_gather(sxv, [iv])
                gyv[pl.ds(off, 16)] = plsc.load_gather(syv, [iv])
                gzv[pl.ds(off, 16)] = plsc.load_gather(szv, [iv])
                return carry2

            lax.fori_loop(0, n_sub, sub_body, 0)
            pltpu.sync_copy(rows_v, feat_hbm.at[pl.ds(base, chunk)])
            pltpu.sync_copy(gxv, ox_hbm.at[pl.ds(base, chunk)])
            pltpu.sync_copy(gyv, oy_hbm.at[pl.ds(base, chunk)])
            pltpu.sync_copy(gzv, oz_hbm.at[pl.ds(base, chunk)])
            return carry

        lax.fori_loop(0, n_ch, chunk_body, 0)

    return gather_k(x, sx, sy, sz, inds_flat)


def _p1_body(k1, k2, c, o2, g_ref, nbx_ref, nby_ref, nbz_ref, q_ref, kp_ref,
             wm_ref, wd_ref, x1r_ref, x2r_ref, st_ref, w3_ref, wf_ref):
    b = q_ref.shape[0]
    h = nbx_ref.shape[1]
    kk = k1 + k2
    nbx = nbx_ref[...] - q_ref[:, 0:1]
    nby = nby_ref[...] - q_ref[:, 1:2]
    nbz = nbz_ref[...] - q_ref[:, 2:3]

    inv_ext = 1.0 / KP_EXTENT
    wks = []
    for k in range(kk):
        dx = nbx - kp_ref[k:k + 1, 0:1]
        dy = nby - kp_ref[k:k + 1, 1:2]
        dz = nbz - kp_ref[k:k + 1, 2:3]
        sqk = dx * dx + dy * dy + dz * dz
        wk = jnp.maximum(1.0 - jnp.sqrt(sqk + 1e-12) * inv_ext, 0.0)
        wks.append(wk)
    w3_ref[...] = jnp.stack(wks, axis=1)

    for bb in range(b):
        w_b = w3_ref[bb]
        f_b = g_ref[bb]
        wf_ref[bb] = jnp.dot(w_b, f_b, preferred_element_type=jnp.float32)

    wf = wf_ref[...]
    acc1 = jnp.zeros((b, o2), jnp.float32)
    acc2 = jnp.zeros((b, o2), jnp.float32)
    for k in range(kk):
        wfk = wf[:, k, :]
        if k < k1:
            acc1 = acc1 + jnp.dot(wfk, wm_ref[k],
                                  preferred_element_type=jnp.float32)
        else:
            acc2 = acc2 + jnp.dot(wfk, wd_ref[k - k1],
                                  preferred_element_type=jnp.float32)

    x1r_ref[...] = acc1
    x2r_ref[...] = acc2

    s1 = jnp.sum(acc1, axis=0, keepdims=True)
    q1 = jnp.sum(acc1 * acc1, axis=0, keepdims=True)
    s2 = jnp.sum(acc2, axis=0, keepdims=True)
    q2 = jnp.sum(acc2 * acc2, axis=0, keepdims=True)
    blk = jnp.concatenate(
        [s1, q1, s2, q2, jnp.zeros((4, o2), jnp.float32)], axis=0)

    @pl.when(pl.program_id(0) == 0)
    def _():
        st_ref[...] = jnp.zeros_like(st_ref)

    st_ref[...] += blk


def _p2_body(n_total, x1r_ref, x2r_ref, st_ref, g1_ref, b1_ref, g2_ref,
             b2_ref, wm_ref, wft_ref, wfb_ref, outr_ref, stf_ref):
    st = st_ref[...]
    inv_n = 1.0 / n_total
    m1 = st[0:1, :] * inv_n
    v1 = st[1:2, :] * inv_n - m1 * m1
    a1 = g1_ref[...] / jnp.sqrt(v1 + EPS)
    c1 = b1_ref[...] - a1 * m1
    m2 = st[2:3, :] * inv_n
    v2 = st[3:4, :] * inv_n - m2 * m2
    a2 = g2_ref[...] / jnp.sqrt(v2 + EPS)
    c2 = b2_ref[...] - a2 * m2

    x1 = x1r_ref[...] * a1 + c1
    x2 = x2r_ref[...] * a2 + c2
    y2 = jnp.dot(x1 + x2, wm_ref[...], preferred_element_type=jnp.float32)
    outr = (jnp.dot(x1, wft_ref[...], preferred_element_type=jnp.float32)
            + jnp.dot(y2, wfb_ref[...], preferred_element_type=jnp.float32))
    outr_ref[...] = outr

    s = jnp.sum(outr, axis=0, keepdims=True)
    qq = jnp.sum(outr * outr, axis=0, keepdims=True)
    o = outr.shape[1]
    blk = jnp.concatenate([s, qq, jnp.zeros((6, o), jnp.float32)], axis=0)

    @pl.when(pl.program_id(0) == 0)
    def _():
        stf_ref[...] = jnp.zeros_like(stf_ref)

    stf_ref[...] += blk


def _p3_body(n_total, outr_ref, stf_ref, gf_ref, bf_ref, out_ref):
    st = stf_ref[...]
    inv_n = 1.0 / n_total
    m = st[0:1, :] * inv_n
    v = st[1:2, :] * inv_n - m * m
    a = gf_ref[...] / jnp.sqrt(v + EPS)
    c = bf_ref[...] - a * m
    out_ref[...] = jnp.maximum(outr_ref[...] * a + c, 0.0)


def kernel(q_pts, s_pts, neighb_inds, x, stack_lengths_post, KP_mini, W_mini,
           gamma1, beta1, KP_mid, W_mid, gamma2, beta2, W_midmini, W_final,
           gamma_f, beta_f):
    n, c = x.shape
    h = neighb_inds.shape[1]
    k1 = KP_mini.shape[0]
    k2 = KP_mid.shape[0]
    kk = k1 + k2
    o2 = W_mini.shape[2]
    o = W_final.shape[1]

    inds_flat = neighb_inds.astype(jnp.int32).reshape(-1)
    feat, gx, gy, gz = _sc_gather(
        x, s_pts[:, 0], s_pts[:, 1], s_pts[:, 2], inds_flat)
    g3 = feat.reshape(n, h, c)
    nbx = gx.reshape(n, h)
    nby = gy.reshape(n, h)
    nbz = gz.reshape(n, h)

    kp_all = jnp.concatenate([KP_mini, KP_mid], axis=0)

    b = 200
    grid = (n // b,)
    x1r, x2r, st = pl.pallas_call(
        functools.partial(_p1_body, k1, k2, c, o2),
        grid=grid,
        in_specs=[
            pl.BlockSpec((b, h, c), lambda i: (i, 0, 0)),
            pl.BlockSpec((b, h), lambda i: (i, 0)),
            pl.BlockSpec((b, h), lambda i: (i, 0)),
            pl.BlockSpec((b, h), lambda i: (i, 0)),
            pl.BlockSpec((b, 3), lambda i: (i, 0)),
            pl.BlockSpec((kk, 3), lambda i: (0, 0)),
            pl.BlockSpec((k1, c, o2), lambda i: (0, 0, 0)),
            pl.BlockSpec((k2, c, o2), lambda i: (0, 0, 0)),
        ],
        out_specs=[
            pl.BlockSpec((b, o2), lambda i: (i, 0)),
            pl.BlockSpec((b, o2), lambda i: (i, 0)),
            pl.BlockSpec((8, o2), lambda i: (0, 0)),
        ],
        out_shape=[
            jax.ShapeDtypeStruct((n, o2), jnp.float32),
            jax.ShapeDtypeStruct((n, o2), jnp.float32),
            jax.ShapeDtypeStruct((8, o2), jnp.float32),
        ],
        scratch_shapes=[
            pltpu.VMEM((b, kk, h), jnp.float32),
            pltpu.VMEM((b, kk, c), jnp.float32),
        ],
    )(g3, nbx, nby, nbz, q_pts, kp_all, W_mini, W_mid)

    wf_top = W_final[:o2, :]
    wf_bot = W_final[o2:, :]
    outr, stf = pl.pallas_call(
        functools.partial(_p2_body, n),
        grid=grid,
        in_specs=[
            pl.BlockSpec((b, o2), lambda i: (i, 0)),
            pl.BlockSpec((b, o2), lambda i: (i, 0)),
            pl.BlockSpec((8, o2), lambda i: (0, 0)),
            pl.BlockSpec((1, o2), lambda i: (0, 0)),
            pl.BlockSpec((1, o2), lambda i: (0, 0)),
            pl.BlockSpec((1, o2), lambda i: (0, 0)),
            pl.BlockSpec((1, o2), lambda i: (0, 0)),
            pl.BlockSpec((o2, o2), lambda i: (0, 0)),
            pl.BlockSpec((o2, o), lambda i: (0, 0)),
            pl.BlockSpec((o2, o), lambda i: (0, 0)),
        ],
        out_specs=[
            pl.BlockSpec((b, o), lambda i: (i, 0)),
            pl.BlockSpec((8, o), lambda i: (0, 0)),
        ],
        out_shape=[
            jax.ShapeDtypeStruct((n, o), jnp.float32),
            jax.ShapeDtypeStruct((8, o), jnp.float32),
        ],
    )(x1r, x2r, st, gamma1.reshape(1, o2), beta1.reshape(1, o2),
      gamma2.reshape(1, o2), beta2.reshape(1, o2), W_midmini, wf_top, wf_bot)

    out = pl.pallas_call(
        functools.partial(_p3_body, n),
        grid=grid,
        in_specs=[
            pl.BlockSpec((b, o), lambda i: (i, 0)),
            pl.BlockSpec((8, o), lambda i: (0, 0)),
            pl.BlockSpec((1, o), lambda i: (0, 0)),
            pl.BlockSpec((1, o), lambda i: (0, 0)),
        ],
        out_specs=pl.BlockSpec((b, o), lambda i: (i, 0)),
        out_shape=jax.ShapeDtypeStruct((n, o), jnp.float32),
    )(outr, stf, gamma_f.reshape(1, o), beta_f.reshape(1, o))

    return out

# --- scband reference (transcript-rebuilt; emitter-appended) ---
"""Pipeline reference for scband-kpconv-msres-84739704750343 (READ-ONLY COPY).

The authoritative reference and input builder live on the scoring server;
editing this copy changes nothing except your own understanding.
"""

import jax, jax.numpy as jnp
import numpy as np

N = 10000
H = 32
C = 128
O = 128
KP_EXTENT = 2.0
RADIUS = 2.5
EPS = 1e-5


def make_kernel_points(K, radius, seed):
    # Deterministic stand-in for load_kernels: first point fixed at center,
    # remaining K-1 points uniformly disposed in a ball of given radius.
    rng = np.random.RandomState(seed)
    pts = rng.randn(K - 1, 3)
    pts = pts / np.maximum(np.linalg.norm(pts, axis=1, keepdims=True), 1e-9)
    r = rng.rand(K - 1, 1) ** (1.0 / 3.0) * radius
    pts = pts * r
    pts = np.concatenate([np.zeros((1, 3)), pts], axis=0)
    return jnp.asarray(pts, dtype=jnp.float32)


def setup_inputs(seed: int = 0):
    key = jax.random.key(seed)
    ks = jax.random.split(key, 12)
    q_pts = jax.random.normal(ks[0], (N, 3), dtype=jnp.float32) * 2.0
    s_pts = q_pts + 0.01 * jax.random.normal(ks[1], (N, 3), dtype=jnp.float32)
    neighb_inds = jax.random.randint(ks[2], (N, H), 0, N)
    x = jax.random.normal(ks[3], (N, C), dtype=jnp.float32)
    stack_lengths_post = jnp.array([N // 2, N - N // 2], dtype=jnp.int32)
    W_mini = 0.05 * jax.random.normal(ks[4], (7, C, O // 2), dtype=jnp.float32)
    W_mid = 0.05 * jax.random.normal(ks[5], (13, C, O // 2), dtype=jnp.float32)
    W_midmini = 0.05 * jax.random.normal(ks[6], (O // 2, O // 2), dtype=jnp.float32)
    W_final = 0.05 * jax.random.normal(ks[7], (O, O), dtype=jnp.float32)
    return {
        "q_pts": q_pts,
        "s_pts": s_pts,
        "neighb_inds": neighb_inds,
        "x": x,
        "stack_lengths_post": stack_lengths_post,
        "KP_mini": make_kernel_points(7, RADIUS * 1.5, 42),
        "W_mini": W_mini,
        "gamma1": jnp.ones((O // 2,), dtype=jnp.float32),
        "beta1": jnp.zeros((O // 2,), dtype=jnp.float32),
        "KP_mid": make_kernel_points(13, RADIUS, 43),
        "W_mid": W_mid,
        "gamma2": jnp.ones((O // 2,), dtype=jnp.float32),
        "beta2": jnp.zeros((O // 2,), dtype=jnp.float32),
        "W_midmini": W_midmini,
        "W_final": W_final,
        "gamma_f": jnp.ones((O,), dtype=jnp.float32),
        "beta_f": jnp.zeros((O,), dtype=jnp.float32),
    }


def kpconv(q_pts, s_pts, neighb_inds, x, kernel_points, weights):
    # Shadow point / shadow feature padding (classic KPConv)
    s_pad = jnp.concatenate([s_pts, jnp.full((1, 3), 1e6, s_pts.dtype)], axis=0)
    x_pad = jnp.concatenate([x, jnp.zeros((1, x.shape[1]), x.dtype)], axis=0)
    neighbors = s_pad[neighb_inds] - q_pts[:, None, :]            # [N, H, 3]
    diffs = neighbors[:, :, None, :] - kernel_points[None, None, :, :]  # [N, H, K, 3]
    sq = jnp.sum(diffs ** 2, axis=-1)                              # [N, H, K]
    # linear KP_influence, aggregation_mode='sum'
    all_w = jnp.clip(1.0 - jnp.sqrt(sq + 1e-12) / KP_EXTENT, 0.0, None)
    all_w = jnp.transpose(all_w, (0, 2, 1))                        # [N, K, H]
    nx = x_pad[neighb_inds]                                        # [N, H, C]
    wf = jnp.matmul(all_w, nx)                                     # [N, K, C]
    return jnp.einsum("nkc,kcd->nd", wf, weights)                  # [N, O/2]


def batchnorm(x, gamma, beta):
    m = jnp.mean(x, axis=0, keepdims=True)
    v = jnp.var(x, axis=0, keepdims=True)
    return gamma * (x - m) / jnp.sqrt(v + EPS) + beta


def reference(q_pts, s_pts, neighb_inds, x, stack_lengths_post, KP_mini, W_mini, gamma1, beta1, KP_mid, W_mid, gamma2, beta2, W_midmini, W_final, gamma_f, beta_f):
    x1 = kpconv(q_pts, s_pts, neighb_inds, x, KP_mini, W_mini)
    x1 = batchnorm(x1, gamma1, beta1)
    x2 = kpconv(q_pts, s_pts, neighb_inds, x, KP_mid, W_mid)
    x2 = batchnorm(x2, gamma2, beta2)
    x2 = (x1 + x2) @ W_midmini
    xc = jnp.concatenate([x1, x2], axis=1)
    out = xc @ W_final
    out = batchnorm(out, gamma_f, beta_f)
    return jax.nn.relu(out)

if __name__ == "__main__":
    import jax
    _d = setup_inputs()
    print(jax.jit(kernel)(*tuple(_d.values())))

</pallas_src>

<mosaic_0001>
#map = affine_map<(d0, d1) -> (0, 0)>
#map1 = affine_map<(d0, d1) -> (0)>
module attributes {stable_mosaic.version = 14 : i64} {
  func.func @gather_k(%arg0: i32, %arg1: i32, %arg2: memref<10000x128xf32, #tpu.memory_space<hbm>>, %arg3: memref<10000xf32, #tpu.memory_space<hbm>>, %arg4: memref<10000xf32, #tpu.memory_space<hbm>>, %arg5: memref<10000xf32, #tpu.memory_space<hbm>>, %arg6: memref<320000xi32, #tpu.memory_space<hbm>>, %arg7: memref<320000x128xf32, #tpu.memory_space<hbm>>, %arg8: memref<320000xf32, #tpu.memory_space<hbm>>, %arg9: memref<320000xf32, #tpu.memory_space<hbm>>, %arg10: memref<320000xf32, #tpu.memory_space<hbm>>, %arg11: memref<400xi32, #tpu.memory_space<vmem>>, %arg12: memref<400x128xf32, #tpu.memory_space<vmem>>, %arg13: memref<10000xf32, #tpu.memory_space<vmem>>, %arg14: memref<10000xf32, #tpu.memory_space<vmem>>, %arg15: memref<10000xf32, #tpu.memory_space<vmem>>, %arg16: memref<400xf32, #tpu.memory_space<vmem>>, %arg17: memref<400xf32, #tpu.memory_space<vmem>>, %arg18: memref<400xf32, #tpu.memory_space<vmem>>, %arg19: memref<!tpu.dma_semaphore, #tpu.memory_space<semaphore_mem>>) attributes {dimension_semantics = [#tpu.dimension_semantics<core_parallel>, #tpu.dimension_semantics<subcore_parallel>], iteration_bounds = array<i64: 2, 16>, scalar_prefetch = 0 : i64, scratch_operands = 9 : i64, tpu.core_type = #tpu.core_type<sc_vector_subcore>, window_params = [{transform_indices = #map}, {transform_indices = #map1}, {transform_indices = #map1}, {transform_indices = #map1}, {transform_indices = #map1}, {transform_indices = #map}, {transform_indices = #map1}, {transform_indices = #map1}, {transform_indices = #map1}]} {
    %mul3A = arith.constant 2 : i32
    %mul3A_0 = arith.muli %arg1, %mul3A : i32
    %add3A = arith.addi %mul3A_0, %arg0 : i32
    %mul3A_1 = arith.constant 10000 : i32
    %mul3A_2 = arith.muli %add3A, %mul3A_1 : i32
    "tpu.region"() ({
      %run_scoped3A = tpu.sem_alloc : memref<!tpu.dma_semaphore, #tpu.memory_space<semaphore_mem>>
      tpu.enqueue_dma source(%arg3 : memref<10000xf32, #tpu.memory_space<hbm>>) target(%arg13 : memref<10000xf32, #tpu.memory_space<vmem>>) target_semaphore(%run_scoped3A : memref<!tpu.dma_semaphore, #tpu.memory_space<semaphore_mem>>)
      tpu.wait_dma2 semaphore(%run_scoped3A : memref<!tpu.dma_semaphore, #tpu.memory_space<semaphore_mem>>) src(%arg3 : memref<10000xf32, #tpu.memory_space<hbm>>) dst(%arg13 : memref<10000xf32, #tpu.memory_space<vmem>>)
      tpu.yield
    }) : () -> ()
    "tpu.region"() ({
      %run_scoped3A = tpu.sem_alloc : memref<!tpu.dma_semaphore, #tpu.memory_space<semaphore_mem>>
      tpu.enqueue_dma source(%arg4 : memref<10000xf32, #tpu.memory_space<hbm>>) target(%arg14 : memref<10000xf32, #tpu.memory_space<vmem>>) target_semaphore(%run_scoped3A : memref<!tpu.dma_semaphore, #tpu.memory_space<semaphore_mem>>)
      tpu.wait_dma2 semaphore(%run_scoped3A : memref<!tpu.dma_semaphore, #tpu.memory_space<semaphore_mem>>) src(%arg4 : memref<10000xf32, #tpu.memory_space<hbm>>) dst(%arg14 : memref<10000xf32, #tpu.memory_space<vmem>>)
      tpu.yield
    }) : () -> ()
    "tpu.region"() ({
      %run_scoped3A = tpu.sem_alloc : memref<!tpu.dma_semaphore, #tpu.memory_space<semaphore_mem>>
      tpu.enqueue_dma source(%arg5 : memref<10000xf32, #tpu.memory_space<hbm>>) target(%arg15 : memref<10000xf32, #tpu.memory_space<vmem>>) target_semaphore(%run_scoped3A : memref<!tpu.dma_semaphore, #tpu.memory_space<semaphore_mem>>)
      tpu.wait_dma2 semaphore(%run_scoped3A : memref<!tpu.dma_semaphore, #tpu.memory_space<semaphore_mem>>) src(%arg5 : memref<10000xf32, #tpu.memory_space<hbm>>) dst(%arg15 : memref<10000xf32, #tpu.memory_space<vmem>>)
      tpu.yield
    }) : () -> ()
    %scan3A = arith.constant 0 : i32
    %scan3A_3 = arith.constant 0 : i32
    %scan3A_4 = arith.constant 25 : i32
    %scan3A_5 = arith.addi %scan3A_3, %scan3A_4 : i32
    %scan3A_6 = arith.constant 1 : i32
    scf.for %scan3A_8 = %scan3A_3 to %scan3A_5 step %scan3A_6  : i32 {
      %mul3A_9 = arith.constant 400 : i32
      %mul3A_10 = arith.muli %scan3A_8, %mul3A_9 : i32
      %add3A_11 = arith.addi %mul3A_2, %mul3A_10 : i32
      "tpu.region"() ({
        %run_scoped3A = tpu.sem_alloc : memref<!tpu.dma_semaphore, #tpu.memory_space<semaphore_mem>>
        %dma_start3A_22 = tpu.memref_slice %arg6[%add3A_11] : memref<320000xi32, #tpu.memory_space<hbm>> -> memref<400xi32, #tpu.memory_space<hbm>>
        %dma_start3A_23 = tpu.memref_slice %arg6[%add3A_11] : memref<320000xi32, #tpu.memory_space<hbm>> -> memref<400xi32, #tpu.memory_space<hbm>>
        tpu.enqueue_dma source(%dma_start3A_23 : memref<400xi32, #tpu.memory_space<hbm>>) target(%arg11 : memref<400xi32, #tpu.memory_space<vmem>>) target_semaphore(%run_scoped3A : memref<!tpu.dma_semaphore, #tpu.memory_space<semaphore_mem>>)
        %dma_wait3A_24 = tpu.memref_slice %arg6[%add3A_11] : memref<320000xi32, #tpu.memory_space<hbm>> -> memref<400xi32, #tpu.memory_space<hbm>>
        %dma_wait3A_25 = tpu.memref_slice %arg6[%add3A_11] : memref<320000xi32, #tpu.memory_space<hbm>> -> memref<400xi32, #tpu.memory_space<hbm>>
        tpu.wait_dma2 semaphore(%run_scoped3A : memref<!tpu.dma_semaphore, #tpu.memory_space<semaphore_mem>>) src(%dma_wait3A_25 : memref<400xi32, #tpu.memory_space<hbm>>) dst(%arg11 : memref<400xi32, #tpu.memory_space<vmem>>)
        tpu.yield
      }) : () -> ()
      %dma_start3A = arith.constant 0 : i32
      %dma_start3A_12 = arith.constant 0 : i32
      %dma_start3A_13 = tpu.memref_slice %arg2[%dma_start3A, %dma_start3A_12] : memref<10000x128xf32, #tpu.memory_space<hbm>> -> memref<10000x128xf32, #tpu.memory_space<hbm>>
      tpu.enqueue_indirect_dma source(%dma_start3A_13 : memref<10000x128xf32, #tpu.memory_space<hbm>>) target(%arg12 : memref<400x128xf32, #tpu.memory_space<vmem>>) offsets(%arg11 : memref<400xi32, #tpu.memory_space<vmem>>) semaphore(%arg19 : memref<!tpu.dma_semaphore, #tpu.memory_space<semaphore_mem>>)
      %dma_wait3A = arith.constant 0 : i32
      %dma_wait3A_14 = arith.constant 0 : i32
      %dma_wait3A_15 = tpu.memref_slice %arg2[%dma_wait3A, %dma_wait3A_14] : memref<10000x128xf32, #tpu.memory_space<hbm>> -> memref<10000x128xf32, #tpu.memory_space<hbm>>
      tpu.wait_indirect_dma semaphore(%arg19 : memref<!tpu.dma_semaphore, #tpu.memory_space<semaphore_mem>>) src(%dma_wait3A_15 : memref<10000x128xf32, #tpu.memory_space<hbm>>) dst(%arg12 : memref<400x128xf32, #tpu.memory_space<vmem>>)
      %scan3A_16 = arith.constant 0 : i32
      %scan3A_17 = arith.constant 0 : i32
      %scan3A_18 = arith.constant 25 : i32
      %scan3A_19 = arith.addi %scan3A_17, %scan3A_18 : i32
      %scan3A_20 = arith.constant 1 : i32
      scf.for %scan3A_22 = %scan3A_17 to %scan3A_19 step %scan3A_20  : i32 {
        %mul3A_23 = arith.constant 16 : i32
        %mul3A_24 = arith.muli %scan3A_22, %mul3A_23 : i32
        %get3A = arith.index_cast %mul3A_24 : i32 to index
        %get3A_25 = tpu.vector_load %arg11[%get3A] {strides = array<i32>} : memref<400xi32, #tpu.memory_space<vmem>>, vector<16xi32>,
        %gather3A = tpu.vector_load_idx %arg13[%get3A_25] : memref<10000xf32, #tpu.memory_space<vmem>>[vector<16xi32>], vector<16xf32>,
        %swap3A = arith.index_cast %mul3A_24 : i32 to index
        %swap3A_26 = tpu.vector_load %arg16[%swap3A] {strides = array<i32>} : memref<400xf32, #tpu.memory_space<vmem>>, vector<16xf32>,
        tpu.vector_store %arg16[%swap3A], %gather3A {strides = array<i32>} : memref<400xf32, #tpu.memory_space<vmem>>, vector<16xf32>,
        %gather3A_27 = tpu.vector_load_idx %arg14[%get3A_25] : memref<10000xf32, #tpu.memory_space<vmem>>[vector<16xi32>], vector<16xf32>,
        %swap3A_28 = arith.index_cast %mul3A_24 : i32 to index
        %swap3A_29 = tpu.vector_load %arg17[%swap3A_28] {strides = array<i32>} : memref<400xf32, #tpu.memory_space<vmem>>, vector<16xf32>,
        tpu.vector_store %arg17[%swap3A_28], %gather3A_27 {strides = array<i32>} : memref<400xf32, #tpu.memory_space<vmem>>, vector<16xf32>,
        %gather3A_30 = tpu.vector_load_idx %arg15[%get3A_25] : memref<10000xf32, #tpu.memory_space<vmem>>[vector<16xi32>], vector<16xf32>,
        %swap3A_31 = arith.index_cast %mul3A_24 : i32 to index
        %swap3A_32 = tpu.vector_load %arg18[%swap3A_31] {strides = array<i32>} : memref<400xf32, #tpu.memory_space<vmem>>, vector<16xf32>,
        tpu.vector_store %arg18[%swap3A_31], %gather3A_30 {strides = array<i32>} : memref<400xf32, #tpu.memory_space<vmem>>, vector<16xf32>,
      }
      %scan3A_21 = arith.constant 25 : i32
      "tpu.region"() ({
        %run_scoped3A = tpu.sem_alloc : memref<!tpu.dma_semaphore, #tpu.memory_space<semaphore_mem>>
        %dma_start3A_22 = arith.constant 0 : i32
        %dma_start3A_23 = tpu.memref_slice %arg7[%add3A_11, %dma_start3A_22] : memref<320000x128xf32, #tpu.memory_space<hbm>> -> memref<400x128xf32, #tpu.memory_space<hbm>>
        %dma_start3A_24 = arith.constant 0 : i32
        %dma_start3A_25 = tpu.memref_slice %arg7[%add3A_11, %dma_start3A_24] : memref<320000x128xf32, #tpu.memory_space<hbm>> -> memref<400x128xf32, #tpu.memory_space<hbm>>
        tpu.enqueue_dma source(%arg12 : memref<400x128xf32, #tpu.memory_space<vmem>>) target(%dma_start3A_25 : memref<400x128xf32, #tpu.memory_space<hbm>>) target_semaphore(%run_scoped3A : memref<!tpu.dma_semaphore, #tpu.memory_space<semaphore_mem>>)
        %dma_wait3A_26 = arith.constant 0 : i32
        %dma_wait3A_27 = tpu.memref_slice %arg7[%add3A_11, %dma_wait3A_26] : memref<320000x128xf32, #tpu.memory_space<hbm>> -> memref<400x128xf32, #tpu.memory_space<hbm>>
        %dma_wait3A_28 = arith.constant 0 : i32
        %dma_wait3A_29 = tpu.memref_slice %arg7[%add3A_11, %dma_wait3A_28] : memref<320000x128xf32, #tpu.memory_space<hbm>> -> memref<400x128xf32, #tpu.memory_space<hbm>>
        tpu.wait_dma2 semaphore(%run_scoped3A : memref<!tpu.dma_semaphore, #tpu.memory_space<semaphore_mem>>) src(%arg12 : memref<400x128xf32, #tpu.memory_space<vmem>>) dst(%dma_wait3A_29 : memref<400x128xf32, #tpu.memory_space<hbm>>)
        tpu.yield
      }) : () -> ()
      "tpu.region"() ({
        %run_scoped3A = tpu.sem_alloc : memref<!tpu.dma_semaphore, #tpu.memory_space<semaphore_mem>>
        %dma_start3A_22 = tpu.memref_slice %arg8[%add3A_11] : memref<320000xf32, #tpu.memory_space<hbm>> -> memref<400xf32, #tpu.memory_space<hbm>>
        %dma_start3A_23 = tpu.memref_slice %arg8[%add3A_11] : memref<320000xf32, #tpu.memory_space<hbm>> -> memref<400xf32, #tpu.memory_space<hbm>>
        tpu.enqueue_dma source(%arg16 : memref<400xf32, #tpu.memory_space<vmem>>) target(%dma_start3A_23 : memref<400xf32, #tpu.memory_space<hbm>>) target_semaphore(%run_scoped3A : memref<!tpu.dma_semaphore, #tpu.memory_space<semaphore_mem>>)
        %dma_wait3A_24 = tpu.memref_slice %arg8[%add3A_11] : memref<320000xf32, #tpu.memory_space<hbm>> -> memref<400xf32, #tpu.memory_space<hbm>>
        %dma_wait3A_25 = tpu.memref_slice %arg8[%add3A_11] : memref<320000xf32, #tpu.memory_space<hbm>> -> memref<400xf32, #tpu.memory_space<hbm>>
        tpu.wait_dma2 semaphore(%run_scoped3A : memref<!tpu.dma_semaphore, #tpu.memory_space<semaphore_mem>>) src(%arg16 : memref<400xf32, #tpu.memory_space<vmem>>) dst(%dma_wait3A_25 : memref<400xf32, #tpu.memory_space<hbm>>)
        tpu.yield
      }) : () -> ()
      "tpu.region"() ({
        %run_scoped3A = tpu.sem_alloc : memref<!tpu.dma_semaphore, #tpu.memory_space<semaphore_mem>>
        %dma_start3A_22 = tpu.memref_slice %arg9[%add3A_11] : memref<320000xf32, #tpu.memory_space<hbm>> -> memref<400xf32, #tpu.memory_space<hbm>>
        %dma_start3A_23 = tpu.memref_slice %arg9[%add3A_11] : memref<320000xf32, #tpu.memory_space<hbm>> -> memref<400xf32, #tpu.memory_space<hbm>>
        tpu.enqueue_dma source(%arg17 : memref<400xf32, #tpu.memory_space<vmem>>) target(%dma_start3A_23 : memref<400xf32, #tpu.memory_space<hbm>>) target_semaphore(%run_scoped3A : memref<!tpu.dma_semaphore, #tpu.memory_space<semaphore_mem>>)
        %dma_wait3A_24 = tpu.memref_slice %arg9[%add3A_11] : memref<320000xf32, #tpu.memory_space<hbm>> -> memref<400xf32, #tpu.memory_space<hbm>>
        %dma_wait3A_25 = tpu.memref_slice %arg9[%add3A_11] : memref<320000xf32, #tpu.memory_space<hbm>> -> memref<400xf32, #tpu.memory_space<hbm>>
        tpu.wait_dma2 semaphore(%run_scoped3A : memref<!tpu.dma_semaphore, #tpu.memory_space<semaphore_mem>>) src(%arg17 : memref<400xf32, #tpu.memory_space<vmem>>) dst(%dma_wait3A_25 : memref<400xf32, #tpu.memory_space<hbm>>)
        tpu.yield
      }) : () -> ()
      "tpu.region"() ({
        %run_scoped3A = tpu.sem_alloc : memref<!tpu.dma_semaphore, #tpu.memory_space<semaphore_mem>>
        %dma_start3A_22 = tpu.memref_slice %arg10[%add3A_11] : memref<320000xf32, #tpu.memory_space<hbm>> -> memref<400xf32, #tpu.memory_space<hbm>>
        %dma_start3A_23 = tpu.memref_slice %arg10[%add3A_11] : memref<320000xf32, #tpu.memory_space<hbm>> -> memref<400xf32, #tpu.memory_space<hbm>>
        tpu.enqueue_dma source(%arg18 : memref<400xf32, #tpu.memory_space<vmem>>) target(%dma_start3A_23 : memref<400xf32, #tpu.memory_space<hbm>>) target_semaphore(%run_scoped3A : memref<!tpu.dma_semaphore, #tpu.memory_space<semaphore_mem>>)
        %dma_wait3A_24 = tpu.memref_slice %arg10[%add3A_11] : memref<320000xf32, #tpu.memory_space<hbm>> -> memref<400xf32, #tpu.memory_space<hbm>>
        %dma_wait3A_25 = tpu.memref_slice %arg10[%add3A_11] : memref<320000xf32, #tpu.memory_space<hbm>> -> memref<400xf32, #tpu.memory_space<hbm>>
        tpu.wait_dma2 semaphore(%run_scoped3A : memref<!tpu.dma_semaphore, #tpu.memory_space<semaphore_mem>>) src(%arg18 : memref<400xf32, #tpu.memory_space<vmem>>) dst(%dma_wait3A_25 : memref<400xf32, #tpu.memory_space<hbm>>)
        tpu.yield
      }) : () -> ()
    }
    %scan3A_7 = arith.constant 25 : i32
    return
  }
}

module attributes {stable_mosaic.version = 14 : i64} {
  func.func @_p2_body(%arg0: i32, %arg1: memref<200x64xf32, #tpu.memory_space<vmem>>, %arg2: memref<200x64xf32, #tpu.memory_space<vmem>>, %arg3: memref<8x64xf32, #tpu.memory_space<vmem>>, %arg4: memref<1x64xf32, #tpu.memory_space<vmem>>, %arg5: memref<1x64xf32, #tpu.memory_space<vmem>>, %arg6: memref<1x64xf32, #tpu.memory_space<vmem>>, %arg7: memref<1x64xf32, #tpu.memory_space<vmem>>, %arg8: memref<64x64xf32, #tpu.memory_space<vmem>>, %arg9: memref<64x128xf32, #tpu.memory_space<vmem>>, %arg10: memref<64x128xf32, #tpu.memory_space<vmem>>, %arg11: memref<200x128xf32, #tpu.memory_space<vmem>>, %arg12: memref<8x128xf32, #tpu.memory_space<vmem>>) attributes {dimension_semantics = [#tpu.dimension_semantics<arbitrary>], iteration_bounds = array<i64: 50>, scalar_prefetch = 0 : i64, scratch_operands = 0 : i64, tpu.core_type = #tpu.core_type<tc>, window_params = [{transform_indices = @transform_0, window_bounds = array<i64: 200, 64>}, {transform_indices = @transform_1, window_bounds = array<i64: 200, 64>}, {pipeline_mode = #tpu.pipeline_mode<synchronous>, transform_indices = @transform_2, window_bounds = array<i64: 8, 64>}, {pipeline_mode = #tpu.pipeline_mode<synchronous>, transform_indices = @transform_3, window_bounds = array<i64: 1, 64>}, {pipeline_mode = #tpu.pipeline_mode<synchronous>, transform_indices = @transform_4, window_bounds = array<i64: 1, 64>}, {pipeline_mode = #tpu.pipeline_mode<synchronous>, transform_indices = @transform_5, window_bounds = array<i64: 1, 64>}, {pipeline_mode = #tpu.pipeline_mode<synchronous>, transform_indices = @transform_6, window_bounds = array<i64: 1, 64>}, {pipeline_mode = #tpu.pipeline_mode<synchronous>, transform_indices = @transform_7, window_bounds = array<i64: 64, 64>}, {pipeline_mode = #tpu.pipeline_mode<synchronous>, transform_indices = @transform_8, window_bounds = array<i64: 64, 128>}, {pipeline_mode = #tpu.pipeline_mode<synchronous>, transform_indices = @transform_9, window_bounds = array<i64: 64, 128>}, {transform_indices = @transform_10, window_bounds = array<i64: 200, 128>}, {pipeline_mode = #tpu.pipeline_mode<synchronous>, transform_indices = @transform_11, window_bounds = array<i64: 8, 128>}]} {
    %get3A = arith.constant 0 : index
    %get3A_0 = arith.constant 0 : index
    %get3A_1 = vector.load %arg3[%get3A, %get3A_0] : memref<8x64xf32, #tpu.memory_space<vmem>>, vector<8x64xf32>
    %slice3A = vector.extract_strided_slice %get3A_1 {offsets = [0, 0], sizes = [1, 64], strides = [1, 1]} : vector<8x64xf32> to vector<1x64xf32>
    %mul3A = arith.constant 9.99999974E-5 : f32
    %mul3A_2 = vector.broadcast %mul3A : f32 to vector<1x64xf32>
    %mul3A_3 = arith.mulf %slice3A, %mul3A_2 : vector<1x64xf32>
    %slice3A_4 = vector.extract_strided_slice %get3A_1 {offsets = [1, 0], sizes = [1, 64], strides = [1, 1]} : vector<8x64xf32> to vector<1x64xf32>
    %mul3A_5 = arith.constant 9.99999974E-5 : f32
    %mul3A_6 = vector.broadcast %mul3A_5 : f32 to vector<1x64xf32>
    %mul3A_7 = arith.mulf %slice3A_4, %mul3A_6 : vector<1x64xf32>
    %mul3A_8 = arith.mulf %mul3A_3, %mul3A_3 : vector<1x64xf32>
    %sub3A = arith.subf %mul3A_7, %mul3A_8 : vector<1x64xf32>
    %get3A_9 = arith.constant 0 : index
    %get3A_10 = arith.constant 0 : index
    %get3A_11 = vector.load %arg4[%get3A_9, %get3A_10] : memref<1x64xf32, #tpu.memory_space<vmem>>, vector<1x64xf32>
    %add3A = arith.constant 9.99999974E-6 : f32
    %add3A_12 = vector.broadcast %add3A : f32 to vector<1x64xf32>
    %add3A_13 = arith.addf %sub3A, %add3A_12 : vector<1x64xf32>
    %sqrt3A = math.sqrt %add3A_13 : vector<1x64xf32>
    %div3A = arith.divf %get3A_11, %sqrt3A : vector<1x64xf32>
    %get3A_14 = arith.constant 0 : index
    %get3A_15 = arith.constant 0 : index
    %get3A_16 = vector.load %arg5[%get3A_14, %get3A_15] : memref<1x64xf32, #tpu.memory_space<vmem>>, vector<1x64xf32>
    %mul3A_17 = arith.mulf %div3A, %mul3A_3 : vector<1x64xf32>
    %sub3A_18 = arith.subf %get3A_16, %mul3A_17 : vector<1x64xf32>
    %slice3A_19 = vector.extract_strided_slice %get3A_1 {offsets = [2, 0], sizes = [1, 64], strides = [1, 1]} : vector<8x64xf32> to vector<1x64xf32>
    %mul3A_20 = arith.constant 9.99999974E-5 : f32
    %mul3A_21 = vector.broadcast %mul3A_20 : f32 to vector<1x64xf32>
    %mul3A_22 = arith.mulf %slice3A_19, %mul3A_21 : vector<1x64xf32>
    %slice3A_23 = vector.extract_strided_slice %get3A_1 {offsets = [3, 0], sizes = [1, 64], strides = [1, 1]} : vector<8x64xf32> to vector<1x64xf32>
    %mul3A_24 = arith.constant 9.99999974E-5 : f32
    %mul3A_25 = vector.broadcast %mul3A_24 : f32 to vector<1x64xf32>
    %mul3A_26 = arith.mulf %slice3A_23, %mul3A_25 : vector<1x64xf32>
    %mul3A_27 = arith.mulf %mul3A_22, %mul3A_22 : vector<1x64xf32>
    %sub3A_28 = arith.subf %mul3A_26, %mul3A_27 : vector<1x64xf32>
    %get3A_29 = arith.constant 0 : index
    %get3A_30 = arith.constant 0 : index
    %get3A_31 = vector.load %arg6[%get3A_29, %get3A_30] : memref<1x64xf32, #tpu.memory_space<vmem>>, vector<1x64xf32>
    %add3A_32 = arith.constant 9.99999974E-6 : f32
    %add3A_33 = vector.broadcast %add3A_32 : f32 to vector<1x64xf32>
    %add3A_34 = arith.addf %sub3A_28, %add3A_33 : vector<1x64xf32>
    %sqrt3A_35 = math.sqrt %add3A_34 : vector<1x64xf32>
    %div3A_36 = arith.divf %get3A_31, %sqrt3A_35 : vector<1x64xf32>
    %get3A_37 = arith.constant 0 : index
    %get3A_38 = arith.constant 0 : index
    %get3A_39 = vector.load %arg7[%get3A_37, %get3A_38] : memref<1x64xf32, #tpu.memory_space<vmem>>, vector<1x64xf32>
    %mul3A_40 = arith.mulf %div3A_36, %mul3A_22 : vector<1x64xf32>
    %sub3A_41 = arith.subf %get3A_39, %mul3A_40 : vector<1x64xf32>
    %get3A_42 = arith.constant 0 : index
    %get3A_43 = arith.constant 0 : index
    %get3A_44 = vector.load %arg1[%get3A_42, %get3A_43] : memref<200x64xf32, #tpu.memory_space<vmem>>, vector<200x64xf32>
    %mul3A_45 = vector.broadcast %div3A : vector<1x64xf32> to vector<200x64xf32>
    %mul3A_46 = arith.mulf %get3A_44, %mul3A_45 : vector<200x64xf32>
    %add3A_47 = vector.broadcast %sub3A_18 : vector<1x64xf32> to vector<200x64xf32>
    %add3A_48 = arith.addf %mul3A_46, %add3A_47 : vector<200x64xf32>
    %get3A_49 = arith.constant 0 : index
    %get3A_50 = arith.constant 0 : index
    %get3A_51 = vector.load %arg2[%get3A_49, %get3A_50] : memref<200x64xf32, #tpu.memory_space<vmem>>, vector<200x64xf32>
    %mul3A_52 = vector.broadcast %div3A_36 : vector<1x64xf32> to vector<200x64xf32>
    %mul3A_53 = arith.mulf %get3A_51, %mul3A_52 : vector<200x64xf32>
    %add3A_54 = vector.broadcast %sub3A_41 : vector<1x64xf32> to vector<200x64xf32>
    %add3A_55 = arith.addf %mul3A_53, %add3A_54 : vector<200x64xf32>
    %add3A_56 = arith.addf %add3A_48, %add3A_55 : vector<200x64xf32>
    %get3A_57 = arith.constant 0 : index
    %get3A_58 = arith.constant 0 : index
    %get3A_59 = vector.load %arg8[%get3A_57, %get3A_58] : memref<64x64xf32, #tpu.memory_space<vmem>>, vector<64x64xf32>
    %dot_general3A = arith.constant dense<0.000000e+00> : vector<200x64xf32>
    %dot_general3A_60 = tpu.matmul %add3A_56, %get3A_59, %dot_general3A {dimension_numbers = #tpu.dot_dimension_numbers<[1], [0], [0], [1], [0, 0, 1, 1], [], []>, transpose_lhs_hint = false} : vector<200x64xf32>, vector<64x64xf32>, vector<200x64xf32> -> vector<200x64xf32>
    %get3A_61 = arith.constant 0 : index
    %get3A_62 = arith.constant 0 : index
    %get3A_63 = vector.load %arg9[%get3A_61, %get3A_62] : memref<64x128xf32, #tpu.memory_space<vmem>>, vector<64x128xf32>
    %dot_general3A_64 = arith.constant dense<0.000000e+00> : vector<200x128xf32>
    %dot_general3A_65 = tpu.matmul %add3A_48, %get3A_63, %dot_general3A_64 {dimension_numbers = #tpu.dot_dimension_numbers<[1], [0], [0], [1], [0, 0, 1, 1], [], []>, transpose_lhs_hint = false} : vector<200x64xf32>, vector<64x128xf32>, vector<200x128xf32> -> vector<200x128xf32>
    %get3A_66 = arith.constant 0 : index
    %get3A_67 = arith.constant 0 : index
    %get3A_68 = vector.load %arg10[%get3A_66, %get3A_67] : memref<64x128xf32, #tpu.memory_space<vmem>>, vector<64x128xf32>
    %dot_general3A_69 = arith.constant dense<0.000000e+00> : vector<200x128xf32>
    %dot_general3A_70 = tpu.matmul %dot_general3A_60, %get3A_68, %dot_general3A_69 {dimension_numbers = #tpu.dot_dimension_numbers<[1], [0], [0], [1], [0, 0, 1, 1], [], []>, transpose_lhs_hint = false} : vector<200x64xf32>, vector<64x128xf32>, vector<200x128xf32> -> vector<200x128xf32>
    %add3A_71 = arith.addf %dot_general3A_65, %dot_general3A_70 : vector<200x128xf32>
    %swap3A = arith.constant 0 : index
    %swap3A_72 = arith.constant 0 : index
    %swap3A_73 = vector.load %arg11[%swap3A, %swap3A_72] : memref<200x128xf32, #tpu.memory_space<vmem>>, vector<200x128xf32>
    tpu.vector_store %arg11[%swap3A, %swap3A_72], %add3A_71 {strides = array<i32>} : memref<200x128xf32, #tpu.memory_space<vmem>>, vector<200x128xf32>,
    %reduce_sum3A = arith.constant dense<0.000000e+00> : vector<128xf32>
    %reduce_sum3A_74 = vector.multi_reduction <add>, %add3A_71, %reduce_sum3A [0] : vector<200x128xf32> to vector<128xf32>
    %broadcast_in_dim3A = vector.shape_cast %reduce_sum3A_74 : vector<128xf32> to vector<1x128xf32>
    %mul3A_75 = arith.mulf %add3A_71, %add3A_71 : vector<200x128xf32>
    %reduce_sum3A_76 = arith.constant dense<0.000000e+00> : vector<128xf32>
    %reduce_sum3A_77 = vector.multi_reduction <add>, %mul3A_75, %reduce_sum3A_76 [0] : vector<200x128xf32> to vector<128xf32>
    %broadcast_in_dim3A_78 = vector.shape_cast %reduce_sum3A_77 : vector<128xf32> to vector<1x128xf32>
    %broadcast_in_dim3A_79 = arith.constant 0.000000e+00 : f32
    %broadcast_in_dim3A_80 = vector.broadcast %broadcast_in_dim3A_79 : f32 to vector<6x128xf32>
    %concatenate3A = tpu.concatenate %broadcast_in_dim3A, %broadcast_in_dim3A_78, %broadcast_in_dim3A_80 in 0 : vector<1x128xf32>, vector<1x128xf32>, vector<6x128xf32> -> vector<8x128xf32>
    %eq3A = arith.constant 0 : i32
    %eq3A_81 = arith.cmpi eq, %arg0, %eq3A : i32
    %convert_element_type3A = arith.extui %eq3A_81 : i1 to i32
    %cond3A = arith.constant 0 : i32
    %cond3A_82 = arith.cmpi ne, %convert_element_type3A, %cond3A : i32
    scf.if %cond3A_82 {
      %broadcast_in_dim3A_90 = arith.constant 0.000000e+00 : f32
      %broadcast_in_dim3A_91 = vector.broadcast %broadcast_in_dim3A_90 : f32 to vector<8x128xf32>
      %swap3A_92 = arith.constant 0 : index
      %swap3A_93 = arith.constant 0 : index
      %swap3A_94 = vector.load %arg12[%swap3A_92, %swap3A_93] : memref<8x128xf32, #tpu.memory_space<vmem>>, vector<8x128xf32>
      tpu.vector_store %arg12[%swap3A_92, %swap3A_93], %broadcast_in_dim3A_91 {strides = array<i32>} : memref<8x128xf32, #tpu.memory_space<vmem>>, vector<8x128xf32>,
    } else {
    }
    %get3A_83 = arith.constant 0 : index
    %get3A_84 = arith.constant 0 : index
    %get3A_85 = vector.load %arg12[%get3A_83, %get3A_84] : memref<8x128xf32, #tpu.memory_space<vmem>>, vector<8x128xf32>
    %add3A_86 = arith.addf %get3A_85, %concatenate3A : vector<8x128xf32>
    %swap3A_87 = arith.constant 0 : index
    %swap3A_88 = arith.constant 0 : index
    %swap3A_89 = vector.load %arg12[%swap3A_87, %swap3A_88] : memref<8x128xf32, #tpu.memory_space<vmem>>, vector<8x128xf32>
    tpu.vector_store %arg12[%swap3A_87, %swap3A_88], %add3A_86 {strides = array<i32>} : memref<8x128xf32, #tpu.memory_space<vmem>>, vector<8x128xf32>,
    return
  }
  func.func @transform_0(%arg0: i32) -> (i32, i32) {
    %c0_i32 = arith.constant 0 : i32
    %c0_i32_0 = arith.constant 0 : i32
    return %arg0, %c0_i32 : i32, i32
  }
  func.func @transform_1(%arg0: i32) -> (i32, i32) {
    %c0_i32 = arith.constant 0 : i32
    %c0_i32_0 = arith.constant 0 : i32
    return %arg0, %c0_i32 : i32, i32
  }
  func.func @transform_2(%arg0: i32) -> (i32, i32) {
    %c0_i32 = arith.constant 0 : i32
    %c0_i32_0 = arith.constant 0 : i32
    %c0_i32_1 = arith.constant 0 : i32
    return %c0_i32, %c0_i32_0 : i32, i32
  }
  func.func @transform_3(%arg0: i32) -> (i32, i32) {
    %c0_i32 = arith.constant 0 : i32
    %c0_i32_0 = arith.constant 0 : i32
    %c0_i32_1 = arith.constant 0 : i32
    return %c0_i32, %c0_i32_0 : i32, i32
  }
  func.func @transform_4(%arg0: i32) -> (i32, i32) {
    %c0_i32 = arith.constant 0 : i32
    %c0_i32_0 = arith.constant 0 : i32
    %c0_i32_1 = arith.constant 0 : i32
    return %c0_i32, %c0_i32_0 : i32, i32
  }
  func.func @transform_5(%arg0: i32) -> (i32, i32) {
    %c0_i32 = arith.constant 0 : i32
    %c0_i32_0 = arith.constant 0 : i32
    %c0_i32_1 = arith.constant 0 : i32
    return %c0_i32, %c0_i32_0 : i32, i32
  }
  func.func @transform_6(%arg0: i32) -> (i32, i32) {
    %c0_i32 = arith.constant 0 : i32
    %c0_i32_0 = arith.constant 0 : i32
    %c0_i32_1 = arith.constant 0 : i32
    return %c0_i32, %c0_i32_0 : i32, i32
  }
  func.func @transform_7(%arg0: i32) -> (i32, i32) {
    %c0_i32 = arith.constant 0 : i32
    %c0_i32_0 = arith.constant 0 : i32
    %c0_i32_1 = arith.constant 0 : i32
    return %c0_i32, %c0_i32_0 : i32, i32
  }
  func.func @transform_8(%arg0: i32) -> (i32, i32) {
    %c0_i32 = arith.constant 0 : i32
    %c0_i32_0 = arith.constant 0 : i32
    %c0_i32_1 = arith.constant 0 : i32
    return %c0_i32, %c0_i32_0 : i32, i32
  }
  func.func @transform_9(%arg0: i32) -> (i32, i32) {
    %c0_i32 = arith.constant 0 : i32
    %c0_i32_0 = arith.constant 0 : i32
    %c0_i32_1 = arith.constant 0 : i32
    return %c0_i32, %c0_i32_0 : i32, i32
  }
  func.func @transform_10(%arg0: i32) -> (i32, i32) {
    %c0_i32 = arith.constant 0 : i32
    %c0_i32_0 = arith.constant 0 : i32
    return %arg0, %c0_i32 : i32, i32
  }
  func.func @transform_11(%arg0: i32) -> (i32, i32) {
    %c0_i32 = arith.constant 0 : i32
    %c0_i32_0 = arith.constant 0 : i32
    %c0_i32_1 = arith.constant 0 : i32
    return %c0_i32, %c0_i32_0 : i32, i32
  }
}

module attributes {stable_mosaic.version = 14 : i64} {
  func.func @_p1_body(%arg0: i32, %arg1: memref<200x32x128xf32, #tpu.memory_space<vmem>>, %arg2: memref<200x32xf32, #tpu.memory_space<vmem>>, %arg3: memref<200x32xf32, #tpu.memory_space<vmem>>, %arg4: memref<200x32xf32, #tpu.memory_space<vmem>>, %arg5: memref<200x3xf32, #tpu.memory_space<vmem>>, %arg6: memref<20x3xf32, #tpu.memory_space<vmem>>, %arg7: memref<7x128x64xf32, #tpu.memory_space<vmem>>, %arg8: memref<13x128x64xf32, #tpu.memory_space<vmem>>, %arg9: memref<200x64xf32, #tpu.memory_space<vmem>>, %arg10: memref<200x64xf32, #tpu.memory_space<vmem>>, %arg11: memref<8x64xf32, #tpu.memory_space<vmem>>, %arg12: memref<200x20x32xf32, #tpu.memory_space<vmem>>, %arg13: memref<200x20x128xf32, #tpu.memory_space<vmem>>) attributes {dimension_semantics = [#tpu.dimension_semantics<arbitrary>], iteration_bounds = array<i64: 50>, scalar_prefetch = 0 : i64, scratch_operands = 2 : i64, tpu.core_type = #tpu.core_type<tc>, window_params = [{transform_indices = @transform_0, window_bounds = array<i64: 200, 32, 128>}, {transform_indices = @transform_1, window_bounds = array<i64: 200, 32>}, {transform_indices = @transform_2, window_bounds = array<i64: 200, 32>}, {transform_indices = @transform_3, window_bounds = array<i64: 200, 32>}, {transform_indices = @transform_4, window_bounds = array<i64: 200, 3>}, {pipeline_mode = #tpu.pipeline_mode<synchronous>, transform_indices = @transform_5, window_bounds = array<i64: 20, 3>}, {pipeline_mode = #tpu.pipeline_mode<synchronous>, transform_indices = @transform_6, window_bounds = array<i64: 7, 128, 64>}, {pipeline_mode = #tpu.pipeline_mode<synchronous>, transform_indices = @transform_7, window_bounds = array<i64: 13, 128, 64>}, {transform_indices = @transform_8, window_bounds = array<i64: 200, 64>}, {transform_indices = @transform_9, window_bounds = array<i64: 200, 64>}, {pipeline_mode = #tpu.pipeline_mode<synchronous>, transform_indices = @transform_10, window_bounds = array<i64: 8, 64>}]} {
    %get3A = arith.constant 0 : index
    %get3A_0 = arith.constant 0 : index
    %get3A_1 = vector.load %arg2[%get3A, %get3A_0] : memref<200x32xf32, #tpu.memory_space<vmem>>, vector<200x32xf32>
    %get3A_2 = arith.constant 0 : index
    %get3A_3 = arith.constant 0 : index
    %get3A_4 = vector.load %arg5[%get3A_2, %get3A_3] : memref<200x3xf32, #tpu.memory_space<vmem>>, vector<200x1xf32>
    %sub3A = vector.broadcast %get3A_4 : vector<200x1xf32> to vector<200x32xf32>
    %sub3A_5 = arith.subf %get3A_1, %sub3A : vector<200x32xf32>
    %get3A_6 = arith.constant 0 : index
    %get3A_7 = arith.constant 0 : index
    %get3A_8 = vector.load %arg3[%get3A_6, %get3A_7] : memref<200x32xf32, #tpu.memory_space<vmem>>, vector<200x32xf32>
    %get3A_9 = arith.constant 0 : index
    %get3A_10 = arith.constant 1 : index
    %get3A_11 = vector.load %arg5[%get3A_9, %get3A_10] : memref<200x3xf32, #tpu.memory_space<vmem>>, vector<200x1xf32>
    %sub3A_12 = vector.broadcast %get3A_11 : vector<200x1xf32> to vector<200x32xf32>
    %sub3A_13 = arith.subf %get3A_8, %sub3A_12 : vector<200x32xf32>
    %get3A_14 = arith.constant 0 : index
    %get3A_15 = arith.constant 0 : index
    %get3A_16 = vector.load %arg4[%get3A_14, %get3A_15] : memref<200x32xf32, #tpu.memory_space<vmem>>, vector<200x32xf32>
    %get3A_17 = arith.constant 0 : index
    %get3A_18 = arith.constant 2 : index
    %get3A_19 = vector.load %arg5[%get3A_17, %get3A_18] : memref<200x3xf32, #tpu.memory_space<vmem>>, vector<200x1xf32>
    %sub3A_20 = vector.broadcast %get3A_19 : vector<200x1xf32> to vector<200x32xf32>
    %sub3A_21 = arith.subf %get3A_16, %sub3A_20 : vector<200x32xf32>
    %get3A_22 = arith.constant 0 : index
    %get3A_23 = arith.constant 0 : index
    %get3A_24 = vector.load %arg6[%get3A_22, %get3A_23] : memref<20x3xf32, #tpu.memory_space<vmem>>, vector<1x1xf32>
    %sub3A_25 = vector.broadcast %get3A_24 : vector<1x1xf32> to vector<200x32xf32>
    %sub3A_26 = arith.subf %sub3A_5, %sub3A_25 : vector<200x32xf32>
    %get3A_27 = arith.constant 0 : index
    %get3A_28 = arith.constant 1 : index
    %get3A_29 = vector.load %arg6[%get3A_27, %get3A_28] : memref<20x3xf32, #tpu.memory_space<vmem>>, vector<1x1xf32>
    %sub3A_30 = vector.broadcast %get3A_29 : vector<1x1xf32> to vector<200x32xf32>
    %sub3A_31 = arith.subf %sub3A_13, %sub3A_30 : vector<200x32xf32>
    %get3A_32 = arith.constant 0 : index
    %get3A_33 = arith.constant 2 : index
    %get3A_34 = vector.load %arg6[%get3A_32, %get3A_33] : memref<20x3xf32, #tpu.memory_space<vmem>>, vector<1x1xf32>
    %sub3A_35 = vector.broadcast %get3A_34 : vector<1x1xf32> to vector<200x32xf32>
    %sub3A_36 = arith.subf %sub3A_21, %sub3A_35 : vector<200x32xf32>
    %mul3A = arith.mulf %sub3A_26, %sub3A_26 : vector<200x32xf32>
    %mul3A_37 = arith.mulf %sub3A_31, %sub3A_31 : vector<200x32xf32>
    %add3A = arith.addf %mul3A, %mul3A_37 : vector<200x32xf32>
    %mul3A_38 = arith.mulf %sub3A_36, %sub3A_36 : vector<200x32xf32>
    %add3A_39 = arith.addf %add3A, %mul3A_38 : vector<200x32xf32>
    %add3A_40 = arith.constant 9.99999996E-13 : f32
    %add3A_41 = vector.broadcast %add3A_40 : f32 to vector<200x32xf32>
    %add3A_42 = arith.addf %add3A_39, %add3A_41 : vector<200x32xf32>
    %sqrt3A = math.sqrt %add3A_42 : vector<200x32xf32>
    %mul3A_43 = arith.constant 5.000000e-01 : f32
    %mul3A_44 = vector.broadcast %mul3A_43 : f32 to vector<200x32xf32>
    %mul3A_45 = arith.mulf %sqrt3A, %mul3A_44 : vector<200x32xf32>
    %sub3A_46 = arith.constant 1.000000e+00 : f32
    %sub3A_47 = vector.broadcast %sub3A_46 : f32 to vector<200x32xf32>
    %sub3A_48 = arith.subf %sub3A_47, %mul3A_45 : vector<200x32xf32>
    %max3A = arith.constant 0.000000e+00 : f32
    %max3A_49 = vector.broadcast %max3A : f32 to vector<200x32xf32>
    %max3A_50 = arith.maximumf %sub3A_48, %max3A_49 : vector<200x32xf32>
    %get3A_51 = arith.constant 1 : index
    %get3A_52 = arith.constant 0 : index
    %get3A_53 = vector.load %arg6[%get3A_51, %get3A_52] : memref<20x3xf32, #tpu.memory_space<vmem>>, vector<1x1xf32>
    %sub3A_54 = vector.broadcast %get3A_53 : vector<1x1xf32> to vector<200x32xf32>
    %sub3A_55 = arith.subf %sub3A_5, %sub3A_54 : vector<200x32xf32>
    %get3A_56 = arith.constant 1 : index
    %get3A_57 = arith.constant 1 : index
    %get3A_58 = vector.load %arg6[%get3A_56, %get3A_57] : memref<20x3xf32, #tpu.memory_space<vmem>>, vector<1x1xf32>
    %sub3A_59 = vector.broadcast %get3A_58 : vector<1x1xf32> to vector<200x32xf32>
    %sub3A_60 = arith.subf %sub3A_13, %sub3A_59 : vector<200x32xf32>
    %get3A_61 = arith.constant 1 : index
    %get3A_62 = arith.constant 2 : index
    %get3A_63 = vector.load %arg6[%get3A_61, %get3A_62] : memref<20x3xf32, #tpu.memory_space<vmem>>, vector<1x1xf32>
    %sub3A_64 = vector.broadcast %get3A_63 : vector<1x1xf32> to vector<200x32xf32>
    %sub3A_65 = arith.subf %sub3A_21, %sub3A_64 : vector<200x32xf32>
    %mul3A_66 = arith.mulf %sub3A_55, %sub3A_55 : vector<200x32xf32>
    %mul3A_67 = arith.mulf %sub3A_60, %sub3A_60 : vector<200x32xf32>
    %add3A_68 = arith.addf %mul3A_66, %mul3A_67 : vector<200x32xf32>
    %mul3A_69 = arith.mulf %sub3A_65, %sub3A_65 : vector<200x32xf32>
    %add3A_70 = arith.addf %add3A_68, %mul3A_69 : vector<200x32xf32>
    %add3A_71 = arith.constant 9.99999996E-13 : f32
    %add3A_72 = vector.broadcast %add3A_71 : f32 to vector<200x32xf32>
    %add3A_73 = arith.addf %add3A_70, %add3A_72 : vector<200x32xf32>
    %sqrt3A_74 = math.sqrt %add3A_73 : vector<200x32xf32>
    %mul3A_75 = arith.constant 5.000000e-01 : f32
    %mul3A_76 = vector.broadcast %mul3A_75 : f32 to vector<200x32xf32>
    %mul3A_77 = arith.mulf %sqrt3A_74, %mul3A_76 : vector<200x32xf32>
    %sub3A_78 = arith.constant 1.000000e+00 : f32
    %sub3A_79 = vector.broadcast %sub3A_78 : f32 to vector<200x32xf32>
    %sub3A_80 = arith.subf %sub3A_79, %mul3A_77 : vector<200x32xf32>
    %max3A_81 = arith.constant 0.000000e+00 : f32
    %max3A_82 = vector.broadcast %max3A_81 : f32 to vector<200x32xf32>
    %max3A_83 = arith.maximumf %sub3A_80, %max3A_82 : vector<200x32xf32>
    %get3A_84 = arith.constant 2 : index
    %get3A_85 = arith.constant 0 : index
    %get3A_86 = vector.load %arg6[%get3A_84, %get3A_85] : memref<20x3xf32, #tpu.memory_space<vmem>>, vector<1x1xf32>
    %sub3A_87 = vector.broadcast %get3A_86 : vector<1x1xf32> to vector<200x32xf32>
    %sub3A_88 = arith.subf %sub3A_5, %sub3A_87 : vector<200x32xf32>
    %get3A_89 = arith.constant 2 : index
    %get3A_90 = arith.constant 1 : index
    %get3A_91 = vector.load %arg6[%get3A_89, %get3A_90] : memref<20x3xf32, #tpu.memory_space<vmem>>, vector<1x1xf32>
    %sub3A_92 = vector.broadcast %get3A_91 : vector<1x1xf32> to vector<200x32xf32>
    %sub3A_93 = arith.subf %sub3A_13, %sub3A_92 : vector<200x32xf32>
    %get3A_94 = arith.constant 2 : index
    %get3A_95 = arith.constant 2 : index
    %get3A_96 = vector.load %arg6[%get3A_94, %get3A_95] : memref<20x3xf32, #tpu.memory_space<vmem>>, vector<1x1xf32>
    %sub3A_97 = vector.broadcast %get3A_96 : vector<1x1xf32> to vector<200x32xf32>
    %sub3A_98 = arith.subf %sub3A_21, %sub3A_97 : vector<200x32xf32>
    %mul3A_99 = arith.mulf %sub3A_88, %sub3A_88 : vector<200x32xf32>
    %mul3A_100 = arith.mulf %sub3A_93, %sub3A_93 : vector<200x32xf32>
    %add3A_101 = arith.addf %mul3A_99, %mul3A_100 : vector<200x32xf32>
    %mul3A_102 = arith.mulf %sub3A_98, %sub3A_98 : vector<200x32xf32>
    %add3A_103 = arith.addf %add3A_101, %mul3A_102 : vector<200x32xf32>
    %add3A_104 = arith.constant 9.99999996E-13 : f32
    %add3A_105 = vector.broadcast %add3A_104 : f32 to vector<200x32xf32>
    %add3A_106 = arith.addf %add3A_103, %add3A_105 : vector<200x32xf32>
    %sqrt3A_107 = math.sqrt %add3A_106 : vector<200x32xf32>
    %mul3A_108 = arith.constant 5.000000e-01 : f32
    %mul3A_109 = vector.broadcast %mul3A_108 : f32 to vector<200x32xf32>
    %mul3A_110 = arith.mulf %sqrt3A_107, %mul3A_109 : vector<200x32xf32>
    %sub3A_111 = arith.constant 1.000000e+00 : f32
    %sub3A_112 = vector.broadcast %sub3A_111 : f32 to vector<200x32xf32>
    %sub3A_113 = arith.subf %sub3A_112, %mul3A_110 : vector<200x32xf32>
    %max3A_114 = arith.constant 0.000000e+00 : f32
    %max3A_115 = vector.broadcast %max3A_114 : f32 to vector<200x32xf32>
    %max3A_116 = arith.maximumf %sub3A_113, %max3A_115 : vector<200x32xf32>
    %get3A_117 = arith.constant 3 : index
    %get3A_118 = arith.constant 0 : index
    %get3A_119 = vector.load %arg6[%get3A_117, %get3A_118] : memref<20x3xf32, #tpu.memory_space<vmem>>, vector<1x1xf32>
    %sub3A_120 = vector.broadcast %get3A_119 : vector<1x1xf32> to vector<200x32xf32>
    %sub3A_121 = arith.subf %sub3A_5, %sub3A_120 : vector<200x32xf32>
    %get3A_122 = arith.constant 3 : index
    %get3A_123 = arith.constant 1 : index
    %get3A_124 = vector.load %arg6[%get3A_122, %get3A_123] : memref<20x3xf32, #tpu.memory_space<vmem>>, vector<1x1xf32>
    %sub3A_125 = vector.broadcast %get3A_124 : vector<1x1xf32> to vector<200x32xf32>
    %sub3A_126 = arith.subf %sub3A_13, %sub3A_125 : vector<200x32xf32>
    %get3A_127 = arith.constant 3 : index
    %get3A_128 = arith.constant 2 : index
    %get3A_129 = vector.load %arg6[%get3A_127, %get3A_128] : memref<20x3xf32, #tpu.memory_space<vmem>>, vector<1x1xf32>
    %sub3A_130 = vector.broadcast %get3A_129 : vector<1x1xf32> to vector<200x32xf32>
    %sub3A_131 = arith.subf %sub3A_21, %sub3A_130 : vector<200x32xf32>
    %mul3A_132 = arith.mulf %sub3A_121, %sub3A_121 : vector<200x32xf32>
    %mul3A_133 = arith.mulf %sub3A_126, %sub3A_126 : vector<200x32xf32>
    %add3A_134 = arith.addf %mul3A_132, %mul3A_133 : vector<200x32xf32>
    %mul3A_135 = arith.mulf %sub3A_131, %sub3A_131 : vector<200x32xf32>
    %add3A_136 = arith.addf %add3A_134, %mul3A_135 : vector<200x32xf32>
    %add3A_137 = arith.constant 9.99999996E-13 : f32
    %add3A_138 = vector.broadcast %add3A_137 : f32 to vector<200x32xf32>
    %add3A_139 = arith.addf %add3A_136, %add3A_138 : vector<200x32xf32>
    %sqrt3A_140 = math.sqrt %add3A_139 : vector<200x32xf32>
    %mul3A_141 = arith.constant 5.000000e-01 : f32
    %mul3A_142 = vector.broadcast %mul3A_141 : f32 to vector<200x32xf32>
    %mul3A_143 = arith.mulf %sqrt3A_140, %mul3A_142 : vector<200x32xf32>
    %sub3A_144 = arith.constant 1.000000e+00 : f32
    %sub3A_145 = vector.broadcast %sub3A_144 : f32 to vector<200x32xf32>
    %sub3A_146 = arith.subf %sub3A_145, %mul3A_143 : vector<200x32xf32>
    %max3A_147 = arith.constant 0.000000e+00 : f32
    %max3A_148 = vector.broadcast %max3A_147 : f32 to vector<200x32xf32>
    %max3A_149 = arith.maximumf %sub3A_146, %max3A_148 : vector<200x32xf32>
    %get3A_150 = arith.constant 4 : index
    %get3A_151 = arith.constant 0 : index
    %get3A_152 = vector.load %arg6[%get3A_150, %get3A_151] : memref<20x3xf32, #tpu.memory_space<vmem>>, vector<1x1xf32>
    %sub3A_153 = vector.broadcast %get3A_152 : vector<1x1xf32> to vector<200x32xf32>
    %sub3A_154 = arith.subf %sub3A_5, %sub3A_153 : vector<200x32xf32>
    %get3A_155 = arith.constant 4 : index
    %get3A_156 = arith.constant 1 : index
    %get3A_157 = vector.load %arg6[%get3A_155, %get3A_156] : memref<20x3xf32, #tpu.memory_space<vmem>>, vector<1x1xf32>
    %sub3A_158 = vector.broadcast %get3A_157 : vector<1x1xf32> to vector<200x32xf32>
    %sub3A_159 = arith.subf %sub3A_13, %sub3A_158 : vector<200x32xf32>
    %get3A_160 = arith.constant 4 : index
    %get3A_161 = arith.constant 2 : index
    %get3A_162 = vector.load %arg6[%get3A_160, %get3A_161] : memref<20x3xf32, #tpu.memory_space<vmem>>, vector<1x1xf32>
    %sub3A_163 = vector.broadcast %get3A_162 : vector<1x1xf32> to vector<200x32xf32>
    %sub3A_164 = arith.subf %sub3A_21, %sub3A_163 : vector<200x32xf32>
    %mul3A_165 = arith.mulf %sub3A_154, %sub3A_154 : vector<200x32xf32>
    %mul3A_166 = arith.mulf %sub3A_159, %sub3A_159 : vector<200x32xf32>
    %add3A_167 = arith.addf %mul3A_165, %mul3A_166 : vector<200x32xf32>
    %mul3A_168 = arith.mulf %sub3A_164, %sub3A_164 : vector<200x32xf32>
    %add3A_169 = arith.addf %add3A_167, %mul3A_168 : vector<200x32xf32>
    %add3A_170 = arith.constant 9.99999996E-13 : f32
    %add3A_171 = vector.broadcast %add3A_170 : f32 to vector<200x32xf32>
    %add3A_172 = arith.addf %add3A_169, %add3A_171 : vector<200x32xf32>
    %sqrt3A_173 = math.sqrt %add3A_172 : vector<200x32xf32>
    %mul3A_174 = arith.constant 5.000000e-01 : f32
    %mul3A_175 = vector.broadcast %mul3A_174 : f32 to vector<200x32xf32>
    %mul3A_176 = arith.mulf %sqrt3A_173, %mul3A_175 : vector<200x32xf32>
    %sub3A_177 = arith.constant 1.000000e+00 : f32
    %sub3A_178 = vector.broadcast %sub3A_177 : f32 to vector<200x32xf32>
    %sub3A_179 = arith.subf %sub3A_178, %mul3A_176 : vector<200x32xf32>
    %max3A_180 = arith.constant 0.000000e+00 : f32
    %max3A_181 = vector.broadcast %max3A_180 : f32 to vector<200x32xf32>
    %max3A_182 = arith.maximumf %sub3A_179, %max3A_181 : vector<200x32xf32>
    %get3A_183 = arith.constant 5 : index
    %get3A_184 = arith.constant 0 : index
    %get3A_185 = vector.load %arg6[%get3A_183, %get3A_184] : memref<20x3xf32, #tpu.memory_space<vmem>>, vector<1x1xf32>
    %sub3A_186 = vector.broadcast %get3A_185 : vector<1x1xf32> to vector<200x32xf32>
    %sub3A_187 = arith.subf %sub3A_5, %sub3A_186 : vector<200x32xf32>
    %get3A_188 = arith.constant 5 : index
    %get3A_189 = arith.constant 1 : index
    %get3A_190 = vector.load %arg6[%get3A_188, %get3A_189] : memref<20x3xf32, #tpu.memory_space<vmem>>, vector<1x1xf32>
    %sub3A_191 = vector.broadcast %get3A_190 : vector<1x1xf32> to vector<200x32xf32>
    %sub3A_192 = arith.subf %sub3A_13, %sub3A_191 : vector<200x32xf32>
    %get3A_193 = arith.constant 5 : index
    %get3A_194 = arith.constant 2 : index
    %get3A_195 = vector.load %arg6[%get3A_193, %get3A_194] : memref<20x3xf32, #tpu.memory_space<vmem>>, vector<1x1xf32>
    %sub3A_196 = vector.broadcast %get3A_195 : vector<1x1xf32> to vector<200x32xf32>
    %sub3A_197 = arith.subf %sub3A_21, %sub3A_196 : vector<200x32xf32>
    %mul3A_198 = arith.mulf %sub3A_187, %sub3A_187 : vector<200x32xf32>
    %mul3A_199 = arith.mulf %sub3A_192, %sub3A_192 : vector<200x32xf32>
    %add3A_200 = arith.addf %mul3A_198, %mul3A_199 : vector<200x32xf32>
    %mul3A_201 = arith.mulf %sub3A_197, %sub3A_197 : vector<200x32xf32>
    %add3A_202 = arith.addf %add3A_200, %mul3A_201 : vector<200x32xf32>
    %add3A_203 = arith.constant 9.99999996E-13 : f32
    %add3A_204 = vector.broadcast %add3A_203 : f32 to vector<200x32xf32>
    %add3A_205 = arith.addf %add3A_202, %add3A_204 : vector<200x32xf32>
    %sqrt3A_206 = math.sqrt %add3A_205 : vector<200x32xf32>
    %mul3A_207 = arith.constant 5.000000e-01 : f32
    %mul3A_208 = vector.broadcast %mul3A_207 : f32 to vector<200x32xf32>
    %mul3A_209 = arith.mulf %sqrt3A_206, %mul3A_208 : vector<200x32xf32>
    %sub3A_210 = arith.constant 1.000000e+00 : f32
    %sub3A_211 = vector.broadcast %sub3A_210 : f32 to vector<200x32xf32>
    %sub3A_212 = arith.subf %sub3A_211, %mul3A_209 : vector<200x32xf32>
    %max3A_213 = arith.constant 0.000000e+00 : f32
    %max3A_214 = vector.broadcast %max3A_213 : f32 to vector<200x32xf32>
    %max3A_215 = arith.maximumf %sub3A_212, %max3A_214 : vector<200x32xf32>
    %get3A_216 = arith.constant 6 : index
    %get3A_217 = arith.constant 0 : index
    %get3A_218 = vector.load %arg6[%get3A_216, %get3A_217] : memref<20x3xf32, #tpu.memory_space<vmem>>, vector<1x1xf32>
    %sub3A_219 = vector.broadcast %get3A_218 : vector<1x1xf32> to vector<200x32xf32>
    %sub3A_220 = arith.subf %sub3A_5, %sub3A_219 : vector<200x32xf32>
    %get3A_221 = arith.constant 6 : index
    %get3A_222 = arith.constant 1 : index
    %get3A_223 = vector.load %arg6[%get3A_221, %get3A_222] : memref<20x3xf32, #tpu.memory_space<vmem>>, vector<1x1xf32>
    %sub3A_224 = vector.broadcast %get3A_223 : vector<1x1xf32> to vector<200x32xf32>
    %sub3A_225 = arith.subf %sub3A_13, %sub3A_224 : vector<200x32xf32>
    %get3A_226 = arith.constant 6 : index
    %get3A_227 = arith.constant 2 : index
    %get3A_228 = vector.load %arg6[%get3A_226, %get3A_227] : memref<20x3xf32, #tpu.memory_space<vmem>>, vector<1x1xf32>
    %sub3A_229 = vector.broadcast %get3A_228 : vector<1x1xf32> to vector<200x32xf32>
    %sub3A_230 = arith.subf %sub3A_21, %sub3A_229 : vector<200x32xf32>
    %mul3A_231 = arith.mulf %sub3A_220, %sub3A_220 : vector<200x32xf32>
    %mul3A_232 = arith.mulf %sub3A_225, %sub3A_225 : vector<200x32xf32>
    %add3A_233 = arith.addf %mul3A_231, %mul3A_232 : vector<200x32xf32>
    %mul3A_234 = arith.mulf %sub3A_230, %sub3A_230 : vector<200x32xf32>
    %add3A_235 = arith.addf %add3A_233, %mul3A_234 : vector<200x32xf32>
    %add3A_236 = arith.constant 9.99999996E-13 : f32
    %add3A_237 = vector.broadcast %add3A_236 : f32 to vector<200x32xf32>
    %add3A_238 = arith.addf %add3A_235, %add3A_237 : vector<200x32xf32>
    %sqrt3A_239 = math.sqrt %add3A_238 : vector<200x32xf32>
    %mul3A_240 = arith.constant 5.000000e-01 : f32
    %mul3A_241 = vector.broadcast %mul3A_240 : f32 to vector<200x32xf32>
    %mul3A_242 = arith.mulf %sqrt3A_239, %mul3A_241 : vector<200x32xf32>
    %sub3A_243 = arith.constant 1.000000e+00 : f32
    %sub3A_244 = vector.broadcast %sub3A_243 : f32 to vector<200x32xf32>
    %sub3A_245 = arith.subf %sub3A_244, %mul3A_242 : vector<200x32xf32>
    %max3A_246 = arith.constant 0.000000e+00 : f32
    %max3A_247 = vector.broadcast %max3A_246 : f32 to vector<200x32xf32>
    %max3A_248 = arith.maximumf %sub3A_245, %max3A_247 : vector<200x32xf32>
    %get3A_249 = arith.constant 7 : index
    %get3A_250 = arith.constant 0 : index
    %get3A_251 = vector.load %arg6[%get3A_249, %get3A_250] : memref<20x3xf32, #tpu.memory_space<vmem>>, vector<1x1xf32>
    %sub3A_252 = vector.broadcast %get3A_251 : vector<1x1xf32> to vector<200x32xf32>
    %sub3A_253 = arith.subf %sub3A_5, %sub3A_252 : vector<200x32xf32>
    %get3A_254 = arith.constant 7 : index
    %get3A_255 = arith.constant 1 : index
    %get3A_256 = vector.load %arg6[%get3A_254, %get3A_255] : memref<20x3xf32, #tpu.memory_space<vmem>>, vector<1x1xf32>
    %sub3A_257 = vector.broadcast %get3A_256 : vector<1x1xf32> to vector<200x32xf32>
    %sub3A_258 = arith.subf %sub3A_13, %sub3A_257 : vector<200x32xf32>
    %get3A_259 = arith.constant 7 : index
    %get3A_260 = arith.constant 2 : index
    %get3A_261 = vector.load %arg6[%get3A_259, %get3A_260] : memref<20x3xf32, #tpu.memory_space<vmem>>, vector<1x1xf32>
    %sub3A_262 = vector.broadcast %get3A_261 : vector<1x1xf32> to vector<200x32xf32>
    %sub3A_263 = arith.subf %sub3A_21, %sub3A_262 : vector<200x32xf32>
    %mul3A_264 = arith.mulf %sub3A_253, %sub3A_253 : vector<200x32xf32>
    %mul3A_265 = arith.mulf %sub3A_258, %sub3A_258 : vector<200x32xf32>
    %add3A_266 = arith.addf %mul3A_264, %mul3A_265 : vector<200x32xf32>
    %mul3A_267 = arith.mulf %sub3A_263, %sub3A_263 : vector<200x32xf32>
    %add3A_268 = arith.addf %add3A_266, %mul3A_267 : vector<200x32xf32>
    %add3A_269 = arith.constant 9.99999996E-13 : f32
    %add3A_270 = vector.broadcast %add3A_269 : f32 to vector<200x32xf32>
    %add3A_271 = arith.addf %add3A_268, %add3A_270 : vector<200x32xf32>
    %sqrt3A_272 = math.sqrt %add3A_271 : vector<200x32xf32>
    %mul3A_273 = arith.constant 5.000000e-01 : f32
    %mul3A_274 = vector.broadcast %mul3A_273 : f32 to vector<200x32xf32>
    %mul3A_275 = arith.mulf %sqrt3A_272, %mul3A_274 : vector<200x32xf32>
    %sub3A_276 = arith.constant 1.000000e+00 : f32
    %sub3A_277 = vector.broadcast %sub3A_276 : f32 to vector<200x32xf32>
    %sub3A_278 = arith.subf %sub3A_277, %mul3A_275 : vector<200x32xf32>
    %max3A_279 = arith.constant 0.000000e+00 : f32
    %max3A_280 = vector.broadcast %max3A_279 : f32 to vector<200x32xf32>
    %max3A_281 = arith.maximumf %sub3A_278, %max3A_280 : vector<200x32xf32>
    %get3A_282 = arith.constant 8 : index
    %get3A_283 = arith.constant 0 : index
    %get3A_284 = vector.load %arg6[%get3A_282, %get3A_283] : memref<20x3xf32, #tpu.memory_space<vmem>>, vector<1x1xf32>
    %sub3A_285 = vector.broadcast %get3A_284 : vector<1x1xf32> to vector<200x32xf32>
    %sub3A_286 = arith.subf %sub3A_5, %sub3A_285 : vector<200x32xf32>
    %get3A_287 = arith.constant 8 : index
    %get3A_288 = arith.constant 1 : index
    %get3A_289 = vector.load %arg6[%get3A_287, %get3A_288] : memref<20x3xf32, #tpu.memory_space<vmem>>, vector<1x1xf32>
    %sub3A_290 = vector.broadcast %get3A_289 : vector<1x1xf32> to vector<200x32xf32>
    %sub3A_291 = arith.subf %sub3A_13, %sub3A_290 : vector<200x32xf32>
    %get3A_292 = arith.constant 8 : index
    %get3A_293 = arith.constant 2 : index
    %get3A_294 = vector.load %arg6[%get3A_292, %get3A_293] : memref<20x3xf32, #tpu.memory_space<vmem>>, vector<1x1xf32>
    %sub3A_295 = vector.broadcast %get3A_294 : vector<1x1xf32> to vector<200x32xf32>
    %sub3A_296 = arith.subf %sub3A_21, %sub3A_295 : vector<200x32xf32>
    %mul3A_297 = arith.mulf %sub3A_286, %sub3A_286 : vector<200x32xf32>
    %mul3A_298 = arith.mulf %sub3A_291, %sub3A_291 : vector<200x32xf32>
    %add3A_299 = arith.addf %mul3A_297, %mul3A_298 : vector<200x32xf32>
    %mul3A_300 = arith.mulf %sub3A_296, %sub3A_296 : vector<200x32xf32>
    %add3A_301 = arith.addf %add3A_299, %mul3A_300 : vector<200x32xf32>
    %add3A_302 = arith.constant 9.99999996E-13 : f32
    %add3A_303 = vector.broadcast %add3A_302 : f32 to vector<200x32xf32>
    %add3A_304 = arith.addf %add3A_301, %add3A_303 : vector<200x32xf32>
    %sqrt3A_305 = math.sqrt %add3A_304 : vector<200x32xf32>
    %mul3A_306 = arith.constant 5.000000e-01 : f32
    %mul3A_307 = vector.broadcast %mul3A_306 : f32 to vector<200x32xf32>
    %mul3A_308 = arith.mulf %sqrt3A_305, %mul3A_307 : vector<200x32xf32>
    %sub3A_309 = arith.constant 1.000000e+00 : f32
    %sub3A_310 = vector.broadcast %sub3A_309 : f32 to vector<200x32xf32>
    %sub3A_311 = arith.subf %sub3A_310, %mul3A_308 : vector<200x32xf32>
    %max3A_312 = arith.constant 0.000000e+00 : f32
    %max3A_313 = vector.broadcast %max3A_312 : f32 to vector<200x32xf32>
    %max3A_314 = arith.maximumf %sub3A_311, %max3A_313 : vector<200x32xf32>
    %get3A_315 = arith.constant 9 : index
    %get3A_316 = arith.constant 0 : index
    %get3A_317 = vector.load %arg6[%get3A_315, %get3A_316] : memref<20x3xf32, #tpu.memory_space<vmem>>, vector<1x1xf32>
    %sub3A_318 = vector.broadcast %get3A_317 : vector<1x1xf32> to vector<200x32xf32>
    %sub3A_319 = arith.subf %sub3A_5, %sub3A_318 : vector<200x32xf32>
    %get3A_320 = arith.constant 9 : index
    %get3A_321 = arith.constant 1 : index
    %get3A_322 = vector.load %arg6[%get3A_320, %get3A_321] : memref<20x3xf32, #tpu.memory_space<vmem>>, vector<1x1xf32>
    %sub3A_323 = vector.broadcast %get3A_322 : vector<1x1xf32> to vector<200x32xf32>
    %sub3A_324 = arith.subf %sub3A_13, %sub3A_323 : vector<200x32xf32>
    %get3A_325 = arith.constant 9 : index
    %get3A_326 = arith.constant 2 : index
    %get3A_327 = vector.load %arg6[%get3A_325, %get3A_326] : memref<20x3xf32, #tpu.memory_space<vmem>>, vector<1x1xf32>
    %sub3A_328 = vector.broadcast %get3A_327 : vector<1x1xf32> to vector<200x32xf32>
    %sub3A_329 = arith.subf %sub3A_21, %sub3A_328 : vector<200x32xf32>
    %mul3A_330 = arith.mulf %sub3A_319, %sub3A_319 : vector<200x32xf32>
    %mul3A_331 = arith.mulf %sub3A_324, %sub3A_324 : vector<200x32xf32>
    %add3A_332 = arith.addf %mul3A_330, %mul3A_331 : vector<200x32xf32>
    %mul3A_333 = arith.mulf %sub3A_329, %sub3A_329 : vector<200x32xf32>
    %add3A_334 = arith.addf %add3A_332, %mul3A_333 : vector<200x32xf32>
    %add3A_335 = arith.constant 9.99999996E-13 : f32
    %add3A_336 = vector.broadcast %add3A_335 : f32 to vector<200x32xf32>
    %add3A_337 = arith.addf %add3A_334, %add3A_336 : vector<200x32xf32>
    %sqrt3A_338 = math.sqrt %add3A_337 : vector<200x32xf32>
    %mul3A_339 = arith.constant 5.000000e-01 : f32
    %mul3A_340 = vector.broadcast %mul3A_339 : f32 to vector<200x32xf32>
    %mul3A_341 = arith.mulf %sqrt3A_338, %mul3A_340 : vector<200x32xf32>
    %sub3A_342 = arith.constant 1.000000e+00 : f32
    %sub3A_343 = vector.broadcast %sub3A_342 : f32 to vector<200x32xf32>
    %sub3A_344 = arith.subf %sub3A_343, %mul3A_341 : vector<200x32xf32>
    %max3A_345 = arith.constant 0.000000e+00 : f32
    %max3A_346 = vector.broadcast %max3A_345 : f32 to vector<200x32xf32>
    %max3A_347 = arith.maximumf %sub3A_344, %max3A_346 : vector<200x32xf32>
    %get3A_348 = arith.constant 10 : index
    %get3A_349 = arith.constant 0 : index
    %get3A_350 = vector.load %arg6[%get3A_348, %get3A_349] : memref<20x3xf32, #tpu.memory_space<vmem>>, vector<1x1xf32>
    %sub3A_351 = vector.broadcast %get3A_350 : vector<1x1xf32> to vector<200x32xf32>
    %sub3A_352 = arith.subf %sub3A_5, %sub3A_351 : vector<200x32xf32>
    %get3A_353 = arith.constant 10 : index
    %get3A_354 = arith.constant 1 : index
    %get3A_355 = vector.load %arg6[%get3A_353, %get3A_354] : memref<20x3xf32, #tpu.memory_space<vmem>>, vector<1x1xf32>
    %sub3A_356 = vector.broadcast %get3A_355 : vector<1x1xf32> to vector<200x32xf32>
    %sub3A_357 = arith.subf %sub3A_13, %sub3A_356 : vector<200x32xf32>
    %get3A_358 = arith.constant 10 : index
    %get3A_359 = arith.constant 2 : index
    %get3A_360 = vector.load %arg6[%get3A_358, %get3A_359] : memref<20x3xf32, #tpu.memory_space<vmem>>, vector<1x1xf32>
    %sub3A_361 = vector.broadcast %get3A_360 : vector<1x1xf32> to vector<200x32xf32>
    %sub3A_362 = arith.subf %sub3A_21, %sub3A_361 : vector<200x32xf32>
    %mul3A_363 = arith.mulf %sub3A_352, %sub3A_352 : vector<200x32xf32>
    %mul3A_364 = arith.mulf %sub3A_357, %sub3A_357 : vector<200x32xf32>
    %add3A_365 = arith.addf %mul3A_363, %mul3A_364 : vector<200x32xf32>
    %mul3A_366 = arith.mulf %sub3A_362, %sub3A_362 : vector<200x32xf32>
    %add3A_367 = arith.addf %add3A_365, %mul3A_366 : vector<200x32xf32>
    %add3A_368 = arith.constant 9.99999996E-13 : f32
    %add3A_369 = vector.broadcast %add3A_368 : f32 to vector<200x32xf32>
    %add3A_370 = arith.addf %add3A_367, %add3A_369 : vector<200x32xf32>
    %sqrt3A_371 = math.sqrt %add3A_370 : vector<200x32xf32>
    %mul3A_372 = arith.constant 5.000000e-01 : f32
    %mul3A_373 = vector.broadcast %mul3A_372 : f32 to vector<200x32xf32>
    %mul3A_374 = arith.mulf %sqrt3A_371, %mul3A_373 : vector<200x32xf32>
    %sub3A_375 = arith.constant 1.000000e+00 : f32
    %sub3A_376 = vector.broadcast %sub3A_375 : f32 to vector<200x32xf32>
    %sub3A_377 = arith.subf %sub3A_376, %mul3A_374 : vector<200x32xf32>
    %max3A_378 = arith.constant 0.000000e+00 : f32
    %max3A_379 = vector.broadcast %max3A_378 : f32 to vector<200x32xf32>
    %max3A_380 = arith.maximumf %sub3A_377, %max3A_379 : vector<200x32xf32>
    %get3A_381 = arith.constant 11 : index
    %get3A_382 = arith.constant 0 : index
    %get3A_383 = vector.load %arg6[%get3A_381, %get3A_382] : memref<20x3xf32, #tpu.memory_space<vmem>>, vector<1x1xf32>
    %sub3A_384 = vector.broadcast %get3A_383 : vector<1x1xf32> to vector<200x32xf32>
    %sub3A_385 = arith.subf %sub3A_5, %sub3A_384 : vector<200x32xf32>
    %get3A_386 = arith.constant 11 : index
    %get3A_387 = arith.constant 1 : index
    %get3A_388 = vector.load %arg6[%get3A_386, %get3A_387] : memref<20x3xf32, #tpu.memory_space<vmem>>, vector<1x1xf32>
    %sub3A_389 = vector.broadcast %get3A_388 : vector<1x1xf32> to vector<200x32xf32>
    %sub3A_390 = arith.subf %sub3A_13, %sub3A_389 : vector<200x32xf32>
    %get3A_391 = arith.constant 11 : index
    %get3A_392 = arith.constant 2 : index
    %get3A_393 = vector.load %arg6[%get3A_391, %get3A_392] : memref<20x3xf32, #tpu.memory_space<vmem>>, vector<1x1xf32>
    %sub3A_394 = vector.broadcast %get3A_393 : vector<1x1xf32> to vector<200x32xf32>
    %sub3A_395 = arith.subf %sub3A_21, %sub3A_394 : vector<200x32xf32>
    %mul3A_396 = arith.mulf %sub3A_385, %sub3A_385 : vector<200x32xf32>
    %mul3A_397 = arith.mulf %sub3A_390, %sub3A_390 : vector<200x32xf32>
    %add3A_398 = arith.addf %mul3A_396, %mul3A_397 : vector<200x32xf32>
    %mul3A_399 = arith.mulf %sub3A_395, %sub3A_395 : vector<200x32xf32>
    %add3A_400 = arith.addf %add3A_398, %mul3A_399 : vector<200x32xf32>
    %add3A_401 = arith.constant 9.99999996E-13 : f32
    %add3A_402 = vector.broadcast %add3A_401 : f32 to vector<200x32xf32>
    %add3A_403 = arith.addf %add3A_400, %add3A_402 : vector<200x32xf32>
    %sqrt3A_404 = math.sqrt %add3A_403 : vector<200x32xf32>
    %mul3A_405 = arith.constant 5.000000e-01 : f32
    %mul3A_406 = vector.broadcast %mul3A_405 : f32 to vector<200x32xf32>
    %mul3A_407 = arith.mulf %sqrt3A_404, %mul3A_406 : vector<200x32xf32>
    %sub3A_408 = arith.constant 1.000000e+00 : f32
    %sub3A_409 = vector.broadcast %sub3A_408 : f32 to vector<200x32xf32>
    %sub3A_410 = arith.subf %sub3A_409, %mul3A_407 : vector<200x32xf32>
    %max3A_411 = arith.constant 0.000000e+00 : f32
    %max3A_412 = vector.broadcast %max3A_411 : f32 to vector<200x32xf32>
    %max3A_413 = arith.maximumf %sub3A_410, %max3A_412 : vector<200x32xf32>
    %get3A_414 = arith.constant 12 : index
    %get3A_415 = arith.constant 0 : index
    %get3A_416 = vector.load %arg6[%get3A_414, %get3A_415] : memref<20x3xf32, #tpu.memory_space<vmem>>, vector<1x1xf32>
    %sub3A_417 = vector.broadcast %get3A_416 : vector<1x1xf32> to vector<200x32xf32>
    %sub3A_418 = arith.subf %sub3A_5, %sub3A_417 : vector<200x32xf32>
    %get3A_419 = arith.constant 12 : index
    %get3A_420 = arith.constant 1 : index
    %get3A_421 = vector.load %arg6[%get3A_419, %get3A_420] : memref<20x3xf32, #tpu.memory_space<vmem>>, vector<1x1xf32>
    %sub3A_422 = vector.broadcast %get3A_421 : vector<1x1xf32> to vector<200x32xf32>
    %sub3A_423 = arith.subf %sub3A_13, %sub3A_422 : vector<200x32xf32>
    %get3A_424 = arith.constant 12 : index
    %get3A_425 = arith.constant 2 : index
    %get3A_426 = vector.load %arg6[%get3A_424, %get3A_425] : memref<20x3xf32, #tpu.memory_space<vmem>>, vector<1x1xf32>
    %sub3A_427 = vector.broadcast %get3A_426 : vector<1x1xf32> to vector<200x32xf32>
    %sub3A_428 = arith.subf %sub3A_21, %sub3A_427 : vector<200x32xf32>
    %mul3A_429 = arith.mulf %sub3A_418, %sub3A_418 : vector<200x32xf32>
    %mul3A_430 = arith.mulf %sub3A_423, %sub3A_423 : vector<200x32xf32>
    %add3A_431 = arith.addf %mul3A_429, %mul3A_430 : vector<200x32xf32>
    %mul3A_432 = arith.mulf %sub3A_428, %sub3A_428 : vector<200x32xf32>
    %add3A_433 = arith.addf %add3A_431, %mul3A_432 : vector<200x32xf32>
    %add3A_434 = arith.constant 9.99999996E-13 : f32
    %add3A_435 = vector.broadcast %add3A_434 : f32 to vector<200x32xf32>
    %add3A_436 = arith.addf %add3A_433, %add3A_435 : vector<200x32xf32>
    %sqrt3A_437 = math.sqrt %add3A_436 : vector<200x32xf32>
    %mul3A_438 = arith.constant 5.000000e-01 : f32
    %mul3A_439 = vector.broadcast %mul3A_438 : f32 to vector<200x32xf32>
    %mul3A_440 = arith.mulf %sqrt3A_437, %mul3A_439 : vector<200x32xf32>
    %sub3A_441 = arith.constant 1.000000e+00 : f32
    %sub3A_442 = vector.broadcast %sub3A_441 : f32 to vector<200x32xf32>
    %sub3A_443 = arith.subf %sub3A_442, %mul3A_440 : vector<200x32xf32>
    %max3A_444 = arith.constant 0.000000e+00 : f32
    %max3A_445 = vector.broadcast %max3A_444 : f32 to vector<200x32xf32>
    %max3A_446 = arith.maximumf %sub3A_443, %max3A_445 : vector<200x32xf32>
    %get3A_447 = arith.constant 13 : index
    %get3A_448 = arith.constant 0 : index
    %get3A_449 = vector.load %arg6[%get3A_447, %get3A_448] : memref<20x3xf32, #tpu.memory_space<vmem>>, vector<1x1xf32>
    %sub3A_450 = vector.broadcast %get3A_449 : vector<1x1xf32> to vector<200x32xf32>
    %sub3A_451 = arith.subf %sub3A_5, %sub3A_450 : vector<200x32xf32>
    %get3A_452 = arith.constant 13 : index
    %get3A_453 = arith.constant 1 : index
    %get3A_454 = vector.load %arg6[%get3A_452, %get3A_453] : memref<20x3xf32, #tpu.memory_space<vmem>>, vector<1x1xf32>
    %sub3A_455 = vector.broadcast %get3A_454 : vector<1x1xf32> to vector<200x32xf32>
    %sub3A_456 = arith.subf %sub3A_13, %sub3A_455 : vector<200x32xf32>
    %get3A_457 = arith.constant 13 : index
    %get3A_458 = arith.constant 2 : index
    %get3A_459 = vector.load %arg6[%get3A_457, %get3A_458] : memref<20x3xf32, #tpu.memory_space<vmem>>, vector<1x1xf32>
    %sub3A_460 = vector.broadcast %get3A_459 : vector<1x1xf32> to vector<200x32xf32>
    %sub3A_461 = arith.subf %sub3A_21, %sub3A_460 : vector<200x32xf32>
    %mul3A_462 = arith.mulf %sub3A_451, %sub3A_451 : vector<200x32xf32>
    %mul3A_463 = arith.mulf %sub3A_456, %sub3A_456 : vector<200x32xf32>
    %add3A_464 = arith.addf %mul3A_462, %mul3A_463 : vector<200x32xf32>
    %mul3A_465 = arith.mulf %sub3A_461, %sub3A_461 : vector<200x32xf32>
    %add3A_466 = arith.addf %add3A_464, %mul3A_465 : vector<200x32xf32>
    %add3A_467 = arith.constant 9.99999996E-13 : f32
    %add3A_468 = vector.broadcast %add3A_467 : f32 to vector<200x32xf32>
    %add3A_469 = arith.addf %add3A_466, %add3A_468 : vector<200x32xf32>
    %sqrt3A_470 = math.sqrt %add3A_469 : vector<200x32xf32>
    %mul3A_471 = arith.constant 5.000000e-01 : f32
    %mul3A_472 = vector.broadcast %mul3A_471 : f32 to vector<200x32xf32>
    %mul3A_473 = arith.mulf %sqrt3A_470, %mul3A_472 : vector<200x32xf32>
    %sub3A_474 = arith.constant 1.000000e+00 : f32
    %sub3A_475 = vector.broadcast %sub3A_474 : f32 to vector<200x32xf32>
    %sub3A_476 = arith.subf %sub3A_475, %mul3A_473 : vector<200x32xf32>
    %max3A_477 = arith.constant 0.000000e+00 : f32
    %max3A_478 = vector.broadcast %max3A_477 : f32 to vector<200x32xf32>
    %max3A_479 = arith.maximumf %sub3A_476, %max3A_478 : vector<200x32xf32>
    %get3A_480 = arith.constant 14 : index
    %get3A_481 = arith.constant 0 : index
    %get3A_482 = vector.load %arg6[%get3A_480, %get3A_481] : memref<20x3xf32, #tpu.memory_space<vmem>>, vector<1x1xf32>
    %sub3A_483 = vector.broadcast %get3A_482 : vector<1x1xf32> to vector<200x32xf32>
    %sub3A_484 = arith.subf %sub3A_5, %sub3A_483 : vector<200x32xf32>
    %get3A_485 = arith.constant 14 : index
    %get3A_486 = arith.constant 1 : index
    %get3A_487 = vector.load %arg6[%get3A_485, %get3A_486] : memref<20x3xf32, #tpu.memory_space<vmem>>, vector<1x1xf32>
    %sub3A_488 = vector.broadcast %get3A_487 : vector<1x1xf32> to vector<200x32xf32>
    %sub3A_489 = arith.subf %sub3A_13, %sub3A_488 : vector<200x32xf32>
    %get3A_490 = arith.constant 14 : index
    %get3A_491 = arith.constant 2 : index
    %get3A_492 = vector.load %arg6[%get3A_490, %get3A_491] : memref<20x3xf32, #tpu.memory_space<vmem>>, vector<1x1xf32>
    %sub3A_493 = vector.broadcast %get3A_492 : vector<1x1xf32> to vector<200x32xf32>
    %sub3A_494 = arith.subf %sub3A_21, %sub3A_493 : vector<200x32xf32>
    %mul3A_495 = arith.mulf %sub3A_484, %sub3A_484 : vector<200x32xf32>
    %mul3A_496 = arith.mulf %sub3A_489, %sub3A_489 : vector<200x32xf32>
    %add3A_497 = arith.addf %mul3A_495, %mul3A_496 : vector<200x32xf32>
    %mul3A_498 = arith.mulf %sub3A_494, %sub3A_494 : vector<200x32xf32>
    %add3A_499 = arith.addf %add3A_497, %mul3A_498 : vector<200x32xf32>
    %add3A_500 = arith.constant 9.99999996E-13 : f32
    %add3A_501 = vector.broadcast %add3A_500 : f32 to vector<200x32xf32>
    %add3A_502 = arith.addf %add3A_499, %add3A_501 : vector<200x32xf32>
    %sqrt3A_503 = math.sqrt %add3A_502 : vector<200x32xf32>
    %mul3A_504 = arith.constant 5.000000e-01 : f32
    %mul3A_505 = vector.broadcast %mul3A_504 : f32 to vector<200x32xf32>
    %mul3A_506 = arith.mulf %sqrt3A_503, %mul3A_505 : vector<200x32xf32>
    %sub3A_507 = arith.constant 1.000000e+00 : f32
    %sub3A_508 = vector.broadcast %sub3A_507 : f32 to vector<200x32xf32>
    %sub3A_509 = arith.subf %sub3A_508, %mul3A_506 : vector<200x32xf32>
    %max3A_510 = arith.constant 0.000000e+00 : f32
    %max3A_511 = vector.broadcast %max3A_510 : f32 to vector<200x32xf32>
    %max3A_512 = arith.maximumf %sub3A_509, %max3A_511 : vector<200x32xf32>
    %get3A_513 = arith.constant 15 : index
    %get3A_514 = arith.constant 0 : index
    %get3A_515 = vector.load %arg6[%get3A_513, %get3A_514] : memref<20x3xf32, #tpu.memory_space<vmem>>, vector<1x1xf32>
    %sub3A_516 = vector.broadcast %get3A_515 : vector<1x1xf32> to vector<200x32xf32>
    %sub3A_517 = arith.subf %sub3A_5, %sub3A_516 : vector<200x32xf32>
    %get3A_518 = arith.constant 15 : index
    %get3A_519 = arith.constant 1 : index
    %get3A_520 = vector.load %arg6[%get3A_518, %get3A_519] : memref<20x3xf32, #tpu.memory_space<vmem>>, vector<1x1xf32>
    %sub3A_521 = vector.broadcast %get3A_520 : vector<1x1xf32> to vector<200x32xf32>
    %sub3A_522 = arith.subf %sub3A_13, %sub3A_521 : vector<200x32xf32>
    %get3A_523 = arith.constant 15 : index
    %get3A_524 = arith.constant 2 : index
    %get3A_525 = vector.load %arg6[%get3A_523, %get3A_524] : memref<20x3xf32, #tpu.memory_space<vmem>>, vector<1x1xf32>
    %sub3A_526 = vector.broadcast %get3A_525 : vector<1x1xf32> to vector<200x32xf32>
    %sub3A_527 = arith.subf %sub3A_21, %sub3A_526 : vector<200x32xf32>
    %mul3A_528 = arith.mulf %sub3A_517, %sub3A_517 : vector<200x32xf32>
    %mul3A_529 = arith.mulf %sub3A_522, %sub3A_522 : vector<200x32xf32>
    %add3A_530 = arith.addf %mul3A_528, %mul3A_529 : vector<200x32xf32>
    %mul3A_531 = arith.mulf %sub3A_527, %sub3A_527 : vector<200x32xf32>
    %add3A_532 = arith.addf %add3A_530, %mul3A_531 : vector<200x32xf32>
    %add3A_533 = arith.constant 9.99999996E-13 : f32
    %add3A_534 = vector.broadcast %add3A_533 : f32 to vector<200x32xf32>
    %add3A_535 = arith.addf %add3A_532, %add3A_534 : vector<200x32xf32>
    %sqrt3A_536 = math.sqrt %add3A_535 : vector<200x32xf32>
    %mul3A_537 = arith.constant 5.000000e-01 : f32
    %mul3A_538 = vector.broadcast %mul3A_537 : f32 to vector<200x32xf32>
    %mul3A_539 = arith.mulf %sqrt3A_536, %mul3A_538 : vector<200x32xf32>
    %sub3A_540 = arith.constant 1.000000e+00 : f32
    %sub3A_541 = vector.broadcast %sub3A_540 : f32 to vector<200x32xf32>
    %sub3A_542 = arith.subf %sub3A_541, %mul3A_539 : vector<200x32xf32>
    %max3A_543 = arith.constant 0.000000e+00 : f32
    %max3A_544 = vector.broadcast %max3A_543 : f32 to vector<200x32xf32>
    %max3A_545 = arith.maximumf %sub3A_542, %max3A_544 : vector<200x32xf32>
    %get3A_546 = arith.constant 16 : index
    %get3A_547 = arith.constant 0 : index
    %get3A_548 = vector.load %arg6[%get3A_546, %get3A_547] : memref<20x3xf32, #tpu.memory_space<vmem>>, vector<1x1xf32>
    %sub3A_549 = vector.broadcast %get3A_548 : vector<1x1xf32> to vector<200x32xf32>
    %sub3A_550 = arith.subf %sub3A_5, %sub3A_549 : vector<200x32xf32>
    %get3A_551 = arith.constant 16 : index
    %get3A_552 = arith.constant 1 : index
    %get3A_553 = vector.load %arg6[%get3A_551, %get3A_552] : memref<20x3xf32, #tpu.memory_space<vmem>>, vector<1x1xf32>
    %sub3A_554 = vector.broadcast %get3A_553 : vector<1x1xf32> to vector<200x32xf32>
    %sub3A_555 = arith.subf %sub3A_13, %sub3A_554 : vector<200x32xf32>
    %get3A_556 = arith.constant 16 : index
    %get3A_557 = arith.constant 2 : index
    %get3A_558 = vector.load %arg6[%get3A_556, %get3A_557] : memref<20x3xf32, #tpu.memory_space<vmem>>, vector<1x1xf32>
    %sub3A_559 = vector.broadcast %get3A_558 : vector<1x1xf32> to vector<200x32xf32>
    %sub3A_560 = arith.subf %sub3A_21, %sub3A_559 : vector<200x32xf32>
    %mul3A_561 = arith.mulf %sub3A_550, %sub3A_550 : vector<200x32xf32>
    %mul3A_562 = arith.mulf %sub3A_555, %sub3A_555 : vector<200x32xf32>
    %add3A_563 = arith.addf %mul3A_561, %mul3A_562 : vector<200x32xf32>
    %mul3A_564 = arith.mulf %sub3A_560, %sub3A_560 : vector<200x32xf32>
    %add3A_565 = arith.addf %add3A_563, %mul3A_564 : vector<200x32xf32>
    %add3A_566 = arith.constant 9.99999996E-13 : f32
    %add3A_567 = vector.broadcast %add3A_566 : f32 to vector<200x32xf32>
    %add3A_568 = arith.addf %add3A_565, %add3A_567 : vector<200x32xf32>
    %sqrt3A_569 = math.sqrt %add3A_568 : vector<200x32xf32>
    %mul3A_570 = arith.constant 5.000000e-01 : f32
    %mul3A_571 = vector.broadcast %mul3A_570 : f32 to vector<200x32xf32>
    %mul3A_572 = arith.mulf %sqrt3A_569, %mul3A_571 : vector<200x32xf32>
    %sub3A_573 = arith.constant 1.000000e+00 : f32
    %sub3A_574 = vector.broadcast %sub3A_573 : f32 to vector<200x32xf32>
    %sub3A_575 = arith.subf %sub3A_574, %mul3A_572 : vector<200x32xf32>
    %max3A_576 = arith.constant 0.000000e+00 : f32
    %max3A_577 = vector.broadcast %max3A_576 : f32 to vector<200x32xf32>
    %max3A_578 = arith.maximumf %sub3A_575, %max3A_577 : vector<200x32xf32>
    %get3A_579 = arith.constant 17 : index
    %get3A_580 = arith.constant 0 : index
    %get3A_581 = vector.load %arg6[%get3A_579, %get3A_580] : memref<20x3xf32, #tpu.memory_space<vmem>>, vector<1x1xf32>
    %sub3A_582 = vector.broadcast %get3A_581 : vector<1x1xf32> to vector<200x32xf32>
    %sub3A_583 = arith.subf %sub3A_5, %sub3A_582 : vector<200x32xf32>
    %get3A_584 = arith.constant 17 : index
    %get3A_585 = arith.constant 1 : index
    %get3A_586 = vector.load %arg6[%get3A_584, %get3A_585] : memref<20x3xf32, #tpu.memory_space<vmem>>, vector<1x1xf32>
    %sub3A_587 = vector.broadcast %get3A_586 : vector<1x1xf32> to vector<200x32xf32>
    %sub3A_588 = arith.subf %sub3A_13, %sub3A_587 : vector<200x32xf32>
    %get3A_589 = arith.constant 17 : index
    %get3A_590 = arith.constant 2 : index
    %get3A_591 = vector.load %arg6[%get3A_589, %get3A_590] : memref<20x3xf32, #tpu.memory_space<vmem>>, vector<1x1xf32>
    %sub3A_592 = vector.broadcast %get3A_591 : vector<1x1xf32> to vector<200x32xf32>
    %sub3A_593 = arith.subf %sub3A_21, %sub3A_592 : vector<200x32xf32>
    %mul3A_594 = arith.mulf %sub3A_583, %sub3A_583 : vector<200x32xf32>
    %mul3A_595 = arith.mulf %sub3A_588, %sub3A_588 : vector<200x32xf32>
    %add3A_596 = arith.addf %mul3A_594, %mul3A_595 : vector<200x32xf32>
    %mul3A_597 = arith.mulf %sub3A_593, %sub3A_593 : vector<200x32xf32>
    %add3A_598 = arith.addf %add3A_596, %mul3A_597 : vector<200x32xf32>
    %add3A_599 = arith.constant 9.99999996E-13 : f32
    %add3A_600 = vector.broadcast %add3A_599 : f32 to vector<200x32xf32>
    %add3A_601 = arith.addf %add3A_598, %add3A_600 : vector<200x32xf32>
    %sqrt3A_602 = math.sqrt %add3A_601 : vector<200x32xf32>
    %mul3A_603 = arith.constant 5.000000e-01 : f32
    %mul3A_604 = vector.broadcast %mul3A_603 : f32 to vector<200x32xf32>
    %mul3A_605 = arith.mulf %sqrt3A_602, %mul3A_604 : vector<200x32xf32>
    %sub3A_606 = arith.constant 1.000000e+00 : f32
    %sub3A_607 = vector.broadcast %sub3A_606 : f32 to vector<200x32xf32>
    %sub3A_608 = arith.subf %sub3A_607, %mul3A_605 : vector<200x32xf32>
    %max3A_609 = arith.constant 0.000000e+00 : f32
    %max3A_610 = vector.broadcast %max3A_609 : f32 to vector<200x32xf32>
    %max3A_611 = arith.maximumf %sub3A_608, %max3A_610 : vector<200x32xf32>
    %get3A_612 = arith.constant 18 : index
    %get3A_613 = arith.constant 0 : index
    %get3A_614 = vector.load %arg6[%get3A_612, %get3A_613] : memref<20x3xf32, #tpu.memory_space<vmem>>, vector<1x1xf32>
    %sub3A_615 = vector.broadcast %get3A_614 : vector<1x1xf32> to vector<200x32xf32>
    %sub3A_616 = arith.subf %sub3A_5, %sub3A_615 : vector<200x32xf32>
    %get3A_617 = arith.constant 18 : index
    %get3A_618 = arith.constant 1 : index
    %get3A_619 = vector.load %arg6[%get3A_617, %get3A_618] : memref<20x3xf32, #tpu.memory_space<vmem>>, vector<1x1xf32>
    %sub3A_620 = vector.broadcast %get3A_619 : vector<1x1xf32> to vector<200x32xf32>
    %sub3A_621 = arith.subf %sub3A_13, %sub3A_620 : vector<200x32xf32>
    %get3A_622 = arith.constant 18 : index
    %get3A_623 = arith.constant 2 : index
    %get3A_624 = vector.load %arg6[%get3A_622, %get3A_623] : memref<20x3xf32, #tpu.memory_space<vmem>>, vector<1x1xf32>
    %sub3A_625 = vector.broadcast %get3A_624 : vector<1x1xf32> to vector<200x32xf32>
    %sub3A_626 = arith.subf %sub3A_21, %sub3A_625 : vector<200x32xf32>
    %mul3A_627 = arith.mulf %sub3A_616, %sub3A_616 : vector<200x32xf32>
    %mul3A_628 = arith.mulf %sub3A_621, %sub3A_621 : vector<200x32xf32>
    %add3A_629 = arith.addf %mul3A_627, %mul3A_628 : vector<200x32xf32>
    %mul3A_630 = arith.mulf %sub3A_626, %sub3A_626 : vector<200x32xf32>
    %add3A_631 = arith.addf %add3A_629, %mul3A_630 : vector<200x32xf32>
    %add3A_632 = arith.constant 9.99999996E-13 : f32
    %add3A_633 = vector.broadcast %add3A_632 : f32 to vector<200x32xf32>
    %add3A_634 = arith.addf %add3A_631, %add3A_633 : vector<200x32xf32>
    %sqrt3A_635 = math.sqrt %add3A_634 : vector<200x32xf32>
    %mul3A_636 = arith.constant 5.000000e-01 : f32
    %mul3A_637 = vector.broadcast %mul3A_636 : f32 to vector<200x32xf32>
    %mul3A_638 = arith.mulf %sqrt3A_635, %mul3A_637 : vector<200x32xf32>
    %sub3A_639 = arith.constant 1.000000e+00 : f32
    %sub3A_640 = vector.broadcast %sub3A_639 : f32 to vector<200x32xf32>
    %sub3A_641 = arith.subf %sub3A_640, %mul3A_638 : vector<200x32xf32>
    %max3A_642 = arith.constant 0.000000e+00 : f32
    %max3A_643 = vector.broadcast %max3A_642 : f32 to vector<200x32xf32>
    %max3A_644 = arith.maximumf %sub3A_641, %max3A_643 : vector<200x32xf32>
    %get3A_645 = arith.constant 19 : index
    %get3A_646 = arith.constant 0 : index
    %get3A_647 = vector.load %arg6[%get3A_645, %get3A_646] : memref<20x3xf32, #tpu.memory_space<vmem>>, vector<1x1xf32>
    %sub3A_648 = vector.broadcast %get3A_647 : vector<1x1xf32> to vector<200x32xf32>
    %sub3A_649 = arith.subf %sub3A_5, %sub3A_648 : vector<200x32xf32>
    %get3A_650 = arith.constant 19 : index
    %get3A_651 = arith.constant 1 : index
    %get3A_652 = vector.load %arg6[%get3A_650, %get3A_651] : memref<20x3xf32, #tpu.memory_space<vmem>>, vector<1x1xf32>
    %sub3A_653 = vector.broadcast %get3A_652 : vector<1x1xf32> to vector<200x32xf32>
    %sub3A_654 = arith.subf %sub3A_13, %sub3A_653 : vector<200x32xf32>
    %get3A_655 = arith.constant 19 : index
    %get3A_656 = arith.constant 2 : index
    %get3A_657 = vector.load %arg6[%get3A_655, %get3A_656] : memref<20x3xf32, #tpu.memory_space<vmem>>, vector<1x1xf32>
    %sub3A_658 = vector.broadcast %get3A_657 : vector<1x1xf32> to vector<200x32xf32>
    %sub3A_659 = arith.subf %sub3A_21, %sub3A_658 : vector<200x32xf32>
    %mul3A_660 = arith.mulf %sub3A_649, %sub3A_649 : vector<200x32xf32>
    %mul3A_661 = arith.mulf %sub3A_654, %sub3A_654 : vector<200x32xf32>
    %add3A_662 = arith.addf %mul3A_660, %mul3A_661 : vector<200x32xf32>
    %mul3A_663 = arith.mulf %sub3A_659, %sub3A_659 : vector<200x32xf32>
    %add3A_664 = arith.addf %add3A_662, %mul3A_663 : vector<200x32xf32>
    %add3A_665 = arith.constant 9.99999996E-13 : f32
    %add3A_666 = vector.broadcast %add3A_665 : f32 to vector<200x32xf32>
    %add3A_667 = arith.addf %add3A_664, %add3A_666 : vector<200x32xf32>
    %sqrt3A_668 = math.sqrt %add3A_667 : vector<200x32xf32>
    %mul3A_669 = arith.constant 5.000000e-01 : f32
    %mul3A_670 = vector.broadcast %mul3A_669 : f32 to vector<200x32xf32>
    %mul3A_671 = arith.mulf %sqrt3A_668, %mul3A_670 : vector<200x32xf32>
    %sub3A_672 = arith.constant 1.000000e+00 : f32
    %sub3A_673 = vector.broadcast %sub3A_672 : f32 to vector<200x32xf32>
    %sub3A_674 = arith.subf %sub3A_673, %mul3A_671 : vector<200x32xf32>
    %max3A_675 = arith.constant 0.000000e+00 : f32
    %max3A_676 = vector.broadcast %max3A_675 : f32 to vector<200x32xf32>
    %max3A_677 = arith.maximumf %sub3A_674, %max3A_676 : vector<200x32xf32>
    %stack3A = vector.shape_cast %max3A_50 : vector<200x32xf32> to vector<200x1x32xf32>
    %stack3A_678 = vector.shape_cast %max3A_83 : vector<200x32xf32> to vector<200x1x32xf32>
    %stack3A_679 = vector.shape_cast %max3A_116 : vector<200x32xf32> to vector<200x1x32xf32>
    %stack3A_680 = vector.shape_cast %max3A_149 : vector<200x32xf32> to vector<200x1x32xf32>
    %stack3A_681 = vector.shape_cast %max3A_182 : vector<200x32xf32> to vector<200x1x32xf32>
    %stack3A_682 = vector.shape_cast %max3A_215 : vector<200x32xf32> to vector<200x1x32xf32>
    %stack3A_683 = vector.shape_cast %max3A_248 : vector<200x32xf32> to vector<200x1x32xf32>
    %stack3A_684 = vector.shape_cast %max3A_281 : vector<200x32xf32> to vector<200x1x32xf32>
    %stack3A_685 = vector.shape_cast %max3A_314 : vector<200x32xf32> to vector<200x1x32xf32>
    %stack3A_686 = vector.shape_cast %max3A_347 : vector<200x32xf32> to vector<200x1x32xf32>
    %stack3A_687 = vector.shape_cast %max3A_380 : vector<200x32xf32> to vector<200x1x32xf32>
    %stack3A_688 = vector.shape_cast %max3A_413 : vector<200x32xf32> to vector<200x1x32xf32>
    %stack3A_689 = vector.shape_cast %max3A_446 : vector<200x32xf32> to vector<200x1x32xf32>
    %stack3A_690 = vector.shape_cast %max3A_479 : vector<200x32xf32> to vector<200x1x32xf32>
    %stack3A_691 = vector.shape_cast %max3A_512 : vector<200x32xf32> to vector<200x1x32xf32>
    %stack3A_692 = vector.shape_cast %max3A_545 : vector<200x32xf32> to vector<200x1x32xf32>
    %stack3A_693 = vector.shape_cast %max3A_578 : vector<200x32xf32> to vector<200x1x32xf32>
    %stack3A_694 = vector.shape_cast %max3A_611 : vector<200x32xf32> to vector<200x1x32xf32>
    %stack3A_695 = vector.shape_cast %max3A_644 : vector<200x32xf32> to vector<200x1x32xf32>
    %stack3A_696 = vector.shape_cast %max3A_677 : vector<200x32xf32> to vector<200x1x32xf32>
    %stack3A_697 = tpu.concatenate %stack3A, %stack3A_678, %stack3A_679, %stack3A_680, %stack3A_681, %stack3A_682, %stack3A_683, %stack3A_684, %stack3A_685, %stack3A_686, %stack3A_687, %stack3A_688, %stack3A_689, %stack3A_690, %stack3A_691, %stack3A_692, %stack3A_693, %stack3A_694, %stack3A_695, %stack3A_696 in 1 : vector<200x1x32xf32>, vector<200x1x32xf32>, vector<200x1x32xf32>, vector<200x1x32xf32>, vector<200x1x32xf32>, vector<200x1x32xf32>, vector<200x1x32xf32>, vector<200x1x32xf32>, vector<200x1x32xf32>, vector<200x1x32xf32>, vector<200x1x32xf32>, vector<200x1x32xf32>, vector<200x1x32xf32>, vector<200x1x32xf32>, vector<200x1x32xf32>, vector<200x1x32xf32>, vector<200x1x32xf32>, vector<200x1x32xf32>, vector<200x1x32xf32>, vector<200x1x32xf32> -> vector<200x20x32xf32>
    %swap3A = arith.constant 0 : index
    %swap3A_698 = arith.constant 0 : index
    %swap3A_699 = arith.constant 0 : index
    %swap3A_700 = vector.load %arg12[%swap3A, %swap3A_698, %swap3A_699] : memref<200x20x32xf32, #tpu.memory_space<vmem>>, vector<200x20x32xf32>
    tpu.vector_store %arg12[%swap3A, %swap3A_698, %swap3A_699], %stack3A_697 {strides = array<i32>} : memref<200x20x32xf32, #tpu.memory_space<vmem>>, vector<200x20x32xf32>,
    %get3A_701 = arith.constant 0 : index
    %get3A_702 = arith.constant 0 : index
    %get3A_703 = arith.constant 0 : index
    %get3A_704 = vector.load %arg12[%get3A_701, %get3A_702, %get3A_703] : memref<200x20x32xf32, #tpu.memory_space<vmem>>, vector<1x20x32xf32>
    %get3A_705 = vector.shape_cast %get3A_704 : vector<1x20x32xf32> to vector<20x32xf32>
    %get3A_706 = arith.constant 0 : index
    %get3A_707 = arith.constant 0 : index
    %get3A_708 = arith.constant 0 : index
    %get3A_709 = vector.load %arg1[%get3A_706, %get3A_707, %get3A_708] : memref<200x32x128xf32, #tpu.memory_space<vmem>>, vector<1x32x128xf32>
    %get3A_710 = vector.shape_cast %get3A_709 : vector<1x32x128xf32> to vector<32x128xf32>
    %dot_general3A = arith.constant dense<0.000000e+00> : vector<20x128xf32>
    %dot_general3A_711 = tpu.matmul %get3A_705, %get3A_710, %dot_general3A {dimension_numbers = #tpu.dot_dimension_numbers<[1], [0], [0], [1], [0, 0, 1, 1], [], []>, transpose_lhs_hint = false} : vector<20x32xf32>, vector<32x128xf32>, vector<20x128xf32> -> vector<20x128xf32>
    %swap3A_712 = arith.constant 0 : index
    %swap3A_713 = arith.constant 0 : index
    %swap3A_714 = arith.constant 0 : index
    %swap3A_715 = vector.load %arg13[%swap3A_712, %swap3A_713, %swap3A_714] : memref<200x20x128xf32, #tpu.memory_space<vmem>>, vector<1x20x128xf32>
    %swap3A_716 = vector.shape_cast %swap3A_715 : vector<1x20x128xf32> to vector<20x128xf32>
    %swap3A_717 = vector.shape_cast %dot_general3A_711 : vector<20x128xf32> to vector<1x20x128xf32>
    tpu.vector_store %arg13[%swap3A_712, %swap3A_713, %swap3A_714], %swap3A_717 {strides = array<i32>} : memref<200x20x128xf32, #tpu.memory_space<vmem>>, vector<1x20x128xf32>,
    %get3A_718 = arith.constant 1 : index
    %get3A_719 = arith.constant 0 : index
    %get3A_720 = arith.constant 0 : index
    %get3A_721 = vector.load %arg12[%get3A_718, %get3A_719, %get3A_720] : memref<200x20x32xf32, #tpu.memory_space<vmem>>, vector<1x20x32xf32>
    %get3A_722 = vector.shape_cast %get3A_721 : vector<1x20x32xf32> to vector<20x32xf32>
    %get3A_723 = arith.constant 1 : index
    %get3A_724 = arith.constant 0 : index
    %get3A_725 = arith.constant 0 : index
    %get3A_726 = vector.load %arg1[%get3A_723, %get3A_724, %get3A_725] : memref<200x32x128xf32, #tpu.memory_space<vmem>>, vector<1x32x128xf32>
    %get3A_727 = vector.shape_cast %get3A_726 : vector<1x32x128xf32> to vector<32x128xf32>
    %dot_general3A_728 = arith.constant dense<0.000000e+00> : vector<20x128xf32>
    %dot_general3A_729 = tpu.matmul %get3A_722, %get3A_727, %dot_general3A_728 {dimension_numbers = #tpu.dot_dimension_numbers<[1], [0], [0], [1], [0, 0, 1, 1], [], []>, transpose_lhs_hint = false} : vector<20x32xf32>, vector<32x128xf32>, vector<20x128xf32> -> vector<20x128xf32>
    %swap3A_730 = arith.constant 1 : index
    %swap3A_731 = arith.constant 0 : index
    %swap3A_732 = arith.constant 0 : index
    %swap3A_733 = vector.load %arg13[%swap3A_730, %swap3A_731, %swap3A_732] : memref<200x20x128xf32, #tpu.memory_space<vmem>>, vector<1x20x128xf32>
    %swap3A_734 = vector.shape_cast %swap3A_733 : vector<1x20x128xf32> to vector<20x128xf32>
    %swap3A_735 = vector.shape_cast %dot_general3A_729 : vector<20x128xf32> to vector<1x20x128xf32>
    tpu.vector_store %arg13[%swap3A_730, %swap3A_731, %swap3A_732], %swap3A_735 {strides = array<i32>} : memref<200x20x128xf32, #tpu.memory_space<vmem>>, vector<1x20x128xf32>,
    %get3A_736 = arith.constant 2 : index
    %get3A_737 = arith.constant 0 : index
    %get3A_738 = arith.constant 0 : index
    %get3A_739 = vector.load %arg12[%get3A_736, %get3A_737, %get3A_738] : memref<200x20x32xf32, #tpu.memory_space<vmem>>, vector<1x20x32xf32>
    %get3A_740 = vector.shape_cast %get3A_739 : vector<1x20x32xf32> to vector<20x32xf32>
    %get3A_741 = arith.constant 2 : index
    %get3A_742 = arith.constant 0 : index
    %get3A_743 = arith.constant 0 : index
    %get3A_744 = vector.load %arg1[%get3A_741, %get3A_742, %get3A_743] : memref<200x32x128xf32, #tpu.memory_space<vmem>>, vector<1x32x128xf32>
    %get3A_745 = vector.shape_cast %get3A_744 : vector<1x32x128xf32> to vector<32x128xf32>
    %dot_general3A_746 = arith.constant dense<0.000000e+00> : vector<20x128xf32>
    %dot_general3A_747 = tpu.matmul %get3A_740, %get3A_745, %dot_general3A_746 {dimension_numbers = #tpu.dot_dimension_numbers<[1], [0], [0], [1], [0, 0, 1, 1], [], []>, transpose_lhs_hint = false} : vector<20x32xf32>, vector<32x128xf32>, vector<20x128xf32> -> vector<20x128xf32>
    %swap3A_748 = arith.constant 2 : index
    %swap3A_749 = arith.constant 0 : index
    %swap3A_750 = arith.constant 0 : index
    %swap3A_751 = vector.load %arg13[%swap3A_748, %swap3A_749, %swap3A_750] : memref<200x20x128xf32, #tpu.memory_space<vmem>>, vector<1x20x128xf32>
    %swap3A_752 = vector.shape_cast %swap3A_751 : vector<1x20x128xf32> to vector<20x128xf32>
    %swap3A_753 = vector.shape_cast %dot_general3A_747 : vector<20x128xf32> to vector<1x20x128xf32>
    tpu.vector_store %arg13[%swap3A_748, %swap3A_749, %swap3A_750], %swap3A_753 {strides = array<i32>} : memref<200x20x128xf32, #tpu.memory_space<vmem>>, vector<1x20x128xf32>,
    %get3A_754 = arith.constant 3 : index
    %get3A_755 = arith.constant 0 : index
    %get3A_756 = arith.constant 0 : index
    %get3A_757 = vector.load %arg12[%get3A_754, %get3A_755, %get3A_756] : memref<200x20x32xf32, #tpu.memory_space<vmem>>, vector<1x20x32xf32>
    %get3A_758 = vector.shape_cast %get3A_757 : vector<1x20x32xf32> to vector<20x32xf32>
    %get3A_759 = arith.constant 3 : index
    %get3A_760 = arith.constant 0 : index
    %get3A_761 = arith.constant 0 : index
    %get3A_762 = vector.load %arg1[%get3A_759, %get3A_760, %get3A_761] : memref<200x32x128xf32, #tpu.memory_space<vmem>>, vector<1x32x128xf32>
    %get3A_763 = vector.shape_cast %get3A_762 : vector<1x32x128xf32> to vector<32x128xf32>
    %dot_general3A_764 = arith.constant dense<0.000000e+00> : vector<20x128xf32>
    %dot_general3A_765 = tpu.matmul %get3A_758, %get3A_763, %dot_general3A_764 {dimension_numbers = #tpu.dot_dimension_numbers<[1], [0], [0], [1], [0, 0, 1, 1], [], []>, transpose_lhs_hint = false} : vector<20x32xf32>, vector<32x128xf32>, vector<20x128xf32> -> vector<20x128xf32>
    %swap3A_766 = arith.constant 3 : index
    %swap3A_767 = arith.constant 0 : index
    %swap3A_768 = arith.constant 0 : index
    %swap3A_769 = vector.load %arg13[%swap3A_766, %swap3A_767, %swap3A_768] : memref<200x20x128xf32, #tpu.memory_space<vmem>>, vector<1x20x128xf32>
    %swap3A_770 = vector.shape_cast %swap3A_769 : vector<1x20x128xf32> to vector<20x128xf32>
    %swap3A_771 = vector.shape_cast %dot_general3A_765 : vector<20x128xf32> to vector<1x20x128xf32>
    tpu.vector_store %arg13[%swap3A_766, %swap3A_767, %swap3A_768], %swap3A_771 {strides = array<i32>} : memref<200x20x128xf32, #tpu.memory_space<vmem>>, vector<1x20x128xf32>,
    %get3A_772 = arith.constant 4 : index
    %get3A_773 = arith.constant 0 : index
    %get3A_774 = arith.constant 0 : index
    %get3A_775 = vector.load %arg12[%get3A_772, %get3A_773, %get3A_774] : memref<200x20x32xf32, #tpu.memory_space<vmem>>, vector<1x20x32xf32>
    %get3A_776 = vector.shape_cast %get3A_775 : vector<1x20x32xf32> to vector<20x32xf32>
    %get3A_777 = arith.constant 4 : index
    %get3A_778 = arith.constant 0 : index
    %get3A_779 = arith.constant 0 : index
    %get3A_780 = vector.load %arg1[%get3A_777, %get3A_778, %get3A_779] : memref<200x32x128xf32, #tpu.memory_space<vmem>>, vector<1x32x128xf32>
    %get3A_781 = vector.shape_cast %get3A_780 : vector<1x32x128xf32> to vector<32x128xf32>
    %dot_general3A_782 = arith.constant dense<0.000000e+00> : vector<20x128xf32>
    %dot_general3A_783 = tpu.matmul %get3A_776, %get3A_781, %dot_general3A_782 {dimension_numbers = #tpu.dot_dimension_numbers<[1], [0], [0], [1], [0, 0, 1, 1], [], []>, transpose_lhs_hint = false} : vector<20x32xf32>, vector<32x128xf32>, vector<20x128xf32> -> vector<20x128xf32>
    %swap3A_784 = arith.constant 4 : index
    %swap3A_785 = arith.constant 0 : index
    %swap3A_786 = arith.constant 0 : index
    %swap3A_787 = vector.load %arg13[%swap3A_784, %swap3A_785, %swap3A_786] : memref<200x20x128xf32, #tpu.memory_space<vmem>>, vector<1x20x128xf32>
    %swap3A_788 = vector.shape_cast %swap3A_787 : vector<1x20x128xf32> to vector<20x128xf32>
    %swap3A_789 = vector.shape_cast %dot_general3A_783 : vector<20x128xf32> to vector<1x20x128xf32>
    tpu.vector_store %arg13[%swap3A_784, %swap3A_785, %swap3A_786], %swap3A_789 {strides = array<i32>} : memref<200x20x128xf32, #tpu.memory_space<vmem>>, vector<1x20x128xf32>,
    %get3A_790 = arith.constant 5 : index
    %get3A_791 = arith.constant 0 : index
    %get3A_792 = arith.constant 0 : index
    %get3A_793 = vector.load %arg12[%get3A_790, %get3A_791, %get3A_792] : memref<200x20x32xf32, #tpu.memory_space<vmem>>, vector<1x20x32xf32>
    %get3A_794 = vector.shape_cast %get3A_793 : vector<1x20x32xf32> to vector<20x32xf32>
    %get3A_795 = arith.constant 5 : index
    %get3A_796 = arith.constant 0 : index
    %get3A_797 = arith.constant 0 : index
    %get3A_798 = vector.load %arg1[%get3A_795, %get3A_796, %get3A_797] : memref<200x32x128xf32, #tpu.memory_space<vmem>>, vector<1x32x128xf32>
    %get3A_799 = vector.shape_cast %get3A_798 : vector<1x32x128xf32> to vector<32x128xf32>
    %dot_general3A_800 = arith.constant dense<0.000000e+00> : vector<20x128xf32>
    %dot_general3A_801 = tpu.matmul %get3A_794, %get3A_799, %dot_general3A_800 {dimension_numbers = #tpu.dot_dimension_numbers<[1], [0], [0], [1], [0, 0, 1, 1], [], []>, transpose_lhs_hint = false} : vector<20x32xf32>, vector<32x128xf32>, vector<20x128xf32> -> vector<20x128xf32>
    %swap3A_802 = arith.constant 5 : index
    %swap3A_803 = arith.constant 0 : index
    %swap3A_804 = arith.constant 0 : index
    %swap3A_805 = vector.load %arg13[%swap3A_802, %swap3A_803, %swap3A_804] : memref<200x20x128xf32, #tpu.memory_space<vmem>>, vector<1x20x128xf32>
    %swap3A_806 = vector.shape_cast %swap3A_805 : vector<1x20x128xf32> to vector<20x128xf32>
    %swap3A_807 = vector.shape_cast %dot_general3A_801 : vector<20x128xf32> to vector<1x20x128xf32>
    tpu.vector_store %arg13[%swap3A_802, %swap3A_803, %swap3A_804], %swap3A_807 {strides = array<i32>} : memref<200x20x128xf32, #tpu.memory_space<vmem>>, vector<1x20x128xf32>,
    %get3A_808 = arith.constant 6 : index
    %get3A_809 = arith.constant 0 : index
    %get3A_810 = arith.constant 0 : index
    %get3A_811 = vector.load %arg12[%get3A_808, %get3A_809, %get3A_810] : memref<200x20x32xf32, #tpu.memory_space<vmem>>, vector<1x20x32xf32>
    %get3A_812 = vector.shape_cast %get3A_811 : vector<1x20x32xf32> to vector<20x32xf32>
    %get3A_813 = arith.constant 6 : index
    %get3A_814 = arith.constant 0 : index
    %get3A_815 = arith.constant 0 : index
    %get3A_816 = vector.load %arg1[%get3A_813, %get3A_814, %get3A_815] : memref<200x32x128xf32, #tpu.memory_space<vmem>>, vector<1x32x128xf32>
    %get3A_817 = vector.shape_cast %get3A_816 : vector<1x32x128xf32> to vector<32x128xf32>
    %dot_general3A_818 = arith.constant dense<0.000000e+00> : vector<20x128xf32>
    %dot_general3A_819 = tpu.matmul %get3A_812, %get3A_817, %dot_general3A_818 {dimension_numbers = #tpu.dot_dimension_numbers<[1], [0], [0], [1], [0, 0, 1, 1], [], []>, transpose_lhs_hint = false} : vector<20x32xf32>, vector<32x128xf32>, vector<20x128xf32> -> vector<20x128xf32>
    %swap3A_820 = arith.constant 6 : index
    %swap3A_821 = arith.constant 0 : index
    %swap3A_822 = arith.constant 0 : index
    %swap3A_823 = vector.load %arg13[%swap3A_820, %swap3A_821, %swap3A_822] : memref<200x20x128xf32, #tpu.memory_space<vmem>>, vector<1x20x128xf32>
    %swap3A_824 = vector.shape_cast %swap3A_823 : vector<1x20x128xf32> to vector<20x128xf32>
    %swap3A_825 = vector.shape_cast %dot_general3A_819 : vector<20x128xf32> to vector<1x20x128xf32>
    tpu.vector_store %arg13[%swap3A_820, %swap3A_821, %swap3A_822], %swap3A_825 {strides = array<i32>} : memref<200x20x128xf32, #tpu.memory_space<vmem>>, vector<1x20x128xf32>,
    %get3A_826 = arith.constant 7 : index
    %get3A_827 = arith.constant 0 : index
    %get3A_828 = arith.constant 0 : index
    %get3A_829 = vector.load %arg12[%get3A_826, %get3A_827, %get3A_828] : memref<200x20x32xf32, #tpu.memory_space<vmem>>, vector<1x20x32xf32>
    %get3A_830 = vector.shape_cast %get3A_829 : vector<1x20x32xf32> to vector<20x32xf32>
    %get3A_831 = arith.constant 7 : index
    %get3A_832 = arith.constant 0 : index
    %get3A_833 = arith.constant 0 : index
    %get3A_834 = vector.load %arg1[%get3A_831, %get3A_832, %get3A_833] : memref<200x32x128xf32, #tpu.memory_space<vmem>>, vector<1x32x128xf32>
    %get3A_835 = vector.shape_cast %get3A_834 : vector<1x32x128xf32> to vector<32x128xf32>
    %dot_general3A_836 = arith.constant dense<0.000000e+00> : vector<20x128xf32>
    %dot_general3A_837 = tpu.matmul %get3A_830, %get3A_835, %dot_general3A_836 {dimension_numbers = #tpu.dot_dimension_numbers<[1], [0], [0], [1], [0, 0, 1, 1], [], []>, transpose_lhs_hint = false} : vector<20x32xf32>, vector<32x128xf32>, vector<20x128xf32> -> vector<20x128xf32>
    %swap3A_838 = arith.constant 7 : index
    %swap3A_839 = arith.constant 0 : index
    %swap3A_840 = arith.constant 0 : index
    %swap3A_841 = vector.load %arg13[%swap3A_838, %swap3A_839, %swap3A_840] : memref<200x20x128xf32, #tpu.memory_space<vmem>>, vector<1x20x128xf32>
    %swap3A_842 = vector.shape_cast %swap3A_841 : vector<1x20x128xf32> to vector<20x128xf32>
    %swap3A_843 = vector.shape_cast %dot_general3A_837 : vector<20x128xf32> to vector<1x20x128xf32>
    tpu.vector_store %arg13[%swap3A_838, %swap3A_839, %swap3A_840], %swap3A_843 {strides = array<i32>} : memref<200x20x128xf32, #tpu.memory_space<vmem>>, vector<1x20x128xf32>,
    %get3A_844 = arith.constant 8 : index
    %get3A_845 = arith.constant 0 : index
    %get3A_846 = arith.constant 0 : index
    %get3A_847 = vector.load %arg12[%get3A_844, %get3A_845, %get3A_846] : memref<200x20x32xf32, #tpu.memory_space<vmem>>, vector<1x20x32xf32>
    %get3A_848 = vector.shape_cast %get3A_847 : vector<1x20x32xf32> to vector<20x32xf32>
    %get3A_849 = arith.constant 8 : index
    %get3A_850 = arith.constant 0 : index
    %get3A_851 = arith.constant 0 : index
    %get3A_852 = vector.load %arg1[%get3A_849, %get3A_850, %get3A_851] : memref<200x32x128xf32, #tpu.memory_space<vmem>>, vector<1x32x128xf32>
    %get3A_853 = vector.shape_cast %get3A_852 : vector<1x32x128xf32> to vector<32x128xf32>
    %dot_general3A_854 = arith.constant dense<0.000000e+00> : vector<20x128xf32>
    %dot_general3A_855 = tpu.matmul %get3A_848, %get3A_853, %dot_general3A_854 {dimension_numbers = #tpu.dot_dimension_numbers<[1], [0], [0], [1], [0, 0, 1, 1], [], []>, transpose_lhs_hint = false} : vector<20x32xf32>, vector<32x128xf32>, vector<20x128xf32> -> vector<20x128xf32>
    %swap3A_856 = arith.constant 8 : index
    %swap3A_857 = arith.constant 0 : index
    %swap3A_858 = arith.constant 0 : index
    %swap3A_859 = vector.load %arg13[%swap3A_856, %swap3A_857, %swap3A_858] : memref<200x20x128xf32, #tpu.memory_space<vmem>>, vector<1x20x128xf32>
    %swap3A_860 = vector.shape_cast %swap3A_859 : vector<1x20x128xf32> to vector<20x128xf32>
    %swap3A_861 = vector.shape_cast %dot_general3A_855 : vector<20x128xf32> to vector<1x20x128xf32>
    tpu.vector_store %arg13[%swap3A_856, %swap3A_857, %swap3A_858], %swap3A_861 {strides = array<i32>} : memref<200x20x128xf32, #tpu.memory_space<vmem>>, vector<1x20x128xf32>,
    %get3A_862 = arith.constant 9 : index
    %get3A_863 = arith.constant 0 : index
    %get3A_864 = arith.constant 0 : index
    %get3A_865 = vector.load %arg12[%get3A_862, %get3A_863, %get3A_864] : memref<200x20x32xf32, #tpu.memory_space<vmem>>, vector<1x20x32xf32>
    %get3A_866 = vector.shape_cast %get3A_865 : vector<1x20x32xf32> to vector<20x32xf32>
    %get3A_867 = arith.constant 9 : index
    %get3A_868 = arith.constant 0 : index
    %get3A_869 = arith.constant 0 : index
    %get3A_870 = vector.load %arg1[%get3A_867, %get3A_868, %get3A_869] : memref<200x32x128xf32, #tpu.memory_space<vmem>>, vector<1x32x128xf32>
    %get3A_871 = vector.shape_cast %get3A_870 : vector<1x32x128xf32> to vector<32x128xf32>
    %dot_general3A_872 = arith.constant dense<0.000000e+00> : vector<20x128xf32>
    %dot_general3A_873 = tpu.matmul %get3A_866, %get3A_871, %dot_general3A_872 {dimension_numbers = #tpu.dot_dimension_numbers<[1], [0], [0], [1], [0, 0, 1, 1], [], []>, transpose_lhs_hint = false} : vector<20x32xf32>, vector<32x128xf32>, vector<20x128xf32> -> vector<20x128xf32>
    %swap3A_874 = arith.constant 9 : index
    %swap3A_875 = arith.constant 0 : index
    %swap3A_876 = arith.constant 0 : index
    %swap3A_877 = vector.load %arg13[%swap3A_874, %swap3A_875, %swap3A_876] : memref<200x20x128xf32, #tpu.memory_space<vmem>>, vector<1x20x128xf32>
    %swap3A_878 = vector.shape_cast %swap3A_877 : vector<1x20x128xf32> to vector<20x128xf32>
    %swap3A_879 = vector.shape_cast %dot_general3A_873 : vector<20x128xf32> to vector<1x20x128xf32>
    tpu.vector_store %arg13[%swap3A_874, %swap3A_875, %swap3A_876], %swap3A_879 {strides = array<i32>} : memref<200x20x128xf32, #tpu.memory_space<vmem>>, vector<1x20x128xf32>,
    %get3A_880 = arith.constant 10 : index
    %get3A_881 = arith.constant 0 : index
    %get3A_882 = arith.constant 0 : index
    %get3A_883 = vector.load %arg12[%get3A_880, %get3A_881, %get3A_882] : memref<200x20x32xf32, #tpu.memory_space<vmem>>, vector<1x20x32xf32>
    %get3A_884 = vector.shape_cast %get3A_883 : vector<1x20x32xf32> to vector<20x32xf32>
    %get3A_885 = arith.constant 10 : index
    %get3A_886 = arith.constant 0 : index
    %get3A_887 = arith.constant 0 : index
    %get3A_888 = vector.load %arg1[%get3A_885, %get3A_886, %get3A_887] : memref<200x32x128xf32, #tpu.memory_space<vmem>>, vector<1x32x128xf32>
    %get3A_889 = vector.shape_cast %get3A_888 : vector<1x32x128xf32> to vector<32x128xf32>
    %dot_general3A_890 = arith.constant dense<0.000000e+00> : vector<20x128xf32>
    %dot_general3A_891 = tpu.matmul %get3A_884, %get3A_889, %dot_general3A_890 {dimension_numbers = #tpu.dot_dimension_numbers<[1], [0], [0], [1], [0, 0, 1, 1], [], []>, transpose_lhs_hint = false} : vector<20x32xf32>, vector<32x128xf32>, vector<20x128xf32> -> vector<20x128xf32>
    %swap3A_892 = arith.constant 10 : index
    %swap3A_893 = arith.constant 0 : index
    %swap3A_894 = arith.constant 0 : index
    %swap3A_895 = vector.load %arg13[%swap3A_892, %swap3A_893, %swap3A_894] : memref<200x20x128xf32, #tpu.memory_space<vmem>>, vector<1x20x128xf32>
    %swap3A_896 = vector.shape_cast %swap3A_895 : vector<1x20x128xf32> to vector<20x128xf32>
    %swap3A_897 = vector.shape_cast %dot_general3A_891 : vector<20x128xf32> to vector<1x20x128xf32>
    tpu.vector_store %arg13[%swap3A_892, %swap3A_893, %swap3A_894], %swap3A_897 {strides = array<i32>} : memref<200x20x128xf32, #tpu.memory_space<vmem>>, vector<1x20x128xf32>,
    %get3A_898 = arith.constant 11 : index
    %get3A_899 = arith.constant 0 : index
    %get3A_900 = arith.constant 0 : index
    %get3A_901 = vector.load %arg12[%get3A_898, %get3A_899, %get3A_900] : memref<200x20x32xf32, #tpu.memory_space<vmem>>, vector<1x20x32xf32>
    %get3A_902 = vector.shape_cast %get3A_901 : vector<1x20x32xf32> to vector<20x32xf32>
    %get3A_903 = arith.constant 11 : index
    %get3A_904 = arith.constant 0 : index
    %get3A_905 = arith.constant 0 : index
    %get3A_906 = vector.load %arg1[%get3A_903, %get3A_904, %get3A_905] : memref<200x32x128xf32, #tpu.memory_space<vmem>>, vector<1x32x128xf32>
    %get3A_907 = vector.shape_cast %get3A_906 : vector<1x32x128xf32> to vector<32x128xf32>
    %dot_general3A_908 = arith.constant dense<0.000000e+00> : vector<20x128xf32>
    %dot_general3A_909 = tpu.matmul %get3A_902, %get3A_907, %dot_general3A_908 {dimension_numbers = #tpu.dot_dimension_numbers<[1], [0], [0], [1], [0, 0, 1, 1], [], []>, transpose_lhs_hint = false} : vector<20x32xf32>, vector<32x128xf32>, vector<20x128xf32> -> vector<20x128xf32>
    %swap3A_910 = arith.constant 11 : index
    %swap3A_911 = arith.constant 0 : index
    %swap3A_912 = arith.constant 0 : index
    %swap3A_913 = vector.load %arg13[%swap3A_910, %swap3A_911, %swap3A_912] : memref<200x20x128xf32, #tpu.memory_space<vmem>>, vector<1x20x128xf32>
    %swap3A_914 = vector.shape_cast %swap3A_913 : vector<1x20x128xf32> to vector<20x128xf32>
    %swap3A_915 = vector.shape_cast %dot_general3A_909 : vector<20x128xf32> to vector<1x20x128xf32>
    tpu.vector_store %arg13[%swap3A_910, %swap3A_911, %swap3A_912], %swap3A_915 {strides = array<i32>} : memref<200x20x128xf32, #tpu.memory_space<vmem>>, vector<1x20x128xf32>,
    %get3A_916 = arith.constant 12 : index
    %get3A_917 = arith.constant 0 : index
    %get3A_918 = arith.constant 0 : index
    %get3A_919 = vector.load %arg12[%get3A_916, %get3A_917, %get3A_918] : memref<200x20x32xf32, #tpu.memory_space<vmem>>, vector<1x20x32xf32>
    %get3A_920 = vector.shape_cast %get3A_919 : vector<1x20x32xf32> to vector<20x32xf32>
    %get3A_921 = arith.constant 12 : index
    %get3A_922 = arith.constant 0 : index
    %get3A_923 = arith.constant 0 : index
    %get3A_924 = vector.load %arg1[%get3A_921, %get3A_922, %get3A_923] : memref<200x32x128xf32, #tpu.memory_space<vmem>>, vector<1x32x128xf32>
    %get3A_925 = vector.shape_cast %get3A_924 : vector<1x32x128xf32> to vector<32x128xf32>
    %dot_general3A_926 = arith.constant dense<0.000000e+00> : vector<20x128xf32>
    %dot_general3A_927 = tpu.matmul %get3A_920, %get3A_925, %dot_general3A_926 {dimension_numbers = #tpu.dot_dimension_numbers<[1], [0], [0], [1], [0, 0, 1, 1], [], []>, transpose_lhs_hint = false} : vector<20x32xf32>, vector<32x128xf32>, vector<20x128xf32> -> vector<20x128xf32>
    %swap3A_928 = arith.constant 12 : index
    %swap3A_929 = arith.constant 0 : index
    %swap3A_930 = arith.constant 0 : index
    %swap3A_931 = vector.load %arg13[%swap3A_928, %swap3A_929, %swap3A_930] : memref<200x20x128xf32, #tpu.memory_space<vmem>>, vector<1x20x128xf32>
    %swap3A_932 = vector.shape_cast %swap3A_931 : vector<1x20x128xf32> to vector<20x128xf32>
    %swap3A_933 = vector.shape_cast %dot_general3A_927 : vector<20x128xf32> to vector<1x20x128xf32>
    tpu.vector_store %arg13[%swap3A_928, %swap3A_929, %swap3A_930], %swap3A_933 {strides = array<i32>} : memref<200x20x128xf32, #tpu.memory_space<vmem>>, vector<1x20x128xf32>,
    %get3A_934 = arith.constant 13 : index
    %get3A_935 = arith.constant 0 : index
    %get3A_936 = arith.constant 0 : index
    %get3A_937 = vector.load %arg12[%get3A_934, %get3A_935, %get3A_936] : memref<200x20x32xf32, #tpu.memory_space<vmem>>, vector<1x20x32xf32>
    %get3A_938 = vector.shape_cast %get3A_937 : vector<1x20x32xf32> to vector<20x32xf32>
    %get3A_939 = arith.constant 13 : index
    %get3A_940 = arith.constant 0 : index
    %get3A_941 = arith.constant 0 : index
    %get3A_942 = vector.load %arg1[%get3A_939, %get3A_940, %get3A_941] : memref<200x32x128xf32, #tpu.memory_space<vmem>>, vector<1x32x128xf32>
    %get3A_943 = vector.shape_cast %get3A_942 : vector<1x32x128xf32> to vector<32x128xf32>
    %dot_general3A_944 = arith.constant dense<0.000000e+00> : vector<20x128xf32>
    %dot_general3A_945 = tpu.matmul %get3A_938, %get3A_943, %dot_general3A_944 {dimension_numbers = #tpu.dot_dimension_numbers<[1], [0], [0], [1], [0, 0, 1, 1], [], []>, transpose_lhs_hint = false} : vector<20x32xf32>, vector<32x128xf32>, vector<20x128xf32> -> vector<20x128xf32>
    %swap3A_946 = arith.constant 13 : index
    %swap3A_947 = arith.constant 0 : index
    %swap3A_948 = arith.constant 0 : index
    %swap3A_949 = vector.load %arg13[%swap3A_946, %swap3A_947, %swap3A_948] : memref<200x20x128xf32, #tpu.memory_space<vmem>>, vector<1x20x128xf32>
    %swap3A_950 = vector.shape_cast %swap3A_949 : vector<1x20x128xf32> to vector<20x128xf32>
    %swap3A_951 = vector.shape_cast %dot_general3A_945 : vector<20x128xf32> to vector<1x20x128xf32>
    tpu.vector_store %arg13[%swap3A_946, %swap3A_947, %swap3A_948], %swap3A_951 {strides = array<i32>} : memref<200x20x128xf32, #tpu.memory_space<vmem>>, vector<1x20x128xf32>,
    %get3A_952 = arith.constant 14 : index
    %get3A_953 = arith.constant 0 : index
    %get3A_954 = arith.constant 0 : index
    %get3A_955 = vector.load %arg12[%get3A_952, %get3A_953, %get3A_954] : memref<200x20x32xf32, #tpu.memory_space<vmem>>, vector<1x20x32xf32>
    %get3A_956 = vector.shape_cast %get3A_955 : vector<1x20x32xf32> to vector<20x32xf32>
    %get3A_957 = arith.constant 14 : index
    %get3A_958 = arith.constant 0 : index
    %get3A_959 = arith.constant 0 : index
    %get3A_960 = vector.load %arg1[%get3A_957, %get3A_958, %get3A_959] : memref<200x32x128xf32, #tpu.memory_space<vmem>>, vector<1x32x128xf32>
    %get3A_961 = vector.shape_cast %get3A_960 : vector<1x32x128xf32> to vector<32x128xf32>
    %dot_general3A_962 = arith.constant dense<0.000000e+00> : vector<20x128xf32>
    %dot_general3A_963 = tpu.matmul %get3A_956, %get3A_961, %dot_general3A_962 {dimension_numbers = #tpu.dot_dimension_numbers<[1], [0], [0], [1], [0, 0, 1, 1], [], []>, transpose_lhs_hint = false} : vector<20x32xf32>, vector<32x128xf32>, vector<20x128xf32> -> vector<20x128xf32>
    %swap3A_964 = arith.constant 14 : index
    %swap3A_965 = arith.constant 0 : index
    %swap3A_966 = arith.constant 0 : index
    %swap3A_967 = vector.load %arg13[%swap3A_964, %swap3A_965, %swap3A_966] : memref<200x20x128xf32, #tpu.memory_space<vmem>>, vector<1x20x128xf32>
    %swap3A_968 = vector.shape_cast %swap3A_967 : vector<1x20x128xf32> to vector<20x128xf32>
    %swap3A_969 = vector.shape_cast %dot_general3A_963 : vector<20x128xf32> to vector<1x20x128xf32>
    tpu.vector_store %arg13[%swap3A_964, %swap3A_965, %swap3A_966], %swap3A_969 {strides = array<i32>} : memref<200x20x128xf32, #tpu.memory_space<vmem>>, vector<1x20x128xf32>,
    %get3A_970 = arith.constant 15 : index
    %get3A_971 = arith.constant 0 : index
    %get3A_972 = arith.constant 0 : index
    %get3A_973 = vector.load %arg12[%get3A_970, %get3A_971, %get3A_972] : memref<200x20x32xf32, #tpu.memory_space<vmem>>, vector<1x20x32xf32>
    %get3A_974 = vector.shape_cast %get3A_973 : vector<1x20x32xf32> to vector<20x32xf32>
    %get3A_975 = arith.constant 15 : index
    %get3A_976 = arith.constant 0 : index
    %get3A_977 = arith.constant 0 : index
    %get3A_978 = vector.load %arg1[%get3A_975, %get3A_976, %get3A_977] : memref<200x32x128xf32, #tpu.memory_space<vmem>>, vector<1x32x128xf32>
    %get3A_979 = vector.shape_cast %get3A_978 : vector<1x32x128xf32> to vector<32x128xf32>
    %dot_general3A_980 = arith.constant dense<0.000000e+00> : vector<20x128xf32>
    %dot_general3A_981 = tpu.matmul %get3A_974, %get3A_979, %dot_general3A_980 {dimension_numbers = #tpu.dot_dimension_numbers<[1], [0], [0], [1], [0, 0, 1, 1], [], []>, transpose_lhs_hint = false} : vector<20x32xf32>, vector<32x128xf32>, vector<20x128xf32> -> vector<20x128xf32>
    %swap3A_982 = arith.constant 15 : index
    %swap3A_983 = arith.constant 0 : index
    %swap3A_984 = arith.constant 0 : index
    %swap3A_985 = vector.load %arg13[%swap3A_982, %swap3A_983, %swap3A_984] : memref<200x20x128xf32, #tpu.memory_space<vmem>>, vector<1x20x128xf32>
    %swap3A_986 = vector.shape_cast %swap3A_985 : vector<1x20x128xf32> to vector<20x128xf32>
    %swap3A_987 = vector.shape_cast %dot_general3A_981 : vector<20x128xf32> to vector<1x20x128xf32>
    tpu.vector_store %arg13[%swap3A_982, %swap3A_983, %swap3A_984], %swap3A_987 {strides = array<i32>} : memref<200x20x128xf32, #tpu.memory_space<vmem>>, vector<1x20x128xf32>,
    %get3A_988 = arith.constant 16 : index
    %get3A_989 = arith.constant 0 : index
    %get3A_990 = arith.constant 0 : index
    %get3A_991 = vector.load %arg12[%get3A_988, %get3A_989, %get3A_990] : memref<200x20x32xf32, #tpu.memory_space<vmem>>, vector<1x20x32xf32>
    %get3A_992 = vector.shape_cast %get3A_991 : vector<1x20x32xf32> to vector<20x32xf32>
    %get3A_993 = arith.constant 16 : index
    %get3A_994 = arith.constant 0 : index
    %get3A_995 = arith.constant 0 : index
    %get3A_996 = vector.load %arg1[%get3A_993, %get3A_994, %get3A_995] : memref<200x32x128xf32, #tpu.memory_space<vmem>>, vector<1x32x128xf32>
    %get3A_997 = vector.shape_cast %get3A_996 : vector<1x32x128xf32> to vector<32x128xf32>
    %dot_general3A_998 = arith.constant dense<0.000000e+00> : vector<20x128xf32>
    %dot_general3A_999 = tpu.matmul %get3A_992, %get3A_997, %dot_general3A_998 {dimension_numbers = #tpu.dot_dimension_numbers<[1], [0], [0], [1], [0, 0, 1, 1], [], []>, transpose_lhs_hint = false} : vector<20x32xf32>, vector<32x128xf32>, vector<20x128xf32> -> vector<20x128xf32>
    %swap3A_1000 = arith.constant 16 : index
    %swap3A_1001 = arith.constant 0 : index
    %swap3A_1002 = arith.constant 0 : index
    %swap3A_1003 = vector.load %arg13[%swap3A_1000, %swap3A_1001, %swap3A_1002] : memref<200x20x128xf32, #tpu.memory_space<vmem>>, vector<1x20x128xf32>
    %swap3A_1004 = vector.shape_cast %swap3A_1003 : vector<1x20x128xf32> to vector<20x128xf32>
    %swap3A_1005 = vector.shape_cast %dot_general3A_999 : vector<20x128xf32> to vector<1x20x128xf32>
    tpu.vector_store %arg13[%swap3A_1000, %swap3A_1001, %swap3A_1002], %swap3A_1005 {strides = array<i32>} : memref<200x20x128xf32, #tpu.memory_space<vmem>>, vector<1x20x128xf32>,
    %get3A_1006 = arith.constant 17 : index
    %get3A_1007 = arith.constant 0 : index
    %get3A_1008 = arith.constant 0 : index
    %get3A_1009 = vector.load %arg12[%get3A_1006, %get3A_1007, %get3A_1008] : memref<200x20x32xf32, #tpu.memory_space<vmem>>, vector<1x20x32xf32>
    %get3A_1010 = vector.shape_cast %get3A_1009 : vector<1x20x32xf32> to vector<20x32xf32>
    %get3A_1011 = arith.constant 17 : index
    %get3A_1012 = arith.constant 0 : index
    %get3A_1013 = arith.constant 0 : index
    %get3A_1014 = vector.load %arg1[%get3A_1011, %get3A_1012, %get3A_1013] : memref<200x32x128xf32, #tpu.memory_space<vmem>>, vector<1x32x128xf32>
    %get3A_1015 = vector.shape_cast %get3A_1014 : vector<1x32x128xf32> to vector<32x128xf32>
    %dot_general3A_1016 = arith.constant dense<0.000000e+00> : vector<20x128xf32>
    %dot_general3A_1017 = tpu.matmul %get3A_1010, %get3A_1015, %dot_general3A_1016 {dimension_numbers = #tpu.dot_dimension_numbers<[1], [0], [0], [1], [0, 0, 1, 1], [], []>, transpose_lhs_hint = false} : vector<20x32xf32>, vector<32x128xf32>, vector<20x128xf32> -> vector<20x128xf32>
    %swap3A_1018 = arith.constant 17 : index
    %swap3A_1019 = arith.constant 0 : index
    %swap3A_1020 = arith.constant 0 : index
    %swap3A_1021 = vector.load %arg13[%swap3A_1018, %swap3A_1019, %swap3A_1020] : memref<200x20x128xf32, #tpu.memory_space<vmem>>, vector<1x20x128xf32>
    %swap3A_1022 = vector.shape_cast %swap3A_1021 : vector<1x20x128xf32> to vector<20x128xf32>
    %swap3A_1023 = vector.shape_cast %dot_general3A_1017 : vector<20x128xf32> to vector<1x20x128xf32>
    tpu.vector_store %arg13[%swap3A_1018, %swap3A_1019, %swap3A_1020], %swap3A_1023 {strides = array<i32>} : memref<200x20x128xf32, #tpu.memory_space<vmem>>, vector<1x20x128xf32>,
    %get3A_1024 = arith.constant 18 : index
    %get3A_1025 = arith.constant 0 : index
    %get3A_1026 = arith.constant 0 : index
    %get3A_1027 = vector.load %arg12[%get3A_1024, %get3A_1025, %get3A_1026] : memref<200x20x32xf32, #tpu.memory_space<vmem>>, vector<1x20x32xf32>
    %get3A_1028 = vector.shape_cast %get3A_1027 : vector<1x20x32xf32> to vector<20x32xf32>
    %get3A_1029 = arith.constant 18 : index
    %get3A_1030 = arith.constant 0 : index
    %get3A_1031 = arith.constant 0 : index
    %get3A_1032 = vector.load %arg1[%get3A_1029, %get3A_1030, %get3A_1031] : memref<200x32x128xf32, #tpu.memory_space<vmem>>, vector<1x32x128xf32>
    %get3A_1033 = vector.shape_cast %get3A_1032 : vector<1x32x128xf32> to vector<32x128xf32>
    %dot_general3A_1034 = arith.constant dense<0.000000e+00> : vector<20x128xf32>
    %dot_general3A_1035 = tpu.matmul %get3A_1028, %get3A_1033, %dot_general3A_1034 {dimension_numbers = #tpu.dot_dimension_numbers<[1], [0], [0], [1], [0, 0, 1, 1], [], []>, transpose_lhs_hint = false} : vector<20x32xf32>, vector<32x128xf32>, vector<20x128xf32> -> vector<20x128xf32>
    %swap3A_1036 = arith.constant 18 : index
    %swap3A_1037 = arith.constant 0 : index
    %swap3A_1038 = arith.constant 0 : index
    %swap3A_1039 = vector.load %arg13[%swap3A_1036, %swap3A_1037, %swap3A_1038] : memref<200x20x128xf32, #tpu.memory_space<vmem>>, vector<1x20x128xf32>
    %swap3A_1040 = vector.shape_cast %swap3A_1039 : vector<1x20x128xf32> to vector<20x128xf32>
    %swap3A_1041 = vector.shape_cast %dot_general3A_1035 : vector<20x128xf32> to vector<1x20x128xf32>
    tpu.vector_store %arg13[%swap3A_1036, %swap3A_1037, %swap3A_1038], %swap3A_1041 {strides = array<i32>} : memref<200x20x128xf32, #tpu.memory_space<vmem>>, vector<1x20x128xf32>,
    %get3A_1042 = arith.constant 19 : index
    %get3A_1043 = arith.constant 0 : index
    %get3A_1044 = arith.constant 0 : index
    %get3A_1045 = vector.load %arg12[%get3A_1042, %get3A_1043, %get3A_1044] : memref<200x20x32xf32, #tpu.memory_space<vmem>>, vector<1x20x32xf32>
    %get3A_1046 = vector.shape_cast %get3A_1045 : vector<1x20x32xf32> to vector<20x32xf32>
    %get3A_1047 = arith.constant 19 : index
    %get3A_1048 = arith.constant 0 : index
    %get3A_1049 = arith.constant 0 : index
    %get3A_1050 = vector.load %arg1[%get3A_1047, %get3A_1048, %get3A_1049] : memref<200x32x128xf32, #tpu.memory_space<vmem>>, vector<1x32x128xf32>
    %get3A_1051 = vector.shape_cast %get3A_1050 : vector<1x32x128xf32> to vector<32x128xf32>
    %dot_general3A_1052 = arith.constant dense<0.000000e+00> : vector<20x128xf32>
    %dot_general3A_1053 = tpu.matmul %get3A_1046, %get3A_1051, %dot_general3A_1052 {dimension_numbers = #tpu.dot_dimension_numbers<[1], [0], [0], [1], [0, 0, 1, 1], [], []>, transpose_lhs_hint = false} : vector<20x32xf32>, vector<32x128xf32>, vector<20x128xf32> -> vector<20x128xf32>
    %swap3A_1054 = arith.constant 19 : index
    %swap3A_1055 = arith.constant 0 : index
    %swap3A_1056 = arith.constant 0 : index
    %swap3A_1057 = vector.load %arg13[%swap3A_1054, %swap3A_1055, %swap3A_1056] : memref<200x20x128xf32, #tpu.memory_space<vmem>>, vector<1x20x128xf32>
    %swap3A_1058 = vector.shape_cast %swap3A_1057 : vector<1x20x128xf32> to vector<20x128xf32>
    %swap3A_1059 = vector.shape_cast %dot_general3A_1053 : vector<20x128xf32> to vector<1x20x128xf32>
    tpu.vector_store %arg13[%swap3A_1054, %swap3A_1055, %swap3A_1056], %swap3A_1059 {strides = array<i32>} : memref<200x20x128xf32, #tpu.memory_space<vmem>>, vector<1x20x128xf32>,
    %get3A_1060 = arith.constant 20 : index
    %get3A_1061 = arith.constant 0 : index
    %get3A_1062 = arith.constant 0 : index
    %get3A_1063 = vector.load %arg12[%get3A_1060, %get3A_1061, %get3A_1062] : memref<200x20x32xf32, #tpu.memory_space<vmem>>, vector<1x20x32xf32>
    %get3A_1064 = vector.shape_cast %get3A_1063 : vector<1x20x32xf32> to vector<20x32xf32>
    %get3A_1065 = arith.constant 20 : index
    %get3A_1066 = arith.constant 0 : index
    %get3A_1067 = arith.constant 0 : index
    %get3A_1068 = vector.load %arg1[%get3A_1065, %get3A_1066, %get3A_1067] : memref<200x32x128xf32, #tpu.memory_space<vmem>>, vector<1x32x128xf32>
    %get3A_1069 = vector.shape_cast %get3A_1068 : vector<1x32x128xf32> to vector<32x128xf32>
    %dot_general3A_1070 = arith.constant dense<0.000000e+00> : vector<20x128xf32>
    %dot_general3A_1071 = tpu.matmul %get3A_1064, %get3A_1069, %dot_general3A_1070 {dimension_numbers = #tpu.dot_dimension_numbers<[1], [0], [0], [1], [0, 0, 1, 1], [], []>, transpose_lhs_hint = false} : vector<20x32xf32>, vector<32x128xf32>, vector<20x128xf32> -> vector<20x128xf32>
    %swap3A_1072 = arith.constant 20 : index
    %swap3A_1073 = arith.constant 0 : index
    %swap3A_1074 = arith.constant 0 : index
    %swap3A_1075 = vector.load %arg13[%swap3A_1072, %swap3A_1073, %swap3A_1074] : memref<200x20x128xf32, #tpu.memory_space<vmem>>, vector<1x20x128xf32>
    %swap3A_1076 = vector.shape_cast %swap3A_1075 : vector<1x20x128xf32> to vector<20x128xf32>
    %swap3A_1077 = vector.shape_cast %dot_general3A_1071 : vector<20x128xf32> to vector<1x20x128xf32>
    tpu.vector_store %arg13[%swap3A_1072, %swap3A_1073, %swap3A_1074], %swap3A_1077 {strides = array<i32>} : memref<200x20x128xf32, #tpu.memory_space<vmem>>, vector<1x20x128xf32>,
    %get3A_1078 = arith.constant 21 : index
    %get3A_1079 = arith.constant 0 : index
    %get3A_1080 = arith.constant 0 : index
    %get3A_1081 = vector.load %arg12[%get3A_1078, %get3A_1079, %get3A_1080] : memref<200x20x32xf32, #tpu.memory_space<vmem>>, vector<1x20x32xf32>
    %get3A_1082 = vector.shape_cast %get3A_1081 : vector<1x20x32xf32> to vector<20x32xf32>
    %get3A_1083 = arith.constant 21 : index
    %get3A_1084 = arith.constant 0 : index
    %get3A_1085 = arith.constant 0 : index
    %get3A_1086 = vector.load %arg1[%get3A_1083, %get3A_1084, %get3A_1085] : memref<200x32x128xf32, #tpu.memory_space<vmem>>, vector<1x32x128xf32>
    %get3A_1087 = vector.shape_cast %get3A_1086 : vector<1x32x128xf32> to vector<32x128xf32>
    %dot_general3A_1088 = arith.constant dense<0.000000e+00> : vector<20x128xf32>
    %dot_general3A_1089 = tpu.matmul %get3A_1082, %get3A_1087, %dot_general3A_1088 {dimension_numbers = #tpu.dot_dimension_numbers<[1], [0], [0], [1], [0, 0, 1, 1], [], []>, transpose_lhs_hint = false} : vector<20x32xf32>, vector<32x128xf32>, vector<20x128xf32> -> vector<20x128xf32>
    %swap3A_1090 = arith.constant 21 : index
    %swap3A_1091 = arith.constant 0 : index
    %swap3A_1092 = arith.constant 0 : index
    %swap3A_1093 = vector.load %arg13[%swap3A_1090, %swap3A_1091, %swap3A_1092] : memref<200x20x128xf32, #tpu.memory_space<vmem>>, vector<1x20x128xf32>
    %swap3A_1094 = vector.shape_cast %swap3A_1093 : vector<1x20x128xf32> to vector<20x128xf32>
    %swap3A_1095 = vector.shape_cast %dot_general3A_1089 : vector<20x128xf32> to vector<1x20x128xf32>
    tpu.vector_store %arg13[%swap3A_1090, %swap3A_1091, %swap3A_1092], %swap3A_1095 {strides = array<i32>} : memref<200x20x128xf32, #tpu.memory_space<vmem>>, vector<1x20x128xf32>,
    %get3A_1096 = arith.constant 22 : index
    %get3A_1097 = arith.constant 0 : index
    %get3A_1098 = arith.constant 0 : index
    %get3A_1099 = vector.load %arg12[%get3A_1096, %get3A_1097, %get3A_1098] : memref<200x20x32xf32, #tpu.memory_space<vmem>>, vector<1x20x32xf32>
    %get3A_1100 = vector.shape_cast %get3A_1099 : vector<1x20x32xf32> to vector<20x32xf32>
    %get3A_1101 = arith.constant 22 : index
    %get3A_1102 = arith.constant 0 : index
    %get3A_1103 = arith.constant 0 : index
    %get3A_1104 = vector.load %arg1[%get3A_1101, %get3A_1102, %get3A_1103] : memref<200x32x128xf32, #tpu.memory_space<vmem>>, vector<1x32x128xf32>
    %get3A_1105 = vector.shape_cast %get3A_1104 : vector<1x32x128xf32> to vector<32x128xf32>
    %dot_general3A_1106 = arith.constant dense<0.000000e+00> : vector<20x128xf32>
    %dot_general3A_1107 = tpu.matmul %get3A_1100, %get3A_1105, %dot_general3A_1106 {dimension_numbers = #tpu.dot_dimension_numbers<[1], [0], [0], [1], [0, 0, 1, 1], [], []>, transpose_lhs_hint = false} : vector<20x32xf32>, vector<32x128xf32>, vector<20x128xf32> -> vector<20x128xf32>
    %swap3A_1108 = arith.constant 22 : index
    %swap3A_1109 = arith.constant 0 : index
    %swap3A_1110 = arith.constant 0 : index
    %swap3A_1111 = vector.load %arg13[%swap3A_1108, %swap3A_1109, %swap3A_1110] : memref<200x20x128xf32, #tpu.memory_space<vmem>>, vector<1x20x128xf32>
    %swap3A_1112 = vector.shape_cast %swap3A_1111 : vector<1x20x128xf32> to vector<20x128xf32>
    %swap3A_1113 = vector.shape_cast %dot_general3A_1107 : vector<20x128xf32> to vector<1x20x128xf32>
    tpu.vector_store %arg13[%swap3A_1108, %swap3A_1109, %swap3A_1110], %swap3A_1113 {strides = array<i32>} : memref<200x20x128xf32, #tpu.memory_space<vmem>>, vector<1x20x128xf32>,
    %get3A_1114 = arith.constant 23 : index
    %get3A_1115 = arith.constant 0 : index
    %get3A_1116 = arith.constant 0 : index
    %get3A_1117 = vector.load %arg12[%get3A_1114, %get3A_1115, %get3A_1116] : memref<200x20x32xf32, #tpu.memory_space<vmem>>, vector<1x20x32xf32>
    %get3A_1118 = vector.shape_cast %get3A_1117 : vector<1x20x32xf32> to vector<20x32xf32>
    %get3A_1119 = arith.constant 23 : index
    %get3A_1120 = arith.constant 0 : index
    %get3A_1121 = arith.constant 0 : index
    %get3A_1122 = vector.load %arg1[%get3A_1119, %get3A_1120, %get3A_1121] : memref<200x32x128xf32, #tpu.memory_space<vmem>>, vector<1x32x128xf32>
    %get3A_1123 = vector.shape_cast %get3A_1122 : vector<1x32x128xf32> to vector<32x128xf32>
    %dot_general3A_1124 = arith.constant dense<0.000000e+00> : vector<20x128xf32>
    %dot_general3A_1125 = tpu.matmul %get3A_1118, %get3A_1123, %dot_general3A_1124 {dimension_numbers = #tpu.dot_dimension_numbers<[1], [0], [0], [1], [0, 0, 1, 1], [], []>, transpose_lhs_hint = false} : vector<20x32xf32>, vector<32x128xf32>, vector<20x128xf32> -> vector<20x128xf32>
    %swap3A_1126 = arith.constant 23 : index
    %swap3A_1127 = arith.constant 0 : index
    %swap3A_1128 = arith.constant 0 : index
    %swap3A_1129 = vector.load %arg13[%swap3A_1126, %swap3A_1127, %swap3A_1128] : memref<200x20x128xf32, #tpu.memory_space<vmem>>, vector<1x20x128xf32>
    %swap3A_1130 = vector.shape_cast %swap3A_1129 : vector<1x20x128xf32> to vector<20x128xf32>
    %swap3A_1131 = vector.shape_cast %dot_general3A_1125 : vector<20x128xf32> to vector<1x20x128xf32>
    tpu.vector_store %arg13[%swap3A_1126, %swap3A_1127, %swap3A_1128], %swap3A_1131 {strides = array<i32>} : memref<200x20x128xf32, #tpu.memory_space<vmem>>, vector<1x20x128xf32>,
    %get3A_1132 = arith.constant 24 : index
    %get3A_1133 = arith.constant 0 : index
    %get3A_1134 = arith.constant 0 : index
    %get3A_1135 = vector.load %arg12[%get3A_1132, %get3A_1133, %get3A_1134] : memref<200x20x32xf32, #tpu.memory_space<vmem>>, vector<1x20x32xf32>
    %get3A_1136 = vector.shape_cast %get3A_1135 : vector<1x20x32xf32> to vector<20x32xf32>
    %get3A_1137 = arith.constant 24 : index
    %get3A_1138 = arith.constant 0 : index
    %get3A_1139 = arith.constant 0 : index
    %get3A_1140 = vector.load %arg1[%get3A_1137, %get3A_1138, %get3A_1139] : memref<200x32x128xf32, #tpu.memory_space<vmem>>, vector<1x32x128xf32>
    %get3A_1141 = vector.shape_cast %get3A_1140 : vector<1x32x128xf32> to vector<32x128xf32>
    %dot_general3A_1142 = arith.constant dense<0.000000e+00> : vector<20x128xf32>
    %dot_general3A_1143 = tpu.matmul %get3A_1136, %get3A_1141, %dot_general3A_1142 {dimension_numbers = #tpu.dot_dimension_numbers<[1], [0], [0], [1], [0, 0, 1, 1], [], []>, transpose_lhs_hint = false} : vector<20x32xf32>, vector<32x128xf32>, vector<20x128xf32> -> vector<20x128xf32>
    %swap3A_1144 = arith.constant 24 : index
    %swap3A_1145 = arith.constant 0 : index
    %swap3A_1146 = arith.constant 0 : index
    %swap3A_1147 = vector.load %arg13[%swap3A_1144, %swap3A_1145, %swap3A_1146] : memref<200x20x128xf32, #tpu.memory_space<vmem>>, vector<1x20x128xf32>
    %swap3A_1148 = vector.shape_cast %swap3A_1147 : vector<1x20x128xf32> to vector<20x128xf32>
    %swap3A_1149 = vector.shape_cast %dot_general3A_1143 : vector<20x128xf32> to vector<1x20x128xf32>
    tpu.vector_store %arg13[%swap3A_1144, %swap3A_1145, %swap3A_1146], %swap3A_1149 {strides = array<i32>} : memref<200x20x128xf32, #tpu.memory_space<vmem>>, vector<1x20x128xf32>,
    %get3A_1150 = arith.constant 25 : index
    %get3A_1151 = arith.constant 0 : index
    %get3A_1152 = arith.constant 0 : index
    %get3A_1153 = vector.load %arg12[%get3A_1150, %get3A_1151, %get3A_1152] : memref<200x20x32xf32, #tpu.memory_space<vmem>>, vector<1x20x32xf32>
    %get3A_1154 = vector.shape_cast %get3A_1153 : vector<1x20x32xf32> to vector<20x32xf32>
    %get3A_1155 = arith.constant 25 : index
    %get3A_1156 = arith.constant 0 : index
    %get3A_1157 = arith.constant 0 : index
    %get3A_1158 = vector.load %arg1[%get3A_1155, %get3A_1156, %get3A_1157] : memref<200x32x128xf32, #tpu.memory_space<vmem>>, vector<1x32x128xf32>
    %get3A_1159 = vector.shape_cast %get3A_1158 : vector<1x32x128xf32> to vector<32x128xf32>
    %dot_general3A_1160 = arith.constant dense<0.000000e+00> : vector<20x128xf32>
    %dot_general3A_1161 = tpu.matmul %get3A_1154, %get3A_1159, %dot_general3A_1160 {dimension_numbers = #tpu.dot_dimension_numbers<[1], [0], [0], [1], [0, 0, 1, 1], [], []>, transpose_lhs_hint = false} : vector<20x32xf32>, vector<32x128xf32>, vector<20x128xf32> -> vector<20x128xf32>
    %swap3A_1162 = arith.constant 25 : index
    %swap3A_1163 = arith.constant 0 : index
    %swap3A_1164 = arith.constant 0 : index
    %swap3A_1165 = vector.load %arg13[%swap3A_1162, %swap3A_1163, %swap3A_1164] : memref<200x20x128xf32, #tpu.memory_space<vmem>>, vector<1x20x128xf32>
    %swap3A_1166 = vector.shape_cast %swap3A_1165 : vector<1x20x128xf32> to vector<20x128xf32>
    %swap3A_1167 = vector.shape_cast %dot_general3A_1161 : vector<20x128xf32> to vector<1x20x128xf32>
    tpu.vector_store %arg13[%swap3A_1162, %swap3A_1163, %swap3A_1164], %swap3A_1167 {strides = array<i32>} : memref<200x20x128xf32, #tpu.memory_space<vmem>>, vector<1x20x128xf32>,
    %get3A_1168 = arith.constant 26 : index
    %get3A_1169 = arith.constant 0 : index
    %get3A_1170 = arith.constant 0 : index
    %get3A_1171 = vector.load %arg12[%get3A_1168, %get3A_1169, %get3A_1170] : memref<200x20x32xf32, #tpu.memory_space<vmem>>, vector<1x20x32xf32>
    %get3A_1172 = vector.shape_cast %get3A_1171 : vector<1x20x32xf32> to vector<20x32xf32>
    %get3A_1173 = arith.constant 26 : index
    %get3A_1174 = arith.constant 0 : index
    %get3A_1175 = arith.constant 0 : index
    %get3A_1176 = vector.load %arg1[%get3A_1173, %get3A_1174, %get3A_1175] : memref<200x32x128xf32, #tpu.memory_space<vmem>>, vector<1x32x128xf32>
    %get3A_1177 = vector.shape_cast %get3A_1176 : vector<1x32x128xf32> to vector<32x128xf32>
    %dot_general3A_1178 = arith.constant dense<0.000000e+00> : vector<20x128xf32>
    %dot_general3A_1179 = tpu.matmul %get3A_1172, %get3A_1177, %dot_general3A_1178 {dimension_numbers = #tpu.dot_dimension_numbers<[1], [0], [0], [1], [0, 0, 1, 1], [], []>, transpose_lhs_hint = false} : vector<20x32xf32>, vector<32x128xf32>, vector<20x128xf32> -> vector<20x128xf32>
    %swap3A_1180 = arith.constant 26 : index
    %swap3A_1181 = arith.constant 0 : index
    %swap3A_1182 = arith.constant 0 : index
    %swap3A_1183 = vector.load %arg13[%swap3A_1180, %swap3A_1181, %swap3A_1182] : memref<200x20x128xf32, #tpu.memory_space<vmem>>, vector<1x20x128xf32>
    %swap3A_1184 = vector.shape_cast %swap3A_1183 : vector<1x20x128xf32> to vector<20x128xf32>
    %swap3A_1185 = vector.shape_cast %dot_general3A_1179 : vector<20x128xf32> to vector<1x20x128xf32>
    tpu.vector_store %arg13[%swap3A_1180, %swap3A_1181, %swap3A_1182], %swap3A_1185 {strides = array<i32>} : memref<200x20x128xf32, #tpu.memory_space<vmem>>, vector<1x20x128xf32>,
    %get3A_1186 = arith.constant 27 : index
    %get3A_1187 = arith.constant 0 : index
    %get3A_1188 = arith.constant 0 : index
    %get3A_1189 = vector.load %arg12[%get3A_1186, %get3A_1187, %get3A_1188] : memref<200x20x32xf32, #tpu.memory_space<vmem>>, vector<1x20x32xf32>
    %get3A_1190 = vector.shape_cast %get3A_1189 : vector<1x20x32xf32> to vector<20x32xf32>
    %get3A_1191 = arith.constant 27 : index
    %get3A_1192 = arith.constant 0 : index
    %get3A_1193 = arith.constant 0 : index
    %get3A_1194 = vector.load %arg1[%get3A_1191, %get3A_1192, %get3A_1193] : memref<200x32x128xf32, #tpu.memory_space<vmem>>, vector<1x32x128xf32>
    %get3A_1195 = vector.shape_cast %get3A_1194 : vector<1x32x128xf32> to vector<32x128xf32>
    %dot_general3A_1196 = arith.constant dense<0.000000e+00> : vector<20x128xf32>
    %dot_general3A_1197 = tpu.matmul %get3A_1190, %get3A_1195, %dot_general3A_1196 {dimension_numbers = #tpu.dot_dimension_numbers<[1], [0], [0], [1], [0, 0, 1, 1], [], []>, transpose_lhs_hint = false} : vector<20x32xf32>, vector<32x128xf32>, vector<20x128xf32> -> vector<20x128xf32>
    %swap3A_1198 = arith.constant 27 : index
    %swap3A_1199 = arith.constant 0 : index
    %swap3A_1200 = arith.constant 0 : index
    %swap3A_1201 = vector.load %arg13[%swap3A_1198, %swap3A_1199, %swap3A_1200] : memref<200x20x128xf32, #tpu.memory_space<vmem>>, vector<1x20x128xf32>
    %swap3A_1202 = vector.shape_cast %swap3A_1201 : vector<1x20x128xf32> to vector<20x128xf32>
    %swap3A_1203 = vector.shape_cast %dot_general3A_1197 : vector<20x128xf32> to vector<1x20x128xf32>
    tpu.vector_store %arg13[%swap3A_1198, %swap3A_1199, %swap3A_1200], %swap3A_1203 {strides = array<i32>} : memref<200x20x128xf32, #tpu.memory_space<vmem>>, vector<1x20x128xf32>,
    %get3A_1204 = arith.constant 28 : index
    %get3A_1205 = arith.constant 0 : index
    %get3A_1206 = arith.constant 0 : index
    %get3A_1207 = vector.load %arg12[%get3A_1204, %get3A_1205, %get3A_1206] : memref<200x20x32xf32, #tpu.memory_space<vmem>>, vector<1x20x32xf32>
    %get3A_1208 = vector.shape_cast %get3A_1207 : vector<1x20x32xf32> to vector<20x32xf32>
    %get3A_1209 = arith.constant 28 : index
    %get3A_1210 = arith.constant 0 : index
    %get3A_1211 = arith.constant 0 : index
    %get3A_1212 = vector.load %arg1[%get3A_1209, %get3A_1210, %get3A_1211] : memref<200x32x128xf32, #tpu.memory_space<vmem>>, vector<1x32x128xf32>
    %get3A_1213 = vector.shape_cast %get3A_1212 : vector<1x32x128xf32> to vector<32x128xf32>
    %dot_general3A_1214 = arith.constant dense<0.000000e+00> : vector<20x128xf32>
    %dot_general3A_1215 = tpu.matmul %get3A_1208, %get3A_1213, %dot_general3A_1214 {dimension_numbers = #tpu.dot_dimension_numbers<[1], [0], [0], [1], [0, 0, 1, 1], [], []>, transpose_lhs_hint = false} : vector<20x32xf32>, vector<32x128xf32>, vector<20x128xf32> -> vector<20x128xf32>
    %swap3A_1216 = arith.constant 28 : index
    %swap3A_1217 = arith.constant 0 : index
    %swap3A_1218 = arith.constant 0 : index
    %swap3A_1219 = vector.load %arg13[%swap3A_1216, %swap3A_1217, %swap3A_1218] : memref<200x20x128xf32, #tpu.memory_space<vmem>>, vector<1x20x128xf32>
    %swap3A_1220 = vector.shape_cast %swap3A_1219 : vector<1x20x128xf32> to vector<20x128xf32>
    %swap3A_1221 = vector.shape_cast %dot_general3A_1215 : vector<20x128xf32> to vector<1x20x128xf32>
    tpu.vector_store %arg13[%swap3A_1216, %swap3A_1217, %swap3A_1218], %swap3A_1221 {strides = array<i32>} : memref<200x20x128xf32, #tpu.memory_space<vmem>>, vector<1x20x128xf32>,
    %get3A_1222 = arith.constant 29 : index
    %get3A_1223 = arith.constant 0 : index
    %get3A_1224 = arith.constant 0 : index
    %get3A_1225 = vector.load %arg12[%get3A_1222, %get3A_1223, %get3A_1224] : memref<200x20x32xf32, #tpu.memory_space<vmem>>, vector<1x20x32xf32>
    %get3A_1226 = vector.shape_cast %get3A_1225 : vector<1x20x32xf32> to vector<20x32xf32>
    %get3A_1227 = arith.constant 29 : index
    %get3A_1228 = arith.constant 0 : index
    %get3A_1229 = arith.constant 0 : index
    %get3A_1230 = vector.load %arg1[%get3A_1227, %get3A_1228, %get3A_1229] : memref<200x32x128xf32, #tpu.memory_space<vmem>>, vector<1x32x128xf32>
    %get3A_1231 = vector.shape_cast %get3A_1230 : vector<1x32x128xf32> to vector<32x128xf32>
    %dot_general3A_1232 = arith.constant dense<0.000000e+00> : vector<20x128xf32>
    %dot_general3A_1233 = tpu.matmul %get3A_1226, %get3A_1231, %dot_general3A_1232 {dimension_numbers = #tpu.dot_dimension_numbers<[1], [0], [0], [1], [0, 0, 1, 1], [], []>, transpose_lhs_hint = false} : vector<20x32xf32>, vector<32x128xf32>, vector<20x128xf32> -> vector<20x128xf32>
    %swap3A_1234 = arith.constant 29 : index
    %swap3A_1235 = arith.constant 0 : index
    %swap3A_1236 = arith.constant 0 : index
    %swap3A_1237 = vector.load %arg13[%swap3A_1234, %swap3A_1235, %swap3A_1236] : memref<200x20x128xf32, #tpu.memory_space<vmem>>, vector<1x20x128xf32>
    %swap3A_1238 = vector.shape_cast %swap3A_1237 : vector<1x20x128xf32> to vector<20x128xf32>
    %swap3A_1239 = vector.shape_cast %dot_general3A_1233 : vector<20x128xf32> to vector<1x20x128xf32>
    tpu.vector_store %arg13[%swap3A_1234, %swap3A_1235, %swap3A_1236], %swap3A_1239 {strides = array<i32>} : memref<200x20x128xf32, #tpu.memory_space<vmem>>, vector<1x20x128xf32>,
    %get3A_1240 = arith.constant 30 : index
    %get3A_1241 = arith.constant 0 : index
    %get3A_1242 = arith.constant 0 : index
    %get3A_1243 = vector.load %arg12[%get3A_1240, %get3A_1241, %get3A_1242] : memref<200x20x32xf32, #tpu.memory_space<vmem>>, vector<1x20x32xf32>
    %get3A_1244 = vector.shape_cast %get3A_1243 : vector<1x20x32xf32> to vector<20x32xf32>
    %get3A_1245 = arith.constant 30 : index
    %get3A_1246 = arith.constant 0 : index
    %get3A_1247 = arith.constant 0 : index
    %get3A_1248 = vector.load %arg1[%get3A_1245, %get3A_1246, %get3A_1247] : memref<200x32x128xf32, #tpu.memory_space<vmem>>, vector<1x32x128xf32>
    %get3A_1249 = vector.shape_cast %get3A_1248 : vector<1x32x128xf32> to vector<32x128xf32>
    %dot_general3A_1250 = arith.constant dense<0.000000e+00> : vector<20x128xf32>
    %dot_general3A_1251 = tpu.matmul %get3A_1244, %get3A_1249, %dot_general3A_1250 {dimension_numbers = #tpu.dot_dimension_numbers<[1], [0], [0], [1], [0, 0, 1, 1], [], []>, transpose_lhs_hint = false} : vector<20x32xf32>, vector<32x128xf32>, vector<20x128xf32> -> vector<20x128xf32>
    %swap3A_1252 = arith.constant 30 : index
    %swap3A_1253 = arith.constant 0 : index
    %swap3A_1254 = arith.constant 0 : index
    %swap3A_1255 = vector.load %arg13[%swap3A_1252, %swap3A_1253, %swap3A_1254] : memref<200x20x128xf32, #tpu.memory_space<vmem>>, vector<1x20x128xf32>
    %swap3A_1256 = vector.shape_cast %swap3A_1255 : vector<1x20x128xf32> to vector<20x128xf32>
    %swap3A_1257 = vector.shape_cast %dot_general3A_1251 : vector<20x128xf32> to vector<1x20x128xf32>
    tpu.vector_store %arg13[%swap3A_1252, %swap3A_1253, %swap3A_1254], %swap3A_1257 {strides = array<i32>} : memref<200x20x128xf32, #tpu.memory_space<vmem>>, vector<1x20x128xf32>,
    %get3A_1258 = arith.constant 31 : index
    %get3A_1259 = arith.constant 0 : index
    %get3A_1260 = arith.constant 0 : index
    %get3A_1261 = vector.load %arg12[%get3A_1258, %get3A_1259, %get3A_1260] : memref<200x20x32xf32, #tpu.memory_space<vmem>>, vector<1x20x32xf32>
    %get3A_1262 = vector.shape_cast %get3A_1261 : vector<1x20x32xf32> to vector<20x32xf32>
    %get3A_1263 = arith.constant 31 : index
    %get3A_1264 = arith.constant 0 : index
    %get3A_1265 = arith.constant 0 : index
    %get3A_1266 = vector.load %arg1[%get3A_1263, %get3A_1264, %get3A_1265] : memref<200x32x128xf32, #tpu.memory_space<vmem>>, vector<1x32x128xf32>
    %get3A_1267 = vector.shape_cast %get3A_1266 : vector<1x32x128xf32> to vector<32x128xf32>
    %dot_general3A_1268 = arith.constant dense<0.000000e+00> : vector<20x128xf32>
    %dot_general3A_1269 = tpu.matmul %get3A_1262, %get3A_1267, %dot_general3A_1268 {dimension_numbers = #tpu.dot_dimension_numbers<[1], [0], [0], [1], [0, 0, 1, 1], [], []>, transpose_lhs_hint = false} : vector<20x32xf32>, vector<32x128xf32>, vector<20x128xf32> -> vector<20x128xf32>
    %swap3A_1270 = arith.constant 31 : index
    %swap3A_1271 = arith.constant 0 : index
    %swap3A_1272 = arith.constant 0 : index
    %swap3A_1273 = vector.load %arg13[%swap3A_1270, %swap3A_1271, %swap3A_1272] : memref<200x20x128xf32, #tpu.memory_space<vmem>>, vector<1x20x128xf32>
    %swap3A_1274 = vector.shape_cast %swap3A_1273 : vector<1x20x128xf32> to vector<20x128xf32>
    %swap3A_1275 = vector.shape_cast %dot_general3A_1269 : vector<20x128xf32> to vector<1x20x128xf32>
    tpu.vector_store %arg13[%swap3A_1270, %swap3A_1271, %swap3A_1272], %swap3A_1275 {strides = array<i32>} : memref<200x20x128xf32, #tpu.memory_space<vmem>>, vector<1x20x128xf32>,
    %get3A_1276 = arith.constant 32 : index
    %get3A_1277 = arith.constant 0 : index
    %get3A_1278 = arith.constant 0 : index
    %get3A_1279 = vector.load %arg12[%get3A_1276, %get3A_1277, %get3A_1278] : memref<200x20x32xf32, #tpu.memory_space<vmem>>, vector<1x20x32xf32>
    %get3A_1280 = vector.shape_cast %get3A_1279 : vector<1x20x32xf32> to vector<20x32xf32>
    %get3A_1281 = arith.constant 32 : index
    %get3A_1282 = arith.constant 0 : index
    %get3A_1283 = arith.constant 0 : index
    %get3A_1284 = vector.load %arg1[%get3A_1281, %get3A_1282, %get3A_1283] : memref<200x32x128xf32, #tpu.memory_space<vmem>>, vector<1x32x128xf32>
    %get3A_1285 = vector.shape_cast %get3A_1284 : vector<1x32x128xf32> to vector<32x128xf32>
    %dot_general3A_1286 = arith.constant dense<0.000000e+00> : vector<20x128xf32>
    %dot_general3A_1287 = tpu.matmul %get3A_1280, %get3A_1285, %dot_general3A_1286 {dimension_numbers = #tpu.dot_dimension_numbers<[1], [0], [0], [1], [0, 0, 1, 1], [], []>, transpose_lhs_hint = false} : vector<20x32xf32>, vector<32x128xf32>, vector<20x128xf32> -> vector<20x128xf32>
    %swap3A_1288 = arith.constant 32 : index
    %swap3A_1289 = arith.constant 0 : index
    %swap3A_1290 = arith.constant 0 : index
    %swap3A_1291 = vector.load %arg13[%swap3A_1288, %swap3A_1289, %swap3A_1290] : memref<200x20x128xf32, #tpu.memory_space<vmem>>, vector<1x20x128xf32>
    %swap3A_1292 = vector.shape_cast %swap3A_1291 : vector<1x20x128xf32> to vector<20x128xf32>
    %swap3A_1293 = vector.shape_cast %dot_general3A_1287 : vector<20x128xf32> to vector<1x20x128xf32>
    tpu.vector_store %arg13[%swap3A_1288, %swap3A_1289, %swap3A_1290], %swap3A_1293 {strides = array<i32>} : memref<200x20x128xf32, #tpu.memory_space<vmem>>, vector<1x20x128xf32>,
    %get3A_1294 = arith.constant 33 : index
    %get3A_1295 = arith.constant 0 : index
    %get3A_1296 = arith.constant 0 : index
    %get3A_1297 = vector.load %arg12[%get3A_1294, %get3A_1295, %get3A_1296] : memref<200x20x32xf32, #tpu.memory_space<vmem>>, vector<1x20x32xf32>
    %get3A_1298 = vector.shape_cast %get3A_1297 : vector<1x20x32xf32> to vector<20x32xf32>
    %get3A_1299 = arith.constant 33 : index
    %get3A_1300 = arith.constant 0 : index
    %get3A_1301 = arith.constant 0 : index
    %get3A_1302 = vector.load %arg1[%get3A_1299, %get3A_1300, %get3A_1301] : memref<200x32x128xf32, #tpu.memory_space<vmem>>, vector<1x32x128xf32>
    %get3A_1303 = vector.shape_cast %get3A_1302 : vector<1x32x128xf32> to vector<32x128xf32>
    %dot_general3A_1304 = arith.constant dense<0.000000e+00> : vector<20x128xf32>
    %dot_general3A_1305 = tpu.matmul %get3A_1298, %get3A_1303, %dot_general3A_1304 {dimension_numbers = #tpu.dot_dimension_numbers<[1], [0], [0], [1], [0, 0, 1, 1], [], []>, transpose_lhs_hint = false} : vector<20x32xf32>, vector<32x128xf32>, vector<20x128xf32> -> vector<20x128xf32>
    %swap3A_1306 = arith.constant 33 : index
    %swap3A_1307 = arith.constant 0 : index
    %swap3A_1308 = arith.constant 0 : index
    %swap3A_1309 = vector.load %arg13[%swap3A_1306, %swap3A_1307, %swap3A_1308] : memref<200x20x128xf32, #tpu.memory_space<vmem>>, vector<1x20x128xf32>
    %swap3A_1310 = vector.shape_cast %swap3A_1309 : vector<1x20x128xf32> to vector<20x128xf32>
    %swap3A_1311 = vector.shape_cast %dot_general3A_1305 : vector<20x128xf32> to vector<1x20x128xf32>
    tpu.vector_store %arg13[%swap3A_1306, %swap3A_1307, %swap3A_1308], %swap3A_1311 {strides = array<i32>} : memref<200x20x128xf32, #tpu.memory_space<vmem>>, vector<1x20x128xf32>,
    %get3A_1312 = arith.constant 34 : index
    %get3A_1313 = arith.constant 0 : index
    %get3A_1314 = arith.constant 0 : index
    %get3A_1315 = vector.load %arg12[%get3A_1312, %get3A_1313, %get3A_1314] : memref<200x20x32xf32, #tpu.memory_space<vmem>>, vector<1x20x32xf32>
    %get3A_1316 = vector.shape_cast %get3A_1315 : vector<1x20x32xf32> to vector<20x32xf32>
    %get3A_1317 = arith.constant 34 : index
    %get3A_1318 = arith.constant 0 : index
    %get3A_1319 = arith.constant 0 : index
    %get3A_1320 = vector.load %arg1[%get3A_1317, %get3A_1318, %get3A_1319] : memref<200x32x128xf32, #tpu.memory_space<vmem>>, vector<1x32x128xf32>
    %get3A_1321 = vector.shape_cast %get3A_1320 : vector<1x32x128xf32> to vector<32x128xf32>
    %dot_general3A_1322 = arith.constant dense<0.000000e+00> : vector<20x128xf32>
    %dot_general3A_1323 = tpu.matmul %get3A_1316, %get3A_1321, %dot_general3A_1322 {dimension_numbers = #tpu.dot_dimension_numbers<[1], [0], [0], [1], [0, 0, 1, 1], [], []>, transpose_lhs_hint = false} : vector<20x32xf32>, vector<32x128xf32>, vector<20x128xf32> -> vector<20x128xf32>
    %swap3A_1324 = arith.constant 34 : index
    %swap3A_1325 = arith.constant 0 : index
    %swap3A_1326 = arith.constant 0 : index
    %swap3A_1327 = vector.load %arg13[%swap3A_1324, %swap3A_1325, %swap3A_1326] : memref<200x20x128xf32, #tpu.memory_space<vmem>>, vector<1x20x128xf32>
    %swap3A_1328 = vector.shape_cast %swap3A_1327 : vector<1x20x128xf32> to vector<20x128xf32>
    %swap3A_1329 = vector.shape_cast %dot_general3A_1323 : vector<20x128xf32> to vector<1x20x128xf32>
    tpu.vector_store %arg13[%swap3A_1324, %swap3A_1325, %swap3A_1326], %swap3A_1329 {strides = array<i32>} : memref<200x20x128xf32, #tpu.memory_space<vmem>>, vector<1x20x128xf32>,
    %get3A_1330 = arith.constant 35 : index
    %get3A_1331 = arith.constant 0 : index
    %get3A_1332 = arith.constant 0 : index
    %get3A_1333 = vector.load %arg12[%get3A_1330, %get3A_1331, %get3A_1332] : memref<200x20x32xf32, #tpu.memory_space<vmem>>, vector<1x20x32xf32>
    %get3A_1334 = vector.shape_cast %get3A_1333 : vector<1x20x32xf32> to vector<20x32xf32>
    %get3A_1335 = arith.constant 35 : index
    %get3A_1336 = arith.constant 0 : index
    %get3A_1337 = arith.constant 0 : index
    %get3A_1338 = vector.load %arg1[%get3A_1335, %get3A_1336, %get3A_1337] : memref<200x32x128xf32, #tpu.memory_space<vmem>>, vector<1x32x128xf32>
    %get3A_1339 = vector.shape_cast %get3A_1338 : vector<1x32x128xf32> to vector<32x128xf32>
    %dot_general3A_1340 = arith.constant dense<0.000000e+00> : vector<20x128xf32>
    %dot_general3A_1341 = tpu.matmul %get3A_1334, %get3A_1339, %dot_general3A_1340 {dimension_numbers = #tpu.dot_dimension_numbers<[1], [0], [0], [1], [0, 0, 1, 1], [], []>, transpose_lhs_hint = false} : vector<20x32xf32>, vector<32x128xf32>, vector<20x128xf32> -> vector<20x128xf32>
    %swap3A_1342 = arith.constant 35 : index
    %swap3A_1343 = arith.constant 0 : index
    %swap3A_1344 = arith.constant 0 : index
    %swap3A_1345 = vector.load %arg13[%swap3A_1342, %swap3A_1343, %swap3A_1344] : memref<200x20x128xf32, #tpu.memory_space<vmem>>, vector<1x20x128xf32>
    %swap3A_1346 = vector.shape_cast %swap3A_1345 : vector<1x20x128xf32> to vector<20x128xf32>
    %swap3A_1347 = vector.shape_cast %dot_general3A_1341 : vector<20x128xf32> to vector<1x20x128xf32>
    tpu.vector_store %arg13[%swap3A_1342, %swap3A_1343, %swap3A_1344], %swap3A_1347 {strides = array<i32>} : memref<200x20x128xf32, #tpu.memory_space<vmem>>, vector<1x20x128xf32>,
    %get3A_1348 = arith.constant 36 : index
    %get3A_1349 = arith.constant 0 : index
    %get3A_1350 = arith.constant 0 : index
    %get3A_1351 = vector.load %arg12[%get3A_1348, %get3A_1349, %get3A_1350] : memref<200x20x32xf32, #tpu.memory_space<vmem>>, vector<1x20x32xf32>
    %get3A_1352 = vector.shape_cast %get3A_1351 : vector<1x20x32xf32> to vector<20x32xf32>
    %get3A_1353 = arith.constant 36 : index
    %get3A_1354 = arith.constant 0 : index
    %get3A_1355 = arith.constant 0 : index
    %get3A_1356 = vector.load %arg1[%get3A_1353, %get3A_1354, %get3A_1355] : memref<200x32x128xf32, #tpu.memory_space<vmem>>, vector<1x32x128xf32>
    %get3A_1357 = vector.shape_cast %get3A_1356 : vector<1x32x128xf32> to vector<32x128xf32>
    %dot_general3A_1358 = arith.constant dense<0.000000e+00> : vector<20x128xf32>
    %dot_general3A_1359 = tpu.matmul %get3A_1352, %get3A_1357, %dot_general3A_1358 {dimension_numbers = #tpu.dot_dimension_numbers<[1], [0], [0], [1], [0, 0, 1, 1], [], []>, transpose_lhs_hint = false} : vector<20x32xf32>, vector<32x128xf32>, vector<20x128xf32> -> vector<20x128xf32>
    %swap3A_1360 = arith.constant 36 : index
    %swap3A_1361 = arith.constant 0 : index
    %swap3A_1362 = arith.constant 0 : index
    %swap3A_1363 = vector.load %arg13[%swap3A_1360, %swap3A_1361, %swap3A_1362] : memref<200x20x128xf32, #tpu.memory_space<vmem>>, vector<1x20x128xf32>
    %swap3A_1364 = vector.shape_cast %swap3A_1363 : vector<1x20x128xf32> to vector<20x128xf32>
    %swap3A_1365 = vector.shape_cast %dot_general3A_1359 : vector<20x128xf32> to vector<1x20x128xf32>
    tpu.vector_store %arg13[%swap3A_1360, %swap3A_1361, %swap3A_1362], %swap3A_1365 {strides = array<i32>} : memref<200x20x128xf32, #tpu.memory_space<vmem>>, vector<1x20x128xf32>,
    %get3A_1366 = arith.constant 37 : index
    %get3A_1367 = arith.constant 0 : index
    %get3A_1368 = arith.constant 0 : index
    %get3A_1369 = vector.load %arg12[%get3A_1366, %get3A_1367, %get3A_1368] : memref<200x20x32xf32, #tpu.memory_space<vmem>>, vector<1x20x32xf32>
    %get3A_1370 = vector.shape_cast %get3A_1369 : vector<1x20x32xf32> to vector<20x32xf32>
    %get3A_1371 = arith.constant 37 : index
    %get3A_1372 = arith.constant 0 : index
    %get3A_1373 = arith.constant 0 : index
    %get3A_1374 = vector.load %arg1[%get3A_1371, %get3A_1372, %get3A_1373] : memref<200x32x128xf32, #tpu.memory_space<vmem>>, vector<1x32x128xf32>
    %get3A_1375 = vector.shape_cast %get3A_1374 : vector<1x32x128xf32> to vector<32x128xf32>
    %dot_general3A_1376 = arith.constant dense<0.000000e+00> : vector<20x128xf32>
    %dot_general3A_1377 = tpu.matmul %get3A_1370, %get3A_1375, %dot_general3A_1376 {dimension_numbers = #tpu.dot_dimension_numbers<[1], [0], [0], [1], [0, 0, 1, 1], [], []>, transpose_lhs_hint = false} : vector<20x32xf32>, vector<32x128xf32>, vector<20x128xf32> -> vector<20x128xf32>
    %swap3A_1378 = arith.constant 37 : index
    %swap3A_1379 = arith.constant 0 : index
    %swap3A_1380 = arith.constant 0 : index
    %swap3A_1381 = vector.load %arg13[%swap3A_1378, %swap3A_1379, %swap3A_1380] : memref<200x20x128xf32, #tpu.memory_space<vmem>>, vector<1x20x128xf32>
    %swap3A_1382 = vector.shape_cast %swap3A_1381 : vector<1x20x128xf32> to vector<20x128xf32>
    %swap3A_1383 = vector.shape_cast %dot_general3A_1377 : vector<20x128xf32> to vector<1x20x128xf32>
    tpu.vector_store %arg13[%swap3A_1378, %swap3A_1379, %swap3A_1380], %swap3A_1383 {strides = array<i32>} : memref<200x20x128xf32, #tpu.memory_space<vmem>>, vector<1x20x128xf32>,
    %get3A_1384 = arith.constant 38 : index
    %get3A_1385 = arith.constant 0 : index
    %get3A_1386 = arith.constant 0 : index
    %get3A_1387 = vector.load %arg12[%get3A_1384, %get3A_1385, %get3A_1386] : memref<200x20x32xf32, #tpu.memory_space<vmem>>, vector<1x20x32xf32>
    %get3A_1388 = vector.shape_cast %get3A_1387 : vector<1x20x32xf32> to vector<20x32xf32>
    %get3A_1389 = arith.constant 38 : index
    %get3A_1390 = arith.constant 0 : index
    %get3A_1391 = arith.constant 0 : index
    %get3A_1392 = vector.load %arg1[%get3A_1389, %get3A_1390, %get3A_1391] : memref<200x32x128xf32, #tpu.memory_space<vmem>>, vector<1x32x128xf32>
    %get3A_1393 = vector.shape_cast %get3A_1392 : vector<1x32x128xf32> to vector<32x128xf32>
    %dot_general3A_1394 = arith.constant dense<0.000000e+00> : vector<20x128xf32>
    %dot_general3A_1395 = tpu.matmul %get3A_1388, %get3A_1393, %dot_general3A_1394 {dimension_numbers = #tpu.dot_dimension_numbers<[1], [0], [0], [1], [0, 0, 1, 1], [], []>, transpose_lhs_hint = false} : vector<20x32xf32>, vector<32x128xf32>, vector<20x128xf32> -> vector<20x128xf32>
    %swap3A_1396 = arith.constant 38 : index
    %swap3A_1397 = arith.constant 0 : index
    %swap3A_1398 = arith.constant 0 : index
    %swap3A_1399 = vector.load %arg13[%swap3A_1396, %swap3A_1397, %swap3A_1398] : memref<200x20x128xf32, #tpu.memory_space<vmem>>, vector<1x20x128xf32>
    %swap3A_1400 = vector.shape_cast %swap3A_1399 : vector<1x20x128xf32> to vector<20x128xf32>
    %swap3A_1401 = vector.shape_cast %dot_general3A_1395 : vector<20x128xf32> to vector<1x20x128xf32>
    tpu.vector_store %arg13[%swap3A_1396, %swap3A_1397, %swap3A_1398], %swap3A_1401 {strides = array<i32>} : memref<200x20x128xf32, #tpu.memory_space<vmem>>, vector<1x20x128xf32>,
    %get3A_1402 = arith.constant 39 : index
    %get3A_1403 = arith.constant 0 : index
    %get3A_1404 = arith.constant 0 : index
    %get3A_1405 = vector.load %arg12[%get3A_1402, %get3A_1403, %get3A_1404] : memref<200x20x32xf32, #tpu.memory_space<vmem>>, vector<1x20x32xf32>
    %get3A_1406 = vector.shape_cast %get3A_1405 : vector<1x20x32xf32> to vector<20x32xf32>
    %get3A_1407 = arith.constant 39 : index
    %get3A_1408 = arith.constant 0 : index
    %get3A_1409 = arith.constant 0 : index
    %get3A_1410 = vector.load %arg1[%get3A_1407, %get3A_1408, %get3A_1409] : memref<200x32x128xf32, #tpu.memory_space<vmem>>, vector<1x32x128xf32>
    %get3A_1411 = vector.shape_cast %get3A_1410 : vector<1x32x128xf32> to vector<32x128xf32>
    %dot_general3A_1412 = arith.constant dense<0.000000e+00> : vector<20x128xf32>
    %dot_general3A_1413 = tpu.matmul %get3A_1406, %get3A_1411, %dot_general3A_1412 {dimension_numbers = #tpu.dot_dimension_numbers<[1], [0], [0], [1], [0, 0, 1, 1], [], []>, transpose_lhs_hint = false} : vector<20x32xf32>, vector<32x128xf32>, vector<20x128xf32> -> vector<20x128xf32>
    %swap3A_1414 = arith.constant 39 : index
    %swap3A_1415 = arith.constant 0 : index
    %swap3A_1416 = arith.constant 0 : index
    %swap3A_1417 = vector.load %arg13[%swap3A_1414, %swap3A_1415, %swap3A_1416] : memref<200x20x128xf32, #tpu.memory_space<vmem>>, vector<1x20x128xf32>
    %swap3A_1418 = vector.shape_cast %swap3A_1417 : vector<1x20x128xf32> to vector<20x128xf32>
    %swap3A_1419 = vector.shape_cast %dot_general3A_1413 : vector<20x128xf32> to vector<1x20x128xf32>
    tpu.vector_store %arg13[%swap3A_1414, %swap3A_1415, %swap3A_1416], %swap3A_1419 {strides = array<i32>} : memref<200x20x128xf32, #tpu.memory_space<vmem>>, vector<1x20x128xf32>,
    %get3A_1420 = arith.constant 40 : index
    %get3A_1421 = arith.constant 0 : index
    %get3A_1422 = arith.constant 0 : index
    %get3A_1423 = vector.load %arg12[%get3A_1420, %get3A_1421, %get3A_1422] : memref<200x20x32xf32, #tpu.memory_space<vmem>>, vector<1x20x32xf32>
    %get3A_1424 = vector.shape_cast %get3A_1423 : vector<1x20x32xf32> to vector<20x32xf32>
    %get3A_1425 = arith.constant 40 : index
    %get3A_1426 = arith.constant 0 : index
    %get3A_1427 = arith.constant 0 : index
    %get3A_1428 = vector.load %arg1[%get3A_1425, %get3A_1426, %get3A_1427] : memref<200x32x128xf32, #tpu.memory_space<vmem>>, vector<1x32x128xf32>
    %get3A_1429 = vector.shape_cast %get3A_1428 : vector<1x32x128xf32> to vector<32x128xf32>
    %dot_general3A_1430 = arith.constant dense<0.000000e+00> : vector<20x128xf32>
    %dot_general3A_1431 = tpu.matmul %get3A_1424, %get3A_1429, %dot_general3A_1430 {dimension_numbers = #tpu.dot_dimension_numbers<[1], [0], [0], [1], [0, 0, 1, 1], [], []>, transpose_lhs_hint = false} : vector<20x32xf32>, vector<32x128xf32>, vector<20x128xf32> -> vector<20x128xf32>
    %swap3A_1432 = arith.constant 40 : index
    %swap3A_1433 = arith.constant 0 : index
    %swap3A_1434 = arith.constant 0 : index
    %swap3A_1435 = vector.load %arg13[%swap3A_1432, %swap3A_1433, %swap3A_1434] : memref<200x20x128xf32, #tpu.memory_space<vmem>>, vector<1x20x128xf32>
    %swap3A_1436 = vector.shape_cast %swap3A_1435 : vector<1x20x128xf32> to vector<20x128xf32>
    %swap3A_1437 = vector.shape_cast %dot_general3A_1431 : vector<20x128xf32> to vector<1x20x128xf32>
    tpu.vector_store %arg13[%swap3A_1432, %swap3A_1433, %swap3A_1434], %swap3A_1437 {strides = array<i32>} : memref<200x20x128xf32, #tpu.memory_space<vmem>>, vector<1x20x128xf32>,
    %get3A_1438 = arith.constant 41 : index
    %get3A_1439 = arith.constant 0 : index
    %get3A_1440 = arith.constant 0 : index
    %get3A_1441 = vector.load %arg12[%get3A_1438, %get3A_1439, %get3A_1440] : memref<200x20x32xf32, #tpu.memory_space<vmem>>, vector<1x20x32xf32>
    %get3A_1442 = vector.shape_cast %get3A_1441 : vector<1x20x32xf32> to vector<20x32xf32>
    %get3A_1443 = arith.constant 41 : index
    %get3A_1444 = arith.constant 0 : index
    %get3A_1445 = arith.constant 0 : index
    %get3A_1446 = vector.load %arg1[%get3A_1443, %get3A_1444, %get3A_1445] : memref<200x32x128xf32, #tpu.memory_space<vmem>>, vector<1x32x128xf32>
    %get3A_1447 = vector.shape_cast %get3A_1446 : vector<1x32x128xf32> to vector<32x128xf32>
    %dot_general3A_1448 = arith.constant dense<0.000000e+00> : vector<20x128xf32>
    %dot_general3A_1449 = tpu.matmul %get3A_1442, %get3A_1447, %dot_general3A_1448 {dimension_numbers = #tpu.dot_dimension_numbers<[1], [0], [0], [1], [0, 0, 1, 1], [], []>, transpose_lhs_hint = false} : vector<20x32xf32>, vector<32x128xf32>, vector<20x128xf32> -> vector<20x128xf32>
    %swap3A_1450 = arith.constant 41 : index
    %swap3A_1451 = arith.constant 0 : index
    %swap3A_1452 = arith.constant 0 : index
    %swap3A_1453 = vector.load %arg13[%swap3A_1450, %swap3A_1451, %swap3A_1452] : memref<200x20x128xf32, #tpu.memory_space<vmem>>, vector<1x20x128xf32>
    %swap3A_1454 = vector.shape_cast %swap3A_1453 : vector<1x20x128xf32> to vector<20x128xf32>
    %swap3A_1455 = vector.shape_cast %dot_general3A_1449 : vector<20x128xf32> to vector<1x20x128xf32>
    tpu.vector_store %arg13[%swap3A_1450, %swap3A_1451, %swap3A_1452], %swap3A_1455 {strides = array<i32>} : memref<200x20x128xf32, #tpu.memory_space<vmem>>, vector<1x20x128xf32>,
    %get3A_1456 = arith.constant 42 : index
    %get3A_1457 = arith.constant 0 : index
    %get3A_1458 = arith.constant 0 : index
    %get3A_1459 = vector.load %arg12[%get3A_1456, %get3A_1457, %get3A_1458] : memref<200x20x32xf32, #tpu.memory_space<vmem>>, vector<1x20x32xf32>
    %get3A_1460 = vector.shape_cast %get3A_1459 : vector<1x20x32xf32> to vector<20x32xf32>
    %get3A_1461 = arith.constant 42 : index
    %get3A_1462 = arith.constant 0 : index
    %get3A_1463 = arith.constant 0 : index
    %get3A_1464 = vector.load %arg1[%get3A_1461, %get3A_1462, %get3A_1463] : memref<200x32x128xf32, #tpu.memory_space<vmem>>, vector<1x32x128xf32>
    %get3A_1465 = vector.shape_cast %get3A_1464 : vector<1x32x128xf32> to vector<32x128xf32>
    %dot_general3A_1466 = arith.constant dense<0.000000e+00> : vector<20x128xf32>
    %dot_general3A_1467 = tpu.matmul %get3A_1460, %get3A_1465, %dot_general3A_1466 {dimension_numbers = #tpu.dot_dimension_numbers<[1], [0], [0], [1], [0, 0, 1, 1], [], []>, transpose_lhs_hint = false} : vector<20x32xf32>, vector<32x128xf32>, vector<20x128xf32> -> vector<20x128xf32>
    %swap3A_1468 = arith.constant 42 : index
    %swap3A_1469 = arith.constant 0 : index
    %swap3A_1470 = arith.constant 0 : index
    %swap3A_1471 = vector.load %arg13[%swap3A_1468, %swap3A_1469, %swap3A_1470] : memref<200x20x128xf32, #tpu.memory_space<vmem>>, vector<1x20x128xf32>
    %swap3A_1472 = vector.shape_cast %swap3A_1471 : vector<1x20x128xf32> to vector<20x128xf32>
    %swap3A_1473 = vector.shape_cast %dot_general3A_1467 : vector<20x128xf32> to vector<1x20x128xf32>
    tpu.vector_store %arg13[%swap3A_1468, %swap3A_1469, %swap3A_1470], %swap3A_1473 {strides = array<i32>} : memref<200x20x128xf32, #tpu.memory_space<vmem>>, vector<1x20x128xf32>,
    %get3A_1474 = arith.constant 43 : index
    %get3A_1475 = arith.constant 0 : index
    %get3A_1476 = arith.constant 0 : index
    %get3A_1477 = vector.load %arg12[%get3A_1474, %get3A_1475, %get3A_1476] : memref<200x20x32xf32, #tpu.memory_space<vmem>>, vector<1x20x32xf32>
    %get3A_1478 = vector.shape_cast %get3A_1477 : vector<1x20x32xf32> to vector<20x32xf32>
    %get3A_1479 = arith.constant 43 : index
    %get3A_1480 = arith.constant 0 : index
    %get3A_1481 = arith.constant 0 : index
    %get3A_1482 = vector.load %arg1[%get3A_1479, %get3A_1480, %get3A_1481] : memref<200x32x128xf32, #tpu.memory_space<vmem>>, vector<1x32x128xf32>
    %get3A_1483 = vector.shape_cast %get3A_1482 : vector<1x32x128xf32> to vector<32x128xf32>
    %dot_general3A_1484 = arith.constant dense<0.000000e+00> : vector<20x128xf32>
    %dot_general3A_1485 = tpu.matmul %get3A_1478, %get3A_1483, %dot_general3A_1484 {dimension_numbers = #tpu.dot_dimension_numbers<[1], [0], [0], [1], [0, 0, 1, 1], [], []>, transpose_lhs_hint = false} : vector<20x32xf32>, vector<32x128xf32>, vector<20x128xf32> -> vector<20x128xf32>
    %swap3A_1486 = arith.constant 43 : index
    %swap3A_1487 = arith.constant 0 : index
    %swap3A_1488 = arith.constant 0 : index
    %swap3A_1489 = vector.load %arg13[%swap3A_1486, %swap3A_1487, %swap3A_1488] : memref<200x20x128xf32, #tpu.memory_space<vmem>>, vector<1x20x128xf32>
    %swap3A_1490 = vector.shape_cast %swap3A_1489 : vector<1x20x128xf32> to vector<20x128xf32>
    %swap3A_1491 = vector.shape_cast %dot_general3A_1485 : vector<20x128xf32> to vector<1x20x128xf32>
    tpu.vector_store %arg13[%swap3A_1486, %swap3A_1487, %swap3A_1488], %swap3A_1491 {strides = array<i32>} : memref<200x20x128xf32, #tpu.memory_space<vmem>>, vector<1x20x128xf32>,
    %get3A_1492 = arith.constant 44 : index
    %get3A_1493 = arith.constant 0 : index
    %get3A_1494 = arith.constant 0 : index
    %get3A_1495 = vector.load %arg12[%get3A_1492, %get3A_1493, %get3A_1494] : memref<200x20x32xf32, #tpu.memory_space<vmem>>, vector<1x20x32xf32>
    %get3A_1496 = vector.shape_cast %get3A_1495 : vector<1x20x32xf32> to vector<20x32xf32>
    %get3A_1497 = arith.constant 44 : index
    %get3A_1498 = arith.constant 0 : index
    %get3A_1499 = arith.constant 0 : index
    %get3A_1500 = vector.load %arg1[%get3A_1497, %get3A_1498, %get3A_1499] : memref<200x32x128xf32, #tpu.memory_space<vmem>>, vector<1x32x128xf32>
    %get3A_1501 = vector.shape_cast %get3A_1500 : vector<1x32x128xf32> to vector<32x128xf32>
    %dot_general3A_1502 = arith.constant dense<0.000000e+00> : vector<20x128xf32>
    %dot_general3A_1503 = tpu.matmul %get3A_1496, %get3A_1501, %dot_general3A_1502 {dimension_numbers = #tpu.dot_dimension_numbers<[1], [0], [0], [1], [0, 0, 1, 1], [], []>, transpose_lhs_hint = false} : vector<20x32xf32>, vector<32x128xf32>, vector<20x128xf32> -> vector<20x128xf32>
    %swap3A_1504 = arith.constant 44 : index
    %swap3A_1505 = arith.constant 0 : index
    %swap3A_1506 = arith.constant 0 : index
    %swap3A_1507 = vector.load %arg13[%swap3A_1504, %swap3A_1505, %swap3A_1506] : memref<200x20x128xf32, #tpu.memory_space<vmem>>, vector<1x20x128xf32>
    %swap3A_1508 = vector.shape_cast %swap3A_1507 : vector<1x20x128xf32> to vector<20x128xf32>
    %swap3A_1509 = vector.shape_cast %dot_general3A_1503 : vector<20x128xf32> to vector<1x20x128xf32>
    tpu.vector_store %arg13[%swap3A_1504, %swap3A_1505, %swap3A_1506], %swap3A_1509 {strides = array<i32>} : memref<200x20x128xf32, #tpu.memory_space<vmem>>, vector<1x20x128xf32>,
    %get3A_1510 = arith.constant 45 : index
    %get3A_1511 = arith.constant 0 : index
    %get3A_1512 = arith.constant 0 : index
    %get3A_1513 = vector.load %arg12[%get3A_1510, %get3A_1511, %get3A_1512] : memref<200x20x32xf32, #tpu.memory_space<vmem>>, vector<1x20x32xf32>
    %get3A_1514 = vector.shape_cast %get3A_1513 : vector<1x20x32xf32> to vector<20x32xf32>
    %get3A_1515 = arith.constant 45 : index
    %get3A_1516 = arith.constant 0 : index
    %get3A_1517 = arith.constant 0 : index
    %get3A_1518 = vector.load %arg1[%get3A_1515, %get3A_1516, %get3A_1517] : memref<200x32x128xf32, #tpu.memory_space<vmem>>, vector<1x32x128xf32>
    %get3A_1519 = vector.shape_cast %get3A_1518 : vector<1x32x128xf32> to vector<32x128xf32>
    %dot_general3A_1520 = arith.constant dense<0.000000e+00> : vector<20x128xf32>
    %dot_general3A_1521 = tpu.matmul %get3A_1514, %get3A_1519, %dot_general3A_1520 {dimension_numbers = #tpu.dot_dimension_numbers<[1], [0], [0], [1], [0, 0, 1, 1], [], []>, transpose_lhs_hint = false} : vector<20x32xf32>, vector<32x128xf32>, vector<20x128xf32> -> vector<20x128xf32>
    %swap3A_1522 = arith.constant 45 : index
    %swap3A_1523 = arith.constant 0 : index
    %swap3A_1524 = arith.constant 0 : index
    %swap3A_1525 = vector.load %arg13[%swap3A_1522, %swap3A_1523, %swap3A_1524] : memref<200x20x128xf32, #tpu.memory_space<vmem>>, vector<1x20x128xf32>
    %swap3A_1526 = vector.shape_cast %swap3A_1525 : vector<1x20x128xf32> to vector<20x128xf32>
    %swap3A_1527 = vector.shape_cast %dot_general3A_1521 : vector<20x128xf32> to vector<1x20x128xf32>
    tpu.vector_store %arg13[%swap3A_1522, %swap3A_1523, %swap3A_1524], %swap3A_1527 {strides = array<i32>} : memref<200x20x128xf32, #tpu.memory_space<vmem>>, vector<1x20x128xf32>,
    %get3A_1528 = arith.constant 46 : index
    %get3A_1529 = arith.constant 0 : index
    %get3A_1530 = arith.constant 0 : index
    %get3A_1531 = vector.load %arg12[%get3A_1528, %get3A_1529, %get3A_1530] : memref<200x20x32xf32, #tpu.memory_space<vmem>>, vector<1x20x32xf32>
    %get3A_1532 = vector.shape_cast %get3A_1531 : vector<1x20x32xf32> to vector<20x32xf32>
    %get3A_1533 = arith.constant 46 : index
    %get3A_1534 = arith.constant 0 : index
    %get3A_1535 = arith.constant 0 : index
    %get3A_1536 = vector.load %arg1[%get3A_1533, %get3A_1534, %get3A_1535] : memref<200x32x128xf32, #tpu.memory_space<vmem>>, vector<1x32x128xf32>
    %get3A_1537 = vector.shape_cast %get3A_1536 : vector<1x32x128xf32> to vector<32x128xf32>
    %dot_general3A_1538 = arith.constant dense<0.000000e+00> : vector<20x128xf32>
    %dot_general3A_1539 = tpu.matmul %get3A_1532, %get3A_1537, %dot_general3A_1538 {dimension_numbers = #tpu.dot_dimension_numbers<[1], [0], [0], [1], [0, 0, 1, 1], [], []>, transpose_lhs_hint = false} : vector<20x32xf32>, vector<32x128xf32>, vector<20x128xf32> -> vector<20x128xf32>
    %swap3A_1540 = arith.constant 46 : index
    %swap3A_1541 = arith.constant 0 : index
    %swap3A_1542 = arith.constant 0 : index
    %swap3A_1543 = vector.load %arg13[%swap3A_1540, %swap3A_1541, %swap3A_1542] : memref<200x20x128xf32, #tpu.memory_space<vmem>>, vector<1x20x128xf32>
    %swap3A_1544 = vector.shape_cast %swap3A_1543 : vector<1x20x128xf32> to vector<20x128xf32>
    %swap3A_1545 = vector.shape_cast %dot_general3A_1539 : vector<20x128xf32> to vector<1x20x128xf32>
    tpu.vector_store %arg13[%swap3A_1540, %swap3A_1541, %swap3A_1542], %swap3A_1545 {strides = array<i32>} : memref<200x20x128xf32, #tpu.memory_space<vmem>>, vector<1x20x128xf32>,
    %get3A_1546 = arith.constant 47 : index
    %get3A_1547 = arith.constant 0 : index
    %get3A_1548 = arith.constant 0 : index
    %get3A_1549 = vector.load %arg12[%get3A_1546, %get3A_1547, %get3A_1548] : memref<200x20x32xf32, #tpu.memory_space<vmem>>, vector<1x20x32xf32>
    %get3A_1550 = vector.shape_cast %get3A_1549 : vector<1x20x32xf32> to vector<20x32xf32>
    %get3A_1551 = arith.constant 47 : index
    %get3A_1552 = arith.constant 0 : index
    %get3A_1553 = arith.constant 0 : index
    %get3A_1554 = vector.load %arg1[%get3A_1551, %get3A_1552, %get3A_1553] : memref<200x32x128xf32, #tpu.memory_space<vmem>>, vector<1x32x128xf32>
    %get3A_1555 = vector.shape_cast %get3A_1554 : vector<1x32x128xf32> to vector<32x128xf32>
    %dot_general3A_1556 = arith.constant dense<0.000000e+00> : vector<20x128xf32>
    %dot_general3A_1557 = tpu.matmul %get3A_1550, %get3A_1555, %dot_general3A_1556 {dimension_numbers = #tpu.dot_dimension_numbers<[1], [0], [0], [1], [0, 0, 1, 1], [], []>, transpose_lhs_hint = false} : vector<20x32xf32>, vector<32x128xf32>, vector<20x128xf32> -> vector<20x128xf32>
    %swap3A_1558 = arith.constant 47 : index
    %swap3A_1559 = arith.constant 0 : index
    %swap3A_1560 = arith.constant 0 : index
    %swap3A_1561 = vector.load %arg13[%swap3A_1558, %swap3A_1559, %swap3A_1560] : memref<200x20x128xf32, #tpu.memory_space<vmem>>, vector<1x20x128xf32>
    %swap3A_1562 = vector.shape_cast %swap3A_1561 : vector<1x20x128xf32> to vector<20x128xf32>
    %swap3A_1563 = vector.shape_cast %dot_general3A_1557 : vector<20x128xf32> to vector<1x20x128xf32>
    tpu.vector_store %arg13[%swap3A_1558, %swap3A_1559, %swap3A_1560], %swap3A_1563 {strides = array<i32>} : memref<200x20x128xf32, #tpu.memory_space<vmem>>, vector<1x20x128xf32>,
    %get3A_1564 = arith.constant 48 : index
    %get3A_1565 = arith.constant 0 : index
    %get3A_1566 = arith.constant 0 : index
    %get3A_1567 = vector.load %arg12[%get3A_1564, %get3A_1565, %get3A_1566] : memref<200x20x32xf32, #tpu.memory_space<vmem>>, vector<1x20x32xf32>
    %get3A_1568 = vector.shape_cast %get3A_1567 : vector<1x20x32xf32> to vector<20x32xf32>
    %get3A_1569 = arith.constant 48 : index
    %get3A_1570 = arith.constant 0 : index
    %get3A_1571 = arith.constant 0 : index
    %get3A_1572 = vector.load %arg1[%get3A_1569, %get3A_1570, %get3A_1571] : memref<200x32x128xf32, #tpu.memory_space<vmem>>, vector<1x32x128xf32>
    %get3A_1573 = vector.shape_cast %get3A_1572 : vector<1x32x128xf32> to vector<32x128xf32>
    %dot_general3A_1574 = arith.constant dense<0.000000e+00> : vector<20x128xf32>
    %dot_general3A_1575 = tpu.matmul %get3A_1568, %get3A_1573, %dot_general3A_1574 {dimension_numbers = #tpu.dot_dimension_numbers<[1], [0], [0], [1], [0, 0, 1, 1], [], []>, transpose_lhs_hint = false} : vector<20x32xf32>, vector<32x128xf32>, vector<20x128xf32> -> vector<20x128xf32>
    %swap3A_1576 = arith.constant 48 : index
    %swap3A_1577 = arith.constant 0 : index
    %swap3A_1578 = arith.constant 0 : index
    %swap3A_1579 = vector.load %arg13[%swap3A_1576, %swap3A_1577, %swap3A_1578] : memref<200x20x128xf32, #tpu.memory_space<vmem>>, vector<1x20x128xf32>
    %swap3A_1580 = vector.shape_cast %swap3A_1579 : vector<1x20x128xf32> to vector<20x128xf32>
    %swap3A_1581 = vector.shape_cast %dot_general3A_1575 : vector<20x128xf32> to vector<1x20x128xf32>
    tpu.vector_store %arg13[%swap3A_1576, %swap3A_1577, %swap3A_1578], %swap3A_1581 {strides = array<i32>} : memref<200x20x128xf32, #tpu.memory_space<vmem>>, vector<1x20x128xf32>,
    %get3A_1582 = arith.constant 49 : index
    %get3A_1583 = arith.constant 0 : index
    %get3A_1584 = arith.constant 0 : index
    %get3A_1585 = vector.load %arg12[%get3A_1582, %get3A_1583, %get3A_1584] : memref<200x20x32xf32, #tpu.memory_space<vmem>>, vector<1x20x32xf32>
    %get3A_1586 = vector.shape_cast %get3A_1585 : vector<1x20x32xf32> to vector<20x32xf32>
    %get3A_1587 = arith.constant 49 : index
    %get3A_1588 = arith.constant 0 : index
    %get3A_1589 = arith.constant 0 : index
    %get3A_1590 = vector.load %arg1[%get3A_1587, %get3A_1588, %get3A_1589] : memref<200x32x128xf32, #tpu.memory_space<vmem>>, vector<1x32x128xf32>
    %get3A_1591 = vector.shape_cast %get3A_1590 : vector<1x32x128xf32> to vector<32x128xf32>
    %dot_general3A_1592 = arith.constant dense<0.000000e+00> : vector<20x128xf32>
    %dot_general3A_1593 = tpu.matmul %get3A_1586, %get3A_1591, %dot_general3A_1592 {dimension_numbers = #tpu.dot_dimension_numbers<[1], [0], [0], [1], [0, 0, 1, 1], [], []>, transpose_lhs_hint = false} : vector<20x32xf32>, vector<32x128xf32>, vector<20x128xf32> -> vector<20x128xf32>
    %swap3A_1594 = arith.constant 49 : index
    %swap3A_1595 = arith.constant 0 : index
    %swap3A_1596 = arith.constant 0 : index
    %swap3A_1597 = vector.load %arg13[%swap3A_1594, %swap3A_1595, %swap3A_1596] : memref<200x20x128xf32, #tpu.memory_space<vmem>>, vector<1x20x128xf32>
    %swap3A_1598 = vector.shape_cast %swap3A_1597 : vector<1x20x128xf32> to vector<20x128xf32>
    %swap3A_1599 = vector.shape_cast %dot_general3A_1593 : vector<20x128xf32> to vector<1x20x128xf32>
    tpu.vector_store %arg13[%swap3A_1594, %swap3A_1595, %swap3A_1596], %swap3A_1599 {strides = array<i32>} : memref<200x20x128xf32, #tpu.memory_space<vmem>>, vector<1x20x128xf32>,
    %get3A_1600 = arith.constant 50 : index
    %get3A_1601 = arith.constant 0 : index
    %get3A_1602 = arith.constant 0 : index
    %get3A_1603 = vector.load %arg12[%get3A_1600, %get3A_1601, %get3A_1602] : memref<200x20x32xf32, #tpu.memory_space<vmem>>, vector<1x20x32xf32>
    %get3A_1604 = vector.shape_cast %get3A_1603 : vector<1x20x32xf32> to vector<20x32xf32>
    %get3A_1605 = arith.constant 50 : index
    %get3A_1606 = arith.constant 0 : index
    %get3A_1607 = arith.constant 0 : index
    %get3A_1608 = vector.load %arg1[%get3A_1605, %get3A_1606, %get3A_1607] : memref<200x32x128xf32, #tpu.memory_space<vmem>>, vector<1x32x128xf32>
    %get3A_1609 = vector.shape_cast %get3A_1608 : vector<1x32x128xf32> to vector<32x128xf32>
    %dot_general3A_1610 = arith.constant dense<0.000000e+00> : vector<20x128xf32>
    %dot_general3A_1611 = tpu.matmul %get3A_1604, %get3A_1609, %dot_general3A_1610 {dimension_numbers = #tpu.dot_dimension_numbers<[1], [0], [0], [1], [0, 0, 1, 1], [], []>, transpose_lhs_hint = false} : vector<20x32xf32>, vector<32x128xf32>, vector<20x128xf32> -> vector<20x128xf32>
    %swap3A_1612 = arith.constant 50 : index
    %swap3A_1613 = arith.constant 0 : index
    %swap3A_1614 = arith.constant 0 : index
    %swap3A_1615 = vector.load %arg13[%swap3A_1612, %swap3A_1613, %swap3A_1614] : memref<200x20x128xf32, #tpu.memory_space<vmem>>, vector<1x20x128xf32>
    %swap3A_1616 = vector.shape_cast %swap3A_1615 : vector<1x20x128xf32> to vector<20x128xf32>
    %swap3A_1617 = vector.shape_cast %dot_general3A_1611 : vector<20x128xf32> to vector<1x20x128xf32>
    tpu.vector_store %arg13[%swap3A_1612, %swap3A_1613, %swap3A_1614], %swap3A_1617 {strides = array<i32>} : memref<200x20x128xf32, #tpu.memory_space<vmem>>, vector<1x20x128xf32>,
    %get3A_1618 = arith.constant 51 : index
    %get3A_1619 = arith.constant 0 : index
    %get3A_1620 = arith.constant 0 : index
    %get3A_1621 = vector.load %arg12[%get3A_1618, %get3A_1619, %get3A_1620] : memref<200x20x32xf32, #tpu.memory_space<vmem>>, vector<1x20x32xf32>
    %get3A_1622 = vector.shape_cast %get3A_1621 : vector<1x20x32xf32> to vector<20x32xf32>
    %get3A_1623 = arith.constant 51 : index
    %get3A_1624 = arith.constant 0 : index
    %get3A_1625 = arith.constant 0 : index
    %get3A_1626 = vector.load %arg1[%get3A_1623, %get3A_1624, %get3A_1625] : memref<200x32x128xf32, #tpu.memory_space<vmem>>, vector<1x32x128xf32>
    %get3A_1627 = vector.shape_cast %get3A_1626 : vector<1x32x128xf32> to vector<32x128xf32>
    %dot_general3A_1628 = arith.constant dense<0.000000e+00> : vector<20x128xf32>
    %dot_general3A_1629 = tpu.matmul %get3A_1622, %get3A_1627, %dot_general3A_1628 {dimension_numbers = #tpu.dot_dimension_numbers<[1], [0], [0], [1], [0, 0, 1, 1], [], []>, transpose_lhs_hint = false} : vector<20x32xf32>, vector<32x128xf32>, vector<20x128xf32> -> vector<20x128xf32>
    %swap3A_1630 = arith.constant 51 : index
    %swap3A_1631 = arith.constant 0 : index
    %swap3A_1632 = arith.constant 0 : index
    %swap3A_1633 = vector.load %arg13[%swap3A_1630, %swap3A_1631, %swap3A_1632] : memref<200x20x128xf32, #tpu.memory_space<vmem>>, vector<1x20x128xf32>
    %swap3A_1634 = vector.shape_cast %swap3A_1633 : vector<1x20x128xf32> to vector<20x128xf32>
    %swap3A_1635 = vector.shape_cast %dot_general3A_1629 : vector<20x128xf32> to vector<1x20x128xf32>
    tpu.vector_store %arg13[%swap3A_1630, %swap3A_1631, %swap3A_1632], %swap3A_1635 {strides = array<i32>} : memref<200x20x128xf32, #tpu.memory_space<vmem>>, vector<1x20x128xf32>,
    %get3A_1636 = arith.constant 52 : index
    %get3A_1637 = arith.constant 0 : index
    %get3A_1638 = arith.constant 0 : index
    %get3A_1639 = vector.load %arg12[%get3A_1636, %get3A_1637, %get3A_1638] : memref<200x20x32xf32, #tpu.memory_space<vmem>>, vector<1x20x32xf32>
    %get3A_1640 = vector.shape_cast %get3A_1639 : vector<1x20x32xf32> to vector<20x32xf32>
    %get3A_1641 = arith.constant 52 : index
    %get3A_1642 = arith.constant 0 : index
    %get3A_1643 = arith.constant 0 : index
    %get3A_1644 = vector.load %arg1[%get3A_1641, %get3A_1642, %get3A_1643] : memref<200x32x128xf32, #tpu.memory_space<vmem>>, vector<1x32x128xf32>
    %get3A_1645 = vector.shape_cast %get3A_1644 : vector<1x32x128xf32> to vector<32x128xf32>
    %dot_general3A_1646 = arith.constant dense<0.000000e+00> : vector<20x128xf32>
    %dot_general3A_1647 = tpu.matmul %get3A_1640, %get3A_1645, %dot_general3A_1646 {dimension_numbers = #tpu.dot_dimension_numbers<[1], [0], [0], [1], [0, 0, 1, 1], [], []>, transpose_lhs_hint = false} : vector<20x32xf32>, vector<32x128xf32>, vector<20x128xf32> -> vector<20x128xf32>
    %swap3A_1648 = arith.constant 52 : index
    %swap3A_1649 = arith.constant 0 : index
    %swap3A_1650 = arith.constant 0 : index
    %swap3A_1651 = vector.load %arg13[%swap3A_1648, %swap3A_1649, %swap3A_1650] : memref<200x20x128xf32, #tpu.memory_space<vmem>>, vector<1x20x128xf32>
    %swap3A_1652 = vector.shape_cast %swap3A_1651 : vector<1x20x128xf32> to vector<20x128xf32>
    %swap3A_1653 = vector.shape_cast %dot_general3A_1647 : vector<20x128xf32> to vector<1x20x128xf32>
    tpu.vector_store %arg13[%swap3A_1648, %swap3A_1649, %swap3A_1650], %swap3A_1653 {strides = array<i32>} : memref<200x20x128xf32, #tpu.memory_space<vmem>>, vector<1x20x128xf32>,
    %get3A_1654 = arith.constant 53 : index
    %get3A_1655 = arith.constant 0 : index
    %get3A_1656 = arith.constant 0 : index
    %get3A_1657 = vector.load %arg12[%get3A_1654, %get3A_1655, %get3A_1656] : memref<200x20x32xf32, #tpu.memory_space<vmem>>, vector<1x20x32xf32>
    %get3A_1658 = vector.shape_cast %get3A_1657 : vector<1x20x32xf32> to vector<20x32xf32>
    %get3A_1659 = arith.constant 53 : index
    %get3A_1660 = arith.constant 0 : index
    %get3A_1661 = arith.constant 0 : index
    %get3A_1662 = vector.load %arg1[%get3A_1659, %get3A_1660, %get3A_1661] : memref<200x32x128xf32, #tpu.memory_space<vmem>>, vector<1x32x128xf32>
    %get3A_1663 = vector.shape_cast %get3A_1662 : vector<1x32x128xf32> to vector<32x128xf32>
    %dot_general3A_1664 = arith.constant dense<0.000000e+00> : vector<20x128xf32>
    %dot_general3A_1665 = tpu.matmul %get3A_1658, %get3A_1663, %dot_general3A_1664 {dimension_numbers = #tpu.dot_dimension_numbers<[1], [0], [0], [1], [0, 0, 1, 1], [], []>, transpose_lhs_hint = false} : vector<20x32xf32>, vector<32x128xf32>, vector<20x128xf32> -> vector<20x128xf32>
    %swap3A_1666 = arith.constant 53 : index
    %swap3A_1667 = arith.constant 0 : index
    %swap3A_1668 = arith.constant 0 : index
    %swap3A_1669 = vector.load %arg13[%swap3A_1666, %swap3A_1667, %swap3A_1668] : memref<200x20x128xf32, #tpu.memory_space<vmem>>, vector<1x20x128xf32>
    %swap3A_1670 = vector.shape_cast %swap3A_1669 : vector<1x20x128xf32> to vector<20x128xf32>
    %swap3A_1671 = vector.shape_cast %dot_general3A_1665 : vector<20x128xf32> to vector<1x20x128xf32>
    tpu.vector_store %arg13[%swap3A_1666, %swap3A_1667, %swap3A_1668], %swap3A_1671 {strides = array<i32>} : memref<200x20x128xf32, #tpu.memory_space<vmem>>, vector<1x20x128xf32>,
    %get3A_1672 = arith.constant 54 : index
    %get3A_1673 = arith.constant 0 : index
    %get3A_1674 = arith.constant 0 : index
    %get3A_1675 = vector.load %arg12[%get3A_1672, %get3A_1673, %get3A_1674] : memref<200x20x32xf32, #tpu.memory_space<vmem>>, vector<1x20x32xf32>
    %get3A_1676 = vector.shape_cast %get3A_1675 : vector<1x20x32xf32> to vector<20x32xf32>
    %get3A_1677 = arith.constant 54 : index
    %get3A_1678 = arith.constant 0 : index
    %get3A_1679 = arith.constant 0 : index
    %get3A_1680 = vector.load %arg1[%get3A_1677, %get3A_1678, %get3A_1679] : memref<200x32x128xf32, #tpu.memory_space<vmem>>, vector<1x32x128xf32>
    %get3A_1681 = vector.shape_cast %get3A_1680 : vector<1x32x128xf32> to vector<32x128xf32>
    %dot_general3A_1682 = arith.constant dense<0.000000e+00> : vector<20x128xf32>
    %dot_general3A_1683 = tpu.matmul %get3A_1676, %get3A_1681, %dot_general3A_1682 {dimension_numbers = #tpu.dot_dimension_numbers<[1], [0], [0], [1], [0, 0, 1, 1], [], []>, transpose_lhs_hint = false} : vector<20x32xf32>, vector<32x128xf32>, vector<20x128xf32> -> vector<20x128xf32>
    %swap3A_1684 = arith.constant 54 : index
    %swap3A_1685 = arith.constant 0 : index
    %swap3A_1686 = arith.constant 0 : index
    %swap3A_1687 = vector.load %arg13[%swap3A_1684, %swap3A_1685, %swap3A_1686] : memref<200x20x128xf32, #tpu.memory_space<vmem>>, vector<1x20x128xf32>
    %swap3A_1688 = vector.shape_cast %swap3A_1687 : vector<1x20x128xf32> to vector<20x128xf32>
    %swap3A_1689 = vector.shape_cast %dot_general3A_1683 : vector<20x128xf32> to vector<1x20x128xf32>
    tpu.vector_store %arg13[%swap3A_1684, %swap3A_1685, %swap3A_1686], %swap3A_1689 {strides = array<i32>} : memref<200x20x128xf32, #tpu.memory_space<vmem>>, vector<1x20x128xf32>,
    %get3A_1690 = arith.constant 55 : index
    %get3A_1691 = arith.constant 0 : index
    %get3A_1692 = arith.constant 0 : index
    %get3A_1693 = vector.load %arg12[%get3A_1690, %get3A_1691, %get3A_1692] : memref<200x20x32xf32, #tpu.memory_space<vmem>>, vector<1x20x32xf32>
    %get3A_1694 = vector.shape_cast %get3A_1693 : vector<1x20x32xf32> to vector<20x32xf32>
    %get3A_1695 = arith.constant 55 : index
    %get3A_1696 = arith.constant 0 : index
    %get3A_1697 = arith.constant 0 : index
    %get3A_1698 = vector.load %arg1[%get3A_1695, %get3A_1696, %get3A_1697] : memref<200x32x128xf32, #tpu.memory_space<vmem>>, vector<1x32x128xf32>
    %get3A_1699 = vector.shape_cast %get3A_1698 : vector<1x32x128xf32> to vector<32x128xf32>
    %dot_general3A_1700 = arith.constant dense<0.000000e+00> : vector<20x128xf32>
    %dot_general3A_1701 = tpu.matmul %get3A_1694, %get3A_1699, %dot_general3A_1700 {dimension_numbers = #tpu.dot_dimension_numbers<[1], [0], [0], [1], [0, 0, 1, 1], [], []>, transpose_lhs_hint = false} : vector<20x32xf32>, vector<32x128xf32>, vector<20x128xf32> -> vector<20x128xf32>
    %swap3A_1702 = arith.constant 55 : index
    %swap3A_1703 = arith.constant 0 : index
    %swap3A_1704 = arith.constant 0 : index
    %swap3A_1705 = vector.load %arg13[%swap3A_1702, %swap3A_1703, %swap3A_1704] : memref<200x20x128xf32, #tpu.memory_space<vmem>>, vector<1x20x128xf32>
    %swap3A_1706 = vector.shape_cast %swap3A_1705 : vector<1x20x128xf32> to vector<20x128xf32>
    %swap3A_1707 = vector.shape_cast %dot_general3A_1701 : vector<20x128xf32> to vector<1x20x128xf32>
    tpu.vector_store %arg13[%swap3A_1702, %swap3A_1703, %swap3A_1704], %swap3A_1707 {strides = array<i32>} : memref<200x20x128xf32, #tpu.memory_space<vmem>>, vector<1x20x128xf32>,
    %get3A_1708 = arith.constant 56 : index
    %get3A_1709 = arith.constant 0 : index
    %get3A_1710 = arith.constant 0 : index
    %get3A_1711 = vector.load %arg12[%get3A_1708, %get3A_1709, %get3A_1710] : memref<200x20x32xf32, #tpu.memory_space<vmem>>, vector<1x20x32xf32>
    %get3A_1712 = vector.shape_cast %get3A_1711 : vector<1x20x32xf32> to vector<20x32xf32>
    %get3A_1713 = arith.constant 56 : index
    %get3A_1714 = arith.constant 0 : index
    %get3A_1715 = arith.constant 0 : index
    %get3A_1716 = vector.load %arg1[%get3A_1713, %get3A_1714, %get3A_1715] : memref<200x32x128xf32, #tpu.memory_space<vmem>>, vector<1x32x128xf32>
    %get3A_1717 = vector.shape_cast %get3A_1716 : vector<1x32x128xf32> to vector<32x128xf32>
    %dot_general3A_1718 = arith.constant dense<0.000000e+00> : vector<20x128xf32>
    %dot_general3A_1719 = tpu.matmul %get3A_1712, %get3A_1717, %dot_general3A_1718 {dimension_numbers = #tpu.dot_dimension_numbers<[1], [0], [0], [1], [0, 0, 1, 1], [], []>, transpose_lhs_hint = false} : vector<20x32xf32>, vector<32x128xf32>, vector<20x128xf32> -> vector<20x128xf32>
    %swap3A_1720 = arith.constant 56 : index
    %swap3A_1721 = arith.constant 0 : index
    %swap3A_1722 = arith.constant 0 : index
    %swap3A_1723 = vector.load %arg13[%swap3A_1720, %swap3A_1721, %swap3A_1722] : memref<200x20x128xf32, #tpu.memory_space<vmem>>, vector<1x20x128xf32>
    %swap3A_1724 = vector.shape_cast %swap3A_1723 : vector<1x20x128xf32> to vector<20x128xf32>
    %swap3A_1725 = vector.shape_cast %dot_general3A_1719 : vector<20x128xf32> to vector<1x20x128xf32>
    tpu.vector_store %arg13[%swap3A_1720, %swap3A_1721, %swap3A_1722], %swap3A_1725 {strides = array<i32>} : memref<200x20x128xf32, #tpu.memory_space<vmem>>, vector<1x20x128xf32>,
    %get3A_1726 = arith.constant 57 : index
    %get3A_1727 = arith.constant 0 : index
    %get3A_1728 = arith.constant 0 : index
    %get3A_1729 = vector.load %arg12[%get3A_1726, %get3A_1727, %get3A_1728] : memref<200x20x32xf32, #tpu.memory_space<vmem>>, vector<1x20x32xf32>
    %get3A_1730 = vector.shape_cast %get3A_1729 : vector<1x20x32xf32> to vector<20x32xf32>
    %get3A_1731 = arith.constant 57 : index
    %get3A_1732 = arith.constant 0 : index
    %get3A_1733 = arith.constant 0 : index
    %get3A_1734 = vector.load %arg1[%get3A_1731, %get3A_1732, %get3A_1733] : memref<200x32x128xf32, #tpu.memory_space<vmem>>, vector<1x32x128xf32>
    %get3A_1735 = vector.shape_cast %get3A_1734 : vector<1x32x128xf32> to vector<32x128xf32>
    %dot_general3A_1736 = arith.constant dense<0.000000e+00> : vector<20x128xf32>
    %dot_general3A_1737 = tpu.matmul %get3A_1730, %get3A_1735, %dot_general3A_1736 {dimension_numbers = #tpu.dot_dimension_numbers<[1], [0], [0], [1], [0, 0, 1, 1], [], []>, transpose_lhs_hint = false} : vector<20x32xf32>, vector<32x128xf32>, vector<20x128xf32> -> vector<20x128xf32>
    %swap3A_1738 = arith.constant 57 : index
    %swap3A_1739 = arith.constant 0 : index
    %swap3A_1740 = arith.constant 0 : index
    %swap3A_1741 = vector.load %arg13[%swap3A_1738, %swap3A_1739, %swap3A_1740] : memref<200x20x128xf32, #tpu.memory_space<vmem>>, vector<1x20x128xf32>
    %swap3A_1742 = vector.shape_cast %swap3A_1741 : vector<1x20x128xf32> to vector<20x128xf32>
    %swap3A_1743 = vector.shape_cast %dot_general3A_1737 : vector<20x128xf32> to vector<1x20x128xf32>
    tpu.vector_store %arg13[%swap3A_1738, %swap3A_1739, %swap3A_1740], %swap3A_1743 {strides = array<i32>} : memref<200x20x128xf32, #tpu.memory_space<vmem>>, vector<1x20x128xf32>,
    %get3A_1744 = arith.constant 58 : index
    %get3A_1745 = arith.constant 0 : index
    %get3A_1746 = arith.constant 0 : index
    %get3A_1747 = vector.load %arg12[%get3A_1744, %get3A_1745, %get3A_1746] : memref<200x20x32xf32, #tpu.memory_space<vmem>>, vector<1x20x32xf32>
    %get3A_1748 = vector.shape_cast %get3A_1747 : vector<1x20x32xf32> to vector<20x32xf32>
    %get3A_1749 = arith.constant 58 : index
    %get3A_1750 = arith.constant 0 : index
    %get3A_1751 = arith.constant 0 : index
    %get3A_1752 = vector.load %arg1[%get3A_1749, %get3A_1750, %get3A_1751] : memref<200x32x128xf32, #tpu.memory_space<vmem>>, vector<1x32x128xf32>
    %get3A_1753 = vector.shape_cast %get3A_1752 : vector<1x32x128xf32> to vector<32x128xf32>
    %dot_general3A_1754 = arith.constant dense<0.000000e+00> : vector<20x128xf32>
    %dot_general3A_1755 = tpu.matmul %get3A_1748, %get3A_1753, %dot_general3A_1754 {dimension_numbers = #tpu.dot_dimension_numbers<[1], [0], [0], [1], [0, 0, 1, 1], [], []>, transpose_lhs_hint = false} : vector<20x32xf32>, vector<32x128xf32>, vector<20x128xf32> -> vector<20x128xf32>
    %swap3A_1756 = arith.constant 58 : index
    %swap3A_1757 = arith.constant 0 : index
    %swap3A_1758 = arith.constant 0 : index
    %swap3A_1759 = vector.load %arg13[%swap3A_1756, %swap3A_1757, %swap3A_1758] : memref<200x20x128xf32, #tpu.memory_space<vmem>>, vector<1x20x128xf32>
    %swap3A_1760 = vector.shape_cast %swap3A_1759 : vector<1x20x128xf32> to vector<20x128xf32>
    %swap3A_1761 = vector.shape_cast %dot_general3A_1755 : vector<20x128xf32> to vector<1x20x128xf32>
    tpu.vector_store %arg13[%swap3A_1756, %swap3A_1757, %swap3A_1758], %swap3A_1761 {strides = array<i32>} : memref<200x20x128xf32, #tpu.memory_space<vmem>>, vector<1x20x128xf32>,
    %get3A_1762 = arith.constant 59 : index
    %get3A_1763 = arith.constant 0 : index
    %get3A_1764 = arith.constant 0 : index
    %get3A_1765 = vector.load %arg12[%get3A_1762, %get3A_1763, %get3A_1764] : memref<200x20x32xf32, #tpu.memory_space<vmem>>, vector<1x20x32xf32>
    %get3A_1766 = vector.shape_cast %get3A_1765 : vector<1x20x32xf32> to vector<20x32xf32>
    %get3A_1767 = arith.constant 59 : index
    %get3A_1768 = arith.constant 0 : index
    %get3A_1769 = arith.constant 0 : index
    %get3A_1770 = vector.load %arg1[%get3A_1767, %get3A_1768, %get3A_1769] : memref<200x32x128xf32, #tpu.memory_space<vmem>>, vector<1x32x128xf32>
    %get3A_1771 = vector.shape_cast %get3A_1770 : vector<1x32x128xf32> to vector<32x128xf32>
    %dot_general3A_1772 = arith.constant dense<0.000000e+00> : vector<20x128xf32>
    %dot_general3A_1773 = tpu.matmul %get3A_1766, %get3A_1771, %dot_general3A_1772 {dimension_numbers = #tpu.dot_dimension_numbers<[1], [0], [0], [1], [0, 0, 1, 1], [], []>, transpose_lhs_hint = false} : vector<20x32xf32>, vector<32x128xf32>, vector<20x128xf32> -> vector<20x128xf32>
    %swap3A_1774 = arith.constant 59 : index
    %swap3A_1775 = arith.constant 0 : index
    %swap3A_1776 = arith.constant 0 : index
    %swap3A_1777 = vector.load %arg13[%swap3A_1774, %swap3A_1775, %swap3A_1776] : memref<200x20x128xf32, #tpu.memory_space<vmem>>, vector<1x20x128xf32>
    %swap3A_1778 = vector.shape_cast %swap3A_1777 : vector<1x20x128xf32> to vector<20x128xf32>
    %swap3A_1779 = vector.shape_cast %dot_general3A_1773 : vector<20x128xf32> to vector<1x20x128xf32>
    tpu.vector_store %arg13[%swap3A_1774, %swap3A_1775, %swap3A_1776], %swap3A_1779 {strides = array<i32>} : memref<200x20x128xf32, #tpu.memory_space<vmem>>, vector<1x20x128xf32>,
    %get3A_1780 = arith.constant 60 : index
    %get3A_1781 = arith.constant 0 : index
    %get3A_1782 = arith.constant 0 : index
    %get3A_1783 = vector.load %arg12[%get3A_1780, %get3A_1781, %get3A_1782] : memref<200x20x32xf32, #tpu.memory_space<vmem>>, vector<1x20x32xf32>
    %get3A_1784 = vector.shape_cast %get3A_1783 : vector<1x20x32xf32> to vector<20x32xf32>
    %get3A_1785 = arith.constant 60 : index
    %get3A_1786 = arith.constant 0 : index
    %get3A_1787 = arith.constant 0 : index
    %get3A_1788 = vector.load %arg1[%get3A_1785, %get3A_1786, %get3A_1787] : memref<200x32x128xf32, #tpu.memory_space<vmem>>, vector<1x32x128xf32>
    %get3A_1789 = vector.shape_cast %get3A_1788 : vector<1x32x128xf32> to vector<32x128xf32>
    %dot_general3A_1790 = arith.constant dense<0.000000e+00> : vector<20x128xf32>
    %dot_general3A_1791 = tpu.matmul %get3A_1784, %get3A_1789, %dot_general3A_1790 {dimension_numbers = #tpu.dot_dimension_numbers<[1], [0], [0], [1], [0, 0, 1, 1], [], []>, transpose_lhs_hint = false} : vector<20x32xf32>, vector<32x128xf32>, vector<20x128xf32> -> vector<20x128xf32>
    %swap3A_1792 = arith.constant 60 : index
    %swap3A_1793 = arith.constant 0 : index
    %swap3A_1794 = arith.constant 0 : index
    %swap3A_1795 = vector.load %arg13[%swap3A_1792, %swap3A_1793, %swap3A_1794] : memref<200x20x128xf32, #tpu.memory_space<vmem>>, vector<1x20x128xf32>
    %swap3A_1796 = vector.shape_cast %swap3A_1795 : vector<1x20x128xf32> to vector<20x128xf32>
    %swap3A_1797 = vector.shape_cast %dot_general3A_1791 : vector<20x128xf32> to vector<1x20x128xf32>
    tpu.vector_store %arg13[%swap3A_1792, %swap3A_1793, %swap3A_1794], %swap3A_1797 {strides = array<i32>} : memref<200x20x128xf32, #tpu.memory_space<vmem>>, vector<1x20x128xf32>,
    %get3A_1798 = arith.constant 61 : index
    %get3A_1799 = arith.constant 0 : index
    %get3A_1800 = arith.constant 0 : index
    %get3A_1801 = vector.load %arg12[%get3A_1798, %get3A_1799, %get3A_1800] : memref<200x20x32xf32, #tpu.memory_space<vmem>>, vector<1x20x32xf32>
    %get3A_1802 = vector.shape_cast %get3A_1801 : vector<1x20x32xf32> to vector<20x32xf32>
    %get3A_1803 = arith.constant 61 : index
    %get3A_1804 = arith.constant 0 : index
    %get3A_1805 = arith.constant 0 : index
    %get3A_1806 = vector.load %arg1[%get3A_1803, %get3A_1804, %get3A_1805] : memref<200x32x128xf32, #tpu.memory_space<vmem>>, vector<1x32x128xf32>
    %get3A_1807 = vector.shape_cast %get3A_1806 : vector<1x32x128xf32> to vector<32x128xf32>
    %dot_general3A_1808 = arith.constant dense<0.000000e+00> : vector<20x128xf32>
    %dot_general3A_1809 = tpu.matmul %get3A_1802, %get3A_1807, %dot_general3A_1808 {dimension_numbers = #tpu.dot_dimension_numbers<[1], [0], [0], [1], [0, 0, 1, 1], [], []>, transpose_lhs_hint = false} : vector<20x32xf32>, vector<32x128xf32>, vector<20x128xf32> -> vector<20x128xf32>
    %swap3A_1810 = arith.constant 61 : index
    %swap3A_1811 = arith.constant 0 : index
    %swap3A_1812 = arith.constant 0 : index
    %swap3A_1813 = vector.load %arg13[%swap3A_1810, %swap3A_1811, %swap3A_1812] : memref<200x20x128xf32, #tpu.memory_space<vmem>>, vector<1x20x128xf32>
    %swap3A_1814 = vector.shape_cast %swap3A_1813 : vector<1x20x128xf32> to vector<20x128xf32>
    %swap3A_1815 = vector.shape_cast %dot_general3A_1809 : vector<20x128xf32> to vector<1x20x128xf32>
    tpu.vector_store %arg13[%swap3A_1810, %swap3A_1811, %swap3A_1812], %swap3A_1815 {strides = array<i32>} : memref<200x20x128xf32, #tpu.memory_space<vmem>>, vector<1x20x128xf32>,
    %get3A_1816 = arith.constant 62 : index
    %get3A_1817 = arith.constant 0 : index
    %get3A_1818 = arith.constant 0 : index
    %get3A_1819 = vector.load %arg12[%get3A_1816, %get3A_1817, %get3A_1818] : memref<200x20x32xf32, #tpu.memory_space<vmem>>, vector<1x20x32xf32>
    %get3A_1820 = vector.shape_cast %get3A_1819 : vector<1x20x32xf32> to vector<20x32xf32>
    %get3A_1821 = arith.constant 62 : index
    %get3A_1822 = arith.constant 0 : index
    %get3A_1823 = arith.constant 0 : index
    %get3A_1824 = vector.load %arg1[%get3A_1821, %get3A_1822, %get3A_1823] : memref<200x32x128xf32, #tpu.memory_space<vmem>>, vector<1x32x128xf32>
    %get3A_1825 = vector.shape_cast %get3A_1824 : vector<1x32x128xf32> to vector<32x128xf32>
    %dot_general3A_1826 = arith.constant dense<0.000000e+00> : vector<20x128xf32>
    %dot_general3A_1827 = tpu.matmul %get3A_1820, %get3A_1825, %dot_general3A_1826 {dimension_numbers = #tpu.dot_dimension_numbers<[1], [0], [0], [1], [0, 0, 1, 1], [], []>, transpose_lhs_hint = false} : vector<20x32xf32>, vector<32x128xf32>, vector<20x128xf32> -> vector<20x128xf32>
    %swap3A_1828 = arith.constant 62 : index
    %swap3A_1829 = arith.constant 0 : index
    %swap3A_1830 = arith.constant 0 : index
    %swap3A_1831 = vector.load %arg13[%swap3A_1828, %swap3A_1829, %swap3A_1830] : memref<200x20x128xf32, #tpu.memory_space<vmem>>, vector<1x20x128xf32>
    %swap3A_1832 = vector.shape_cast %swap3A_1831 : vector<1x20x128xf32> to vector<20x128xf32>
    %swap3A_1833 = vector.shape_cast %dot_general3A_1827 : vector<20x128xf32> to vector<1x20x128xf32>
    tpu.vector_store %arg13[%swap3A_1828, %swap3A_1829, %swap3A_1830], %swap3A_1833 {strides = array<i32>} : memref<200x20x128xf32, #tpu.memory_space<vmem>>, vector<1x20x128xf32>,
    %get3A_1834 = arith.constant 63 : index
    %get3A_1835 = arith.constant 0 : index
    %get3A_1836 = arith.constant 0 : index
    %get3A_1837 = vector.load %arg12[%get3A_1834, %get3A_1835, %get3A_1836] : memref<200x20x32xf32, #tpu.memory_space<vmem>>, vector<1x20x32xf32>
    %get3A_1838 = vector.shape_cast %get3A_1837 : vector<1x20x32xf32> to vector<20x32xf32>
    %get3A_1839 = arith.constant 63 : index
    %get3A_1840 = arith.constant 0 : index
    %get3A_1841 = arith.constant 0 : index
    %get3A_1842 = vector.load %arg1[%get3A_1839, %get3A_1840, %get3A_1841] : memref<200x32x128xf32, #tpu.memory_space<vmem>>, vector<1x32x128xf32>
    %get3A_1843 = vector.shape_cast %get3A_1842 : vector<1x32x128xf32> to vector<32x128xf32>
    %dot_general3A_1844 = arith.constant dense<0.000000e+00> : vector<20x128xf32>
    %dot_general3A_1845 = tpu.matmul %get3A_1838, %get3A_1843, %dot_general3A_1844 {dimension_numbers = #tpu.dot_dimension_numbers<[1], [0], [0], [1], [0, 0, 1, 1], [], []>, transpose_lhs_hint = false} : vector<20x32xf32>, vector<32x128xf32>, vector<20x128xf32> -> vector<20x128xf32>
    %swap3A_1846 = arith.constant 63 : index
    %swap3A_1847 = arith.constant 0 : index
    %swap3A_1848 = arith.constant 0 : index
    %swap3A_1849 = vector.load %arg13[%swap3A_1846, %swap3A_1847, %swap3A_1848] : memref<200x20x128xf32, #tpu.memory_space<vmem>>, vector<1x20x128xf32>
    %swap3A_1850 = vector.shape_cast %swap3A_1849 : vector<1x20x128xf32> to vector<20x128xf32>
    %swap3A_1851 = vector.shape_cast %dot_general3A_1845 : vector<20x128xf32> to vector<1x20x128xf32>
    tpu.vector_store %arg13[%swap3A_1846, %swap3A_1847, %swap3A_1848], %swap3A_1851 {strides = array<i32>} : memref<200x20x128xf32, #tpu.memory_space<vmem>>, vector<1x20x128xf32>,
    %get3A_1852 = arith.constant 64 : index
    %get3A_1853 = arith.constant 0 : index
    %get3A_1854 = arith.constant 0 : index
    %get3A_1855 = vector.load %arg12[%get3A_1852, %get3A_1853, %get3A_1854] : memref<200x20x32xf32, #tpu.memory_space<vmem>>, vector<1x20x32xf32>
    %get3A_1856 = vector.shape_cast %get3A_1855 : vector<1x20x32xf32> to vector<20x32xf32>
    %get3A_1857 = arith.constant 64 : index
    %get3A_1858 = arith.constant 0 : index
    %get3A_1859 = arith.constant 0 : index
    %get3A_1860 = vector.load %arg1[%get3A_1857, %get3A_1858, %get3A_1859] : memref<200x32x128xf32, #tpu.memory_space<vmem>>, vector<1x32x128xf32>
    %get3A_1861 = vector.shape_cast %get3A_1860 : vector<1x32x128xf32> to vector<32x128xf32>
    %dot_general3A_1862 = arith.constant dense<0.000000e+00> : vector<20x128xf32>
    %dot_general3A_1863 = tpu.matmul %get3A_1856, %get3A_1861, %dot_general3A_1862 {dimension_numbers = #tpu.dot_dimension_numbers<[1], [0], [0], [1], [0, 0, 1, 1], [], []>, transpose_lhs_hint = false} : vector<20x32xf32>, vector<32x128xf32>, vector<20x128xf32> -> vector<20x128xf32>
    %swap3A_1864 = arith.constant 64 : index
    %swap3A_1865 = arith.constant 0 : index
    %swap3A_1866 = arith.constant 0 : index
    %swap3A_1867 = vector.load %arg13[%swap3A_1864, %swap3A_1865, %swap3A_1866] : memref<200x20x128xf32, #tpu.memory_space<vmem>>, vector<1x20x128xf32>
    %swap3A_1868 = vector.shape_cast %swap3A_1867 : vector<1x20x128xf32> to vector<20x128xf32>
    %swap3A_1869 = vector.shape_cast %dot_general3A_1863 : vector<20x128xf32> to vector<1x20x128xf32>
    tpu.vector_store %arg13[%swap3A_1864, %swap3A_1865, %swap3A_1866], %swap3A_1869 {strides = array<i32>} : memref<200x20x128xf32, #tpu.memory_space<vmem>>, vector<1x20x128xf32>,
    %get3A_1870 = arith.constant 65 : index
    %get3A_1871 = arith.constant 0 : index
    %get3A_1872 = arith.constant 0 : index
    %get3A_1873 = vector.load %arg12[%get3A_1870, %get3A_1871, %get3A_1872] : memref<200x20x32xf32, #tpu.memory_space<vmem>>, vector<1x20x32xf32>
    %get3A_1874 = vector.shape_cast %get3A_1873 : vector<1x20x32xf32> to vector<20x32xf32>
    %get3A_1875 = arith.constant 65 : index
    %get3A_1876 = arith.constant 0 : index
    %get3A_1877 = arith.constant 0 : index
    %get3A_1878 = vector.load %arg1[%get3A_1875, %get3A_1876, %get3A_1877] : memref<200x32x128xf32, #tpu.memory_space<vmem>>, vector<1x32x128xf32>
    %get3A_1879 = vector.shape_cast %get3A_1878 : vector<1x32x128xf32> to vector<32x128xf32>
    %dot_general3A_1880 = arith.constant dense<0.000000e+00> : vector<20x128xf32>
    %dot_general3A_1881 = tpu.matmul %get3A_1874, %get3A_1879, %dot_general3A_1880 {dimension_numbers = #tpu.dot_dimension_numbers<[1], [0], [0], [1], [0, 0, 1, 1], [], []>, transpose_lhs_hint = false} : vector<20x32xf32>, vector<32x128xf32>, vector<20x128xf32> -> vector<20x128xf32>
    %swap3A_1882 = arith.constant 65 : index
    %swap3A_1883 = arith.constant 0 : index
    %swap3A_1884 = arith.constant 0 : index
    %swap3A_1885 = vector.load %arg13[%swap3A_1882, %swap3A_1883, %swap3A_1884] : memref<200x20x128xf32, #tpu.memory_space<vmem>>, vector<1x20x128xf32>
    %swap3A_1886 = vector.shape_cast %swap3A_1885 : vector<1x20x128xf32> to vector<20x128xf32>
    %swap3A_1887 = vector.shape_cast %dot_general3A_1881 : vector<20x128xf32> to vector<1x20x128xf32>
    tpu.vector_store %arg13[%swap3A_1882, %swap3A_1883, %swap3A_1884], %swap3A_1887 {strides = array<i32>} : memref<200x20x128xf32, #tpu.memory_space<vmem>>, vector<1x20x128xf32>,
    %get3A_1888 = arith.constant 66 : index
    %get3A_1889 = arith.constant 0 : index
    %get3A_1890 = arith.constant 0 : index
    %get3A_1891 = vector.load %arg12[%get3A_1888, %get3A_1889, %get3A_1890] : memref<200x20x32xf32, #tpu.memory_space<vmem>>, vector<1x20x32xf32>
    %get3A_1892 = vector.shape_cast %get3A_1891 : vector<1x20x32xf32> to vector<20x32xf32>
    %get3A_1893 = arith.constant 66 : index
    %get3A_1894 = arith.constant 0 : index
    %get3A_1895 = arith.constant 0 : index
    %get3A_1896 = vector.load %arg1[%get3A_1893, %get3A_1894, %get3A_1895] : memref<200x32x128xf32, #tpu.memory_space<vmem>>, vector<1x32x128xf32>
    %get3A_1897 = vector.shape_cast %get3A_1896 : vector<1x32x128xf32> to vector<32x128xf32>
    %dot_general3A_1898 = arith.constant dense<0.000000e+00> : vector<20x128xf32>
    %dot_general3A_1899 = tpu.matmul %get3A_1892, %get3A_1897, %dot_general3A_1898 {dimension_numbers = #tpu.dot_dimension_numbers<[1], [0], [0], [1], [0, 0, 1, 1], [], []>, transpose_lhs_hint = false} : vector<20x32xf32>, vector<32x128xf32>, vector<20x128xf32> -> vector<20x128xf32>
    %swap3A_1900 = arith.constant 66 : index
    %swap3A_1901 = arith.constant 0 : index
    %swap3A_1902 = arith.constant 0 : index
    %swap3A_1903 = vector.load %arg13[%swap3A_1900, %swap3A_1901, %swap3A_1902] : memref<200x20x128xf32, #tpu.memory_space<vmem>>, vector<1x20x128xf32>
    %swap3A_1904 = vector.shape_cast %swap3A_1903 : vector<1x20x128xf32> to vector<20x128xf32>
    %swap3A_1905 = vector.shape_cast %dot_general3A_1899 : vector<20x128xf32> to vector<1x20x128xf32>
    tpu.vector_store %arg13[%swap3A_1900, %swap3A_1901, %swap3A_1902], %swap3A_1905 {strides = array<i32>} : memref<200x20x128xf32, #tpu.memory_space<vmem>>, vector<1x20x128xf32>,
    %get3A_1906 = arith.constant 67 : index
    %get3A_1907 = arith.constant 0 : index
    %get3A_1908 = arith.constant 0 : index
    %get3A_1909 = vector.load %arg12[%get3A_1906, %get3A_1907, %get3A_1908] : memref<200x20x32xf32, #tpu.memory_space<vmem>>, vector<1x20x32xf32>
    %get3A_1910 = vector.shape_cast %get3A_1909 : vector<1x20x32xf32> to vector<20x32xf32>
    %get3A_1911 = arith.constant 67 : index
    %get3A_1912 = arith.constant 0 : index
    %get3A_1913 = arith.constant 0 : index
    %get3A_1914 = vector.load %arg1[%get3A_1911, %get3A_1912, %get3A_1913] : memref<200x32x128xf32, #tpu.memory_space<vmem>>, vector<1x32x128xf32>
    %get3A_1915 = vector.shape_cast %get3A_1914 : vector<1x32x128xf32> to vector<32x128xf32>
    %dot_general3A_1916 = arith.constant dense<0.000000e+00> : vector<20x128xf32>
    %dot_general3A_1917 = tpu.matmul %get3A_1910, %get3A_1915, %dot_general3A_1916 {dimension_numbers = #tpu.dot_dimension_numbers<[1], [0], [0], [1], [0, 0, 1, 1], [], []>, transpose_lhs_hint = false} : vector<20x32xf32>, vector<32x128xf32>, vector<20x128xf32> -> vector<20x128xf32>
    %swap3A_1918 = arith.constant 67 : index
    %swap3A_1919 = arith.constant 0 : index
    %swap3A_1920 = arith.constant 0 : index
    %swap3A_1921 = vector.load %arg13[%swap3A_1918, %swap3A_1919, %swap3A_1920] : memref<200x20x128xf32, #tpu.memory_space<vmem>>, vector<1x20x128xf32>
    %swap3A_1922 = vector.shape_cast %swap3A_1921 : vector<1x20x128xf32> to vector<20x128xf32>
    %swap3A_1923 = vector.shape_cast %dot_general3A_1917 : vector<20x128xf32> to vector<1x20x128xf32>
    tpu.vector_store %arg13[%swap3A_1918, %swap3A_1919, %swap3A_1920], %swap3A_1923 {strides = array<i32>} : memref<200x20x128xf32, #tpu.memory_space<vmem>>, vector<1x20x128xf32>,
    %get3A_1924 = arith.constant 68 : index
    %get3A_1925 = arith.constant 0 : index
    %get3A_1926 = arith.constant 0 : index
    %get3A_1927 = vector.load %arg12[%get3A_1924, %get3A_1925, %get3A_1926] : memref<200x20x32xf32, #tpu.memory_space<vmem>>, vector<1x20x32xf32>
    %get3A_1928 = vector.shape_cast %get3A_1927 : vector<1x20x32xf32> to vector<20x32xf32>
    %get3A_1929 = arith.constant 68 : index
    %get3A_1930 = arith.constant 0 : index
    %get3A_1931 = arith.constant 0 : index
    %get3A_1932 = vector.load %arg1[%get3A_1929, %get3A_1930, %get3A_1931] : memref<200x32x128xf32, #tpu.memory_space<vmem>>, vector<1x32x128xf32>
    %get3A_1933 = vector.shape_cast %get3A_1932 : vector<1x32x128xf32> to vector<32x128xf32>
    %dot_general3A_1934 = arith.constant dense<0.000000e+00> : vector<20x128xf32>
    %dot_general3A_1935 = tpu.matmul %get3A_1928, %get3A_1933, %dot_general3A_1934 {dimension_numbers = #tpu.dot_dimension_numbers<[1], [0], [0], [1], [0, 0, 1, 1], [], []>, transpose_lhs_hint = false} : vector<20x32xf32>, vector<32x128xf32>, vector<20x128xf32> -> vector<20x128xf32>
    %swap3A_1936 = arith.constant 68 : index
    %swap3A_1937 = arith.constant 0 : index
    %swap3A_1938 = arith.constant 0 : index
    %swap3A_1939 = vector.load %arg13[%swap3A_1936, %swap3A_1937, %swap3A_1938] : memref<200x20x128xf32, #tpu.memory_space<vmem>>, vector<1x20x128xf32>
    %swap3A_1940 = vector.shape_cast %swap3A_1939 : vector<1x20x128xf32> to vector<20x128xf32>
    %swap3A_1941 = vector.shape_cast %dot_general3A_1935 : vector<20x128xf32> to vector<1x20x128xf32>
    tpu.vector_store %arg13[%swap3A_1936, %swap3A_1937, %swap3A_1938], %swap3A_1941 {strides = array<i32>} : memref<200x20x128xf32, #tpu.memory_space<vmem>>, vector<1x20x128xf32>,
    %get3A_1942 = arith.constant 69 : index
    %get3A_1943 = arith.constant 0 : index
    %get3A_1944 = arith.constant 0 : index
    %get3A_1945 = vector.load %arg12[%get3A_1942, %get3A_1943, %get3A_1944] : memref<200x20x32xf32, #tpu.memory_space<vmem>>, vector<1x20x32xf32>
    %get3A_1946 = vector.shape_cast %get3A_1945 : vector<1x20x32xf32> to vector<20x32xf32>
    %get3A_1947 = arith.constant 69 : index
    %get3A_1948 = arith.constant 0 : index
    %get3A_1949 = arith.constant 0 : index
    %get3A_1950 = vector.load %arg1[%get3A_1947, %get3A_1948, %get3A_1949] : memref<200x32x128xf32, #tpu.memory_space<vmem>>, vector<1x32x128xf32>
    %get3A_1951 = vector.shape_cast %get3A_1950 : vector<1x32x128xf32> to vector<32x128xf32>
    %dot_general3A_1952 = arith.constant dense<0.000000e+00> : vector<20x128xf32>
    %dot_general3A_1953 = tpu.matmul %get3A_1946, %get3A_1951, %dot_general3A_1952 {dimension_numbers = #tpu.dot_dimension_numbers<[1], [0], [0], [1], [0, 0, 1, 1], [], []>, transpose_lhs_hint = false} : vector<20x32xf32>, vector<32x128xf32>, vector<20x128xf32> -> vector<20x128xf32>
    %swap3A_1954 = arith.constant 69 : index
    %swap3A_1955 = arith.constant 0 : index
    %swap3A_1956 = arith.constant 0 : index
    %swap3A_1957 = vector.load %arg13[%swap3A_1954, %swap3A_1955, %swap3A_1956] : memref<200x20x128xf32, #tpu.memory_space<vmem>>, vector<1x20x128xf32>
    %swap3A_1958 = vector.shape_cast %swap3A_1957 : vector<1x20x128xf32> to vector<20x128xf32>
    %swap3A_1959 = vector.shape_cast %dot_general3A_1953 : vector<20x128xf32> to vector<1x20x128xf32>
    tpu.vector_store %arg13[%swap3A_1954, %swap3A_1955, %swap3A_1956], %swap3A_1959 {strides = array<i32>} : memref<200x20x128xf32, #tpu.memory_space<vmem>>, vector<1x20x128xf32>,
    %get3A_1960 = arith.constant 70 : index
    %get3A_1961 = arith.constant 0 : index
    %get3A_1962 = arith.constant 0 : index
    %get3A_1963 = vector.load %arg12[%get3A_1960, %get3A_1961, %get3A_1962] : memref<200x20x32xf32, #tpu.memory_space<vmem>>, vector<1x20x32xf32>
    %get3A_1964 = vector.shape_cast %get3A_1963 : vector<1x20x32xf32> to vector<20x32xf32>
    %get3A_1965 = arith.constant 70 : index
    %get3A_1966 = arith.constant 0 : index
    %get3A_1967 = arith.constant 0 : index
    %get3A_1968 = vector.load %arg1[%get3A_1965, %get3A_1966, %get3A_1967] : memref<200x32x128xf32, #tpu.memory_space<vmem>>, vector<1x32x128xf32>
    %get3A_1969 = vector.shape_cast %get3A_1968 : vector<1x32x128xf32> to vector<32x128xf32>
    %dot_general3A_1970 = arith.constant dense<0.000000e+00> : vector<20x128xf32>
    %dot_general3A_1971 = tpu.matmul %get3A_1964, %get3A_1969, %dot_general3A_1970 {dimension_numbers = #tpu.dot_dimension_numbers<[1], [0], [0], [1], [0, 0, 1, 1], [], []>, transpose_lhs_hint = false} : vector<20x32xf32>, vector<32x128xf32>, vector<20x128xf32> -> vector<20x128xf32>
    %swap3A_1972 = arith.constant 70 : index
    %swap3A_1973 = arith.constant 0 : index
    %swap3A_1974 = arith.constant 0 : index
    %swap3A_1975 = vector.load %arg13[%swap3A_1972, %swap3A_1973, %swap3A_1974] : memref<200x20x128xf32, #tpu.memory_space<vmem>>, vector<1x20x128xf32>
    %swap3A_1976 = vector.shape_cast %swap3A_1975 : vector<1x20x128xf32> to vector<20x128xf32>
    %swap3A_1977 = vector.shape_cast %dot_general3A_1971 : vector<20x128xf32> to vector<1x20x128xf32>
    tpu.vector_store %arg13[%swap3A_1972, %swap3A_1973, %swap3A_1974], %swap3A_1977 {strides = array<i32>} : memref<200x20x128xf32, #tpu.memory_space<vmem>>, vector<1x20x128xf32>,
    %get3A_1978 = arith.constant 71 : index
    %get3A_1979 = arith.constant 0 : index
    %get3A_1980 = arith.constant 0 : index
    %get3A_1981 = vector.load %arg12[%get3A_1978, %get3A_1979, %get3A_1980] : memref<200x20x32xf32, #tpu.memory_space<vmem>>, vector<1x20x32xf32>
    %get3A_1982 = vector.shape_cast %get3A_1981 : vector<1x20x32xf32> to vector<20x32xf32>
    %get3A_1983 = arith.constant 71 : index
    %get3A_1984 = arith.constant 0 : index
    %get3A_1985 = arith.constant 0 : index
    %get3A_1986 = vector.load %arg1[%get3A_1983, %get3A_1984, %get3A_1985] : memref<200x32x128xf32, #tpu.memory_space<vmem>>, vector<1x32x128xf32>
    %get3A_1987 = vector.shape_cast %get3A_1986 : vector<1x32x128xf32> to vector<32x128xf32>
    %dot_general3A_1988 = arith.constant dense<0.000000e+00> : vector<20x128xf32>
    %dot_general3A_1989 = tpu.matmul %get3A_1982, %get3A_1987, %dot_general3A_1988 {dimension_numbers = #tpu.dot_dimension_numbers<[1], [0], [0], [1], [0, 0, 1, 1], [], []>, transpose_lhs_hint = false} : vector<20x32xf32>, vector<32x128xf32>, vector<20x128xf32> -> vector<20x128xf32>
    %swap3A_1990 = arith.constant 71 : index
    %swap3A_1991 = arith.constant 0 : index
    %swap3A_1992 = arith.constant 0 : index
    %swap3A_1993 = vector.load %arg13[%swap3A_1990, %swap3A_1991, %swap3A_1992] : memref<200x20x128xf32, #tpu.memory_space<vmem>>, vector<1x20x128xf32>
    %swap3A_1994 = vector.shape_cast %swap3A_1993 : vector<1x20x128xf32> to vector<20x128xf32>
    %swap3A_1995 = vector.shape_cast %dot_general3A_1989 : vector<20x128xf32> to vector<1x20x128xf32>
    tpu.vector_store %arg13[%swap3A_1990, %swap3A_1991, %swap3A_1992], %swap3A_1995 {strides = array<i32>} : memref<200x20x128xf32, #tpu.memory_space<vmem>>, vector<1x20x128xf32>,
    %get3A_1996 = arith.constant 72 : index
    %get3A_1997 = arith.constant 0 : index
    %get3A_1998 = arith.constant 0 : index
    %get3A_1999 = vector.load %arg12[%get3A_1996, %get3A_1997, %get3A_1998] : memref<200x20x32xf32, #tpu.memory_space<vmem>>, vector<1x20x32xf32>
    %get3A_2000 = vector.shape_cast %get3A_1999 : vector<1x20x32xf32> to vector<20x32xf32>
    %get3A_2001 = arith.constant 72 : index
    %get3A_2002 = arith.constant 0 : index
    %get3A_2003 = arith.constant 0 : index
    %get3A_2004 = vector.load %arg1[%get3A_2001, %get3A_2002, %get3A_2003] : memref<200x32x128xf32, #tpu.memory_space<vmem>>, vector<1x32x128xf32>
    %get3A_2005 = vector.shape_cast %get3A_2004 : vector<1x32x128xf32> to vector<32x128xf32>
    %dot_general3A_2006 = arith.constant dense<0.000000e+00> : vector<20x128xf32>
    %dot_general3A_2007 = tpu.matmul %get3A_2000, %get3A_2005, %dot_general3A_2006 {dimension_numbers = #tpu.dot_dimension_numbers<[1], [0], [0], [1], [0, 0, 1, 1], [], []>, transpose_lhs_hint = false} : vector<20x32xf32>, vector<32x128xf32>, vector<20x128xf32> -> vector<20x128xf32>
    %swap3A_2008 = arith.constant 72 : index
    %swap3A_2009 = arith.constant 0 : index
    %swap3A_2010 = arith.constant 0 : index
    %swap3A_2011 = vector.load %arg13[%swap3A_2008, %swap3A_2009, %swap3A_2010] : memref<200x20x128xf32, #tpu.memory_space<vmem>>, vector<1x20x128xf32>
    %swap3A_2012 = vector.shape_cast %swap3A_2011 : vector<1x20x128xf32> to vector<20x128xf32>
    %swap3A_2013 = vector.shape_cast %dot_general3A_2007 : vector<20x128xf32> to vector<1x20x128xf32>
    tpu.vector_store %arg13[%swap3A_2008, %swap3A_2009, %swap3A_2010], %swap3A_2013 {strides = array<i32>} : memref<200x20x128xf32, #tpu.memory_space<vmem>>, vector<1x20x128xf32>,
    %get3A_2014 = arith.constant 73 : index
    %get3A_2015 = arith.constant 0 : index
    %get3A_2016 = arith.constant 0 : index
    %get3A_2017 = vector.load %arg12[%get3A_2014, %get3A_2015, %get3A_2016] : memref<200x20x32xf32, #tpu.memory_space<vmem>>, vector<1x20x32xf32>
    %get3A_2018 = vector.shape_cast %get3A_2017 : vector<1x20x32xf32> to vector<20x32xf32>
    %get3A_2019 = arith.constant 73 : index
    %get3A_2020 = arith.constant 0 : index
    %get3A_2021 = arith.constant 0 : index
    %get3A_2022 = vector.load %arg1[%get3A_2019, %get3A_2020, %get3A_2021] : memref<200x32x128xf32, #tpu.memory_space<vmem>>, vector<1x32x128xf32>
    %get3A_2023 = vector.shape_cast %get3A_2022 : vector<1x32x128xf32> to vector<32x128xf32>
    %dot_general3A_2024 = arith.constant dense<0.000000e+00> : vector<20x128xf32>
    %dot_general3A_2025 = tpu.matmul %get3A_2018, %get3A_2023, %dot_general3A_2024 {dimension_numbers = #tpu.dot_dimension_numbers<[1], [0], [0], [1], [0, 0, 1, 1], [], []>, transpose_lhs_hint = false} : vector<20x32xf32>, vector<32x128xf32>, vector<20x128xf32> -> vector<20x128xf32>
    %swap3A_2026 = arith.constant 73 : index
    %swap3A_2027 = arith.constant 0 : index
    %swap3A_2028 = arith.constant 0 : index
    %swap3A_2029 = vector.load %arg13[%swap3A_2026, %swap3A_2027, %swap3A_2028] : memref<200x20x128xf32, #tpu.memory_space<vmem>>, vector<1x20x128xf32>
    %swap3A_2030 = vector.shape_cast %swap3A_2029 : vector<1x20x128xf32> to vector<20x128xf32>
    %swap3A_2031 = vector.shape_cast %dot_general3A_2025 : vector<20x128xf32> to vector<1x20x128xf32>
    tpu.vector_store %arg13[%swap3A_2026, %swap3A_2027, %swap3A_2028], %swap3A_2031 {strides = array<i32>} : memref<200x20x128xf32, #tpu.memory_space<vmem>>, vector<1x20x128xf32>,
    %get3A_2032 = arith.constant 74 : index
    %get3A_2033 = arith.constant 0 : index
    %get3A_2034 = arith.constant 0 : index
    %get3A_2035 = vector.load %arg12[%get3A_2032, %get3A_2033, %get3A_2034] : memref<200x20x32xf32, #tpu.memory_space<vmem>>, vector<1x20x32xf32>
    %get3A_2036 = vector.shape_cast %get3A_2035 : vector<1x20x32xf32> to vector<20x32xf32>
    %get3A_2037 = arith.constant 74 : index
    %get3A_2038 = arith.constant 0 : index
    %get3A_2039 = arith.constant 0 : index
    %get3A_2040 = vector.load %arg1[%get3A_2037, %get3A_2038, %get3A_2039] : memref<200x32x128xf32, #tpu.memory_space<vmem>>, vector<1x32x128xf32>
    %get3A_2041 = vector.shape_cast %get3A_2040 : vector<1x32x128xf32> to vector<32x128xf32>
    %dot_general3A_2042 = arith.constant dense<0.000000e+00> : vector<20x128xf32>
    %dot_general3A_2043 = tpu.matmul %get3A_2036, %get3A_2041, %dot_general3A_2042 {dimension_numbers = #tpu.dot_dimension_numbers<[1], [0], [0], [1], [0, 0, 1, 1], [], []>, transpose_lhs_hint = false} : vector<20x32xf32>, vector<32x128xf32>, vector<20x128xf32> -> vector<20x128xf32>
    %swap3A_2044 = arith.constant 74 : index
    %swap3A_2045 = arith.constant 0 : index
    %swap3A_2046 = arith.constant 0 : index
    %swap3A_2047 = vector.load %arg13[%swap3A_2044, %swap3A_2045, %swap3A_2046] : memref<200x20x128xf32, #tpu.memory_space<vmem>>, vector<1x20x128xf32>
    %swap3A_2048 = vector.shape_cast %swap3A_2047 : vector<1x20x128xf32> to vector<20x128xf32>
    %swap3A_2049 = vector.shape_cast %dot_general3A_2043 : vector<20x128xf32> to vector<1x20x128xf32>
    tpu.vector_store %arg13[%swap3A_2044, %swap3A_2045, %swap3A_2046], %swap3A_2049 {strides = array<i32>} : memref<200x20x128xf32, #tpu.memory_space<vmem>>, vector<1x20x128xf32>,
    %get3A_2050 = arith.constant 75 : index
    %get3A_2051 = arith.constant 0 : index
    %get3A_2052 = arith.constant 0 : index
    %get3A_2053 = vector.load %arg12[%get3A_2050, %get3A_2051, %get3A_2052] : memref<200x20x32xf32, #tpu.memory_space<vmem>>, vector<1x20x32xf32>
    %get3A_2054 = vector.shape_cast %get3A_2053 : vector<1x20x32xf32> to vector<20x32xf32>
    %get3A_2055 = arith.constant 75 : index
    %get3A_2056 = arith.constant 0 : index
    %get3A_2057 = arith.constant 0 : index
    %get3A_2058 = vector.load %arg1[%get3A_2055, %get3A_2056, %get3A_2057] : memref<200x32x128xf32, #tpu.memory_space<vmem>>, vector<1x32x128xf32>
    %get3A_2059 = vector.shape_cast %get3A_2058 : vector<1x32x128xf32> to vector<32x128xf32>
    %dot_general3A_2060 = arith.constant dense<0.000000e+00> : vector<20x128xf32>
    %dot_general3A_2061 = tpu.matmul %get3A_2054, %get3A_2059, %dot_general3A_2060 {dimension_numbers = #tpu.dot_dimension_numbers<[1], [0], [0], [1], [0, 0, 1, 1], [], []>, transpose_lhs_hint = false} : vector<20x32xf32>, vector<32x128xf32>, vector<20x128xf32> -> vector<20x128xf32>
    %swap3A_2062 = arith.constant 75 : index
    %swap3A_2063 = arith.constant 0 : index
    %swap3A_2064 = arith.constant 0 : index
    %swap3A_2065 = vector.load %arg13[%swap3A_2062, %swap3A_2063, %swap3A_2064] : memref<200x20x128xf32, #tpu.memory_space<vmem>>, vector<1x20x128xf32>
    %swap3A_2066 = vector.shape_cast %swap3A_2065 : vector<1x20x128xf32> to vector<20x128xf32>
    %swap3A_2067 = vector.shape_cast %dot_general3A_2061 : vector<20x128xf32> to vector<1x20x128xf32>
    tpu.vector_store %arg13[%swap3A_2062, %swap3A_2063, %swap3A_2064], %swap3A_2067 {strides = array<i32>} : memref<200x20x128xf32, #tpu.memory_space<vmem>>, vector<1x20x128xf32>,
    %get3A_2068 = arith.constant 76 : index
    %get3A_2069 = arith.constant 0 : index
    %get3A_2070 = arith.constant 0 : index
    %get3A_2071 = vector.load %arg12[%get3A_2068, %get3A_2069, %get3A_2070] : memref<200x20x32xf32, #tpu.memory_space<vmem>>, vector<1x20x32xf32>
    %get3A_2072 = vector.shape_cast %get3A_2071 : vector<1x20x32xf32> to vector<20x32xf32>
    %get3A_2073 = arith.constant 76 : index
    %get3A_2074 = arith.constant 0 : index
    %get3A_2075 = arith.constant 0 : index
    %get3A_2076 = vector.load %arg1[%get3A_2073, %get3A_2074, %get3A_2075] : memref<200x32x128xf32, #tpu.memory_space<vmem>>, vector<1x32x128xf32>
    %get3A_2077 = vector.shape_cast %get3A_2076 : vector<1x32x128xf32> to vector<32x128xf32>
    %dot_general3A_2078 = arith.constant dense<0.000000e+00> : vector<20x128xf32>
    %dot_general3A_2079 = tpu.matmul %get3A_2072, %get3A_2077, %dot_general3A_2078 {dimension_numbers = #tpu.dot_dimension_numbers<[1], [0], [0], [1], [0, 0, 1, 1], [], []>, transpose_lhs_hint = false} : vector<20x32xf32>, vector<32x128xf32>, vector<20x128xf32> -> vector<20x128xf32>
    %swap3A_2080 = arith.constant 76 : index
    %swap3A_2081 = arith.constant 0 : index
    %swap3A_2082 = arith.constant 0 : index
    %swap3A_2083 = vector.load %arg13[%swap3A_2080, %swap3A_2081, %swap3A_2082] : memref<200x20x128xf32, #tpu.memory_space<vmem>>, vector<1x20x128xf32>
    %swap3A_2084 = vector.shape_cast %swap3A_2083 : vector<1x20x128xf32> to vector<20x128xf32>
    %swap3A_2085 = vector.shape_cast %dot_general3A_2079 : vector<20x128xf32> to vector<1x20x128xf32>
    tpu.vector_store %arg13[%swap3A_2080, %swap3A_2081, %swap3A_2082], %swap3A_2085 {strides = array<i32>} : memref<200x20x128xf32, #tpu.memory_space<vmem>>, vector<1x20x128xf32>,
    %get3A_2086 = arith.constant 77 : index
    %get3A_2087 = arith.constant 0 : index
    %get3A_2088 = arith.constant 0 : index
    %get3A_2089 = vector.load %arg12[%get3A_2086, %get3A_2087, %get3A_2088] : memref<200x20x32xf32, #tpu.memory_space<vmem>>, vector<1x20x32xf32>
    %get3A_2090 = vector.shape_cast %get3A_2089 : vector<1x20x32xf32> to vector<20x32xf32>
    %get3A_2091 = arith.constant 77 : index
    %get3A_2092 = arith.constant 0 : index
    %get3A_2093 = arith.constant 0 : index
    %get3A_2094 = vector.load %arg1[%get3A_2091, %get3A_2092, %get3A_2093] : memref<200x32x128xf32, #tpu.memory_space<vmem>>, vector<1x32x128xf32>
    %get3A_2095 = vector.shape_cast %get3A_2094 : vector<1x32x128xf32> to vector<32x128xf32>
    %dot_general3A_2096 = arith.constant dense<0.000000e+00> : vector<20x128xf32>
    %dot_general3A_2097 = tpu.matmul %get3A_2090, %get3A_2095, %dot_general3A_2096 {dimension_numbers = #tpu.dot_dimension_numbers<[1], [0], [0], [1], [0, 0, 1, 1], [], []>, transpose_lhs_hint = false} : vector<20x32xf32>, vector<32x128xf32>, vector<20x128xf32> -> vector<20x128xf32>
    %swap3A_2098 = arith.constant 77 : index
    %swap3A_2099 = arith.constant 0 : index
    %swap3A_2100 = arith.constant 0 : index
    %swap3A_2101 = vector.load %arg13[%swap3A_2098, %swap3A_2099, %swap3A_2100] : memref<200x20x128xf32, #tpu.memory_space<vmem>>, vector<1x20x128xf32>
    %swap3A_2102 = vector.shape_cast %swap3A_2101 : vector<1x20x128xf32> to vector<20x128xf32>
    %swap3A_2103 = vector.shape_cast %dot_general3A_2097 : vector<20x128xf32> to vector<1x20x128xf32>
    tpu.vector_store %arg13[%swap3A_2098, %swap3A_2099, %swap3A_2100], %swap3A_2103 {strides = array<i32>} : memref<200x20x128xf32, #tpu.memory_space<vmem>>, vector<1x20x128xf32>,
    %get3A_2104 = arith.constant 78 : index
    %get3A_2105 = arith.constant 0 : index
    %get3A_2106 = arith.constant 0 : index
    %get3A_2107 = vector.load %arg12[%get3A_2104, %get3A_2105, %get3A_2106] : memref<200x20x32xf32, #tpu.memory_space<vmem>>, vector<1x20x32xf32>
    %get3A_2108 = vector.shape_cast %get3A_2107 : vector<1x20x32xf32> to vector<20x32xf32>
    %get3A_2109 = arith.constant 78 : index
    %get3A_2110 = arith.constant 0 : index
    %get3A_2111 = arith.constant 0 : index
    %get3A_2112 = vector.load %arg1[%get3A_2109, %get3A_2110, %get3A_2111] : memref<200x32x128xf32, #tpu.memory_space<vmem>>, vector<1x32x128xf32>
    %get3A_2113 = vector.shape_cast %get3A_2112 : vector<1x32x128xf32> to vector<32x128xf32>
    %dot_general3A_2114 = arith.constant dense<0.000000e+00> : vector<20x128xf32>
    %dot_general3A_2115 = tpu.matmul %get3A_2108, %get3A_2113, %dot_general3A_2114 {dimension_numbers = #tpu.dot_dimension_numbers<[1], [0], [0], [1], [0, 0, 1, 1], [], []>, transpose_lhs_hint = false} : vector<20x32xf32>, vector<32x128xf32>, vector<20x128xf32> -> vector<20x128xf32>
    %swap3A_2116 = arith.constant 78 : index
    %swap3A_2117 = arith.constant 0 : index
    %swap3A_2118 = arith.constant 0 : index
    %swap3A_2119 = vector.load %arg13[%swap3A_2116, %swap3A_2117, %swap3A_2118] : memref<200x20x128xf32, #tpu.memory_space<vmem>>, vector<1x20x128xf32>
    %swap3A_2120 = vector.shape_cast %swap3A_2119 : vector<1x20x128xf32> to vector<20x128xf32>
    %swap3A_2121 = vector.shape_cast %dot_general3A_2115 : vector<20x128xf32> to vector<1x20x128xf32>
    tpu.vector_store %arg13[%swap3A_2116, %swap3A_2117, %swap3A_2118], %swap3A_2121 {strides = array<i32>} : memref<200x20x128xf32, #tpu.memory_space<vmem>>, vector<1x20x128xf32>,
    %get3A_2122 = arith.constant 79 : index
    %get3A_2123 = arith.constant 0 : index
    %get3A_2124 = arith.constant 0 : index
    %get3A_2125 = vector.load %arg12[%get3A_2122, %get3A_2123, %get3A_2124] : memref<200x20x32xf32, #tpu.memory_space<vmem>>, vector<1x20x32xf32>
    %get3A_2126 = vector.shape_cast %get3A_2125 : vector<1x20x32xf32> to vector<20x32xf32>
    %get3A_2127 = arith.constant 79 : index
    %get3A_2128 = arith.constant 0 : index
    %get3A_2129 = arith.constant 0 : index
    %get3A_2130 = vector.load %arg1[%get3A_2127, %get3A_2128, %get3A_2129] : memref<200x32x128xf32, #tpu.memory_space<vmem>>, vector<1x32x128xf32>
    %get3A_2131 = vector.shape_cast %get3A_2130 : vector<1x32x128xf32> to vector<32x128xf32>
    %dot_general3A_2132 = arith.constant dense<0.000000e+00> : vector<20x128xf32>
    %dot_general3A_2133 = tpu.matmul %get3A_2126, %get3A_2131, %dot_general3A_2132 {dimension_numbers = #tpu.dot_dimension_numbers<[1], [0], [0], [1], [0, 0, 1, 1], [], []>, transpose_lhs_hint = false} : vector<20x32xf32>, vector<32x128xf32>, vector<20x128xf32> -> vector<20x128xf32>
    %swap3A_2134 = arith.constant 79 : index
    %swap3A_2135 = arith.constant 0 : index
    %swap3A_2136 = arith.constant 0 : index
    %swap3A_2137 = vector.load %arg13[%swap3A_2134, %swap3A_2135, %swap3A_2136] : memref<200x20x128xf32, #tpu.memory_space<vmem>>, vector<1x20x128xf32>
    %swap3A_2138 = vector.shape_cast %swap3A_2137 : vector<1x20x128xf32> to vector<20x128xf32>
    %swap3A_2139 = vector.shape_cast %dot_general3A_2133 : vector<20x128xf32> to vector<1x20x128xf32>
    tpu.vector_store %arg13[%swap3A_2134, %swap3A_2135, %swap3A_2136], %swap3A_2139 {strides = array<i32>} : memref<200x20x128xf32, #tpu.memory_space<vmem>>, vector<1x20x128xf32>,
    %get3A_2140 = arith.constant 80 : index
    %get3A_2141 = arith.constant 0 : index
    %get3A_2142 = arith.constant 0 : index
    %get3A_2143 = vector.load %arg12[%get3A_2140, %get3A_2141, %get3A_2142] : memref<200x20x32xf32, #tpu.memory_space<vmem>>, vector<1x20x32xf32>
    %get3A_2144 = vector.shape_cast %get3A_2143 : vector<1x20x32xf32> to vector<20x32xf32>
    %get3A_2145 = arith.constant 80 : index
    %get3A_2146 = arith.constant 0 : index
    %get3A_2147 = arith.constant 0 : index
    %get3A_2148 = vector.load %arg1[%get3A_2145, %get3A_2146, %get3A_2147] : memref<200x32x128xf32, #tpu.memory_space<vmem>>, vector<1x32x128xf32>
    %get3A_2149 = vector.shape_cast %get3A_2148 : vector<1x32x128xf32> to vector<32x128xf32>
    %dot_general3A_2150 = arith.constant dense<0.000000e+00> : vector<20x128xf32>
    %dot_general3A_2151 = tpu.matmul %get3A_2144, %get3A_2149, %dot_general3A_2150 {dimension_numbers = #tpu.dot_dimension_numbers<[1], [0], [0], [1], [0, 0, 1, 1], [], []>, transpose_lhs_hint = false} : vector<20x32xf32>, vector<32x128xf32>, vector<20x128xf32> -> vector<20x128xf32>
    %swap3A_2152 = arith.constant 80 : index
    %swap3A_2153 = arith.constant 0 : index
    %swap3A_2154 = arith.constant 0 : index
    %swap3A_2155 = vector.load %arg13[%swap3A_2152, %swap3A_2153, %swap3A_2154] : memref<200x20x128xf32, #tpu.memory_space<vmem>>, vector<1x20x128xf32>
    %swap3A_2156 = vector.shape_cast %swap3A_2155 : vector<1x20x128xf32> to vector<20x128xf32>
    %swap3A_2157 = vector.shape_cast %dot_general3A_2151 : vector<20x128xf32> to vector<1x20x128xf32>
    tpu.vector_store %arg13[%swap3A_2152, %swap3A_2153, %swap3A_2154], %swap3A_2157 {strides = array<i32>} : memref<200x20x128xf32, #tpu.memory_space<vmem>>, vector<1x20x128xf32>,
    %get3A_2158 = arith.constant 81 : index
    %get3A_2159 = arith.constant 0 : index
    %get3A_2160 = arith.constant 0 : index
    %get3A_2161 = vector.load %arg12[%get3A_2158, %get3A_2159, %get3A_2160] : memref<200x20x32xf32, #tpu.memory_space<vmem>>, vector<1x20x32xf32>
    %get3A_2162 = vector.shape_cast %get3A_2161 : vector<1x20x32xf32> to vector<20x32xf32>
    %get3A_2163 = arith.constant 81 : index
    %get3A_2164 = arith.constant 0 : index
    %get3A_2165 = arith.constant 0 : index
    %get3A_2166 = vector.load %arg1[%get3A_2163, %get3A_2164, %get3A_2165] : memref<200x32x128xf32, #tpu.memory_space<vmem>>, vector<1x32x128xf32>
    %get3A_2167 = vector.shape_cast %get3A_2166 : vector<1x32x128xf32> to vector<32x128xf32>
    %dot_general3A_2168 = arith.constant dense<0.000000e+00> : vector<20x128xf32>
    %dot_general3A_2169 = tpu.matmul %get3A_2162, %get3A_2167, %dot_general3A_2168 {dimension_numbers = #tpu.dot_dimension_numbers<[1], [0], [0], [1], [0, 0, 1, 1], [], []>, transpose_lhs_hint = false} : vector<20x32xf32>, vector<32x128xf32>, vector<20x128xf32> -> vector<20x128xf32>
    %swap3A_2170 = arith.constant 81 : index
    %swap3A_2171 = arith.constant 0 : index
    %swap3A_2172 = arith.constant 0 : index
    %swap3A_2173 = vector.load %arg13[%swap3A_2170, %swap3A_2171, %swap3A_2172] : memref<200x20x128xf32, #tpu.memory_space<vmem>>, vector<1x20x128xf32>
    %swap3A_2174 = vector.shape_cast %swap3A_2173 : vector<1x20x128xf32> to vector<20x128xf32>
    %swap3A_2175 = vector.shape_cast %dot_general3A_2169 : vector<20x128xf32> to vector<1x20x128xf32>
    tpu.vector_store %arg13[%swap3A_2170, %swap3A_2171, %swap3A_2172], %swap3A_2175 {strides = array<i32>} : memref<200x20x128xf32, #tpu.memory_space<vmem>>, vector<1x20x128xf32>,
    %get3A_2176 = arith.constant 82 : index
    %get3A_2177 = arith.constant 0 : index
    %get3A_2178 = arith.constant 0 : index
    %get3A_2179 = vector.load %arg12[%get3A_2176, %get3A_2177, %get3A_2178] : memref<200x20x32xf32, #tpu.memory_space<vmem>>, vector<1x20x32xf32>
    %get3A_2180 = vector.shape_cast %get3A_2179 : vector<1x20x32xf32> to vector<20x32xf32>
    %get3A_2181 = arith.constant 82 : index
    %get3A_2182 = arith.constant 0 : index
    %get3A_2183 = arith.constant 0 : index
    %get3A_2184 = vector.load %arg1[%get3A_2181, %get3A_2182, %get3A_2183] : memref<200x32x128xf32, #tpu.memory_space<vmem>>, vector<1x32x128xf32>
    %get3A_2185 = vector.shape_cast %get3A_2184 : vector<1x32x128xf32> to vector<32x128xf32>
    %dot_general3A_2186 = arith.constant dense<0.000000e+00> : vector<20x128xf32>
    %dot_general3A_2187 = tpu.matmul %get3A_2180, %get3A_2185, %dot_general3A_2186 {dimension_numbers = #tpu.dot_dimension_numbers<[1], [0], [0], [1], [0, 0, 1, 1], [], []>, transpose_lhs_hint = false} : vector<20x32xf32>, vector<32x128xf32>, vector<20x128xf32> -> vector<20x128xf32>
    %swap3A_2188 = arith.constant 82 : index
    %swap3A_2189 = arith.constant 0 : index
    %swap3A_2190 = arith.constant 0 : index
    %swap3A_2191 = vector.load %arg13[%swap3A_2188, %swap3A_2189, %swap3A_2190] : memref<200x20x128xf32, #tpu.memory_space<vmem>>, vector<1x20x128xf32>
    %swap3A_2192 = vector.shape_cast %swap3A_2191 : vector<1x20x128xf32> to vector<20x128xf32>
    %swap3A_2193 = vector.shape_cast %dot_general3A_2187 : vector<20x128xf32> to vector<1x20x128xf32>
    tpu.vector_store %arg13[%swap3A_2188, %swap3A_2189, %swap3A_2190], %swap3A_2193 {strides = array<i32>} : memref<200x20x128xf32, #tpu.memory_space<vmem>>, vector<1x20x128xf32>,
    %get3A_2194 = arith.constant 83 : index
    %get3A_2195 = arith.constant 0 : index
    %get3A_2196 = arith.constant 0 : index
    %get3A_2197 = vector.load %arg12[%get3A_2194, %get3A_2195, %get3A_2196] : memref<200x20x32xf32, #tpu.memory_space<vmem>>, vector<1x20x32xf32>
    %get3A_2198 = vector.shape_cast %get3A_2197 : vector<1x20x32xf32> to vector<20x32xf32>
    %get3A_2199 = arith.constant 83 : index
    %get3A_2200 = arith.constant 0 : index
    %get3A_2201 = arith.constant 0 : index
    %get3A_2202 = vector.load %arg1[%get3A_2199, %get3A_2200, %get3A_2201] : memref<200x32x128xf32, #tpu.memory_space<vmem>>, vector<1x32x128xf32>
    %get3A_2203 = vector.shape_cast %get3A_2202 : vector<1x32x128xf32> to vector<32x128xf32>
    %dot_general3A_2204 = arith.constant dense<0.000000e+00> : vector<20x128xf32>
    %dot_general3A_2205 = tpu.matmul %get3A_2198, %get3A_2203, %dot_general3A_2204 {dimension_numbers = #tpu.dot_dimension_numbers<[1], [0], [0], [1], [0, 0, 1, 1], [], []>, transpose_lhs_hint = false} : vector<20x32xf32>, vector<32x128xf32>, vector<20x128xf32> -> vector<20x128xf32>
    %swap3A_2206 = arith.constant 83 : index
    %swap3A_2207 = arith.constant 0 : index
    %swap3A_2208 = arith.constant 0 : index
    %swap3A_2209 = vector.load %arg13[%swap3A_2206, %swap3A_2207, %swap3A_2208] : memref<200x20x128xf32, #tpu.memory_space<vmem>>, vector<1x20x128xf32>
    %swap3A_2210 = vector.shape_cast %swap3A_2209 : vector<1x20x128xf32> to vector<20x128xf32>
    %swap3A_2211 = vector.shape_cast %dot_general3A_2205 : vector<20x128xf32> to vector<1x20x128xf32>
    tpu.vector_store %arg13[%swap3A_2206, %swap3A_2207, %swap3A_2208], %swap3A_2211 {strides = array<i32>} : memref<200x20x128xf32, #tpu.memory_space<vmem>>, vector<1x20x128xf32>,
    %get3A_2212 = arith.constant 84 : index
    %get3A_2213 = arith.constant 0 : index
    %get3A_2214 = arith.constant 0 : index
    %get3A_2215 = vector.load %arg12[%get3A_2212, %get3A_2213, %get3A_2214] : memref<200x20x32xf32, #tpu.memory_space<vmem>>, vector<1x20x32xf32>
    %get3A_2216 = vector.shape_cast %get3A_2215 : vector<1x20x32xf32> to vector<20x32xf32>
    %get3A_2217 = arith.constant 84 : index
    %get3A_2218 = arith.constant 0 : index
    %get3A_2219 = arith.constant 0 : index
    %get3A_2220 = vector.load %arg1[%get3A_2217, %get3A_2218, %get3A_2219] : memref<200x32x128xf32, #tpu.memory_space<vmem>>, vector<1x32x128xf32>
    %get3A_2221 = vector.shape_cast %get3A_2220 : vector<1x32x128xf32> to vector<32x128xf32>
    %dot_general3A_2222 = arith.constant dense<0.000000e+00> : vector<20x128xf32>
    %dot_general3A_2223 = tpu.matmul %get3A_2216, %get3A_2221, %dot_general3A_2222 {dimension_numbers = #tpu.dot_dimension_numbers<[1], [0], [0], [1], [0, 0, 1, 1], [], []>, transpose_lhs_hint = false} : vector<20x32xf32>, vector<32x128xf32>, vector<20x128xf32> -> vector<20x128xf32>
    %swap3A_2224 = arith.constant 84 : index
    %swap3A_2225 = arith.constant 0 : index
    %swap3A_2226 = arith.constant 0 : index
    %swap3A_2227 = vector.load %arg13[%swap3A_2224, %swap3A_2225, %swap3A_2226] : memref<200x20x128xf32, #tpu.memory_space<vmem>>, vector<1x20x128xf32>
    %swap3A_2228 = vector.shape_cast %swap3A_2227 : vector<1x20x128xf32> to vector<20x128xf32>
    %swap3A_2229 = vector.shape_cast %dot_general3A_2223 : vector<20x128xf32> to vector<1x20x128xf32>
    tpu.vector_store %arg13[%swap3A_2224, %swap3A_2225, %swap3A_2226], %swap3A_2229 {strides = array<i32>} : memref<200x20x128xf32, #tpu.memory_space<vmem>>, vector<1x20x128xf32>,
    %get3A_2230 = arith.constant 85 : index
    %get3A_2231 = arith.constant 0 : index
    %get3A_2232 = arith.constant 0 : index
    %get3A_2233 = vector.load %arg12[%get3A_2230, %get3A_2231, %get3A_2232] : memref<200x20x32xf32, #tpu.memory_space<vmem>>, vector<1x20x32xf32>
    %get3A_2234 = vector.shape_cast %get3A_2233 : vector<1x20x32xf32> to vector<20x32xf32>
    %get3A_2235 = arith.constant 85 : index
    %get3A_2236 = arith.constant 0 : index
    %get3A_2237 = arith.constant 0 : index
    %get3A_2238 = vector.load %arg1[%get3A_2235, %get3A_2236, %get3A_2237] : memref<200x32x128xf32, #tpu.memory_space<vmem>>, vector<1x32x128xf32>
    %get3A_2239 = vector.shape_cast %get3A_2238 : vector<1x32x128xf32> to vector<32x128xf32>
    %dot_general3A_2240 = arith.constant dense<0.000000e+00> : vector<20x128xf32>
    %dot_general3A_2241 = tpu.matmul %get3A_2234, %get3A_2239, %dot_general3A_2240 {dimension_numbers = #tpu.dot_dimension_numbers<[1], [0], [0], [1], [0, 0, 1, 1], [], []>, transpose_lhs_hint = false} : vector<20x32xf32>, vector<32x128xf32>, vector<20x128xf32> -> vector<20x128xf32>
    %swap3A_2242 = arith.constant 85 : index
    %swap3A_2243 = arith.constant 0 : index
    %swap3A_2244 = arith.constant 0 : index
    %swap3A_2245 = vector.load %arg13[%swap3A_2242, %swap3A_2243, %swap3A_2244] : memref<200x20x128xf32, #tpu.memory_space<vmem>>, vector<1x20x128xf32>
    %swap3A_2246 = vector.shape_cast %swap3A_2245 : vector<1x20x128xf32> to vector<20x128xf32>
    %swap3A_2247 = vector.shape_cast %dot_general3A_2241 : vector<20x128xf32> to vector<1x20x128xf32>
    tpu.vector_store %arg13[%swap3A_2242, %swap3A_2243, %swap3A_2244], %swap3A_2247 {strides = array<i32>} : memref<200x20x128xf32, #tpu.memory_space<vmem>>, vector<1x20x128xf32>,
    %get3A_2248 = arith.constant 86 : index
    %get3A_2249 = arith.constant 0 : index
    %get3A_2250 = arith.constant 0 : index
    %get3A_2251 = vector.load %arg12[%get3A_2248, %get3A_2249, %get3A_2250] : memref<200x20x32xf32, #tpu.memory_space<vmem>>, vector<1x20x32xf32>
    %get3A_2252 = vector.shape_cast %get3A_2251 : vector<1x20x32xf32> to vector<20x32xf32>
    %get3A_2253 = arith.constant 86 : index
    %get3A_2254 = arith.constant 0 : index
    %get3A_2255 = arith.constant 0 : index
    %get3A_2256 = vector.load %arg1[%get3A_2253, %get3A_2254, %get3A_2255] : memref<200x32x128xf32, #tpu.memory_space<vmem>>, vector<1x32x128xf32>
    %get3A_2257 = vector.shape_cast %get3A_2256 : vector<1x32x128xf32> to vector<32x128xf32>
    %dot_general3A_2258 = arith.constant dense<0.000000e+00> : vector<20x128xf32>
    %dot_general3A_2259 = tpu.matmul %get3A_2252, %get3A_2257, %dot_general3A_2258 {dimension_numbers = #tpu.dot_dimension_numbers<[1], [0], [0], [1], [0, 0, 1, 1], [], []>, transpose_lhs_hint = false} : vector<20x32xf32>, vector<32x128xf32>, vector<20x128xf32> -> vector<20x128xf32>
    %swap3A_2260 = arith.constant 86 : index
    %swap3A_2261 = arith.constant 0 : index
    %swap3A_2262 = arith.constant 0 : index
    %swap3A_2263 = vector.load %arg13[%swap3A_2260, %swap3A_2261, %swap3A_2262] : memref<200x20x128xf32, #tpu.memory_space<vmem>>, vector<1x20x128xf32>
    %swap3A_2264 = vector.shape_cast %swap3A_2263 : vector<1x20x128xf32> to vector<20x128xf32>
    %swap3A_2265 = vector.shape_cast %dot_general3A_2259 : vector<20x128xf32> to vector<1x20x128xf32>
    tpu.vector_store %arg13[%swap3A_2260, %swap3A_2261, %swap3A_2262], %swap3A_2265 {strides = array<i32>} : memref<200x20x128xf32, #tpu.memory_space<vmem>>, vector<1x20x128xf32>,
    %get3A_2266 = arith.constant 87 : index
    %get3A_2267 = arith.constant 0 : index
    %get3A_2268 = arith.constant 0 : index
    %get3A_2269 = vector.load %arg12[%get3A_2266, %get3A_2267, %get3A_2268] : memref<200x20x32xf32, #tpu.memory_space<vmem>>, vector<1x20x32xf32>
    %get3A_2270 = vector.shape_cast %get3A_2269 : vector<1x20x32xf32> to vector<20x32xf32>
    %get3A_2271 = arith.constant 87 : index
    %get3A_2272 = arith.constant 0 : index
    %get3A_2273 = arith.constant 0 : index
    %get3A_2274 = vector.load %arg1[%get3A_2271, %get3A_2272, %get3A_2273] : memref<200x32x128xf32, #tpu.memory_space<vmem>>, vector<1x32x128xf32>
    %get3A_2275 = vector.shape_cast %get3A_2274 : vector<1x32x128xf32> to vector<32x128xf32>
    %dot_general3A_2276 = arith.constant dense<0.000000e+00> : vector<20x128xf32>
    %dot_general3A_2277 = tpu.matmul %get3A_2270, %get3A_2275, %dot_general3A_2276 {dimension_numbers = #tpu.dot_dimension_numbers<[1], [0], [0], [1], [0, 0, 1, 1], [], []>, transpose_lhs_hint = false} : vector<20x32xf32>, vector<32x128xf32>, vector<20x128xf32> -> vector<20x128xf32>
    %swap3A_2278 = arith.constant 87 : index
    %swap3A_2279 = arith.constant 0 : index
    %swap3A_2280 = arith.constant 0 : index
    %swap3A_2281 = vector.load %arg13[%swap3A_2278, %swap3A_2279, %swap3A_2280] : memref<200x20x128xf32, #tpu.memory_space<vmem>>, vector<1x20x128xf32>
    %swap3A_2282 = vector.shape_cast %swap3A_2281 : vector<1x20x128xf32> to vector<20x128xf32>
    %swap3A_2283 = vector.shape_cast %dot_general3A_2277 : vector<20x128xf32> to vector<1x20x128xf32>
    tpu.vector_store %arg13[%swap3A_2278, %swap3A_2279, %swap3A_2280], %swap3A_2283 {strides = array<i32>} : memref<200x20x128xf32, #tpu.memory_space<vmem>>, vector<1x20x128xf32>,
    %get3A_2284 = arith.constant 88 : index
    %get3A_2285 = arith.constant 0 : index
    %get3A_2286 = arith.constant 0 : index
    %get3A_2287 = vector.load %arg12[%get3A_2284, %get3A_2285, %get3A_2286] : memref<200x20x32xf32, #tpu.memory_space<vmem>>, vector<1x20x32xf32>
    %get3A_2288 = vector.shape_cast %get3A_2287 : vector<1x20x32xf32> to vector<20x32xf32>
    %get3A_2289 = arith.constant 88 : index
    %get3A_2290 = arith.constant 0 : index
    %get3A_2291 = arith.constant 0 : index
    %get3A_2292 = vector.load %arg1[%get3A_2289, %get3A_2290, %get3A_2291] : memref<200x32x128xf32, #tpu.memory_space<vmem>>, vector<1x32x128xf32>
    %get3A_2293 = vector.shape_cast %get3A_2292 : vector<1x32x128xf32> to vector<32x128xf32>
    %dot_general3A_2294 = arith.constant dense<0.000000e+00> : vector<20x128xf32>
    %dot_general3A_2295 = tpu.matmul %get3A_2288, %get3A_2293, %dot_general3A_2294 {dimension_numbers = #tpu.dot_dimension_numbers<[1], [0], [0], [1], [0, 0, 1, 1], [], []>, transpose_lhs_hint = false} : vector<20x32xf32>, vector<32x128xf32>, vector<20x128xf32> -> vector<20x128xf32>
    %swap3A_2296 = arith.constant 88 : index
    %swap3A_2297 = arith.constant 0 : index
    %swap3A_2298 = arith.constant 0 : index
    %swap3A_2299 = vector.load %arg13[%swap3A_2296, %swap3A_2297, %swap3A_2298] : memref<200x20x128xf32, #tpu.memory_space<vmem>>, vector<1x20x128xf32>
    %swap3A_2300 = vector.shape_cast %swap3A_2299 : vector<1x20x128xf32> to vector<20x128xf32>
    %swap3A_2301 = vector.shape_cast %dot_general3A_2295 : vector<20x128xf32> to vector<1x20x128xf32>
    tpu.vector_store %arg13[%swap3A_2296, %swap3A_2297, %swap3A_2298], %swap3A_2301 {strides = array<i32>} : memref<200x20x128xf32, #tpu.memory_space<vmem>>, vector<1x20x128xf32>,
    %get3A_2302 = arith.constant 89 : index
    %get3A_2303 = arith.constant 0 : index
    %get3A_2304 = arith.constant 0 : index
    %get3A_2305 = vector.load %arg12[%get3A_2302, %get3A_2303, %get3A_2304] : memref<200x20x32xf32, #tpu.memory_space<vmem>>, vector<1x20x32xf32>
    %get3A_2306 = vector.shape_cast %get3A_2305 : vector<1x20x32xf32> to vector<20x32xf32>
    %get3A_2307 = arith.constant 89 : index
    %get3A_2308 = arith.constant 0 : index
    %get3A_2309 = arith.constant 0 : index
    %get3A_2310 = vector.load %arg1[%get3A_2307, %get3A_2308, %get3A_2309] : memref<200x32x128xf32, #tpu.memory_space<vmem>>, vector<1x32x128xf32>
    %get3A_2311 = vector.shape_cast %get3A_2310 : vector<1x32x128xf32> to vector<32x128xf32>
    %dot_general3A_2312 = arith.constant dense<0.000000e+00> : vector<20x128xf32>
    %dot_general3A_2313 = tpu.matmul %get3A_2306, %get3A_2311, %dot_general3A_2312 {dimension_numbers = #tpu.dot_dimension_numbers<[1], [0], [0], [1], [0, 0, 1, 1], [], []>, transpose_lhs_hint = false} : vector<20x32xf32>, vector<32x128xf32>, vector<20x128xf32> -> vector<20x128xf32>
    %swap3A_2314 = arith.constant 89 : index
    %swap3A_2315 = arith.constant 0 : index
    %swap3A_2316 = arith.constant 0 : index
    %swap3A_2317 = vector.load %arg13[%swap3A_2314, %swap3A_2315, %swap3A_2316] : memref<200x20x128xf32, #tpu.memory_space<vmem>>, vector<1x20x128xf32>
    %swap3A_2318 = vector.shape_cast %swap3A_2317 : vector<1x20x128xf32> to vector<20x128xf32>
    %swap3A_2319 = vector.shape_cast %dot_general3A_2313 : vector<20x128xf32> to vector<1x20x128xf32>
    tpu.vector_store %arg13[%swap3A_2314, %swap3A_2315, %swap3A_2316], %swap3A_2319 {strides = array<i32>} : memref<200x20x128xf32, #tpu.memory_space<vmem>>, vector<1x20x128xf32>,
    %get3A_2320 = arith.constant 90 : index
    %get3A_2321 = arith.constant 0 : index
    %get3A_2322 = arith.constant 0 : index
    %get3A_2323 = vector.load %arg12[%get3A_2320, %get3A_2321, %get3A_2322] : memref<200x20x32xf32, #tpu.memory_space<vmem>>, vector<1x20x32xf32>
    %get3A_2324 = vector.shape_cast %get3A_2323 : vector<1x20x32xf32> to vector<20x32xf32>
    %get3A_2325 = arith.constant 90 : index
    %get3A_2326 = arith.constant 0 : index
    %get3A_2327 = arith.constant 0 : index
    %get3A_2328 = vector.load %arg1[%get3A_2325, %get3A_2326, %get3A_2327] : memref<200x32x128xf32, #tpu.memory_space<vmem>>, vector<1x32x128xf32>
    %get3A_2329 = vector.shape_cast %get3A_2328 : vector<1x32x128xf32> to vector<32x128xf32>
    %dot_general3A_2330 = arith.constant dense<0.000000e+00> : vector<20x128xf32>
    %dot_general3A_2331 = tpu.matmul %get3A_2324, %get3A_2329, %dot_general3A_2330 {dimension_numbers = #tpu.dot_dimension_numbers<[1], [0], [0], [1], [0, 0, 1, 1], [], []>, transpose_lhs_hint = false} : vector<20x32xf32>, vector<32x128xf32>, vector<20x128xf32> -> vector<20x128xf32>
    %swap3A_2332 = arith.constant 90 : index
    %swap3A_2333 = arith.constant 0 : index
    %swap3A_2334 = arith.constant 0 : index
    %swap3A_2335 = vector.load %arg13[%swap3A_2332, %swap3A_2333, %swap3A_2334] : memref<200x20x128xf32, #tpu.memory_space<vmem>>, vector<1x20x128xf32>
    %swap3A_2336 = vector.shape_cast %swap3A_2335 : vector<1x20x128xf32> to vector<20x128xf32>
    %swap3A_2337 = vector.shape_cast %dot_general3A_2331 : vector<20x128xf32> to vector<1x20x128xf32>
    tpu.vector_store %arg13[%swap3A_2332, %swap3A_2333, %swap3A_2334], %swap3A_2337 {strides = array<i32>} : memref<200x20x128xf32, #tpu.memory_space<vmem>>, vector<1x20x128xf32>,
    %get3A_2338 = arith.constant 91 : index
    %get3A_2339 = arith.constant 0 : index
    %get3A_2340 = arith.constant 0 : index
    %get3A_2341 = vector.load %arg12[%get3A_2338, %get3A_2339, %get3A_2340] : memref<200x20x32xf32, #tpu.memory_space<vmem>>, vector<1x20x32xf32>
    %get3A_2342 = vector.shape_cast %get3A_2341 : vector<1x20x32xf32> to vector<20x32xf32>
    %get3A_2343 = arith.constant 91 : index
    %get3A_2344 = arith.constant 0 : index
    %get3A_2345 = arith.constant 0 : index
    %get3A_2346 = vector.load %arg1[%get3A_2343, %get3A_2344, %get3A_2345] : memref<200x32x128xf32, #tpu.memory_space<vmem>>, vector<1x32x128xf32>
    %get3A_2347 = vector.shape_cast %get3A_2346 : vector<1x32x128xf32> to vector<32x128xf32>
    %dot_general3A_2348 = arith.constant dense<0.000000e+00> : vector<20x128xf32>
    %dot_general3A_2349 = tpu.matmul %get3A_2342, %get3A_2347, %dot_general3A_2348 {dimension_numbers = #tpu.dot_dimension_numbers<[1], [0], [0], [1], [0, 0, 1, 1], [], []>, transpose_lhs_hint = false} : vector<20x32xf32>, vector<32x128xf32>, vector<20x128xf32> -> vector<20x128xf32>
    %swap3A_2350 = arith.constant 91 : index
    %swap3A_2351 = arith.constant 0 : index
    %swap3A_2352 = arith.constant 0 : index
    %swap3A_2353 = vector.load %arg13[%swap3A_2350, %swap3A_2351, %swap3A_2352] : memref<200x20x128xf32, #tpu.memory_space<vmem>>, vector<1x20x128xf32>
    %swap3A_2354 = vector.shape_cast %swap3A_2353 : vector<1x20x128xf32> to vector<20x128xf32>
    %swap3A_2355 = vector.shape_cast %dot_general3A_2349 : vector<20x128xf32> to vector<1x20x128xf32>
    tpu.vector_store %arg13[%swap3A_2350, %swap3A_2351, %swap3A_2352], %swap3A_2355 {strides = array<i32>} : memref<200x20x128xf32, #tpu.memory_space<vmem>>, vector<1x20x128xf32>,
    %get3A_2356 = arith.constant 92 : index
    %get3A_2357 = arith.constant 0 : index
    %get3A_2358 = arith.constant 0 : index
    %get3A_2359 = vector.load %arg12[%get3A_2356, %get3A_2357, %get3A_2358] : memref<200x20x32xf32, #tpu.memory_space<vmem>>, vector<1x20x32xf32>
    %get3A_2360 = vector.shape_cast %get3A_2359 : vector<1x20x32xf32> to vector<20x32xf32>
    %get3A_2361 = arith.constant 92 : index
    %get3A_2362 = arith.constant 0 : index
    %get3A_2363 = arith.constant 0 : index
    %get3A_2364 = vector.load %arg1[%get3A_2361, %get3A_2362, %get3A_2363] : memref<200x32x128xf32, #tpu.memory_space<vmem>>, vector<1x32x128xf32>
    %get3A_2365 = vector.shape_cast %get3A_2364 : vector<1x32x128xf32> to vector<32x128xf32>
    %dot_general3A_2366 = arith.constant dense<0.000000e+00> : vector<20x128xf32>
    %dot_general3A_2367 = tpu.matmul %get3A_2360, %get3A_2365, %dot_general3A_2366 {dimension_numbers = #tpu.dot_dimension_numbers<[1], [0], [0], [1], [0, 0, 1, 1], [], []>, transpose_lhs_hint = false} : vector<20x32xf32>, vector<32x128xf32>, vector<20x128xf32> -> vector<20x128xf32>
    %swap3A_2368 = arith.constant 92 : index
    %swap3A_2369 = arith.constant 0 : index
    %swap3A_2370 = arith.constant 0 : index
    %swap3A_2371 = vector.load %arg13[%swap3A_2368, %swap3A_2369, %swap3A_2370] : memref<200x20x128xf32, #tpu.memory_space<vmem>>, vector<1x20x128xf32>
    %swap3A_2372 = vector.shape_cast %swap3A_2371 : vector<1x20x128xf32> to vector<20x128xf32>
    %swap3A_2373 = vector.shape_cast %dot_general3A_2367 : vector<20x128xf32> to vector<1x20x128xf32>
    tpu.vector_store %arg13[%swap3A_2368, %swap3A_2369, %swap3A_2370], %swap3A_2373 {strides = array<i32>} : memref<200x20x128xf32, #tpu.memory_space<vmem>>, vector<1x20x128xf32>,
    %get3A_2374 = arith.constant 93 : index
    %get3A_2375 = arith.constant 0 : index
    %get3A_2376 = arith.constant 0 : index
    %get3A_2377 = vector.load %arg12[%get3A_2374, %get3A_2375, %get3A_2376] : memref<200x20x32xf32, #tpu.memory_space<vmem>>, vector<1x20x32xf32>
    %get3A_2378 = vector.shape_cast %get3A_2377 : vector<1x20x32xf32> to vector<20x32xf32>
    %get3A_2379 = arith.constant 93 : index
    %get3A_2380 = arith.constant 0 : index
    %get3A_2381 = arith.constant 0 : index
    %get3A_2382 = vector.load %arg1[%get3A_2379, %get3A_2380, %get3A_2381] : memref<200x32x128xf32, #tpu.memory_space<vmem>>, vector<1x32x128xf32>
    %get3A_2383 = vector.shape_cast %get3A_2382 : vector<1x32x128xf32> to vector<32x128xf32>
    %dot_general3A_2384 = arith.constant dense<0.000000e+00> : vector<20x128xf32>
    %dot_general3A_2385 = tpu.matmul %get3A_2378, %get3A_2383, %dot_general3A_2384 {dimension_numbers = #tpu.dot_dimension_numbers<[1], [0], [0], [1], [0, 0, 1, 1], [], []>, transpose_lhs_hint = false} : vector<20x32xf32>, vector<32x128xf32>, vector<20x128xf32> -> vector<20x128xf32>
    %swap3A_2386 = arith.constant 93 : index
    %swap3A_2387 = arith.constant 0 : index
    %swap3A_2388 = arith.constant 0 : index
    %swap3A_2389 = vector.load %arg13[%swap3A_2386, %swap3A_2387, %swap3A_2388] : memref<200x20x128xf32, #tpu.memory_space<vmem>>, vector<1x20x128xf32>
    %swap3A_2390 = vector.shape_cast %swap3A_2389 : vector<1x20x128xf32> to vector<20x128xf32>
    %swap3A_2391 = vector.shape_cast %dot_general3A_2385 : vector<20x128xf32> to vector<1x20x128xf32>
    tpu.vector_store %arg13[%swap3A_2386, %swap3A_2387, %swap3A_2388], %swap3A_2391 {strides = array<i32>} : memref<200x20x128xf32, #tpu.memory_space<vmem>>, vector<1x20x128xf32>,
    %get3A_2392 = arith.constant 94 : index
    %get3A_2393 = arith.constant 0 : index
    %get3A_2394 = arith.constant 0 : index
    %get3A_2395 = vector.load %arg12[%get3A_2392, %get3A_2393, %get3A_2394] : memref<200x20x32xf32, #tpu.memory_space<vmem>>, vector<1x20x32xf32>
    %get3A_2396 = vector.shape_cast %get3A_2395 : vector<1x20x32xf32> to vector<20x32xf32>
    %get3A_2397 = arith.constant 94 : index
    %get3A_2398 = arith.constant 0 : index
    %get3A_2399 = arith.constant 0 : index
    %get3A_2400 = vector.load %arg1[%get3A_2397, %get3A_2398, %get3A_2399] : memref<200x32x128xf32, #tpu.memory_space<vmem>>, vector<1x32x128xf32>
    %get3A_2401 = vector.shape_cast %get3A_2400 : vector<1x32x128xf32> to vector<32x128xf32>
    %dot_general3A_2402 = arith.constant dense<0.000000e+00> : vector<20x128xf32>
    %dot_general3A_2403 = tpu.matmul %get3A_2396, %get3A_2401, %dot_general3A_2402 {dimension_numbers = #tpu.dot_dimension_numbers<[1], [0], [0], [1], [0, 0, 1, 1], [], []>, transpose_lhs_hint = false} : vector<20x32xf32>, vector<32x128xf32>, vector<20x128xf32> -> vector<20x128xf32>
    %swap3A_2404 = arith.constant 94 : index
    %swap3A_2405 = arith.constant 0 : index
    %swap3A_2406 = arith.constant 0 : index
    %swap3A_2407 = vector.load %arg13[%swap3A_2404, %swap3A_2405, %swap3A_2406] : memref<200x20x128xf32, #tpu.memory_space<vmem>>, vector<1x20x128xf32>
    %swap3A_2408 = vector.shape_cast %swap3A_2407 : vector<1x20x128xf32> to vector<20x128xf32>
    %swap3A_2409 = vector.shape_cast %dot_general3A_2403 : vector<20x128xf32> to vector<1x20x128xf32>
    tpu.vector_store %arg13[%swap3A_2404, %swap3A_2405, %swap3A_2406], %swap3A_2409 {strides = array<i32>} : memref<200x20x128xf32, #tpu.memory_space<vmem>>, vector<1x20x128xf32>,
    %get3A_2410 = arith.constant 95 : index
    %get3A_2411 = arith.constant 0 : index
    %get3A_2412 = arith.constant 0 : index
    %get3A_2413 = vector.load %arg12[%get3A_2410, %get3A_2411, %get3A_2412] : memref<200x20x32xf32, #tpu.memory_space<vmem>>, vector<1x20x32xf32>
    %get3A_2414 = vector.shape_cast %get3A_2413 : vector<1x20x32xf32> to vector<20x32xf32>
    %get3A_2415 = arith.constant 95 : index
    %get3A_2416 = arith.constant 0 : index
    %get3A_2417 = arith.constant 0 : index
    %get3A_2418 = vector.load %arg1[%get3A_2415, %get3A_2416, %get3A_2417] : memref<200x32x128xf32, #tpu.memory_space<vmem>>, vector<1x32x128xf32>
    %get3A_2419 = vector.shape_cast %get3A_2418 : vector<1x32x128xf32> to vector<32x128xf32>
    %dot_general3A_2420 = arith.constant dense<0.000000e+00> : vector<20x128xf32>
    %dot_general3A_2421 = tpu.matmul %get3A_2414, %get3A_2419, %dot_general3A_2420 {dimension_numbers = #tpu.dot_dimension_numbers<[1], [0], [0], [1], [0, 0, 1, 1], [], []>, transpose_lhs_hint = false} : vector<20x32xf32>, vector<32x128xf32>, vector<20x128xf32> -> vector<20x128xf32>
    %swap3A_2422 = arith.constant 95 : index
    %swap3A_2423 = arith.constant 0 : index
    %swap3A_2424 = arith.constant 0 : index
    %swap3A_2425 = vector.load %arg13[%swap3A_2422, %swap3A_2423, %swap3A_2424] : memref<200x20x128xf32, #tpu.memory_space<vmem>>, vector<1x20x128xf32>
    %swap3A_2426 = vector.shape_cast %swap3A_2425 : vector<1x20x128xf32> to vector<20x128xf32>
    %swap3A_2427 = vector.shape_cast %dot_general3A_2421 : vector<20x128xf32> to vector<1x20x128xf32>
    tpu.vector_store %arg13[%swap3A_2422, %swap3A_2423, %swap3A_2424], %swap3A_2427 {strides = array<i32>} : memref<200x20x128xf32, #tpu.memory_space<vmem>>, vector<1x20x128xf32>,
    %get3A_2428 = arith.constant 96 : index
    %get3A_2429 = arith.constant 0 : index
    %get3A_2430 = arith.constant 0 : index
    %get3A_2431 = vector.load %arg12[%get3A_2428, %get3A_2429, %get3A_2430] : memref<200x20x32xf32, #tpu.memory_space<vmem>>, vector<1x20x32xf32>
    %get3A_2432 = vector.shape_cast %get3A_2431 : vector<1x20x32xf32> to vector<20x32xf32>
    %get3A_2433 = arith.constant 96 : index
    %get3A_2434 = arith.constant 0 : index
    %get3A_2435 = arith.constant 0 : index
    %get3A_2436 = vector.load %arg1[%get3A_2433, %get3A_2434, %get3A_2435] : memref<200x32x128xf32, #tpu.memory_space<vmem>>, vector<1x32x128xf32>
    %get3A_2437 = vector.shape_cast %get3A_2436 : vector<1x32x128xf32> to vector<32x128xf32>
    %dot_general3A_2438 = arith.constant dense<0.000000e+00> : vector<20x128xf32>
    %dot_general3A_2439 = tpu.matmul %get3A_2432, %get3A_2437, %dot_general3A_2438 {dimension_numbers = #tpu.dot_dimension_numbers<[1], [0], [0], [1], [0, 0, 1, 1], [], []>, transpose_lhs_hint = false} : vector<20x32xf32>, vector<32x128xf32>, vector<20x128xf32> -> vector<20x128xf32>
    %swap3A_2440 = arith.constant 96 : index
    %swap3A_2441 = arith.constant 0 : index
    %swap3A_2442 = arith.constant 0 : index
    %swap3A_2443 = vector.load %arg13[%swap3A_2440, %swap3A_2441, %swap3A_2442] : memref<200x20x128xf32, #tpu.memory_space<vmem>>, vector<1x20x128xf32>
    %swap3A_2444 = vector.shape_cast %swap3A_2443 : vector<1x20x128xf32> to vector<20x128xf32>
    %swap3A_2445 = vector.shape_cast %dot_general3A_2439 : vector<20x128xf32> to vector<1x20x128xf32>
    tpu.vector_store %arg13[%swap3A_2440, %swap3A_2441, %swap3A_2442], %swap3A_2445 {strides = array<i32>} : memref<200x20x128xf32, #tpu.memory_space<vmem>>, vector<1x20x128xf32>,
    %get3A_2446 = arith.constant 97 : index
    %get3A_2447 = arith.constant 0 : index
    %get3A_2448 = arith.constant 0 : index
    %get3A_2449 = vector.load %arg12[%get3A_2446, %get3A_2447, %get3A_2448] : memref<200x20x32xf32, #tpu.memory_space<vmem>>, vector<1x20x32xf32>
    %get3A_2450 = vector.shape_cast %get3A_2449 : vector<1x20x32xf32> to vector<20x32xf32>
    %get3A_2451 = arith.constant 97 : index
    %get3A_2452 = arith.constant 0 : index
    %get3A_2453 = arith.constant 0 : index
    %get3A_2454 = vector.load %arg1[%get3A_2451, %get3A_2452, %get3A_2453] : memref<200x32x128xf32, #tpu.memory_space<vmem>>, vector<1x32x128xf32>
    %get3A_2455 = vector.shape_cast %get3A_2454 : vector<1x32x128xf32> to vector<32x128xf32>
    %dot_general3A_2456 = arith.constant dense<0.000000e+00> : vector<20x128xf32>
    %dot_general3A_2457 = tpu.matmul %get3A_2450, %get3A_2455, %dot_general3A_2456 {dimension_numbers = #tpu.dot_dimension_numbers<[1], [0], [0], [1], [0, 0, 1, 1], [], []>, transpose_lhs_hint = false} : vector<20x32xf32>, vector<32x128xf32>, vector<20x128xf32> -> vector<20x128xf32>
    %swap3A_2458 = arith.constant 97 : index
    %swap3A_2459 = arith.constant 0 : index
    %swap3A_2460 = arith.constant 0 : index
    %swap3A_2461 = vector.load %arg13[%swap3A_2458, %swap3A_2459, %swap3A_2460] : memref<200x20x128xf32, #tpu.memory_space<vmem>>, vector<1x20x128xf32>
    %swap3A_2462 = vector.shape_cast %swap3A_2461 : vector<1x20x128xf32> to vector<20x128xf32>
    %swap3A_2463 = vector.shape_cast %dot_general3A_2457 : vector<20x128xf32> to vector<1x20x128xf32>
    tpu.vector_store %arg13[%swap3A_2458, %swap3A_2459, %swap3A_2460], %swap3A_2463 {strides = array<i32>} : memref<200x20x128xf32, #tpu.memory_space<vmem>>, vector<1x20x128xf32>,
    %get3A_2464 = arith.constant 98 : index
    %get3A_2465 = arith.constant 0 : index
    %get3A_2466 = arith.constant 0 : index
    %get3A_2467 = vector.load %arg12[%get3A_2464, %get3A_2465, %get3A_2466] : memref<200x20x32xf32, #tpu.memory_space<vmem>>, vector<1x20x32xf32>
    %get3A_2468 = vector.shape_cast %get3A_2467 : vector<1x20x32xf32> to vector<20x32xf32>
    %get3A_2469 = arith.constant 98 : index
    %get3A_2470 = arith.constant 0 : index
    %get3A_2471 = arith.constant 0 : index
    %get3A_2472 = vector.load %arg1[%get3A_2469, %get3A_2470, %get3A_2471] : memref<200x32x128xf32, #tpu.memory_space<vmem>>, vector<1x32x128xf32>
    %get3A_2473 = vector.shape_cast %get3A_2472 : vector<1x32x128xf32> to vector<32x128xf32>
    %dot_general3A_2474 = arith.constant dense<0.000000e+00> : vector<20x128xf32>
    %dot_general3A_2475 = tpu.matmul %get3A_2468, %get3A_2473, %dot_general3A_2474 {dimension_numbers = #tpu.dot_dimension_numbers<[1], [0], [0], [1], [0, 0, 1, 1], [], []>, transpose_lhs_hint = false} : vector<20x32xf32>, vector<32x128xf32>, vector<20x128xf32> -> vector<20x128xf32>
    %swap3A_2476 = arith.constant 98 : index
    %swap3A_2477 = arith.constant 0 : index
    %swap3A_2478 = arith.constant 0 : index
    %swap3A_2479 = vector.load %arg13[%swap3A_2476, %swap3A_2477, %swap3A_2478] : memref<200x20x128xf32, #tpu.memory_space<vmem>>, vector<1x20x128xf32>
    %swap3A_2480 = vector.shape_cast %swap3A_2479 : vector<1x20x128xf32> to vector<20x128xf32>
    %swap3A_2481 = vector.shape_cast %dot_general3A_2475 : vector<20x128xf32> to vector<1x20x128xf32>
    tpu.vector_store %arg13[%swap3A_2476, %swap3A_2477, %swap3A_2478], %swap3A_2481 {strides = array<i32>} : memref<200x20x128xf32, #tpu.memory_space<vmem>>, vector<1x20x128xf32>,
    %get3A_2482 = arith.constant 99 : index
    %get3A_2483 = arith.constant 0 : index
    %get3A_2484 = arith.constant 0 : index
    %get3A_2485 = vector.load %arg12[%get3A_2482, %get3A_2483, %get3A_2484] : memref<200x20x32xf32, #tpu.memory_space<vmem>>, vector<1x20x32xf32>
    %get3A_2486 = vector.shape_cast %get3A_2485 : vector<1x20x32xf32> to vector<20x32xf32>
    %get3A_2487 = arith.constant 99 : index
    %get3A_2488 = arith.constant 0 : index
    %get3A_2489 = arith.constant 0 : index
    %get3A_2490 = vector.load %arg1[%get3A_2487, %get3A_2488, %get3A_2489] : memref<200x32x128xf32, #tpu.memory_space<vmem>>, vector<1x32x128xf32>
    %get3A_2491 = vector.shape_cast %get3A_2490 : vector<1x32x128xf32> to vector<32x128xf32>
    %dot_general3A_2492 = arith.constant dense<0.000000e+00> : vector<20x128xf32>
    %dot_general3A_2493 = tpu.matmul %get3A_2486, %get3A_2491, %dot_general3A_2492 {dimension_numbers = #tpu.dot_dimension_numbers<[1], [0], [0], [1], [0, 0, 1, 1], [], []>, transpose_lhs_hint = false} : vector<20x32xf32>, vector<32x128xf32>, vector<20x128xf32> -> vector<20x128xf32>
    %swap3A_2494 = arith.constant 99 : index
    %swap3A_2495 = arith.constant 0 : index
    %swap3A_2496 = arith.constant 0 : index
    %swap3A_2497 = vector.load %arg13[%swap3A_2494, %swap3A_2495, %swap3A_2496] : memref<200x20x128xf32, #tpu.memory_space<vmem>>, vector<1x20x128xf32>
    %swap3A_2498 = vector.shape_cast %swap3A_2497 : vector<1x20x128xf32> to vector<20x128xf32>
    %swap3A_2499 = vector.shape_cast %dot_general3A_2493 : vector<20x128xf32> to vector<1x20x128xf32>
    tpu.vector_store %arg13[%swap3A_2494, %swap3A_2495, %swap3A_2496], %swap3A_2499 {strides = array<i32>} : memref<200x20x128xf32, #tpu.memory_space<vmem>>, vector<1x20x128xf32>,
    %get3A_2500 = arith.constant 100 : index
    %get3A_2501 = arith.constant 0 : index
    %get3A_2502 = arith.constant 0 : index
    %get3A_2503 = vector.load %arg12[%get3A_2500, %get3A_2501, %get3A_2502] : memref<200x20x32xf32, #tpu.memory_space<vmem>>, vector<1x20x32xf32>
    %get3A_2504 = vector.shape_cast %get3A_2503 : vector<1x20x32xf32> to vector<20x32xf32>
    %get3A_2505 = arith.constant 100 : index
    %get3A_2506 = arith.constant 0 : index
    %get3A_2507 = arith.constant 0 : index
    %get3A_2508 = vector.load %arg1[%get3A_2505, %get3A_2506, %get3A_2507] : memref<200x32x128xf32, #tpu.memory_space<vmem>>, vector<1x32x128xf32>
    %get3A_2509 = vector.shape_cast %get3A_2508 : vector<1x32x128xf32> to vector<32x128xf32>
    %dot_general3A_2510 = arith.constant dense<0.000000e+00> : vector<20x128xf32>
    %dot_general3A_2511 = tpu.matmul %get3A_2504, %get3A_2509, %dot_general3A_2510 {dimension_numbers = #tpu.dot_dimension_numbers<[1], [0], [0], [1], [0, 0, 1, 1], [], []>, transpose_lhs_hint = false} : vector<20x32xf32>, vector<32x128xf32>, vector<20x128xf32> -> vector<20x128xf32>
    %swap3A_2512 = arith.constant 100 : index
    %swap3A_2513 = arith.constant 0 : index
    %swap3A_2514 = arith.constant 0 : index
    %swap3A_2515 = vector.load %arg13[%swap3A_2512, %swap3A_2513, %swap3A_2514] : memref<200x20x128xf32, #tpu.memory_space<vmem>>, vector<1x20x128xf32>
    %swap3A_2516 = vector.shape_cast %swap3A_2515 : vector<1x20x128xf32> to vector<20x128xf32>
    %swap3A_2517 = vector.shape_cast %dot_general3A_2511 : vector<20x128xf32> to vector<1x20x128xf32>
    tpu.vector_store %arg13[%swap3A_2512, %swap3A_2513, %swap3A_2514], %swap3A_2517 {strides = array<i32>} : memref<200x20x128xf32, #tpu.memory_space<vmem>>, vector<1x20x128xf32>,
    %get3A_2518 = arith.constant 101 : index
    %get3A_2519 = arith.constant 0 : index
    %get3A_2520 = arith.constant 0 : index
    %get3A_2521 = vector.load %arg12[%get3A_2518, %get3A_2519, %get3A_2520] : memref<200x20x32xf32, #tpu.memory_space<vmem>>, vector<1x20x32xf32>
    %get3A_2522 = vector.shape_cast %get3A_2521 : vector<1x20x32xf32> to vector<20x32xf32>
    %get3A_2523 = arith.constant 101 : index
    %get3A_2524 = arith.constant 0 : index
    %get3A_2525 = arith.constant 0 : index
    %get3A_2526 = vector.load %arg1[%get3A_2523, %get3A_2524, %get3A_2525] : memref<200x32x128xf32, #tpu.memory_space<vmem>>, vector<1x32x128xf32>
    %get3A_2527 = vector.shape_cast %get3A_2526 : vector<1x32x128xf32> to vector<32x128xf32>
    %dot_general3A_2528 = arith.constant dense<0.000000e+00> : vector<20x128xf32>
    %dot_general3A_2529 = tpu.matmul %get3A_2522, %get3A_2527, %dot_general3A_2528 {dimension_numbers = #tpu.dot_dimension_numbers<[1], [0], [0], [1], [0, 0, 1, 1], [], []>, transpose_lhs_hint = false} : vector<20x32xf32>, vector<32x128xf32>, vector<20x128xf32> -> vector<20x128xf32>
    %swap3A_2530 = arith.constant 101 : index
    %swap3A_2531 = arith.constant 0 : index
    %swap3A_2532 = arith.constant 0 : index
    %swap3A_2533 = vector.load %arg13[%swap3A_2530, %swap3A_2531, %swap3A_2532] : memref<200x20x128xf32, #tpu.memory_space<vmem>>, vector<1x20x128xf32>
    %swap3A_2534 = vector.shape_cast %swap3A_2533 : vector<1x20x128xf32> to vector<20x128xf32>
    %swap3A_2535 = vector.shape_cast %dot_general3A_2529 : vector<20x128xf32> to vector<1x20x128xf32>
    tpu.vector_store %arg13[%swap3A_2530, %swap3A_2531, %swap3A_2532], %swap3A_2535 {strides = array<i32>} : memref<200x20x128xf32, #tpu.memory_space<vmem>>, vector<1x20x128xf32>,
    %get3A_2536 = arith.constant 102 : index
    %get3A_2537 = arith.constant 0 : index
    %get3A_2538 = arith.constant 0 : index
    %get3A_2539 = vector.load %arg12[%get3A_2536, %get3A_2537, %get3A_2538] : memref<200x20x32xf32, #tpu.memory_space<vmem>>, vector<1x20x32xf32>
    %get3A_2540 = vector.shape_cast %get3A_2539 : vector<1x20x32xf32> to vector<20x32xf32>
    %get3A_2541 = arith.constant 102 : index
    %get3A_2542 = arith.constant 0 : index
    %get3A_2543 = arith.constant 0 : index
    %get3A_2544 = vector.load %arg1[%get3A_2541, %get3A_2542, %get3A_2543] : memref<200x32x128xf32, #tpu.memory_space<vmem>>, vector<1x32x128xf32>
    %get3A_2545 = vector.shape_cast %get3A_2544 : vector<1x32x128xf32> to vector<32x128xf32>
    %dot_general3A_2546 = arith.constant dense<0.000000e+00> : vector<20x128xf32>
    %dot_general3A_2547 = tpu.matmul %get3A_2540, %get3A_2545, %dot_general3A_2546 {dimension_numbers = #tpu.dot_dimension_numbers<[1], [0], [0], [1], [0, 0, 1, 1], [], []>, transpose_lhs_hint = false} : vector<20x32xf32>, vector<32x128xf32>, vector<20x128xf32> -> vector<20x128xf32>
    %swap3A_2548 = arith.constant 102 : index
    %swap3A_2549 = arith.constant 0 : index
    %swap3A_2550 = arith.constant 0 : index
    %swap3A_2551 = vector.load %arg13[%swap3A_2548, %swap3A_2549, %swap3A_2550] : memref<200x20x128xf32, #tpu.memory_space<vmem>>, vector<1x20x128xf32>
    %swap3A_2552 = vector.shape_cast %swap3A_2551 : vector<1x20x128xf32> to vector<20x128xf32>
    %swap3A_2553 = vector.shape_cast %dot_general3A_2547 : vector<20x128xf32> to vector<1x20x128xf32>
    tpu.vector_store %arg13[%swap3A_2548, %swap3A_2549, %swap3A_2550], %swap3A_2553 {strides = array<i32>} : memref<200x20x128xf32, #tpu.memory_space<vmem>>, vector<1x20x128xf32>,
    %get3A_2554 = arith.constant 103 : index
    %get3A_2555 = arith.constant 0 : index
    %get3A_2556 = arith.constant 0 : index
    %get3A_2557 = vector.load %arg12[%get3A_2554, %get3A_2555, %get3A_2556] : memref<200x20x32xf32, #tpu.memory_space<vmem>>, vector<1x20x32xf32>
    %get3A_2558 = vector.shape_cast %get3A_2557 : vector<1x20x32xf32> to vector<20x32xf32>
    %get3A_2559 = arith.constant 103 : index
    %get3A_2560 = arith.constant 0 : index
    %get3A_2561 = arith.constant 0 : index
    %get3A_2562 = vector.load %arg1[%get3A_2559, %get3A_2560, %get3A_2561] : memref<200x32x128xf32, #tpu.memory_space<vmem>>, vector<1x32x128xf32>
    %get3A_2563 = vector.shape_cast %get3A_2562 : vector<1x32x128xf32> to vector<32x128xf32>
    %dot_general3A_2564 = arith.constant dense<0.000000e+00> : vector<20x128xf32>
    %dot_general3A_2565 = tpu.matmul %get3A_2558, %get3A_2563, %dot_general3A_2564 {dimension_numbers = #tpu.dot_dimension_numbers<[1], [0], [0], [1], [0, 0, 1, 1], [], []>, transpose_lhs_hint = false} : vector<20x32xf32>, vector<32x128xf32>, vector<20x128xf32> -> vector<20x128xf32>
    %swap3A_2566 = arith.constant 103 : index
    %swap3A_2567 = arith.constant 0 : index
    %swap3A_2568 = arith.constant 0 : index
    %swap3A_2569 = vector.load %arg13[%swap3A_2566, %swap3A_2567, %swap3A_2568] : memref<200x20x128xf32, #tpu.memory_space<vmem>>, vector<1x20x128xf32>
    %swap3A_2570 = vector.shape_cast %swap3A_2569 : vector<1x20x128xf32> to vector<20x128xf32>
    %swap3A_2571 = vector.shape_cast %dot_general3A_2565 : vector<20x128xf32> to vector<1x20x128xf32>
    tpu.vector_store %arg13[%swap3A_2566, %swap3A_2567, %swap3A_2568], %swap3A_2571 {strides = array<i32>} : memref<200x20x128xf32, #tpu.memory_space<vmem>>, vector<1x20x128xf32>,
    %get3A_2572 = arith.constant 104 : index
    %get3A_2573 = arith.constant 0 : index
    %get3A_2574 = arith.constant 0 : index
    %get3A_2575 = vector.load %arg12[%get3A_2572, %get3A_2573, %get3A_2574] : memref<200x20x32xf32, #tpu.memory_space<vmem>>, vector<1x20x32xf32>
    %get3A_2576 = vector.shape_cast %get3A_2575 : vector<1x20x32xf32> to vector<20x32xf32>
    %get3A_2577 = arith.constant 104 : index
    %get3A_2578 = arith.constant 0 : index
    %get3A_2579 = arith.constant 0 : index
    %get3A_2580 = vector.load %arg1[%get3A_2577, %get3A_2578, %get3A_2579] : memref<200x32x128xf32, #tpu.memory_space<vmem>>, vector<1x32x128xf32>
    %get3A_2581 = vector.shape_cast %get3A_2580 : vector<1x32x128xf32> to vector<32x128xf32>
    %dot_general3A_2582 = arith.constant dense<0.000000e+00> : vector<20x128xf32>
    %dot_general3A_2583 = tpu.matmul %get3A_2576, %get3A_2581, %dot_general3A_2582 {dimension_numbers = #tpu.dot_dimension_numbers<[1], [0], [0], [1], [0, 0, 1, 1], [], []>, transpose_lhs_hint = false} : vector<20x32xf32>, vector<32x128xf32>, vector<20x128xf32> -> vector<20x128xf32>
    %swap3A_2584 = arith.constant 104 : index
    %swap3A_2585 = arith.constant 0 : index
    %swap3A_2586 = arith.constant 0 : index
    %swap3A_2587 = vector.load %arg13[%swap3A_2584, %swap3A_2585, %swap3A_2586] : memref<200x20x128xf32, #tpu.memory_space<vmem>>, vector<1x20x128xf32>
    %swap3A_2588 = vector.shape_cast %swap3A_2587 : vector<1x20x128xf32> to vector<20x128xf32>
    %swap3A_2589 = vector.shape_cast %dot_general3A_2583 : vector<20x128xf32> to vector<1x20x128xf32>
    tpu.vector_store %arg13[%swap3A_2584, %swap3A_2585, %swap3A_2586], %swap3A_2589 {strides = array<i32>} : memref<200x20x128xf32, #tpu.memory_space<vmem>>, vector<1x20x128xf32>,
    %get3A_2590 = arith.constant 105 : index
    %get3A_2591 = arith.constant 0 : index
    %get3A_2592 = arith.constant 0 : index
    %get3A_2593 = vector.load %arg12[%get3A_2590, %get3A_2591, %get3A_2592] : memref<200x20x32xf32, #tpu.memory_space<vmem>>, vector<1x20x32xf32>
    %get3A_2594 = vector.shape_cast %get3A_2593 : vector<1x20x32xf32> to vector<20x32xf32>
    %get3A_2595 = arith.constant 105 : index
    %get3A_2596 = arith.constant 0 : index
    %get3A_2597 = arith.constant 0 : index
    %get3A_2598 = vector.load %arg1[%get3A_2595, %get3A_2596, %get3A_2597] : memref<200x32x128xf32, #tpu.memory_space<vmem>>, vector<1x32x128xf32>
    %get3A_2599 = vector.shape_cast %get3A_2598 : vector<1x32x128xf32> to vector<32x128xf32>
    %dot_general3A_2600 = arith.constant dense<0.000000e+00> : vector<20x128xf32>
    %dot_general3A_2601 = tpu.matmul %get3A_2594, %get3A_2599, %dot_general3A_2600 {dimension_numbers = #tpu.dot_dimension_numbers<[1], [0], [0], [1], [0, 0, 1, 1], [], []>, transpose_lhs_hint = false} : vector<20x32xf32>, vector<32x128xf32>, vector<20x128xf32> -> vector<20x128xf32>
    %swap3A_2602 = arith.constant 105 : index
    %swap3A_2603 = arith.constant 0 : index
    %swap3A_2604 = arith.constant 0 : index
    %swap3A_2605 = vector.load %arg13[%swap3A_2602, %swap3A_2603, %swap3A_2604] : memref<200x20x128xf32, #tpu.memory_space<vmem>>, vector<1x20x128xf32>
    %swap3A_2606 = vector.shape_cast %swap3A_2605 : vector<1x20x128xf32> to vector<20x128xf32>
    %swap3A_2607 = vector.shape_cast %dot_general3A_2601 : vector<20x128xf32> to vector<1x20x128xf32>
    tpu.vector_store %arg13[%swap3A_2602, %swap3A_2603, %swap3A_2604], %swap3A_2607 {strides = array<i32>} : memref<200x20x128xf32, #tpu.memory_space<vmem>>, vector<1x20x128xf32>,
    %get3A_2608 = arith.constant 106 : index
    %get3A_2609 = arith.constant 0 : index
    %get3A_2610 = arith.constant 0 : index
    %get3A_2611 = vector.load %arg12[%get3A_2608, %get3A_2609, %get3A_2610] : memref<200x20x32xf32, #tpu.memory_space<vmem>>, vector<1x20x32xf32>
    %get3A_2612 = vector.shape_cast %get3A_2611 : vector<1x20x32xf32> to vector<20x32xf32>
    %get3A_2613 = arith.constant 106 : index
    %get3A_2614 = arith.constant 0 : index
    %get3A_2615 = arith.constant 0 : index
    %get3A_2616 = vector.load %arg1[%get3A_2613, %get3A_2614, %get3A_2615] : memref<200x32x128xf32, #tpu.memory_space<vmem>>, vector<1x32x128xf32>
    %get3A_2617 = vector.shape_cast %get3A_2616 : vector<1x32x128xf32> to vector<32x128xf32>
    %dot_general3A_2618 = arith.constant dense<0.000000e+00> : vector<20x128xf32>
    %dot_general3A_2619 = tpu.matmul %get3A_2612, %get3A_2617, %dot_general3A_2618 {dimension_numbers = #tpu.dot_dimension_numbers<[1], [0], [0], [1], [0, 0, 1, 1], [], []>, transpose_lhs_hint = false} : vector<20x32xf32>, vector<32x128xf32>, vector<20x128xf32> -> vector<20x128xf32>
    %swap3A_2620 = arith.constant 106 : index
    %swap3A_2621 = arith.constant 0 : index
    %swap3A_2622 = arith.constant 0 : index
    %swap3A_2623 = vector.load %arg13[%swap3A_2620, %swap3A_2621, %swap3A_2622] : memref<200x20x128xf32, #tpu.memory_space<vmem>>, vector<1x20x128xf32>
    %swap3A_2624 = vector.shape_cast %swap3A_2623 : vector<1x20x128xf32> to vector<20x128xf32>
    %swap3A_2625 = vector.shape_cast %dot_general3A_2619 : vector<20x128xf32> to vector<1x20x128xf32>
    tpu.vector_store %arg13[%swap3A_2620, %swap3A_2621, %swap3A_2622], %swap3A_2625 {strides = array<i32>} : memref<200x20x128xf32, #tpu.memory_space<vmem>>, vector<1x20x128xf32>,
    %get3A_2626 = arith.constant 107 : index
    %get3A_2627 = arith.constant 0 : index
    %get3A_2628 = arith.constant 0 : index
    %get3A_2629 = vector.load %arg12[%get3A_2626, %get3A_2627, %get3A_2628] : memref<200x20x32xf32, #tpu.memory_space<vmem>>, vector<1x20x32xf32>
    %get3A_2630 = vector.shape_cast %get3A_2629 : vector<1x20x32xf32> to vector<20x32xf32>
    %get3A_2631 = arith.constant 107 : index
    %get3A_2632 = arith.constant 0 : index
    %get3A_2633 = arith.constant 0 : index
    %get3A_2634 = vector.load %arg1[%get3A_2631, %get3A_2632, %get3A_2633] : memref<200x32x128xf32, #tpu.memory_space<vmem>>, vector<1x32x128xf32>
    %get3A_2635 = vector.shape_cast %get3A_2634 : vector<1x32x128xf32> to vector<32x128xf32>
    %dot_general3A_2636 = arith.constant dense<0.000000e+00> : vector<20x128xf32>
    %dot_general3A_2637 = tpu.matmul %get3A_2630, %get3A_2635, %dot_general3A_2636 {dimension_numbers = #tpu.dot_dimension_numbers<[1], [0], [0], [1], [0, 0, 1, 1], [], []>, transpose_lhs_hint = false} : vector<20x32xf32>, vector<32x128xf32>, vector<20x128xf32> -> vector<20x128xf32>
    %swap3A_2638 = arith.constant 107 : index
    %swap3A_2639 = arith.constant 0 : index
    %swap3A_2640 = arith.constant 0 : index
    %swap3A_2641 = vector.load %arg13[%swap3A_2638, %swap3A_2639, %swap3A_2640] : memref<200x20x128xf32, #tpu.memory_space<vmem>>, vector<1x20x128xf32>
    %swap3A_2642 = vector.shape_cast %swap3A_2641 : vector<1x20x128xf32> to vector<20x128xf32>
    %swap3A_2643 = vector.shape_cast %dot_general3A_2637 : vector<20x128xf32> to vector<1x20x128xf32>
    tpu.vector_store %arg13[%swap3A_2638, %swap3A_2639, %swap3A_2640], %swap3A_2643 {strides = array<i32>} : memref<200x20x128xf32, #tpu.memory_space<vmem>>, vector<1x20x128xf32>,
    %get3A_2644 = arith.constant 108 : index
    %get3A_2645 = arith.constant 0 : index
    %get3A_2646 = arith.constant 0 : index
    %get3A_2647 = vector.load %arg12[%get3A_2644, %get3A_2645, %get3A_2646] : memref<200x20x32xf32, #tpu.memory_space<vmem>>, vector<1x20x32xf32>
    %get3A_2648 = vector.shape_cast %get3A_2647 : vector<1x20x32xf32> to vector<20x32xf32>
    %get3A_2649 = arith.constant 108 : index
    %get3A_2650 = arith.constant 0 : index
    %get3A_2651 = arith.constant 0 : index
    %get3A_2652 = vector.load %arg1[%get3A_2649, %get3A_2650, %get3A_2651] : memref<200x32x128xf32, #tpu.memory_space<vmem>>, vector<1x32x128xf32>
    %get3A_2653 = vector.shape_cast %get3A_2652 : vector<1x32x128xf32> to vector<32x128xf32>
    %dot_general3A_2654 = arith.constant dense<0.000000e+00> : vector<20x128xf32>
    %dot_general3A_2655 = tpu.matmul %get3A_2648, %get3A_2653, %dot_general3A_2654 {dimension_numbers = #tpu.dot_dimension_numbers<[1], [0], [0], [1], [0, 0, 1, 1], [], []>, transpose_lhs_hint = false} : vector<20x32xf32>, vector<32x128xf32>, vector<20x128xf32> -> vector<20x128xf32>
    %swap3A_2656 = arith.constant 108 : index
    %swap3A_2657 = arith.constant 0 : index
    %swap3A_2658 = arith.constant 0 : index
    %swap3A_2659 = vector.load %arg13[%swap3A_2656, %swap3A_2657, %swap3A_2658] : memref<200x20x128xf32, #tpu.memory_space<vmem>>, vector<1x20x128xf32>
    %swap3A_2660 = vector.shape_cast %swap3A_2659 : vector<1x20x128xf32> to vector<20x128xf32>
    %swap3A_2661 = vector.shape_cast %dot_general3A_2655 : vector<20x128xf32> to vector<1x20x128xf32>
    tpu.vector_store %arg13[%swap3A_2656, %swap3A_2657, %swap3A_2658], %swap3A_2661 {strides = array<i32>} : memref<200x20x128xf32, #tpu.memory_space<vmem>>, vector<1x20x128xf32>,
    %get3A_2662 = arith.constant 109 : index
    %get3A_2663 = arith.constant 0 : index
    %get3A_2664 = arith.constant 0 : index
    %get3A_2665 = vector.load %arg12[%get3A_2662, %get3A_2663, %get3A_2664] : memref<200x20x32xf32, #tpu.memory_space<vmem>>, vector<1x20x32xf32>
    %get3A_2666 = vector.shape_cast %get3A_2665 : vector<1x20x32xf32> to vector<20x32xf32>
    %get3A_2667 = arith.constant 109 : index
    %get3A_2668 = arith.constant 0 : index
    %get3A_2669 = arith.constant 0 : index
    %get3A_2670 = vector.load %arg1[%get3A_2667, %get3A_2668, %get3A_2669] : memref<200x32x128xf32, #tpu.memory_space<vmem>>, vector<1x32x128xf32>
    %get3A_2671 = vector.shape_cast %get3A_2670 : vector<1x32x128xf32> to vector<32x128xf32>
    %dot_general3A_2672 = arith.constant dense<0.000000e+00> : vector<20x128xf32>
    %dot_general3A_2673 = tpu.matmul %get3A_2666, %get3A_2671, %dot_general3A_2672 {dimension_numbers = #tpu.dot_dimension_numbers<[1], [0], [0], [1], [0, 0, 1, 1], [], []>, transpose_lhs_hint = false} : vector<20x32xf32>, vector<32x128xf32>, vector<20x128xf32> -> vector<20x128xf32>
    %swap3A_2674 = arith.constant 109 : index
    %swap3A_2675 = arith.constant 0 : index
    %swap3A_2676 = arith.constant 0 : index
    %swap3A_2677 = vector.load %arg13[%swap3A_2674, %swap3A_2675, %swap3A_2676] : memref<200x20x128xf32, #tpu.memory_space<vmem>>, vector<1x20x128xf32>
    %swap3A_2678 = vector.shape_cast %swap3A_2677 : vector<1x20x128xf32> to vector<20x128xf32>
    %swap3A_2679 = vector.shape_cast %dot_general3A_2673 : vector<20x128xf32> to vector<1x20x128xf32>
    tpu.vector_store %arg13[%swap3A_2674, %swap3A_2675, %swap3A_2676], %swap3A_2679 {strides = array<i32>} : memref<200x20x128xf32, #tpu.memory_space<vmem>>, vector<1x20x128xf32>,
    %get3A_2680 = arith.constant 110 : index
    %get3A_2681 = arith.constant 0 : index
    %get3A_2682 = arith.constant 0 : index
    %get3A_2683 = vector.load %arg12[%get3A_2680, %get3A_2681, %get3A_2682] : memref<200x20x32xf32, #tpu.memory_space<vmem>>, vector<1x20x32xf32>
    %get3A_2684 = vector.shape_cast %get3A_2683 : vector<1x20x32xf32> to vector<20x32xf32>
    %get3A_2685 = arith.constant 110 : index
    %get3A_2686 = arith.constant 0 : index
    %get3A_2687 = arith.constant 0 : index
    %get3A_2688 = vector.load %arg1[%get3A_2685, %get3A_2686, %get3A_2687] : memref<200x32x128xf32, #tpu.memory_space<vmem>>, vector<1x32x128xf32>
    %get3A_2689 = vector.shape_cast %get3A_2688 : vector<1x32x128xf32> to vector<32x128xf32>
    %dot_general3A_2690 = arith.constant dense<0.000000e+00> : vector<20x128xf32>
    %dot_general3A_2691 = tpu.matmul %get3A_2684, %get3A_2689, %dot_general3A_2690 {dimension_numbers = #tpu.dot_dimension_numbers<[1], [0], [0], [1], [0, 0, 1, 1], [], []>, transpose_lhs_hint = false} : vector<20x32xf32>, vector<32x128xf32>, vector<20x128xf32> -> vector<20x128xf32>
    %swap3A_2692 = arith.constant 110 : index
    %swap3A_2693 = arith.constant 0 : index
    %swap3A_2694 = arith.constant 0 : index
    %swap3A_2695 = vector.load %arg13[%swap3A_2692, %swap3A_2693, %swap3A_2694] : memref<200x20x128xf32, #tpu.memory_space<vmem>>, vector<1x20x128xf32>
    %swap3A_2696 = vector.shape_cast %swap3A_2695 : vector<1x20x128xf32> to vector<20x128xf32>
    %swap3A_2697 = vector.shape_cast %dot_general3A_2691 : vector<20x128xf32> to vector<1x20x128xf32>
    tpu.vector_store %arg13[%swap3A_2692, %swap3A_2693, %swap3A_2694], %swap3A_2697 {strides = array<i32>} : memref<200x20x128xf32, #tpu.memory_space<vmem>>, vector<1x20x128xf32>,
    %get3A_2698 = arith.constant 111 : index
    %get3A_2699 = arith.constant 0 : index
    %get3A_2700 = arith.constant 0 : index
    %get3A_2701 = vector.load %arg12[%get3A_2698, %get3A_2699, %get3A_2700] : memref<200x20x32xf32, #tpu.memory_space<vmem>>, vector<1x20x32xf32>
    %get3A_2702 = vector.shape_cast %get3A_2701 : vector<1x20x32xf32> to vector<20x32xf32>
    %get3A_2703 = arith.constant 111 : index
    %get3A_2704 = arith.constant 0 : index
    %get3A_2705 = arith.constant 0 : index
    %get3A_2706 = vector.load %arg1[%get3A_2703, %get3A_2704, %get3A_2705] : memref<200x32x128xf32, #tpu.memory_space<vmem>>, vector<1x32x128xf32>
    %get3A_2707 = vector.shape_cast %get3A_2706 : vector<1x32x128xf32> to vector<32x128xf32>
    %dot_general3A_2708 = arith.constant dense<0.000000e+00> : vector<20x128xf32>
    %dot_general3A_2709 = tpu.matmul %get3A_2702, %get3A_2707, %dot_general3A_2708 {dimension_numbers = #tpu.dot_dimension_numbers<[1], [0], [0], [1], [0, 0, 1, 1], [], []>, transpose_lhs_hint = false} : vector<20x32xf32>, vector<32x128xf32>, vector<20x128xf32> -> vector<20x128xf32>
    %swap3A_2710 = arith.constant 111 : index
    %swap3A_2711 = arith.constant 0 : index
    %swap3A_2712 = arith.constant 0 : index
    %swap3A_2713 = vector.load %arg13[%swap3A_2710, %swap3A_2711, %swap3A_2712] : memref<200x20x128xf32, #tpu.memory_space<vmem>>, vector<1x20x128xf32>
    %swap3A_2714 = vector.shape_cast %swap3A_2713 : vector<1x20x128xf32> to vector<20x128xf32>
    %swap3A_2715 = vector.shape_cast %dot_general3A_2709 : vector<20x128xf32> to vector<1x20x128xf32>
    tpu.vector_store %arg13[%swap3A_2710, %swap3A_2711, %swap3A_2712], %swap3A_2715 {strides = array<i32>} : memref<200x20x128xf32, #tpu.memory_space<vmem>>, vector<1x20x128xf32>,
    %get3A_2716 = arith.constant 112 : index
    %get3A_2717 = arith.constant 0 : index
    %get3A_2718 = arith.constant 0 : index
    %get3A_2719 = vector.load %arg12[%get3A_2716, %get3A_2717, %get3A_2718] : memref<200x20x32xf32, #tpu.memory_space<vmem>>, vector<1x20x32xf32>
    %get3A_2720 = vector.shape_cast %get3A_2719 : vector<1x20x32xf32> to vector<20x32xf32>
    %get3A_2721 = arith.constant 112 : index
    %get3A_2722 = arith.constant 0 : index
    %get3A_2723 = arith.constant 0 : index
    %get3A_2724 = vector.load %arg1[%get3A_2721, %get3A_2722, %get3A_2723] : memref<200x32x128xf32, #tpu.memory_space<vmem>>, vector<1x32x128xf32>
    %get3A_2725 = vector.shape_cast %get3A_2724 : vector<1x32x128xf32> to vector<32x128xf32>
    %dot_general3A_2726 = arith.constant dense<0.000000e+00> : vector<20x128xf32>
    %dot_general3A_2727 = tpu.matmul %get3A_2720, %get3A_2725, %dot_general3A_2726 {dimension_numbers = #tpu.dot_dimension_numbers<[1], [0], [0], [1], [0, 0, 1, 1], [], []>, transpose_lhs_hint = false} : vector<20x32xf32>, vector<32x128xf32>, vector<20x128xf32> -> vector<20x128xf32>
    %swap3A_2728 = arith.constant 112 : index
    %swap3A_2729 = arith.constant 0 : index
    %swap3A_2730 = arith.constant 0 : index
    %swap3A_2731 = vector.load %arg13[%swap3A_2728, %swap3A_2729, %swap3A_2730] : memref<200x20x128xf32, #tpu.memory_space<vmem>>, vector<1x20x128xf32>
    %swap3A_2732 = vector.shape_cast %swap3A_2731 : vector<1x20x128xf32> to vector<20x128xf32>
    %swap3A_2733 = vector.shape_cast %dot_general3A_2727 : vector<20x128xf32> to vector<1x20x128xf32>
    tpu.vector_store %arg13[%swap3A_2728, %swap3A_2729, %swap3A_2730], %swap3A_2733 {strides = array<i32>} : memref<200x20x128xf32, #tpu.memory_space<vmem>>, vector<1x20x128xf32>,
    %get3A_2734 = arith.constant 113 : index
    %get3A_2735 = arith.constant 0 : index
    %get3A_2736 = arith.constant 0 : index
    %get3A_2737 = vector.load %arg12[%get3A_2734, %get3A_2735, %get3A_2736] : memref<200x20x32xf32, #tpu.memory_space<vmem>>, vector<1x20x32xf32>
    %get3A_2738 = vector.shape_cast %get3A_2737 : vector<1x20x32xf32> to vector<20x32xf32>
    %get3A_2739 = arith.constant 113 : index
    %get3A_2740 = arith.constant 0 : index
    %get3A_2741 = arith.constant 0 : index
    %get3A_2742 = vector.load %arg1[%get3A_2739, %get3A_2740, %get3A_2741] : memref<200x32x128xf32, #tpu.memory_space<vmem>>, vector<1x32x128xf32>
    %get3A_2743 = vector.shape_cast %get3A_2742 : vector<1x32x128xf32> to vector<32x128xf32>
    %dot_general3A_2744 = arith.constant dense<0.000000e+00> : vector<20x128xf32>
    %dot_general3A_2745 = tpu.matmul %get3A_2738, %get3A_2743, %dot_general3A_2744 {dimension_numbers = #tpu.dot_dimension_numbers<[1], [0], [0], [1], [0, 0, 1, 1], [], []>, transpose_lhs_hint = false} : vector<20x32xf32>, vector<32x128xf32>, vector<20x128xf32> -> vector<20x128xf32>
    %swap3A_2746 = arith.constant 113 : index
    %swap3A_2747 = arith.constant 0 : index
    %swap3A_2748 = arith.constant 0 : index
    %swap3A_2749 = vector.load %arg13[%swap3A_2746, %swap3A_2747, %swap3A_2748] : memref<200x20x128xf32, #tpu.memory_space<vmem>>, vector<1x20x128xf32>
    %swap3A_2750 = vector.shape_cast %swap3A_2749 : vector<1x20x128xf32> to vector<20x128xf32>
    %swap3A_2751 = vector.shape_cast %dot_general3A_2745 : vector<20x128xf32> to vector<1x20x128xf32>
    tpu.vector_store %arg13[%swap3A_2746, %swap3A_2747, %swap3A_2748], %swap3A_2751 {strides = array<i32>} : memref<200x20x128xf32, #tpu.memory_space<vmem>>, vector<1x20x128xf32>,
    %get3A_2752 = arith.constant 114 : index
    %get3A_2753 = arith.constant 0 : index
    %get3A_2754 = arith.constant 0 : index
    %get3A_2755 = vector.load %arg12[%get3A_2752, %get3A_2753, %get3A_2754] : memref<200x20x32xf32, #tpu.memory_space<vmem>>, vector<1x20x32xf32>
    %get3A_2756 = vector.shape_cast %get3A_2755 : vector<1x20x32xf32> to vector<20x32xf32>
    %get3A_2757 = arith.constant 114 : index
    %get3A_2758 = arith.constant 0 : index
    %get3A_2759 = arith.constant 0 : index
    %get3A_2760 = vector.load %arg1[%get3A_2757, %get3A_2758, %get3A_2759] : memref<200x32x128xf32, #tpu.memory_space<vmem>>, vector<1x32x128xf32>
    %get3A_2761 = vector.shape_cast %get3A_2760 : vector<1x32x128xf32> to vector<32x128xf32>
    %dot_general3A_2762 = arith.constant dense<0.000000e+00> : vector<20x128xf32>
    %dot_general3A_2763 = tpu.matmul %get3A_2756, %get3A_2761, %dot_general3A_2762 {dimension_numbers = #tpu.dot_dimension_numbers<[1], [0], [0], [1], [0, 0, 1, 1], [], []>, transpose_lhs_hint = false} : vector<20x32xf32>, vector<32x128xf32>, vector<20x128xf32> -> vector<20x128xf32>
    %swap3A_2764 = arith.constant 114 : index
    %swap3A_2765 = arith.constant 0 : index
    %swap3A_2766 = arith.constant 0 : index
    %swap3A_2767 = vector.load %arg13[%swap3A_2764, %swap3A_2765, %swap3A_2766] : memref<200x20x128xf32, #tpu.memory_space<vmem>>, vector<1x20x128xf32>
    %swap3A_2768 = vector.shape_cast %swap3A_2767 : vector<1x20x128xf32> to vector<20x128xf32>
    %swap3A_2769 = vector.shape_cast %dot_general3A_2763 : vector<20x128xf32> to vector<1x20x128xf32>
    tpu.vector_store %arg13[%swap3A_2764, %swap3A_2765, %swap3A_2766], %swap3A_2769 {strides = array<i32>} : memref<200x20x128xf32, #tpu.memory_space<vmem>>, vector<1x20x128xf32>,
    %get3A_2770 = arith.constant 115 : index
    %get3A_2771 = arith.constant 0 : index
    %get3A_2772 = arith.constant 0 : index
    %get3A_2773 = vector.load %arg12[%get3A_2770, %get3A_2771, %get3A_2772] : memref<200x20x32xf32, #tpu.memory_space<vmem>>, vector<1x20x32xf32>
    %get3A_2774 = vector.shape_cast %get3A_2773 : vector<1x20x32xf32> to vector<20x32xf32>
    %get3A_2775 = arith.constant 115 : index
    %get3A_2776 = arith.constant 0 : index
    %get3A_2777 = arith.constant 0 : index
    %get3A_2778 = vector.load %arg1[%get3A_2775, %get3A_2776, %get3A_2777] : memref<200x32x128xf32, #tpu.memory_space<vmem>>, vector<1x32x128xf32>
    %get3A_2779 = vector.shape_cast %get3A_2778 : vector<1x32x128xf32> to vector<32x128xf32>
    %dot_general3A_2780 = arith.constant dense<0.000000e+00> : vector<20x128xf32>
    %dot_general3A_2781 = tpu.matmul %get3A_2774, %get3A_2779, %dot_general3A_2780 {dimension_numbers = #tpu.dot_dimension_numbers<[1], [0], [0], [1], [0, 0, 1, 1], [], []>, transpose_lhs_hint = false} : vector<20x32xf32>, vector<32x128xf32>, vector<20x128xf32> -> vector<20x128xf32>
    %swap3A_2782 = arith.constant 115 : index
    %swap3A_2783 = arith.constant 0 : index
    %swap3A_2784 = arith.constant 0 : index
    %swap3A_2785 = vector.load %arg13[%swap3A_2782, %swap3A_2783, %swap3A_2784] : memref<200x20x128xf32, #tpu.memory_space<vmem>>, vector<1x20x128xf32>
    %swap3A_2786 = vector.shape_cast %swap3A_2785 : vector<1x20x128xf32> to vector<20x128xf32>
    %swap3A_2787 = vector.shape_cast %dot_general3A_2781 : vector<20x128xf32> to vector<1x20x128xf32>
    tpu.vector_store %arg13[%swap3A_2782, %swap3A_2783, %swap3A_2784], %swap3A_2787 {strides = array<i32>} : memref<200x20x128xf32, #tpu.memory_space<vmem>>, vector<1x20x128xf32>,
    %get3A_2788 = arith.constant 116 : index
    %get3A_2789 = arith.constant 0 : index
    %get3A_2790 = arith.constant 0 : index
    %get3A_2791 = vector.load %arg12[%get3A_2788, %get3A_2789, %get3A_2790] : memref<200x20x32xf32, #tpu.memory_space<vmem>>, vector<1x20x32xf32>
    %get3A_2792 = vector.shape_cast %get3A_2791 : vector<1x20x32xf32> to vector<20x32xf32>
    %get3A_2793 = arith.constant 116 : index
    %get3A_2794 = arith.constant 0 : index
    %get3A_2795 = arith.constant 0 : index
    %get3A_2796 = vector.load %arg1[%get3A_2793, %get3A_2794, %get3A_2795] : memref<200x32x128xf32, #tpu.memory_space<vmem>>, vector<1x32x128xf32>
    %get3A_2797 = vector.shape_cast %get3A_2796 : vector<1x32x128xf32> to vector<32x128xf32>
    %dot_general3A_2798 = arith.constant dense<0.000000e+00> : vector<20x128xf32>
    %dot_general3A_2799 = tpu.matmul %get3A_2792, %get3A_2797, %dot_general3A_2798 {dimension_numbers = #tpu.dot_dimension_numbers<[1], [0], [0], [1], [0, 0, 1, 1], [], []>, transpose_lhs_hint = false} : vector<20x32xf32>, vector<32x128xf32>, vector<20x128xf32> -> vector<20x128xf32>
    %swap3A_2800 = arith.constant 116 : index
    %swap3A_2801 = arith.constant 0 : index
    %swap3A_2802 = arith.constant 0 : index
    %swap3A_2803 = vector.load %arg13[%swap3A_2800, %swap3A_2801, %swap3A_2802] : memref<200x20x128xf32, #tpu.memory_space<vmem>>, vector<1x20x128xf32>
    %swap3A_2804 = vector.shape_cast %swap3A_2803 : vector<1x20x128xf32> to vector<20x128xf32>
    %swap3A_2805 = vector.shape_cast %dot_general3A_2799 : vector<20x128xf32> to vector<1x20x128xf32>
    tpu.vector_store %arg13[%swap3A_2800, %swap3A_2801, %swap3A_2802], %swap3A_2805 {strides = array<i32>} : memref<200x20x128xf32, #tpu.memory_space<vmem>>, vector<1x20x128xf32>,
    %get3A_2806 = arith.constant 117 : index
    %get3A_2807 = arith.constant 0 : index
    %get3A_2808 = arith.constant 0 : index
    %get3A_2809 = vector.load %arg12[%get3A_2806, %get3A_2807, %get3A_2808] : memref<200x20x32xf32, #tpu.memory_space<vmem>>, vector<1x20x32xf32>
    %get3A_2810 = vector.shape_cast %get3A_2809 : vector<1x20x32xf32> to vector<20x32xf32>
    %get3A_2811 = arith.constant 117 : index
    %get3A_2812 = arith.constant 0 : index
    %get3A_2813 = arith.constant 0 : index
    %get3A_2814 = vector.load %arg1[%get3A_2811, %get3A_2812, %get3A_2813] : memref<200x32x128xf32, #tpu.memory_space<vmem>>, vector<1x32x128xf32>
    %get3A_2815 = vector.shape_cast %get3A_2814 : vector<1x32x128xf32> to vector<32x128xf32>
    %dot_general3A_2816 = arith.constant dense<0.000000e+00> : vector<20x128xf32>
    %dot_general3A_2817 = tpu.matmul %get3A_2810, %get3A_2815, %dot_general3A_2816 {dimension_numbers = #tpu.dot_dimension_numbers<[1], [0], [0], [1], [0, 0, 1, 1], [], []>, transpose_lhs_hint = false} : vector<20x32xf32>, vector<32x128xf32>, vector<20x128xf32> -> vector<20x128xf32>
    %swap3A_2818 = arith.constant 117 : index
    %swap3A_2819 = arith.constant 0 : index
    %swap3A_2820 = arith.constant 0 : index
    %swap3A_2821 = vector.load %arg13[%swap3A_2818, %swap3A_2819, %swap3A_2820] : memref<200x20x128xf32, #tpu.memory_space<vmem>>, vector<1x20x128xf32>
    %swap3A_2822 = vector.shape_cast %swap3A_2821 : vector<1x20x128xf32> to vector<20x128xf32>
    %swap3A_2823 = vector.shape_cast %dot_general3A_2817 : vector<20x128xf32> to vector<1x20x128xf32>
    tpu.vector_store %arg13[%swap3A_2818, %swap3A_2819, %swap3A_2820], %swap3A_2823 {strides = array<i32>} : memref<200x20x128xf32, #tpu.memory_space<vmem>>, vector<1x20x128xf32>,
    %get3A_2824 = arith.constant 118 : index
    %get3A_2825 = arith.constant 0 : index
    %get3A_2826 = arith.constant 0 : index
    %get3A_2827 = vector.load %arg12[%get3A_2824, %get3A_2825, %get3A_2826] : memref<200x20x32xf32, #tpu.memory_space<vmem>>, vector<1x20x32xf32>
    %get3A_2828 = vector.shape_cast %get3A_2827 : vector<1x20x32xf32> to vector<20x32xf32>
    %get3A_2829 = arith.constant 118 : index
    %get3A_2830 = arith.constant 0 : index
    %get3A_2831 = arith.constant 0 : index
    %get3A_2832 = vector.load %arg1[%get3A_2829, %get3A_2830, %get3A_2831] : memref<200x32x128xf32, #tpu.memory_space<vmem>>, vector<1x32x128xf32>
    %get3A_2833 = vector.shape_cast %get3A_2832 : vector<1x32x128xf32> to vector<32x128xf32>
    %dot_general3A_2834 = arith.constant dense<0.000000e+00> : vector<20x128xf32>
    %dot_general3A_2835 = tpu.matmul %get3A_2828, %get3A_2833, %dot_general3A_2834 {dimension_numbers = #tpu.dot_dimension_numbers<[1], [0], [0], [1], [0, 0, 1, 1], [], []>, transpose_lhs_hint = false} : vector<20x32xf32>, vector<32x128xf32>, vector<20x128xf32> -> vector<20x128xf32>
    %swap3A_2836 = arith.constant 118 : index
    %swap3A_2837 = arith.constant 0 : index
    %swap3A_2838 = arith.constant 0 : index
    %swap3A_2839 = vector.load %arg13[%swap3A_2836, %swap3A_2837, %swap3A_2838] : memref<200x20x128xf32, #tpu.memory_space<vmem>>, vector<1x20x128xf32>
    %swap3A_2840 = vector.shape_cast %swap3A_2839 : vector<1x20x128xf32> to vector<20x128xf32>
    %swap3A_2841 = vector.shape_cast %dot_general3A_2835 : vector<20x128xf32> to vector<1x20x128xf32>
    tpu.vector_store %arg13[%swap3A_2836, %swap3A_2837, %swap3A_2838], %swap3A_2841 {strides = array<i32>} : memref<200x20x128xf32, #tpu.memory_space<vmem>>, vector<1x20x128xf32>,
    %get3A_2842 = arith.constant 119 : index
    %get3A_2843 = arith.constant 0 : index
    %get3A_2844 = arith.constant 0 : index
    %get3A_2845 = vector.load %arg12[%get3A_2842, %get3A_2843, %get3A_2844] : memref<200x20x32xf32, #tpu.memory_space<vmem>>, vector<1x20x32xf32>
    %get3A_2846 = vector.shape_cast %get3A_2845 : vector<1x20x32xf32> to vector<20x32xf32>
    %get3A_2847 = arith.constant 119 : index
    %get3A_2848 = arith.constant 0 : index
    %get3A_2849 = arith.constant 0 : index
    %get3A_2850 = vector.load %arg1[%get3A_2847, %get3A_2848, %get3A_2849] : memref<200x32x128xf32, #tpu.memory_space<vmem>>, vector<1x32x128xf32>
    %get3A_2851 = vector.shape_cast %get3A_2850 : vector<1x32x128xf32> to vector<32x128xf32>
    %dot_general3A_2852 = arith.constant dense<0.000000e+00> : vector<20x128xf32>
    %dot_general3A_2853 = tpu.matmul %get3A_2846, %get3A_2851, %dot_general3A_2852 {dimension_numbers = #tpu.dot_dimension_numbers<[1], [0], [0], [1], [0, 0, 1, 1], [], []>, transpose_lhs_hint = false} : vector<20x32xf32>, vector<32x128xf32>, vector<20x128xf32> -> vector<20x128xf32>
    %swap3A_2854 = arith.constant 119 : index
    %swap3A_2855 = arith.constant 0 : index
    %swap3A_2856 = arith.constant 0 : index
    %swap3A_2857 = vector.load %arg13[%swap3A_2854, %swap3A_2855, %swap3A_2856] : memref<200x20x128xf32, #tpu.memory_space<vmem>>, vector<1x20x128xf32>
    %swap3A_2858 = vector.shape_cast %swap3A_2857 : vector<1x20x128xf32> to vector<20x128xf32>
    %swap3A_2859 = vector.shape_cast %dot_general3A_2853 : vector<20x128xf32> to vector<1x20x128xf32>
    tpu.vector_store %arg13[%swap3A_2854, %swap3A_2855, %swap3A_2856], %swap3A_2859 {strides = array<i32>} : memref<200x20x128xf32, #tpu.memory_space<vmem>>, vector<1x20x128xf32>,
    %get3A_2860 = arith.constant 120 : index
    %get3A_2861 = arith.constant 0 : index
    %get3A_2862 = arith.constant 0 : index
    %get3A_2863 = vector.load %arg12[%get3A_2860, %get3A_2861, %get3A_2862] : memref<200x20x32xf32, #tpu.memory_space<vmem>>, vector<1x20x32xf32>
    %get3A_2864 = vector.shape_cast %get3A_2863 : vector<1x20x32xf32> to vector<20x32xf32>
    %get3A_2865 = arith.constant 120 : index
    %get3A_2866 = arith.constant 0 : index
    %get3A_2867 = arith.constant 0 : index
    %get3A_2868 = vector.load %arg1[%get3A_2865, %get3A_2866, %get3A_2867] : memref<200x32x128xf32, #tpu.memory_space<vmem>>, vector<1x32x128xf32>
    %get3A_2869 = vector.shape_cast %get3A_2868 : vector<1x32x128xf32> to vector<32x128xf32>
    %dot_general3A_2870 = arith.constant dense<0.000000e+00> : vector<20x128xf32>
    %dot_general3A_2871 = tpu.matmul %get3A_2864, %get3A_2869, %dot_general3A_2870 {dimension_numbers = #tpu.dot_dimension_numbers<[1], [0], [0], [1], [0, 0, 1, 1], [], []>, transpose_lhs_hint = false} : vector<20x32xf32>, vector<32x128xf32>, vector<20x128xf32> -> vector<20x128xf32>
    %swap3A_2872 = arith.constant 120 : index
    %swap3A_2873 = arith.constant 0 : index
    %swap3A_2874 = arith.constant 0 : index
    %swap3A_2875 = vector.load %arg13[%swap3A_2872, %swap3A_2873, %swap3A_2874] : memref<200x20x128xf32, #tpu.memory_space<vmem>>, vector<1x20x128xf32>
    %swap3A_2876 = vector.shape_cast %swap3A_2875 : vector<1x20x128xf32> to vector<20x128xf32>
    %swap3A_2877 = vector.shape_cast %dot_general3A_2871 : vector<20x128xf32> to vector<1x20x128xf32>
    tpu.vector_store %arg13[%swap3A_2872, %swap3A_2873, %swap3A_2874], %swap3A_2877 {strides = array<i32>} : memref<200x20x128xf32, #tpu.memory_space<vmem>>, vector<1x20x128xf32>,
    %get3A_2878 = arith.constant 121 : index
    %get3A_2879 = arith.constant 0 : index
    %get3A_2880 = arith.constant 0 : index
    %get3A_2881 = vector.load %arg12[%get3A_2878, %get3A_2879, %get3A_2880] : memref<200x20x32xf32, #tpu.memory_space<vmem>>, vector<1x20x32xf32>
    %get3A_2882 = vector.shape_cast %get3A_2881 : vector<1x20x32xf32> to vector<20x32xf32>
    %get3A_2883 = arith.constant 121 : index
    %get3A_2884 = arith.constant 0 : index
    %get3A_2885 = arith.constant 0 : index
    %get3A_2886 = vector.load %arg1[%get3A_2883, %get3A_2884, %get3A_2885] : memref<200x32x128xf32, #tpu.memory_space<vmem>>, vector<1x32x128xf32>
    %get3A_2887 = vector.shape_cast %get3A_2886 : vector<1x32x128xf32> to vector<32x128xf32>
    %dot_general3A_2888 = arith.constant dense<0.000000e+00> : vector<20x128xf32>
    %dot_general3A_2889 = tpu.matmul %get3A_2882, %get3A_2887, %dot_general3A_2888 {dimension_numbers = #tpu.dot_dimension_numbers<[1], [0], [0], [1], [0, 0, 1, 1], [], []>, transpose_lhs_hint = false} : vector<20x32xf32>, vector<32x128xf32>, vector<20x128xf32> -> vector<20x128xf32>
    %swap3A_2890 = arith.constant 121 : index
    %swap3A_2891 = arith.constant 0 : index
    %swap3A_2892 = arith.constant 0 : index
    %swap3A_2893 = vector.load %arg13[%swap3A_2890, %swap3A_2891, %swap3A_2892] : memref<200x20x128xf32, #tpu.memory_space<vmem>>, vector<1x20x128xf32>
    %swap3A_2894 = vector.shape_cast %swap3A_2893 : vector<1x20x128xf32> to vector<20x128xf32>
    %swap3A_2895 = vector.shape_cast %dot_general3A_2889 : vector<20x128xf32> to vector<1x20x128xf32>
    tpu.vector_store %arg13[%swap3A_2890, %swap3A_2891, %swap3A_2892], %swap3A_2895 {strides = array<i32>} : memref<200x20x128xf32, #tpu.memory_space<vmem>>, vector<1x20x128xf32>,
    %get3A_2896 = arith.constant 122 : index
    %get3A_2897 = arith.constant 0 : index
    %get3A_2898 = arith.constant 0 : index
    %get3A_2899 = vector.load %arg12[%get3A_2896, %get3A_2897, %get3A_2898] : memref<200x20x32xf32, #tpu.memory_space<vmem>>, vector<1x20x32xf32>
    %get3A_2900 = vector.shape_cast %get3A_2899 : vector<1x20x32xf32> to vector<20x32xf32>
    %get3A_2901 = arith.constant 122 : index
    %get3A_2902 = arith.constant 0 : index
    %get3A_2903 = arith.constant 0 : index
    %get3A_2904 = vector.load %arg1[%get3A_2901, %get3A_2902, %get3A_2903] : memref<200x32x128xf32, #tpu.memory_space<vmem>>, vector<1x32x128xf32>
    %get3A_2905 = vector.shape_cast %get3A_2904 : vector<1x32x128xf32> to vector<32x128xf32>
    %dot_general3A_2906 = arith.constant dense<0.000000e+00> : vector<20x128xf32>
    %dot_general3A_2907 = tpu.matmul %get3A_2900, %get3A_2905, %dot_general3A_2906 {dimension_numbers = #tpu.dot_dimension_numbers<[1], [0], [0], [1], [0, 0, 1, 1], [], []>, transpose_lhs_hint = false} : vector<20x32xf32>, vector<32x128xf32>, vector<20x128xf32> -> vector<20x128xf32>
    %swap3A_2908 = arith.constant 122 : index
    %swap3A_2909 = arith.constant 0 : index
    %swap3A_2910 = arith.constant 0 : index
    %swap3A_2911 = vector.load %arg13[%swap3A_2908, %swap3A_2909, %swap3A_2910] : memref<200x20x128xf32, #tpu.memory_space<vmem>>, vector<1x20x128xf32>
    %swap3A_2912 = vector.shape_cast %swap3A_2911 : vector<1x20x128xf32> to vector<20x128xf32>
    %swap3A_2913 = vector.shape_cast %dot_general3A_2907 : vector<20x128xf32> to vector<1x20x128xf32>
    tpu.vector_store %arg13[%swap3A_2908, %swap3A_2909, %swap3A_2910], %swap3A_2913 {strides = array<i32>} : memref<200x20x128xf32, #tpu.memory_space<vmem>>, vector<1x20x128xf32>,
    %get3A_2914 = arith.constant 123 : index
    %get3A_2915 = arith.constant 0 : index
    %get3A_2916 = arith.constant 0 : index
    %get3A_2917 = vector.load %arg12[%get3A_2914, %get3A_2915, %get3A_2916] : memref<200x20x32xf32, #tpu.memory_space<vmem>>, vector<1x20x32xf32>
    %get3A_2918 = vector.shape_cast %get3A_2917 : vector<1x20x32xf32> to vector<20x32xf32>
    %get3A_2919 = arith.constant 123 : index
    %get3A_2920 = arith.constant 0 : index
    %get3A_2921 = arith.constant 0 : index
    %get3A_2922 = vector.load %arg1[%get3A_2919, %get3A_2920, %get3A_2921] : memref<200x32x128xf32, #tpu.memory_space<vmem>>, vector<1x32x128xf32>
    %get3A_2923 = vector.shape_cast %get3A_2922 : vector<1x32x128xf32> to vector<32x128xf32>
    %dot_general3A_2924 = arith.constant dense<0.000000e+00> : vector<20x128xf32>
    %dot_general3A_2925 = tpu.matmul %get3A_2918, %get3A_2923, %dot_general3A_2924 {dimension_numbers = #tpu.dot_dimension_numbers<[1], [0], [0], [1], [0, 0, 1, 1], [], []>, transpose_lhs_hint = false} : vector<20x32xf32>, vector<32x128xf32>, vector<20x128xf32> -> vector<20x128xf32>
    %swap3A_2926 = arith.constant 123 : index
    %swap3A_2927 = arith.constant 0 : index
    %swap3A_2928 = arith.constant 0 : index
    %swap3A_2929 = vector.load %arg13[%swap3A_2926, %swap3A_2927, %swap3A_2928] : memref<200x20x128xf32, #tpu.memory_space<vmem>>, vector<1x20x128xf32>
    %swap3A_2930 = vector.shape_cast %swap3A_2929 : vector<1x20x128xf32> to vector<20x128xf32>
    %swap3A_2931 = vector.shape_cast %dot_general3A_2925 : vector<20x128xf32> to vector<1x20x128xf32>
    tpu.vector_store %arg13[%swap3A_2926, %swap3A_2927, %swap3A_2928], %swap3A_2931 {strides = array<i32>} : memref<200x20x128xf32, #tpu.memory_space<vmem>>, vector<1x20x128xf32>,
    %get3A_2932 = arith.constant 124 : index
    %get3A_2933 = arith.constant 0 : index
    %get3A_2934 = arith.constant 0 : index
    %get3A_2935 = vector.load %arg12[%get3A_2932, %get3A_2933, %get3A_2934] : memref<200x20x32xf32, #tpu.memory_space<vmem>>, vector<1x20x32xf32>
    %get3A_2936 = vector.shape_cast %get3A_2935 : vector<1x20x32xf32> to vector<20x32xf32>
    %get3A_2937 = arith.constant 124 : index
    %get3A_2938 = arith.constant 0 : index
    %get3A_2939 = arith.constant 0 : index
    %get3A_2940 = vector.load %arg1[%get3A_2937, %get3A_2938, %get3A_2939] : memref<200x32x128xf32, #tpu.memory_space<vmem>>, vector<1x32x128xf32>
    %get3A_2941 = vector.shape_cast %get3A_2940 : vector<1x32x128xf32> to vector<32x128xf32>
    %dot_general3A_2942 = arith.constant dense<0.000000e+00> : vector<20x128xf32>
    %dot_general3A_2943 = tpu.matmul %get3A_2936, %get3A_2941, %dot_general3A_2942 {dimension_numbers = #tpu.dot_dimension_numbers<[1], [0], [0], [1], [0, 0, 1, 1], [], []>, transpose_lhs_hint = false} : vector<20x32xf32>, vector<32x128xf32>, vector<20x128xf32> -> vector<20x128xf32>
    %swap3A_2944 = arith.constant 124 : index
    %swap3A_2945 = arith.constant 0 : index
    %swap3A_2946 = arith.constant 0 : index
    %swap3A_2947 = vector.load %arg13[%swap3A_2944, %swap3A_2945, %swap3A_2946] : memref<200x20x128xf32, #tpu.memory_space<vmem>>, vector<1x20x128xf32>
    %swap3A_2948 = vector.shape_cast %swap3A_2947 : vector<1x20x128xf32> to vector<20x128xf32>
    %swap3A_2949 = vector.shape_cast %dot_general3A_2943 : vector<20x128xf32> to vector<1x20x128xf32>
    tpu.vector_store %arg13[%swap3A_2944, %swap3A_2945, %swap3A_2946], %swap3A_2949 {strides = array<i32>} : memref<200x20x128xf32, #tpu.memory_space<vmem>>, vector<1x20x128xf32>,
    %get3A_2950 = arith.constant 125 : index
    %get3A_2951 = arith.constant 0 : index
    %get3A_2952 = arith.constant 0 : index
    %get3A_2953 = vector.load %arg12[%get3A_2950, %get3A_2951, %get3A_2952] : memref<200x20x32xf32, #tpu.memory_space<vmem>>, vector<1x20x32xf32>
    %get3A_2954 = vector.shape_cast %get3A_2953 : vector<1x20x32xf32> to vector<20x32xf32>
    %get3A_2955 = arith.constant 125 : index
    %get3A_2956 = arith.constant 0 : index
    %get3A_2957 = arith.constant 0 : index
    %get3A_2958 = vector.load %arg1[%get3A_2955, %get3A_2956, %get3A_2957] : memref<200x32x128xf32, #tpu.memory_space<vmem>>, vector<1x32x128xf32>
    %get3A_2959 = vector.shape_cast %get3A_2958 : vector<1x32x128xf32> to vector<32x128xf32>
    %dot_general3A_2960 = arith.constant dense<0.000000e+00> : vector<20x128xf32>
    %dot_general3A_2961 = tpu.matmul %get3A_2954, %get3A_2959, %dot_general3A_2960 {dimension_numbers = #tpu.dot_dimension_numbers<[1], [0], [0], [1], [0, 0, 1, 1], [], []>, transpose_lhs_hint = false} : vector<20x32xf32>, vector<32x128xf32>, vector<20x128xf32> -> vector<20x128xf32>
    %swap3A_2962 = arith.constant 125 : index
    %swap3A_2963 = arith.constant 0 : index
    %swap3A_2964 = arith.constant 0 : index
    %swap3A_2965 = vector.load %arg13[%swap3A_2962, %swap3A_2963, %swap3A_2964] : memref<200x20x128xf32, #tpu.memory_space<vmem>>, vector<1x20x128xf32>
    %swap3A_2966 = vector.shape_cast %swap3A_2965 : vector<1x20x128xf32> to vector<20x128xf32>
    %swap3A_2967 = vector.shape_cast %dot_general3A_2961 : vector<20x128xf32> to vector<1x20x128xf32>
    tpu.vector_store %arg13[%swap3A_2962, %swap3A_2963, %swap3A_2964], %swap3A_2967 {strides = array<i32>} : memref<200x20x128xf32, #tpu.memory_space<vmem>>, vector<1x20x128xf32>,
    %get3A_2968 = arith.constant 126 : index
    %get3A_2969 = arith.constant 0 : index
    %get3A_2970 = arith.constant 0 : index
    %get3A_2971 = vector.load %arg12[%get3A_2968, %get3A_2969, %get3A_2970] : memref<200x20x32xf32, #tpu.memory_space<vmem>>, vector<1x20x32xf32>
    %get3A_2972 = vector.shape_cast %get3A_2971 : vector<1x20x32xf32> to vector<20x32xf32>
    %get3A_2973 = arith.constant 126 : index
    %get3A_2974 = arith.constant 0 : index
    %get3A_2975 = arith.constant 0 : index
    %get3A_2976 = vector.load %arg1[%get3A_2973, %get3A_2974, %get3A_2975] : memref<200x32x128xf32, #tpu.memory_space<vmem>>, vector<1x32x128xf32>
    %get3A_2977 = vector.shape_cast %get3A_2976 : vector<1x32x128xf32> to vector<32x128xf32>
    %dot_general3A_2978 = arith.constant dense<0.000000e+00> : vector<20x128xf32>
    %dot_general3A_2979 = tpu.matmul %get3A_2972, %get3A_2977, %dot_general3A_2978 {dimension_numbers = #tpu.dot_dimension_numbers<[1], [0], [0], [1], [0, 0, 1, 1], [], []>, transpose_lhs_hint = false} : vector<20x32xf32>, vector<32x128xf32>, vector<20x128xf32> -> vector<20x128xf32>
    %swap3A_2980 = arith.constant 126 : index
    %swap3A_2981 = arith.constant 0 : index
    %swap3A_2982 = arith.constant 0 : index
    %swap3A_2983 = vector.load %arg13[%swap3A_2980, %swap3A_2981, %swap3A_2982] : memref<200x20x128xf32, #tpu.memory_space<vmem>>, vector<1x20x128xf32>
    %swap3A_2984 = vector.shape_cast %swap3A_2983 : vector<1x20x128xf32> to vector<20x128xf32>
    %swap3A_2985 = vector.shape_cast %dot_general3A_2979 : vector<20x128xf32> to vector<1x20x128xf32>
    tpu.vector_store %arg13[%swap3A_2980, %swap3A_2981, %swap3A_2982], %swap3A_2985 {strides = array<i32>} : memref<200x20x128xf32, #tpu.memory_space<vmem>>, vector<1x20x128xf32>,
    %get3A_2986 = arith.constant 127 : index
    %get3A_2987 = arith.constant 0 : index
    %get3A_2988 = arith.constant 0 : index
    %get3A_2989 = vector.load %arg12[%get3A_2986, %get3A_2987, %get3A_2988] : memref<200x20x32xf32, #tpu.memory_space<vmem>>, vector<1x20x32xf32>
    %get3A_2990 = vector.shape_cast %get3A_2989 : vector<1x20x32xf32> to vector<20x32xf32>
    %get3A_2991 = arith.constant 127 : index
    %get3A_2992 = arith.constant 0 : index
    %get3A_2993 = arith.constant 0 : index
    %get3A_2994 = vector.load %arg1[%get3A_2991, %get3A_2992, %get3A_2993] : memref<200x32x128xf32, #tpu.memory_space<vmem>>, vector<1x32x128xf32>
    %get3A_2995 = vector.shape_cast %get3A_2994 : vector<1x32x128xf32> to vector<32x128xf32>
    %dot_general3A_2996 = arith.constant dense<0.000000e+00> : vector<20x128xf32>
    %dot_general3A_2997 = tpu.matmul %get3A_2990, %get3A_2995, %dot_general3A_2996 {dimension_numbers = #tpu.dot_dimension_numbers<[1], [0], [0], [1], [0, 0, 1, 1], [], []>, transpose_lhs_hint = false} : vector<20x32xf32>, vector<32x128xf32>, vector<20x128xf32> -> vector<20x128xf32>
    %swap3A_2998 = arith.constant 127 : index
    %swap3A_2999 = arith.constant 0 : index
    %swap3A_3000 = arith.constant 0 : index
    %swap3A_3001 = vector.load %arg13[%swap3A_2998, %swap3A_2999, %swap3A_3000] : memref<200x20x128xf32, #tpu.memory_space<vmem>>, vector<1x20x128xf32>
    %swap3A_3002 = vector.shape_cast %swap3A_3001 : vector<1x20x128xf32> to vector<20x128xf32>
    %swap3A_3003 = vector.shape_cast %dot_general3A_2997 : vector<20x128xf32> to vector<1x20x128xf32>
    tpu.vector_store %arg13[%swap3A_2998, %swap3A_2999, %swap3A_3000], %swap3A_3003 {strides = array<i32>} : memref<200x20x128xf32, #tpu.memory_space<vmem>>, vector<1x20x128xf32>,
    %get3A_3004 = arith.constant 128 : index
    %get3A_3005 = arith.constant 0 : index
    %get3A_3006 = arith.constant 0 : index
    %get3A_3007 = vector.load %arg12[%get3A_3004, %get3A_3005, %get3A_3006] : memref<200x20x32xf32, #tpu.memory_space<vmem>>, vector<1x20x32xf32>
    %get3A_3008 = vector.shape_cast %get3A_3007 : vector<1x20x32xf32> to vector<20x32xf32>
    %get3A_3009 = arith.constant 128 : index
    %get3A_3010 = arith.constant 0 : index
    %get3A_3011 = arith.constant 0 : index
    %get3A_3012 = vector.load %arg1[%get3A_3009, %get3A_3010, %get3A_3011] : memref<200x32x128xf32, #tpu.memory_space<vmem>>, vector<1x32x128xf32>
    %get3A_3013 = vector.shape_cast %get3A_3012 : vector<1x32x128xf32> to vector<32x128xf32>
    %dot_general3A_3014 = arith.constant dense<0.000000e+00> : vector<20x128xf32>
    %dot_general3A_3015 = tpu.matmul %get3A_3008, %get3A_3013, %dot_general3A_3014 {dimension_numbers = #tpu.dot_dimension_numbers<[1], [0], [0], [1], [0, 0, 1, 1], [], []>, transpose_lhs_hint = false} : vector<20x32xf32>, vector<32x128xf32>, vector<20x128xf32> -> vector<20x128xf32>
    %swap3A_3016 = arith.constant 128 : index
    %swap3A_3017 = arith.constant 0 : index
    %swap3A_3018 = arith.constant 0 : index
    %swap3A_3019 = vector.load %arg13[%swap3A_3016, %swap3A_3017, %swap3A_3018] : memref<200x20x128xf32, #tpu.memory_space<vmem>>, vector<1x20x128xf32>
    %swap3A_3020 = vector.shape_cast %swap3A_3019 : vector<1x20x128xf32> to vector<20x128xf32>
    %swap3A_3021 = vector.shape_cast %dot_general3A_3015 : vector<20x128xf32> to vector<1x20x128xf32>
    tpu.vector_store %arg13[%swap3A_3016, %swap3A_3017, %swap3A_3018], %swap3A_3021 {strides = array<i32>} : memref<200x20x128xf32, #tpu.memory_space<vmem>>, vector<1x20x128xf32>,
    %get3A_3022 = arith.constant 129 : index
    %get3A_3023 = arith.constant 0 : index
    %get3A_3024 = arith.constant 0 : index
    %get3A_3025 = vector.load %arg12[%get3A_3022, %get3A_3023, %get3A_3024] : memref<200x20x32xf32, #tpu.memory_space<vmem>>, vector<1x20x32xf32>
    %get3A_3026 = vector.shape_cast %get3A_3025 : vector<1x20x32xf32> to vector<20x32xf32>
    %get3A_3027 = arith.constant 129 : index
    %get3A_3028 = arith.constant 0 : index
    %get3A_3029 = arith.constant 0 : index
    %get3A_3030 = vector.load %arg1[%get3A_3027, %get3A_3028, %get3A_3029] : memref<200x32x128xf32, #tpu.memory_space<vmem>>, vector<1x32x128xf32>
    %get3A_3031 = vector.shape_cast %get3A_3030 : vector<1x32x128xf32> to vector<32x128xf32>
    %dot_general3A_3032 = arith.constant dense<0.000000e+00> : vector<20x128xf32>
    %dot_general3A_3033 = tpu.matmul %get3A_3026, %get3A_3031, %dot_general3A_3032 {dimension_numbers = #tpu.dot_dimension_numbers<[1], [0], [0], [1], [0, 0, 1, 1], [], []>, transpose_lhs_hint = false} : vector<20x32xf32>, vector<32x128xf32>, vector<20x128xf32> -> vector<20x128xf32>
    %swap3A_3034 = arith.constant 129 : index
    %swap3A_3035 = arith.constant 0 : index
    %swap3A_3036 = arith.constant 0 : index
    %swap3A_3037 = vector.load %arg13[%swap3A_3034, %swap3A_3035, %swap3A_3036] : memref<200x20x128xf32, #tpu.memory_space<vmem>>, vector<1x20x128xf32>
    %swap3A_3038 = vector.shape_cast %swap3A_3037 : vector<1x20x128xf32> to vector<20x128xf32>
    %swap3A_3039 = vector.shape_cast %dot_general3A_3033 : vector<20x128xf32> to vector<1x20x128xf32>
    tpu.vector_store %arg13[%swap3A_3034, %swap3A_3035, %swap3A_3036], %swap3A_3039 {strides = array<i32>} : memref<200x20x128xf32, #tpu.memory_space<vmem>>, vector<1x20x128xf32>,
    %get3A_3040 = arith.constant 130 : index
    %get3A_3041 = arith.constant 0 : index
    %get3A_3042 = arith.constant 0 : index
    %get3A_3043 = vector.load %arg12[%get3A_3040, %get3A_3041, %get3A_3042] : memref<200x20x32xf32, #tpu.memory_space<vmem>>, vector<1x20x32xf32>
    %get3A_3044 = vector.shape_cast %get3A_3043 : vector<1x20x32xf32> to vector<20x32xf32>
    %get3A_3045 = arith.constant 130 : index
    %get3A_3046 = arith.constant 0 : index
    %get3A_3047 = arith.constant 0 : index
    %get3A_3048 = vector.load %arg1[%get3A_3045, %get3A_3046, %get3A_3047] : memref<200x32x128xf32, #tpu.memory_space<vmem>>, vector<1x32x128xf32>
    %get3A_3049 = vector.shape_cast %get3A_3048 : vector<1x32x128xf32> to vector<32x128xf32>
    %dot_general3A_3050 = arith.constant dense<0.000000e+00> : vector<20x128xf32>
    %dot_general3A_3051 = tpu.matmul %get3A_3044, %get3A_3049, %dot_general3A_3050 {dimension_numbers = #tpu.dot_dimension_numbers<[1], [0], [0], [1], [0, 0, 1, 1], [], []>, transpose_lhs_hint = false} : vector<20x32xf32>, vector<32x128xf32>, vector<20x128xf32> -> vector<20x128xf32>
    %swap3A_3052 = arith.constant 130 : index
    %swap3A_3053 = arith.constant 0 : index
    %swap3A_3054 = arith.constant 0 : index
    %swap3A_3055 = vector.load %arg13[%swap3A_3052, %swap3A_3053, %swap3A_3054] : memref<200x20x128xf32, #tpu.memory_space<vmem>>, vector<1x20x128xf32>
    %swap3A_3056 = vector.shape_cast %swap3A_3055 : vector<1x20x128xf32> to vector<20x128xf32>
    %swap3A_3057 = vector.shape_cast %dot_general3A_3051 : vector<20x128xf32> to vector<1x20x128xf32>
    tpu.vector_store %arg13[%swap3A_3052, %swap3A_3053, %swap3A_3054], %swap3A_3057 {strides = array<i32>} : memref<200x20x128xf32, #tpu.memory_space<vmem>>, vector<1x20x128xf32>,
    %get3A_3058 = arith.constant 131 : index
    %get3A_3059 = arith.constant 0 : index
    %get3A_3060 = arith.constant 0 : index
    %get3A_3061 = vector.load %arg12[%get3A_3058, %get3A_3059, %get3A_3060] : memref<200x20x32xf32, #tpu.memory_space<vmem>>, vector<1x20x32xf32>
    %get3A_3062 = vector.shape_cast %get3A_3061 : vector<1x20x32xf32> to vector<20x32xf32>
    %get3A_3063 = arith.constant 131 : index
    %get3A_3064 = arith.constant 0 : index
    %get3A_3065 = arith.constant 0 : index
    %get3A_3066 = vector.load %arg1[%get3A_3063, %get3A_3064, %get3A_3065] : memref<200x32x128xf32, #tpu.memory_space<vmem>>, vector<1x32x128xf32>
    %get3A_3067 = vector.shape_cast %get3A_3066 : vector<1x32x128xf32> to vector<32x128xf32>
    %dot_general3A_3068 = arith.constant dense<0.000000e+00> : vector<20x128xf32>
    %dot_general3A_3069 = tpu.matmul %get3A_3062, %get3A_3067, %dot_general3A_3068 {dimension_numbers = #tpu.dot_dimension_numbers<[1], [0], [0], [1], [0, 0, 1, 1], [], []>, transpose_lhs_hint = false} : vector<20x32xf32>, vector<32x128xf32>, vector<20x128xf32> -> vector<20x128xf32>
    %swap3A_3070 = arith.constant 131 : index
    %swap3A_3071 = arith.constant 0 : index
    %swap3A_3072 = arith.constant 0 : index
    %swap3A_3073 = vector.load %arg13[%swap3A_3070, %swap3A_3071, %swap3A_3072] : memref<200x20x128xf32, #tpu.memory_space<vmem>>, vector<1x20x128xf32>
    %swap3A_3074 = vector.shape_cast %swap3A_3073 : vector<1x20x128xf32> to vector<20x128xf32>
    %swap3A_3075 = vector.shape_cast %dot_general3A_3069 : vector<20x128xf32> to vector<1x20x128xf32>
    tpu.vector_store %arg13[%swap3A_3070, %swap3A_3071, %swap3A_3072], %swap3A_3075 {strides = array<i32>} : memref<200x20x128xf32, #tpu.memory_space<vmem>>, vector<1x20x128xf32>,
    %get3A_3076 = arith.constant 132 : index
    %get3A_3077 = arith.constant 0 : index
    %get3A_3078 = arith.constant 0 : index
    %get3A_3079 = vector.load %arg12[%get3A_3076, %get3A_3077, %get3A_3078] : memref<200x20x32xf32, #tpu.memory_space<vmem>>, vector<1x20x32xf32>
    %get3A_3080 = vector.shape_cast %get3A_3079 : vector<1x20x32xf32> to vector<20x32xf32>
    %get3A_3081 = arith.constant 132 : index
    %get3A_3082 = arith.constant 0 : index
    %get3A_3083 = arith.constant 0 : index
    %get3A_3084 = vector.load %arg1[%get3A_3081, %get3A_3082, %get3A_3083] : memref<200x32x128xf32, #tpu.memory_space<vmem>>, vector<1x32x128xf32>
    %get3A_3085 = vector.shape_cast %get3A_3084 : vector<1x32x128xf32> to vector<32x128xf32>
    %dot_general3A_3086 = arith.constant dense<0.000000e+00> : vector<20x128xf32>
    %dot_general3A_3087 = tpu.matmul %get3A_3080, %get3A_3085, %dot_general3A_3086 {dimension_numbers = #tpu.dot_dimension_numbers<[1], [0], [0], [1], [0, 0, 1, 1], [], []>, transpose_lhs_hint = false} : vector<20x32xf32>, vector<32x128xf32>, vector<20x128xf32> -> vector<20x128xf32>
    %swap3A_3088 = arith.constant 132 : index
    %swap3A_3089 = arith.constant 0 : index
    %swap3A_3090 = arith.constant 0 : index
    %swap3A_3091 = vector.load %arg13[%swap3A_3088, %swap3A_3089, %swap3A_3090] : memref<200x20x128xf32, #tpu.memory_space<vmem>>, vector<1x20x128xf32>
    %swap3A_3092 = vector.shape_cast %swap3A_3091 : vector<1x20x128xf32> to vector<20x128xf32>
    %swap3A_3093 = vector.shape_cast %dot_general3A_3087 : vector<20x128xf32> to vector<1x20x128xf32>
    tpu.vector_store %arg13[%swap3A_3088, %swap3A_3089, %swap3A_3090], %swap3A_3093 {strides = array<i32>} : memref<200x20x128xf32, #tpu.memory_space<vmem>>, vector<1x20x128xf32>,
    %get3A_3094 = arith.constant 133 : index
    %get3A_3095 = arith.constant 0 : index
    %get3A_3096 = arith.constant 0 : index
    %get3A_3097 = vector.load %arg12[%get3A_3094, %get3A_3095, %get3A_3096] : memref<200x20x32xf32, #tpu.memory_space<vmem>>, vector<1x20x32xf32>
    %get3A_3098 = vector.shape_cast %get3A_3097 : vector<1x20x32xf32> to vector<20x32xf32>
    %get3A_3099 = arith.constant 133 : index
    %get3A_3100 = arith.constant 0 : index
    %get3A_3101 = arith.constant 0 : index
    %get3A_3102 = vector.load %arg1[%get3A_3099, %get3A_3100, %get3A_3101] : memref<200x32x128xf32, #tpu.memory_space<vmem>>, vector<1x32x128xf32>
    %get3A_3103 = vector.shape_cast %get3A_3102 : vector<1x32x128xf32> to vector<32x128xf32>
    %dot_general3A_3104 = arith.constant dense<0.000000e+00> : vector<20x128xf32>
    %dot_general3A_3105 = tpu.matmul %get3A_3098, %get3A_3103, %dot_general3A_3104 {dimension_numbers = #tpu.dot_dimension_numbers<[1], [0], [0], [1], [0, 0, 1, 1], [], []>, transpose_lhs_hint = false} : vector<20x32xf32>, vector<32x128xf32>, vector<20x128xf32> -> vector<20x128xf32>
    %swap3A_3106 = arith.constant 133 : index
    %swap3A_3107 = arith.constant 0 : index
    %swap3A_3108 = arith.constant 0 : index
    %swap3A_3109 = vector.load %arg13[%swap3A_3106, %swap3A_3107, %swap3A_3108] : memref<200x20x128xf32, #tpu.memory_space<vmem>>, vector<1x20x128xf32>
    %swap3A_3110 = vector.shape_cast %swap3A_3109 : vector<1x20x128xf32> to vector<20x128xf32>
    %swap3A_3111 = vector.shape_cast %dot_general3A_3105 : vector<20x128xf32> to vector<1x20x128xf32>
    tpu.vector_store %arg13[%swap3A_3106, %swap3A_3107, %swap3A_3108], %swap3A_3111 {strides = array<i32>} : memref<200x20x128xf32, #tpu.memory_space<vmem>>, vector<1x20x128xf32>,
    %get3A_3112 = arith.constant 134 : index
    %get3A_3113 = arith.constant 0 : index
    %get3A_3114 = arith.constant 0 : index
    %get3A_3115 = vector.load %arg12[%get3A_3112, %get3A_3113, %get3A_3114] : memref<200x20x32xf32, #tpu.memory_space<vmem>>, vector<1x20x32xf32>
    %get3A_3116 = vector.shape_cast %get3A_3115 : vector<1x20x32xf32> to vector<20x32xf32>
    %get3A_3117 = arith.constant 134 : index
    %get3A_3118 = arith.constant 0 : index
    %get3A_3119 = arith.constant 0 : index
    %get3A_3120 = vector.load %arg1[%get3A_3117, %get3A_3118, %get3A_3119] : memref<200x32x128xf32, #tpu.memory_space<vmem>>, vector<1x32x128xf32>
    %get3A_3121 = vector.shape_cast %get3A_3120 : vector<1x32x128xf32> to vector<32x128xf32>
    %dot_general3A_3122 = arith.constant dense<0.000000e+00> : vector<20x128xf32>
    %dot_general3A_3123 = tpu.matmul %get3A_3116, %get3A_3121, %dot_general3A_3122 {dimension_numbers = #tpu.dot_dimension_numbers<[1], [0], [0], [1], [0, 0, 1, 1], [], []>, transpose_lhs_hint = false} : vector<20x32xf32>, vector<32x128xf32>, vector<20x128xf32> -> vector<20x128xf32>
    %swap3A_3124 = arith.constant 134 : index
    %swap3A_3125 = arith.constant 0 : index
    %swap3A_3126 = arith.constant 0 : index
    %swap3A_3127 = vector.load %arg13[%swap3A_3124, %swap3A_3125, %swap3A_3126] : memref<200x20x128xf32, #tpu.memory_space<vmem>>, vector<1x20x128xf32>
    %swap3A_3128 = vector.shape_cast %swap3A_3127 : vector<1x20x128xf32> to vector<20x128xf32>
    %swap3A_3129 = vector.shape_cast %dot_general3A_3123 : vector<20x128xf32> to vector<1x20x128xf32>
    tpu.vector_store %arg13[%swap3A_3124, %swap3A_3125, %swap3A_3126], %swap3A_3129 {strides = array<i32>} : memref<200x20x128xf32, #tpu.memory_space<vmem>>, vector<1x20x128xf32>,
    %get3A_3130 = arith.constant 135 : index
    %get3A_3131 = arith.constant 0 : index
    %get3A_3132 = arith.constant 0 : index
    %get3A_3133 = vector.load %arg12[%get3A_3130, %get3A_3131, %get3A_3132] : memref<200x20x32xf32, #tpu.memory_space<vmem>>, vector<1x20x32xf32>
    %get3A_3134 = vector.shape_cast %get3A_3133 : vector<1x20x32xf32> to vector<20x32xf32>
    %get3A_3135 = arith.constant 135 : index
    %get3A_3136 = arith.constant 0 : index
    %get3A_3137 = arith.constant 0 : index
    %get3A_3138 = vector.load %arg1[%get3A_3135, %get3A_3136, %get3A_3137] : memref<200x32x128xf32, #tpu.memory_space<vmem>>, vector<1x32x128xf32>
    %get3A_3139 = vector.shape_cast %get3A_3138 : vector<1x32x128xf32> to vector<32x128xf32>
    %dot_general3A_3140 = arith.constant dense<0.000000e+00> : vector<20x128xf32>
    %dot_general3A_3141 = tpu.matmul %get3A_3134, %get3A_3139, %dot_general3A_3140 {dimension_numbers = #tpu.dot_dimension_numbers<[1], [0], [0], [1], [0, 0, 1, 1], [], []>, transpose_lhs_hint = false} : vector<20x32xf32>, vector<32x128xf32>, vector<20x128xf32> -> vector<20x128xf32>
    %swap3A_3142 = arith.constant 135 : index
    %swap3A_3143 = arith.constant 0 : index
    %swap3A_3144 = arith.constant 0 : index
    %swap3A_3145 = vector.load %arg13[%swap3A_3142, %swap3A_3143, %swap3A_3144] : memref<200x20x128xf32, #tpu.memory_space<vmem>>, vector<1x20x128xf32>
    %swap3A_3146 = vector.shape_cast %swap3A_3145 : vector<1x20x128xf32> to vector<20x128xf32>
    %swap3A_3147 = vector.shape_cast %dot_general3A_3141 : vector<20x128xf32> to vector<1x20x128xf32>
    tpu.vector_store %arg13[%swap3A_3142, %swap3A_3143, %swap3A_3144], %swap3A_3147 {strides = array<i32>} : memref<200x20x128xf32, #tpu.memory_space<vmem>>, vector<1x20x128xf32>,
    %get3A_3148 = arith.constant 136 : index
    %get3A_3149 = arith.constant 0 : index
    %get3A_3150 = arith.constant 0 : index
    %get3A_3151 = vector.load %arg12[%get3A_3148, %get3A_3149, %get3A_3150] : memref<200x20x32xf32, #tpu.memory_space<vmem>>, vector<1x20x32xf32>
    %get3A_3152 = vector.shape_cast %get3A_3151 : vector<1x20x32xf32> to vector<20x32xf32>
    %get3A_3153 = arith.constant 136 : index
    %get3A_3154 = arith.constant 0 : index
    %get3A_3155 = arith.constant 0 : index
    %get3A_3156 = vector.load %arg1[%get3A_3153, %get3A_3154, %get3A_3155] : memref<200x32x128xf32, #tpu.memory_space<vmem>>, vector<1x32x128xf32>
    %get3A_3157 = vector.shape_cast %get3A_3156 : vector<1x32x128xf32> to vector<32x128xf32>
    %dot_general3A_3158 = arith.constant dense<0.000000e+00> : vector<20x128xf32>
    %dot_general3A_3159 = tpu.matmul %get3A_3152, %get3A_3157, %dot_general3A_3158 {dimension_numbers = #tpu.dot_dimension_numbers<[1], [0], [0], [1], [0, 0, 1, 1], [], []>, transpose_lhs_hint = false} : vector<20x32xf32>, vector<32x128xf32>, vector<20x128xf32> -> vector<20x128xf32>
    %swap3A_3160 = arith.constant 136 : index
    %swap3A_3161 = arith.constant 0 : index
    %swap3A_3162 = arith.constant 0 : index
    %swap3A_3163 = vector.load %arg13[%swap3A_3160, %swap3A_3161, %swap3A_3162] : memref<200x20x128xf32, #tpu.memory_space<vmem>>, vector<1x20x128xf32>
    %swap3A_3164 = vector.shape_cast %swap3A_3163 : vector<1x20x128xf32> to vector<20x128xf32>
    %swap3A_3165 = vector.shape_cast %dot_general3A_3159 : vector<20x128xf32> to vector<1x20x128xf32>
    tpu.vector_store %arg13[%swap3A_3160, %swap3A_3161, %swap3A_3162], %swap3A_3165 {strides = array<i32>} : memref<200x20x128xf32, #tpu.memory_space<vmem>>, vector<1x20x128xf32>,
    %get3A_3166 = arith.constant 137 : index
    %get3A_3167 = arith.constant 0 : index
    %get3A_3168 = arith.constant 0 : index
    %get3A_3169 = vector.load %arg12[%get3A_3166, %get3A_3167, %get3A_3168] : memref<200x20x32xf32, #tpu.memory_space<vmem>>, vector<1x20x32xf32>
    %get3A_3170 = vector.shape_cast %get3A_3169 : vector<1x20x32xf32> to vector<20x32xf32>
    %get3A_3171 = arith.constant 137 : index
    %get3A_3172 = arith.constant 0 : index
    %get3A_3173 = arith.constant 0 : index
    %get3A_3174 = vector.load %arg1[%get3A_3171, %get3A_3172, %get3A_3173] : memref<200x32x128xf32, #tpu.memory_space<vmem>>, vector<1x32x128xf32>
    %get3A_3175 = vector.shape_cast %get3A_3174 : vector<1x32x128xf32> to vector<32x128xf32>
    %dot_general3A_3176 = arith.constant dense<0.000000e+00> : vector<20x128xf32>
    %dot_general3A_3177 = tpu.matmul %get3A_3170, %get3A_3175, %dot_general3A_3176 {dimension_numbers = #tpu.dot_dimension_numbers<[1], [0], [0], [1], [0, 0, 1, 1], [], []>, transpose_lhs_hint = false} : vector<20x32xf32>, vector<32x128xf32>, vector<20x128xf32> -> vector<20x128xf32>
    %swap3A_3178 = arith.constant 137 : index
    %swap3A_3179 = arith.constant 0 : index
    %swap3A_3180 = arith.constant 0 : index
    %swap3A_3181 = vector.load %arg13[%swap3A_3178, %swap3A_3179, %swap3A_3180] : memref<200x20x128xf32, #tpu.memory_space<vmem>>, vector<1x20x128xf32>
    %swap3A_3182 = vector.shape_cast %swap3A_3181 : vector<1x20x128xf32> to vector<20x128xf32>
    %swap3A_3183 = vector.shape_cast %dot_general3A_3177 : vector<20x128xf32> to vector<1x20x128xf32>
    tpu.vector_store %arg13[%swap3A_3178, %swap3A_3179, %swap3A_3180], %swap3A_3183 {strides = array<i32>} : memref<200x20x128xf32, #tpu.memory_space<vmem>>, vector<1x20x128xf32>,
    %get3A_3184 = arith.constant 138 : index
    %get3A_3185 = arith.constant 0 : index
    %get3A_3186 = arith.constant 0 : index
    %get3A_3187 = vector.load %arg12[%get3A_3184, %get3A_3185, %get3A_3186] : memref<200x20x32xf32, #tpu.memory_space<vmem>>, vector<1x20x32xf32>
    %get3A_3188 = vector.shape_cast %get3A_3187 : vector<1x20x32xf32> to vector<20x32xf32>
    %get3A_3189 = arith.constant 138 : index
    %get3A_3190 = arith.constant 0 : index
    %get3A_3191 = arith.constant 0 : index
    %get3A_3192 = vector.load %arg1[%get3A_3189, %get3A_3190, %get3A_3191] : memref<200x32x128xf32, #tpu.memory_space<vmem>>, vector<1x32x128xf32>
    %get3A_3193 = vector.shape_cast %get3A_3192 : vector<1x32x128xf32> to vector<32x128xf32>
    %dot_general3A_3194 = arith.constant dense<0.000000e+00> : vector<20x128xf32>
    %dot_general3A_3195 = tpu.matmul %get3A_3188, %get3A_3193, %dot_general3A_3194 {dimension_numbers = #tpu.dot_dimension_numbers<[1], [0], [0], [1], [0, 0, 1, 1], [], []>, transpose_lhs_hint = false} : vector<20x32xf32>, vector<32x128xf32>, vector<20x128xf32> -> vector<20x128xf32>
    %swap3A_3196 = arith.constant 138 : index
    %swap3A_3197 = arith.constant 0 : index
    %swap3A_3198 = arith.constant 0 : index
    %swap3A_3199 = vector.load %arg13[%swap3A_3196, %swap3A_3197, %swap3A_3198] : memref<200x20x128xf32, #tpu.memory_space<vmem>>, vector<1x20x128xf32>
    %swap3A_3200 = vector.shape_cast %swap3A_3199 : vector<1x20x128xf32> to vector<20x128xf32>
    %swap3A_3201 = vector.shape_cast %dot_general3A_3195 : vector<20x128xf32> to vector<1x20x128xf32>
    tpu.vector_store %arg13[%swap3A_3196, %swap3A_3197, %swap3A_3198], %swap3A_3201 {strides = array<i32>} : memref<200x20x128xf32, #tpu.memory_space<vmem>>, vector<1x20x128xf32>,
    %get3A_3202 = arith.constant 139 : index
    %get3A_3203 = arith.constant 0 : index
    %get3A_3204 = arith.constant 0 : index
    %get3A_3205 = vector.load %arg12[%get3A_3202, %get3A_3203, %get3A_3204] : memref<200x20x32xf32, #tpu.memory_space<vmem>>, vector<1x20x32xf32>
    %get3A_3206 = vector.shape_cast %get3A_3205 : vector<1x20x32xf32> to vector<20x32xf32>
    %get3A_3207 = arith.constant 139 : index
    %get3A_3208 = arith.constant 0 : index
    %get3A_3209 = arith.constant 0 : index
    %get3A_3210 = vector.load %arg1[%get3A_3207, %get3A_3208, %get3A_3209] : memref<200x32x128xf32, #tpu.memory_space<vmem>>, vector<1x32x128xf32>
    %get3A_3211 = vector.shape_cast %get3A_3210 : vector<1x32x128xf32> to vector<32x128xf32>
    %dot_general3A_3212 = arith.constant dense<0.000000e+00> : vector<20x128xf32>
    %dot_general3A_3213 = tpu.matmul %get3A_3206, %get3A_3211, %dot_general3A_3212 {dimension_numbers = #tpu.dot_dimension_numbers<[1], [0], [0], [1], [0, 0, 1, 1], [], []>, transpose_lhs_hint = false} : vector<20x32xf32>, vector<32x128xf32>, vector<20x128xf32> -> vector<20x128xf32>
    %swap3A_3214 = arith.constant 139 : index
    %swap3A_3215 = arith.constant 0 : index
    %swap3A_3216 = arith.constant 0 : index
    %swap3A_3217 = vector.load %arg13[%swap3A_3214, %swap3A_3215, %swap3A_3216] : memref<200x20x128xf32, #tpu.memory_space<vmem>>, vector<1x20x128xf32>
    %swap3A_3218 = vector.shape_cast %swap3A_3217 : vector<1x20x128xf32> to vector<20x128xf32>
    %swap3A_3219 = vector.shape_cast %dot_general3A_3213 : vector<20x128xf32> to vector<1x20x128xf32>
    tpu.vector_store %arg13[%swap3A_3214, %swap3A_3215, %swap3A_3216], %swap3A_3219 {strides = array<i32>} : memref<200x20x128xf32, #tpu.memory_space<vmem>>, vector<1x20x128xf32>,
    %get3A_3220 = arith.constant 140 : index
    %get3A_3221 = arith.constant 0 : index
    %get3A_3222 = arith.constant 0 : index
    %get3A_3223 = vector.load %arg12[%get3A_3220, %get3A_3221, %get3A_3222] : memref<200x20x32xf32, #tpu.memory_space<vmem>>, vector<1x20x32xf32>
    %get3A_3224 = vector.shape_cast %get3A_3223 : vector<1x20x32xf32> to vector<20x32xf32>
    %get3A_3225 = arith.constant 140 : index
    %get3A_3226 = arith.constant 0 : index
    %get3A_3227 = arith.constant 0 : index
    %get3A_3228 = vector.load %arg1[%get3A_3225, %get3A_3226, %get3A_3227] : memref<200x32x128xf32, #tpu.memory_space<vmem>>, vector<1x32x128xf32>
    %get3A_3229 = vector.shape_cast %get3A_3228 : vector<1x32x128xf32> to vector<32x128xf32>
    %dot_general3A_3230 = arith.constant dense<0.000000e+00> : vector<20x128xf32>
    %dot_general3A_3231 = tpu.matmul %get3A_3224, %get3A_3229, %dot_general3A_3230 {dimension_numbers = #tpu.dot_dimension_numbers<[1], [0], [0], [1], [0, 0, 1, 1], [], []>, transpose_lhs_hint = false} : vector<20x32xf32>, vector<32x128xf32>, vector<20x128xf32> -> vector<20x128xf32>
    %swap3A_3232 = arith.constant 140 : index
    %swap3A_3233 = arith.constant 0 : index
    %swap3A_3234 = arith.constant 0 : index
    %swap3A_3235 = vector.load %arg13[%swap3A_3232, %swap3A_3233, %swap3A_3234] : memref<200x20x128xf32, #tpu.memory_space<vmem>>, vector<1x20x128xf32>
    %swap3A_3236 = vector.shape_cast %swap3A_3235 : vector<1x20x128xf32> to vector<20x128xf32>
    %swap3A_3237 = vector.shape_cast %dot_general3A_3231 : vector<20x128xf32> to vector<1x20x128xf32>
    tpu.vector_store %arg13[%swap3A_3232, %swap3A_3233, %swap3A_3234], %swap3A_3237 {strides = array<i32>} : memref<200x20x128xf32, #tpu.memory_space<vmem>>, vector<1x20x128xf32>,
    %get3A_3238 = arith.constant 141 : index
    %get3A_3239 = arith.constant 0 : index
    %get3A_3240 = arith.constant 0 : index
    %get3A_3241 = vector.load %arg12[%get3A_3238, %get3A_3239, %get3A_3240] : memref<200x20x32xf32, #tpu.memory_space<vmem>>, vector<1x20x32xf32>
    %get3A_3242 = vector.shape_cast %get3A_3241 : vector<1x20x32xf32> to vector<20x32xf32>
    %get3A_3243 = arith.constant 141 : index
    %get3A_3244 = arith.constant 0 : index
    %get3A_3245 = arith.constant 0 : index
    %get3A_3246 = vector.load %arg1[%get3A_3243, %get3A_3244, %get3A_3245] : memref<200x32x128xf32, #tpu.memory_space<vmem>>, vector<1x32x128xf32>
    %get3A_3247 = vector.shape_cast %get3A_3246 : vector<1x32x128xf32> to vector<32x128xf32>
    %dot_general3A_3248 = arith.constant dense<0.000000e+00> : vector<20x128xf32>
    %dot_general3A_3249 = tpu.matmul %get3A_3242, %get3A_3247, %dot_general3A_3248 {dimension_numbers = #tpu.dot_dimension_numbers<[1], [0], [0], [1], [0, 0, 1, 1], [], []>, transpose_lhs_hint = false} : vector<20x32xf32>, vector<32x128xf32>, vector<20x128xf32> -> vector<20x128xf32>
    %swap3A_3250 = arith.constant 141 : index
    %swap3A_3251 = arith.constant 0 : index
    %swap3A_3252 = arith.constant 0 : index
    %swap3A_3253 = vector.load %arg13[%swap3A_3250, %swap3A_3251, %swap3A_3252] : memref<200x20x128xf32, #tpu.memory_space<vmem>>, vector<1x20x128xf32>
    %swap3A_3254 = vector.shape_cast %swap3A_3253 : vector<1x20x128xf32> to vector<20x128xf32>
    %swap3A_3255 = vector.shape_cast %dot_general3A_3249 : vector<20x128xf32> to vector<1x20x128xf32>
    tpu.vector_store %arg13[%swap3A_3250, %swap3A_3251, %swap3A_3252], %swap3A_3255 {strides = array<i32>} : memref<200x20x128xf32, #tpu.memory_space<vmem>>, vector<1x20x128xf32>,
    %get3A_3256 = arith.constant 142 : index
    %get3A_3257 = arith.constant 0 : index
    %get3A_3258 = arith.constant 0 : index
    %get3A_3259 = vector.load %arg12[%get3A_3256, %get3A_3257, %get3A_3258] : memref<200x20x32xf32, #tpu.memory_space<vmem>>, vector<1x20x32xf32>
    %get3A_3260 = vector.shape_cast %get3A_3259 : vector<1x20x32xf32> to vector<20x32xf32>
    %get3A_3261 = arith.constant 142 : index
    %get3A_3262 = arith.constant 0 : index
    %get3A_3263 = arith.constant 0 : index
    %get3A_3264 = vector.load %arg1[%get3A_3261, %get3A_3262, %get3A_3263] : memref<200x32x128xf32, #tpu.memory_space<vmem>>, vector<1x32x128xf32>
    %get3A_3265 = vector.shape_cast %get3A_3264 : vector<1x32x128xf32> to vector<32x128xf32>
    %dot_general3A_3266 = arith.constant dense<0.000000e+00> : vector<20x128xf32>
    %dot_general3A_3267 = tpu.matmul %get3A_3260, %get3A_3265, %dot_general3A_3266 {dimension_numbers = #tpu.dot_dimension_numbers<[1], [0], [0], [1], [0, 0, 1, 1], [], []>, transpose_lhs_hint = false} : vector<20x32xf32>, vector<32x128xf32>, vector<20x128xf32> -> vector<20x128xf32>
    %swap3A_3268 = arith.constant 142 : index
    %swap3A_3269 = arith.constant 0 : index
    %swap3A_3270 = arith.constant 0 : index
    %swap3A_3271 = vector.load %arg13[%swap3A_3268, %swap3A_3269, %swap3A_3270] : memref<200x20x128xf32, #tpu.memory_space<vmem>>, vector<1x20x128xf32>
    %swap3A_3272 = vector.shape_cast %swap3A_3271 : vector<1x20x128xf32> to vector<20x128xf32>
    %swap3A_3273 = vector.shape_cast %dot_general3A_3267 : vector<20x128xf32> to vector<1x20x128xf32>
    tpu.vector_store %arg13[%swap3A_3268, %swap3A_3269, %swap3A_3270], %swap3A_3273 {strides = array<i32>} : memref<200x20x128xf32, #tpu.memory_space<vmem>>, vector<1x20x128xf32>,
    %get3A_3274 = arith.constant 143 : index
    %get3A_3275 = arith.constant 0 : index
    %get3A_3276 = arith.constant 0 : index
    %get3A_3277 = vector.load %arg12[%get3A_3274, %get3A_3275, %get3A_3276] : memref<200x20x32xf32, #tpu.memory_space<vmem>>, vector<1x20x32xf32>
    %get3A_3278 = vector.shape_cast %get3A_3277 : vector<1x20x32xf32> to vector<20x32xf32>
    %get3A_3279 = arith.constant 143 : index
    %get3A_3280 = arith.constant 0 : index
    %get3A_3281 = arith.constant 0 : index
    %get3A_3282 = vector.load %arg1[%get3A_3279, %get3A_3280, %get3A_3281] : memref<200x32x128xf32, #tpu.memory_space<vmem>>, vector<1x32x128xf32>
    %get3A_3283 = vector.shape_cast %get3A_3282 : vector<1x32x128xf32> to vector<32x128xf32>
    %dot_general3A_3284 = arith.constant dense<0.000000e+00> : vector<20x128xf32>
    %dot_general3A_3285 = tpu.matmul %get3A_3278, %get3A_3283, %dot_general3A_3284 {dimension_numbers = #tpu.dot_dimension_numbers<[1], [0], [0], [1], [0, 0, 1, 1], [], []>, transpose_lhs_hint = false} : vector<20x32xf32>, vector<32x128xf32>, vector<20x128xf32> -> vector<20x128xf32>
    %swap3A_3286 = arith.constant 143 : index
    %swap3A_3287 = arith.constant 0 : index
    %swap3A_3288 = arith.constant 0 : index
    %swap3A_3289 = vector.load %arg13[%swap3A_3286, %swap3A_3287, %swap3A_3288] : memref<200x20x128xf32, #tpu.memory_space<vmem>>, vector<1x20x128xf32>
    %swap3A_3290 = vector.shape_cast %swap3A_3289 : vector<1x20x128xf32> to vector<20x128xf32>
    %swap3A_3291 = vector.shape_cast %dot_general3A_3285 : vector<20x128xf32> to vector<1x20x128xf32>
    tpu.vector_store %arg13[%swap3A_3286, %swap3A_3287, %swap3A_3288], %swap3A_3291 {strides = array<i32>} : memref<200x20x128xf32, #tpu.memory_space<vmem>>, vector<1x20x128xf32>,
    %get3A_3292 = arith.constant 144 : index
    %get3A_3293 = arith.constant 0 : index
    %get3A_3294 = arith.constant 0 : index
    %get3A_3295 = vector.load %arg12[%get3A_3292, %get3A_3293, %get3A_3294] : memref<200x20x32xf32, #tpu.memory_space<vmem>>, vector<1x20x32xf32>
    %get3A_3296 = vector.shape_cast %get3A_3295 : vector<1x20x32xf32> to vector<20x32xf32>
    %get3A_3297 = arith.constant 144 : index
    %get3A_3298 = arith.constant 0 : index
    %get3A_3299 = arith.constant 0 : index
    %get3A_3300 = vector.load %arg1[%get3A_3297, %get3A_3298, %get3A_3299] : memref<200x32x128xf32, #tpu.memory_space<vmem>>, vector<1x32x128xf32>
    %get3A_3301 = vector.shape_cast %get3A_3300 : vector<1x32x128xf32> to vector<32x128xf32>
    %dot_general3A_3302 = arith.constant dense<0.000000e+00> : vector<20x128xf32>
    %dot_general3A_3303 = tpu.matmul %get3A_3296, %get3A_3301, %dot_general3A_3302 {dimension_numbers = #tpu.dot_dimension_numbers<[1], [0], [0], [1], [0, 0, 1, 1], [], []>, transpose_lhs_hint = false} : vector<20x32xf32>, vector<32x128xf32>, vector<20x128xf32> -> vector<20x128xf32>
    %swap3A_3304 = arith.constant 144 : index
    %swap3A_3305 = arith.constant 0 : index
    %swap3A_3306 = arith.constant 0 : index
    %swap3A_3307 = vector.load %arg13[%swap3A_3304, %swap3A_3305, %swap3A_3306] : memref<200x20x128xf32, #tpu.memory_space<vmem>>, vector<1x20x128xf32>
    %swap3A_3308 = vector.shape_cast %swap3A_3307 : vector<1x20x128xf32> to vector<20x128xf32>
    %swap3A_3309 = vector.shape_cast %dot_general3A_3303 : vector<20x128xf32> to vector<1x20x128xf32>
    tpu.vector_store %arg13[%swap3A_3304, %swap3A_3305, %swap3A_3306], %swap3A_3309 {strides = array<i32>} : memref<200x20x128xf32, #tpu.memory_space<vmem>>, vector<1x20x128xf32>,
    %get3A_3310 = arith.constant 145 : index
    %get3A_3311 = arith.constant 0 : index
    %get3A_3312 = arith.constant 0 : index
    %get3A_3313 = vector.load %arg12[%get3A_3310, %get3A_3311, %get3A_3312] : memref<200x20x32xf32, #tpu.memory_space<vmem>>, vector<1x20x32xf32>
    %get3A_3314 = vector.shape_cast %get3A_3313 : vector<1x20x32xf32> to vector<20x32xf32>
    %get3A_3315 = arith.constant 145 : index
    %get3A_3316 = arith.constant 0 : index
    %get3A_3317 = arith.constant 0 : index
    %get3A_3318 = vector.load %arg1[%get3A_3315, %get3A_3316, %get3A_3317] : memref<200x32x128xf32, #tpu.memory_space<vmem>>, vector<1x32x128xf32>
    %get3A_3319 = vector.shape_cast %get3A_3318 : vector<1x32x128xf32> to vector<32x128xf32>
    %dot_general3A_3320 = arith.constant dense<0.000000e+00> : vector<20x128xf32>
    %dot_general3A_3321 = tpu.matmul %get3A_3314, %get3A_3319, %dot_general3A_3320 {dimension_numbers = #tpu.dot_dimension_numbers<[1], [0], [0], [1], [0, 0, 1, 1], [], []>, transpose_lhs_hint = false} : vector<20x32xf32>, vector<32x128xf32>, vector<20x128xf32> -> vector<20x128xf32>
    %swap3A_3322 = arith.constant 145 : index
    %swap3A_3323 = arith.constant 0 : index
    %swap3A_3324 = arith.constant 0 : index
    %swap3A_3325 = vector.load %arg13[%swap3A_3322, %swap3A_3323, %swap3A_3324] : memref<200x20x128xf32, #tpu.memory_space<vmem>>, vector<1x20x128xf32>
    %swap3A_3326 = vector.shape_cast %swap3A_3325 : vector<1x20x128xf32> to vector<20x128xf32>
    %swap3A_3327 = vector.shape_cast %dot_general3A_3321 : vector<20x128xf32> to vector<1x20x128xf32>
    tpu.vector_store %arg13[%swap3A_3322, %swap3A_3323, %swap3A_3324], %swap3A_3327 {strides = array<i32>} : memref<200x20x128xf32, #tpu.memory_space<vmem>>, vector<1x20x128xf32>,
    %get3A_3328 = arith.constant 146 : index
    %get3A_3329 = arith.constant 0 : index
    %get3A_3330 = arith.constant 0 : index
    %get3A_3331 = vector.load %arg12[%get3A_3328, %get3A_3329, %get3A_3330] : memref<200x20x32xf32, #tpu.memory_space<vmem>>, vector<1x20x32xf32>
    %get3A_3332 = vector.shape_cast %get3A_3331 : vector<1x20x32xf32> to vector<20x32xf32>
    %get3A_3333 = arith.constant 146 : index
    %get3A_3334 = arith.constant 0 : index
    %get3A_3335 = arith.constant 0 : index
    %get3A_3336 = vector.load %arg1[%get3A_3333, %get3A_3334, %get3A_3335] : memref<200x32x128xf32, #tpu.memory_space<vmem>>, vector<1x32x128xf32>
    %get3A_3337 = vector.shape_cast %get3A_3336 : vector<1x32x128xf32> to vector<32x128xf32>
    %dot_general3A_3338 = arith.constant dense<0.000000e+00> : vector<20x128xf32>
    %dot_general3A_3339 = tpu.matmul %get3A_3332, %get3A_3337, %dot_general3A_3338 {dimension_numbers = #tpu.dot_dimension_numbers<[1], [0], [0], [1], [0, 0, 1, 1], [], []>, transpose_lhs_hint = false} : vector<20x32xf32>, vector<32x128xf32>, vector<20x128xf32> -> vector<20x128xf32>
    %swap3A_3340 = arith.constant 146 : index
    %swap3A_3341 = arith.constant 0 : index
    %swap3A_3342 = arith.constant 0 : index
    %swap3A_3343 = vector.load %arg13[%swap3A_3340, %swap3A_3341, %swap3A_3342] : memref<200x20x128xf32, #tpu.memory_space<vmem>>, vector<1x20x128xf32>
    %swap3A_3344 = vector.shape_cast %swap3A_3343 : vector<1x20x128xf32> to vector<20x128xf32>
    %swap3A_3345 = vector.shape_cast %dot_general3A_3339 : vector<20x128xf32> to vector<1x20x128xf32>
    tpu.vector_store %arg13[%swap3A_3340, %swap3A_3341, %swap3A_3342], %swap3A_3345 {strides = array<i32>} : memref<200x20x128xf32, #tpu.memory_space<vmem>>, vector<1x20x128xf32>,
    %get3A_3346 = arith.constant 147 : index
    %get3A_3347 = arith.constant 0 : index
    %get3A_3348 = arith.constant 0 : index
    %get3A_3349 = vector.load %arg12[%get3A_3346, %get3A_3347, %get3A_3348] : memref<200x20x32xf32, #tpu.memory_space<vmem>>, vector<1x20x32xf32>
    %get3A_3350 = vector.shape_cast %get3A_3349 : vector<1x20x32xf32> to vector<20x32xf32>
    %get3A_3351 = arith.constant 147 : index
    %get3A_3352 = arith.constant 0 : index
    %get3A_3353 = arith.constant 0 : index
    %get3A_3354 = vector.load %arg1[%get3A_3351, %get3A_3352, %get3A_3353] : memref<200x32x128xf32, #tpu.memory_space<vmem>>, vector<1x32x128xf32>
    %get3A_3355 = vector.shape_cast %get3A_3354 : vector<1x32x128xf32> to vector<32x128xf32>
    %dot_general3A_3356 = arith.constant dense<0.000000e+00> : vector<20x128xf32>
    %dot_general3A_3357 = tpu.matmul %get3A_3350, %get3A_3355, %dot_general3A_3356 {dimension_numbers = #tpu.dot_dimension_numbers<[1], [0], [0], [1], [0, 0, 1, 1], [], []>, transpose_lhs_hint = false} : vector<20x32xf32>, vector<32x128xf32>, vector<20x128xf32> -> vector<20x128xf32>
    %swap3A_3358 = arith.constant 147 : index
    %swap3A_3359 = arith.constant 0 : index
    %swap3A_3360 = arith.constant 0 : index
    %swap3A_3361 = vector.load %arg13[%swap3A_3358, %swap3A_3359, %swap3A_3360] : memref<200x20x128xf32, #tpu.memory_space<vmem>>, vector<1x20x128xf32>
    %swap3A_3362 = vector.shape_cast %swap3A_3361 : vector<1x20x128xf32> to vector<20x128xf32>
    %swap3A_3363 = vector.shape_cast %dot_general3A_3357 : vector<20x128xf32> to vector<1x20x128xf32>
    tpu.vector_store %arg13[%swap3A_3358, %swap3A_3359, %swap3A_3360], %swap3A_3363 {strides = array<i32>} : memref<200x20x128xf32, #tpu.memory_space<vmem>>, vector<1x20x128xf32>,
    %get3A_3364 = arith.constant 148 : index
    %get3A_3365 = arith.constant 0 : index
    %get3A_3366 = arith.constant 0 : index
    %get3A_3367 = vector.load %arg12[%get3A_3364, %get3A_3365, %get3A_3366] : memref<200x20x32xf32, #tpu.memory_space<vmem>>, vector<1x20x32xf32>
    %get3A_3368 = vector.shape_cast %get3A_3367 : vector<1x20x32xf32> to vector<20x32xf32>
    %get3A_3369 = arith.constant 148 : index
    %get3A_3370 = arith.constant 0 : index
    %get3A_3371 = arith.constant 0 : index
    %get3A_3372 = vector.load %arg1[%get3A_3369, %get3A_3370, %get3A_3371] : memref<200x32x128xf32, #tpu.memory_space<vmem>>, vector<1x32x128xf32>
    %get3A_3373 = vector.shape_cast %get3A_3372 : vector<1x32x128xf32> to vector<32x128xf32>
    %dot_general3A_3374 = arith.constant dense<0.000000e+00> : vector<20x128xf32>
    %dot_general3A_3375 = tpu.matmul %get3A_3368, %get3A_3373, %dot_general3A_3374 {dimension_numbers = #tpu.dot_dimension_numbers<[1], [0], [0], [1], [0, 0, 1, 1], [], []>, transpose_lhs_hint = false} : vector<20x32xf32>, vector<32x128xf32>, vector<20x128xf32> -> vector<20x128xf32>
    %swap3A_3376 = arith.constant 148 : index
    %swap3A_3377 = arith.constant 0 : index
    %swap3A_3378 = arith.constant 0 : index
    %swap3A_3379 = vector.load %arg13[%swap3A_3376, %swap3A_3377, %swap3A_3378] : memref<200x20x128xf32, #tpu.memory_space<vmem>>, vector<1x20x128xf32>
    %swap3A_3380 = vector.shape_cast %swap3A_3379 : vector<1x20x128xf32> to vector<20x128xf32>
    %swap3A_3381 = vector.shape_cast %dot_general3A_3375 : vector<20x128xf32> to vector<1x20x128xf32>
    tpu.vector_store %arg13[%swap3A_3376, %swap3A_3377, %swap3A_3378], %swap3A_3381 {strides = array<i32>} : memref<200x20x128xf32, #tpu.memory_space<vmem>>, vector<1x20x128xf32>,
    %get3A_3382 = arith.constant 149 : index
    %get3A_3383 = arith.constant 0 : index
    %get3A_3384 = arith.constant 0 : index
    %get3A_3385 = vector.load %arg12[%get3A_3382, %get3A_3383, %get3A_3384] : memref<200x20x32xf32, #tpu.memory_space<vmem>>, vector<1x20x32xf32>
    %get3A_3386 = vector.shape_cast %get3A_3385 : vector<1x20x32xf32> to vector<20x32xf32>
    %get3A_3387 = arith.constant 149 : index
    %get3A_3388 = arith.constant 0 : index
    %get3A_3389 = arith.constant 0 : index
    %get3A_3390 = vector.load %arg1[%get3A_3387, %get3A_3388, %get3A_3389] : memref<200x32x128xf32, #tpu.memory_space<vmem>>, vector<1x32x128xf32>
    %get3A_3391 = vector.shape_cast %get3A_3390 : vector<1x32x128xf32> to vector<32x128xf32>
    %dot_general3A_3392 = arith.constant dense<0.000000e+00> : vector<20x128xf32>
    %dot_general3A_3393 = tpu.matmul %get3A_3386, %get3A_3391, %dot_general3A_3392 {dimension_numbers = #tpu.dot_dimension_numbers<[1], [0], [0], [1], [0, 0, 1, 1], [], []>, transpose_lhs_hint = false} : vector<20x32xf32>, vector<32x128xf32>, vector<20x128xf32> -> vector<20x128xf32>
    %swap3A_3394 = arith.constant 149 : index
    %swap3A_3395 = arith.constant 0 : index
    %swap3A_3396 = arith.constant 0 : index
    %swap3A_3397 = vector.load %arg13[%swap3A_3394, %swap3A_3395, %swap3A_3396] : memref<200x20x128xf32, #tpu.memory_space<vmem>>, vector<1x20x128xf32>
    %swap3A_3398 = vector.shape_cast %swap3A_3397 : vector<1x20x128xf32> to vector<20x128xf32>
    %swap3A_3399 = vector.shape_cast %dot_general3A_3393 : vector<20x128xf32> to vector<1x20x128xf32>
    tpu.vector_store %arg13[%swap3A_3394, %swap3A_3395, %swap3A_3396], %swap3A_3399 {strides = array<i32>} : memref<200x20x128xf32, #tpu.memory_space<vmem>>, vector<1x20x128xf32>,
    %get3A_3400 = arith.constant 150 : index
    %get3A_3401 = arith.constant 0 : index
    %get3A_3402 = arith.constant 0 : index
    %get3A_3403 = vector.load %arg12[%get3A_3400, %get3A_3401, %get3A_3402] : memref<200x20x32xf32, #tpu.memory_space<vmem>>, vector<1x20x32xf32>
    %get3A_3404 = vector.shape_cast %get3A_3403 : vector<1x20x32xf32> to vector<20x32xf32>
    %get3A_3405 = arith.constant 150 : index
    %get3A_3406 = arith.constant 0 : index
    %get3A_3407 = arith.constant 0 : index
    %get3A_3408 = vector.load %arg1[%get3A_3405, %get3A_3406, %get3A_3407] : memref<200x32x128xf32, #tpu.memory_space<vmem>>, vector<1x32x128xf32>
    %get3A_3409 = vector.shape_cast %get3A_3408 : vector<1x32x128xf32> to vector<32x128xf32>
    %dot_general3A_3410 = arith.constant dense<0.000000e+00> : vector<20x128xf32>
    %dot_general3A_3411 = tpu.matmul %get3A_3404, %get3A_3409, %dot_general3A_3410 {dimension_numbers = #tpu.dot_dimension_numbers<[1], [0], [0], [1], [0, 0, 1, 1], [], []>, transpose_lhs_hint = false} : vector<20x32xf32>, vector<32x128xf32>, vector<20x128xf32> -> vector<20x128xf32>
    %swap3A_3412 = arith.constant 150 : index
    %swap3A_3413 = arith.constant 0 : index
    %swap3A_3414 = arith.constant 0 : index
    %swap3A_3415 = vector.load %arg13[%swap3A_3412, %swap3A_3413, %swap3A_3414] : memref<200x20x128xf32, #tpu.memory_space<vmem>>, vector<1x20x128xf32>
    %swap3A_3416 = vector.shape_cast %swap3A_3415 : vector<1x20x128xf32> to vector<20x128xf32>
    %swap3A_3417 = vector.shape_cast %dot_general3A_3411 : vector<20x128xf32> to vector<1x20x128xf32>
    tpu.vector_store %arg13[%swap3A_3412, %swap3A_3413, %swap3A_3414], %swap3A_3417 {strides = array<i32>} : memref<200x20x128xf32, #tpu.memory_space<vmem>>, vector<1x20x128xf32>,
    %get3A_3418 = arith.constant 151 : index
    %get3A_3419 = arith.constant 0 : index
    %get3A_3420 = arith.constant 0 : index
    %get3A_3421 = vector.load %arg12[%get3A_3418, %get3A_3419, %get3A_3420] : memref<200x20x32xf32, #tpu.memory_space<vmem>>, vector<1x20x32xf32>
    %get3A_3422 = vector.shape_cast %get3A_3421 : vector<1x20x32xf32> to vector<20x32xf32>
    %get3A_3423 = arith.constant 151 : index
    %get3A_3424 = arith.constant 0 : index
    %get3A_3425 = arith.constant 0 : index
    %get3A_3426 = vector.load %arg1[%get3A_3423, %get3A_3424, %get3A_3425] : memref<200x32x128xf32, #tpu.memory_space<vmem>>, vector<1x32x128xf32>
    %get3A_3427 = vector.shape_cast %get3A_3426 : vector<1x32x128xf32> to vector<32x128xf32>
    %dot_general3A_3428 = arith.constant dense<0.000000e+00> : vector<20x128xf32>
    %dot_general3A_3429 = tpu.matmul %get3A_3422, %get3A_3427, %dot_general3A_3428 {dimension_numbers = #tpu.dot_dimension_numbers<[1], [0], [0], [1], [0, 0, 1, 1], [], []>, transpose_lhs_hint = false} : vector<20x32xf32>, vector<32x128xf32>, vector<20x128xf32> -> vector<20x128xf32>
    %swap3A_3430 = arith.constant 151 : index
    %swap3A_3431 = arith.constant 0 : index
    %swap3A_3432 = arith.constant 0 : index
    %swap3A_3433 = vector.load %arg13[%swap3A_3430, %swap3A_3431, %swap3A_3432] : memref<200x20x128xf32, #tpu.memory_space<vmem>>, vector<1x20x128xf32>
    %swap3A_3434 = vector.shape_cast %swap3A_3433 : vector<1x20x128xf32> to vector<20x128xf32>
    %swap3A_3435 = vector.shape_cast %dot_general3A_3429 : vector<20x128xf32> to vector<1x20x128xf32>
    tpu.vector_store %arg13[%swap3A_3430, %swap3A_3431, %swap3A_3432], %swap3A_3435 {strides = array<i32>} : memref<200x20x128xf32, #tpu.memory_space<vmem>>, vector<1x20x128xf32>,
    %get3A_3436 = arith.constant 152 : index
    %get3A_3437 = arith.constant 0 : index
    %get3A_3438 = arith.constant 0 : index
    %get3A_3439 = vector.load %arg12[%get3A_3436, %get3A_3437, %get3A_3438] : memref<200x20x32xf32, #tpu.memory_space<vmem>>, vector<1x20x32xf32>
    %get3A_3440 = vector.shape_cast %get3A_3439 : vector<1x20x32xf32> to vector<20x32xf32>
    %get3A_3441 = arith.constant 152 : index
    %get3A_3442 = arith.constant 0 : index
    %get3A_3443 = arith.constant 0 : index
    %get3A_3444 = vector.load %arg1[%get3A_3441, %get3A_3442, %get3A_3443] : memref<200x32x128xf32, #tpu.memory_space<vmem>>, vector<1x32x128xf32>
    %get3A_3445 = vector.shape_cast %get3A_3444 : vector<1x32x128xf32> to vector<32x128xf32>
    %dot_general3A_3446 = arith.constant dense<0.000000e+00> : vector<20x128xf32>
    %dot_general3A_3447 = tpu.matmul %get3A_3440, %get3A_3445, %dot_general3A_3446 {dimension_numbers = #tpu.dot_dimension_numbers<[1], [0], [0], [1], [0, 0, 1, 1], [], []>, transpose_lhs_hint = false} : vector<20x32xf32>, vector<32x128xf32>, vector<20x128xf32> -> vector<20x128xf32>
    %swap3A_3448 = arith.constant 152 : index
    %swap3A_3449 = arith.constant 0 : index
    %swap3A_3450 = arith.constant 0 : index
    %swap3A_3451 = vector.load %arg13[%swap3A_3448, %swap3A_3449, %swap3A_3450] : memref<200x20x128xf32, #tpu.memory_space<vmem>>, vector<1x20x128xf32>
    %swap3A_3452 = vector.shape_cast %swap3A_3451 : vector<1x20x128xf32> to vector<20x128xf32>
    %swap3A_3453 = vector.shape_cast %dot_general3A_3447 : vector<20x128xf32> to vector<1x20x128xf32>
    tpu.vector_store %arg13[%swap3A_3448, %swap3A_3449, %swap3A_3450], %swap3A_3453 {strides = array<i32>} : memref<200x20x128xf32, #tpu.memory_space<vmem>>, vector<1x20x128xf32>,
    %get3A_3454 = arith.constant 153 : index
    %get3A_3455 = arith.constant 0 : index
    %get3A_3456 = arith.constant 0 : index
    %get3A_3457 = vector.load %arg12[%get3A_3454, %get3A_3455, %get3A_3456] : memref<200x20x32xf32, #tpu.memory_space<vmem>>, vector<1x20x32xf32>
    %get3A_3458 = vector.shape_cast %get3A_3457 : vector<1x20x32xf32> to vector<20x32xf32>
    %get3A_3459 = arith.constant 153 : index
    %get3A_3460 = arith.constant 0 : index
    %get3A_3461 = arith.constant 0 : index
    %get3A_3462 = vector.load %arg1[%get3A_3459, %get3A_3460, %get3A_3461] : memref<200x32x128xf32, #tpu.memory_space<vmem>>, vector<1x32x128xf32>
    %get3A_3463 = vector.shape_cast %get3A_3462 : vector<1x32x128xf32> to vector<32x128xf32>
    %dot_general3A_3464 = arith.constant dense<0.000000e+00> : vector<20x128xf32>
    %dot_general3A_3465 = tpu.matmul %get3A_3458, %get3A_3463, %dot_general3A_3464 {dimension_numbers = #tpu.dot_dimension_numbers<[1], [0], [0], [1], [0, 0, 1, 1], [], []>, transpose_lhs_hint = false} : vector<20x32xf32>, vector<32x128xf32>, vector<20x128xf32> -> vector<20x128xf32>
    %swap3A_3466 = arith.constant 153 : index
    %swap3A_3467 = arith.constant 0 : index
    %swap3A_3468 = arith.constant 0 : index
    %swap3A_3469 = vector.load %arg13[%swap3A_3466, %swap3A_3467, %swap3A_3468] : memref<200x20x128xf32, #tpu.memory_space<vmem>>, vector<1x20x128xf32>
    %swap3A_3470 = vector.shape_cast %swap3A_3469 : vector<1x20x128xf32> to vector<20x128xf32>
    %swap3A_3471 = vector.shape_cast %dot_general3A_3465 : vector<20x128xf32> to vector<1x20x128xf32>
    tpu.vector_store %arg13[%swap3A_3466, %swap3A_3467, %swap3A_3468], %swap3A_3471 {strides = array<i32>} : memref<200x20x128xf32, #tpu.memory_space<vmem>>, vector<1x20x128xf32>,
    %get3A_3472 = arith.constant 154 : index
    %get3A_3473 = arith.constant 0 : index
    %get3A_3474 = arith.constant 0 : index
    %get3A_3475 = vector.load %arg12[%get3A_3472, %get3A_3473, %get3A_3474] : memref<200x20x32xf32, #tpu.memory_space<vmem>>, vector<1x20x32xf32>
    %get3A_3476 = vector.shape_cast %get3A_3475 : vector<1x20x32xf32> to vector<20x32xf32>
    %get3A_3477 = arith.constant 154 : index
    %get3A_3478 = arith.constant 0 : index
    %get3A_3479 = arith.constant 0 : index
    %get3A_3480 = vector.load %arg1[%get3A_3477, %get3A_3478, %get3A_3479] : memref<200x32x128xf32, #tpu.memory_space<vmem>>, vector<1x32x128xf32>
    %get3A_3481 = vector.shape_cast %get3A_3480 : vector<1x32x128xf32> to vector<32x128xf32>
    %dot_general3A_3482 = arith.constant dense<0.000000e+00> : vector<20x128xf32>
    %dot_general3A_3483 = tpu.matmul %get3A_3476, %get3A_3481, %dot_general3A_3482 {dimension_numbers = #tpu.dot_dimension_numbers<[1], [0], [0], [1], [0, 0, 1, 1], [], []>, transpose_lhs_hint = false} : vector<20x32xf32>, vector<32x128xf32>, vector<20x128xf32> -> vector<20x128xf32>
    %swap3A_3484 = arith.constant 154 : index
    %swap3A_3485 = arith.constant 0 : index
    %swap3A_3486 = arith.constant 0 : index
    %swap3A_3487 = vector.load %arg13[%swap3A_3484, %swap3A_3485, %swap3A_3486] : memref<200x20x128xf32, #tpu.memory_space<vmem>>, vector<1x20x128xf32>
    %swap3A_3488 = vector.shape_cast %swap3A_3487 : vector<1x20x128xf32> to vector<20x128xf32>
    %swap3A_3489 = vector.shape_cast %dot_general3A_3483 : vector<20x128xf32> to vector<1x20x128xf32>
    tpu.vector_store %arg13[%swap3A_3484, %swap3A_3485, %swap3A_3486], %swap3A_3489 {strides = array<i32>} : memref<200x20x128xf32, #tpu.memory_space<vmem>>, vector<1x20x128xf32>,
    %get3A_3490 = arith.constant 155 : index
    %get3A_3491 = arith.constant 0 : index
    %get3A_3492 = arith.constant 0 : index
    %get3A_3493 = vector.load %arg12[%get3A_3490, %get3A_3491, %get3A_3492] : memref<200x20x32xf32, #tpu.memory_space<vmem>>, vector<1x20x32xf32>
    %get3A_3494 = vector.shape_cast %get3A_3493 : vector<1x20x32xf32> to vector<20x32xf32>
    %get3A_3495 = arith.constant 155 : index
    %get3A_3496 = arith.constant 0 : index
    %get3A_3497 = arith.constant 0 : index
    %get3A_3498 = vector.load %arg1[%get3A_3495, %get3A_3496, %get3A_3497] : memref<200x32x128xf32, #tpu.memory_space<vmem>>, vector<1x32x128xf32>
    %get3A_3499 = vector.shape_cast %get3A_3498 : vector<1x32x128xf32> to vector<32x128xf32>
    %dot_general3A_3500 = arith.constant dense<0.000000e+00> : vector<20x128xf32>
    %dot_general3A_3501 = tpu.matmul %get3A_3494, %get3A_3499, %dot_general3A_3500 {dimension_numbers = #tpu.dot_dimension_numbers<[1], [0], [0], [1], [0, 0, 1, 1], [], []>, transpose_lhs_hint = false} : vector<20x32xf32>, vector<32x128xf32>, vector<20x128xf32> -> vector<20x128xf32>
    %swap3A_3502 = arith.constant 155 : index
    %swap3A_3503 = arith.constant 0 : index
    %swap3A_3504 = arith.constant 0 : index
    %swap3A_3505 = vector.load %arg13[%swap3A_3502, %swap3A_3503, %swap3A_3504] : memref<200x20x128xf32, #tpu.memory_space<vmem>>, vector<1x20x128xf32>
    %swap3A_3506 = vector.shape_cast %swap3A_3505 : vector<1x20x128xf32> to vector<20x128xf32>
    %swap3A_3507 = vector.shape_cast %dot_general3A_3501 : vector<20x128xf32> to vector<1x20x128xf32>
    tpu.vector_store %arg13[%swap3A_3502, %swap3A_3503, %swap3A_3504], %swap3A_3507 {strides = array<i32>} : memref<200x20x128xf32, #tpu.memory_space<vmem>>, vector<1x20x128xf32>,
    %get3A_3508 = arith.constant 156 : index
    %get3A_3509 = arith.constant 0 : index
    %get3A_3510 = arith.constant 0 : index
    %get3A_3511 = vector.load %arg12[%get3A_3508, %get3A_3509, %get3A_3510] : memref<200x20x32xf32, #tpu.memory_space<vmem>>, vector<1x20x32xf32>
    %get3A_3512 = vector.shape_cast %get3A_3511 : vector<1x20x32xf32> to vector<20x32xf32>
    %get3A_3513 = arith.constant 156 : index
    %get3A_3514 = arith.constant 0 : index
    %get3A_3515 = arith.constant 0 : index
    %get3A_3516 = vector.load %arg1[%get3A_3513, %get3A_3514, %get3A_3515] : memref<200x32x128xf32, #tpu.memory_space<vmem>>, vector<1x32x128xf32>
    %get3A_3517 = vector.shape_cast %get3A_3516 : vector<1x32x128xf32> to vector<32x128xf32>
    %dot_general3A_3518 = arith.constant dense<0.000000e+00> : vector<20x128xf32>
    %dot_general3A_3519 = tpu.matmul %get3A_3512, %get3A_3517, %dot_general3A_3518 {dimension_numbers = #tpu.dot_dimension_numbers<[1], [0], [0], [1], [0, 0, 1, 1], [], []>, transpose_lhs_hint = false} : vector<20x32xf32>, vector<32x128xf32>, vector<20x128xf32> -> vector<20x128xf32>
    %swap3A_3520 = arith.constant 156 : index
    %swap3A_3521 = arith.constant 0 : index
    %swap3A_3522 = arith.constant 0 : index
    %swap3A_3523 = vector.load %arg13[%swap3A_3520, %swap3A_3521, %swap3A_3522] : memref<200x20x128xf32, #tpu.memory_space<vmem>>, vector<1x20x128xf32>
    %swap3A_3524 = vector.shape_cast %swap3A_3523 : vector<1x20x128xf32> to vector<20x128xf32>
    %swap3A_3525 = vector.shape_cast %dot_general3A_3519 : vector<20x128xf32> to vector<1x20x128xf32>
    tpu.vector_store %arg13[%swap3A_3520, %swap3A_3521, %swap3A_3522], %swap3A_3525 {strides = array<i32>} : memref<200x20x128xf32, #tpu.memory_space<vmem>>, vector<1x20x128xf32>,
    %get3A_3526 = arith.constant 157 : index
    %get3A_3527 = arith.constant 0 : index
    %get3A_3528 = arith.constant 0 : index
    %get3A_3529 = vector.load %arg12[%get3A_3526, %get3A_3527, %get3A_3528] : memref<200x20x32xf32, #tpu.memory_space<vmem>>, vector<1x20x32xf32>
    %get3A_3530 = vector.shape_cast %get3A_3529 : vector<1x20x32xf32> to vector<20x32xf32>
    %get3A_3531 = arith.constant 157 : index
    %get3A_3532 = arith.constant 0 : index
    %get3A_3533 = arith.constant 0 : index
    %get3A_3534 = vector.load %arg1[%get3A_3531, %get3A_3532, %get3A_3533] : memref<200x32x128xf32, #tpu.memory_space<vmem>>, vector<1x32x128xf32>
    %get3A_3535 = vector.shape_cast %get3A_3534 : vector<1x32x128xf32> to vector<32x128xf32>
    %dot_general3A_3536 = arith.constant dense<0.000000e+00> : vector<20x128xf32>
    %dot_general3A_3537 = tpu.matmul %get3A_3530, %get3A_3535, %dot_general3A_3536 {dimension_numbers = #tpu.dot_dimension_numbers<[1], [0], [0], [1], [0, 0, 1, 1], [], []>, transpose_lhs_hint = false} : vector<20x32xf32>, vector<32x128xf32>, vector<20x128xf32> -> vector<20x128xf32>
    %swap3A_3538 = arith.constant 157 : index
    %swap3A_3539 = arith.constant 0 : index
    %swap3A_3540 = arith.constant 0 : index
    %swap3A_3541 = vector.load %arg13[%swap3A_3538, %swap3A_3539, %swap3A_3540] : memref<200x20x128xf32, #tpu.memory_space<vmem>>, vector<1x20x128xf32>
    %swap3A_3542 = vector.shape_cast %swap3A_3541 : vector<1x20x128xf32> to vector<20x128xf32>
    %swap3A_3543 = vector.shape_cast %dot_general3A_3537 : vector<20x128xf32> to vector<1x20x128xf32>
    tpu.vector_store %arg13[%swap3A_3538, %swap3A_3539, %swap3A_3540], %swap3A_3543 {strides = array<i32>} : memref<200x20x128xf32, #tpu.memory_space<vmem>>, vector<1x20x128xf32>,
    %get3A_3544 = arith.constant 158 : index
    %get3A_3545 = arith.constant 0 : index
    %get3A_3546 = arith.constant 0 : index
    %get3A_3547 = vector.load %arg12[%get3A_3544, %get3A_3545, %get3A_3546] : memref<200x20x32xf32, #tpu.memory_space<vmem>>, vector<1x20x32xf32>
    %get3A_3548 = vector.shape_cast %get3A_3547 : vector<1x20x32xf32> to vector<20x32xf32>
    %get3A_3549 = arith.constant 158 : index
    %get3A_3550 = arith.constant 0 : index
    %get3A_3551 = arith.constant 0 : index
    %get3A_3552 = vector.load %arg1[%get3A_3549, %get3A_3550, %get3A_3551] : memref<200x32x128xf32, #tpu.memory_space<vmem>>, vector<1x32x128xf32>
    %get3A_3553 = vector.shape_cast %get3A_3552 : vector<1x32x128xf32> to vector<32x128xf32>
    %dot_general3A_3554 = arith.constant dense<0.000000e+00> : vector<20x128xf32>
    %dot_general3A_3555 = tpu.matmul %get3A_3548, %get3A_3553, %dot_general3A_3554 {dimension_numbers = #tpu.dot_dimension_numbers<[1], [0], [0], [1], [0, 0, 1, 1], [], []>, transpose_lhs_hint = false} : vector<20x32xf32>, vector<32x128xf32>, vector<20x128xf32> -> vector<20x128xf32>
    %swap3A_3556 = arith.constant 158 : index
    %swap3A_3557 = arith.constant 0 : index
    %swap3A_3558 = arith.constant 0 : index
    %swap3A_3559 = vector.load %arg13[%swap3A_3556, %swap3A_3557, %swap3A_3558] : memref<200x20x128xf32, #tpu.memory_space<vmem>>, vector<1x20x128xf32>
    %swap3A_3560 = vector.shape_cast %swap3A_3559 : vector<1x20x128xf32> to vector<20x128xf32>
    %swap3A_3561 = vector.shape_cast %dot_general3A_3555 : vector<20x128xf32> to vector<1x20x128xf32>
    tpu.vector_store %arg13[%swap3A_3556, %swap3A_3557, %swap3A_3558], %swap3A_3561 {strides = array<i32>} : memref<200x20x128xf32, #tpu.memory_space<vmem>>, vector<1x20x128xf32>,
    %get3A_3562 = arith.constant 159 : index
    %get3A_3563 = arith.constant 0 : index
    %get3A_3564 = arith.constant 0 : index
    %get3A_3565 = vector.load %arg12[%get3A_3562, %get3A_3563, %get3A_3564] : memref<200x20x32xf32, #tpu.memory_space<vmem>>, vector<1x20x32xf32>
    %get3A_3566 = vector.shape_cast %get3A_3565 : vector<1x20x32xf32> to vector<20x32xf32>
    %get3A_3567 = arith.constant 159 : index
    %get3A_3568 = arith.constant 0 : index
    %get3A_3569 = arith.constant 0 : index
    %get3A_3570 = vector.load %arg1[%get3A_3567, %get3A_3568, %get3A_3569] : memref<200x32x128xf32, #tpu.memory_space<vmem>>, vector<1x32x128xf32>
    %get3A_3571 = vector.shape_cast %get3A_3570 : vector<1x32x128xf32> to vector<32x128xf32>
    %dot_general3A_3572 = arith.constant dense<0.000000e+00> : vector<20x128xf32>
    %dot_general3A_3573 = tpu.matmul %get3A_3566, %get3A_3571, %dot_general3A_3572 {dimension_numbers = #tpu.dot_dimension_numbers<[1], [0], [0], [1], [0, 0, 1, 1], [], []>, transpose_lhs_hint = false} : vector<20x32xf32>, vector<32x128xf32>, vector<20x128xf32> -> vector<20x128xf32>
    %swap3A_3574 = arith.constant 159 : index
    %swap3A_3575 = arith.constant 0 : index
    %swap3A_3576 = arith.constant 0 : index
    %swap3A_3577 = vector.load %arg13[%swap3A_3574, %swap3A_3575, %swap3A_3576] : memref<200x20x128xf32, #tpu.memory_space<vmem>>, vector<1x20x128xf32>
    %swap3A_3578 = vector.shape_cast %swap3A_3577 : vector<1x20x128xf32> to vector<20x128xf32>
    %swap3A_3579 = vector.shape_cast %dot_general3A_3573 : vector<20x128xf32> to vector<1x20x128xf32>
    tpu.vector_store %arg13[%swap3A_3574, %swap3A_3575, %swap3A_3576], %swap3A_3579 {strides = array<i32>} : memref<200x20x128xf32, #tpu.memory_space<vmem>>, vector<1x20x128xf32>,
    %get3A_3580 = arith.constant 160 : index
    %get3A_3581 = arith.constant 0 : index
    %get3A_3582 = arith.constant 0 : index
    %get3A_3583 = vector.load %arg12[%get3A_3580, %get3A_3581, %get3A_3582] : memref<200x20x32xf32, #tpu.memory_space<vmem>>, vector<1x20x32xf32>
    %get3A_3584 = vector.shape_cast %get3A_3583 : vector<1x20x32xf32> to vector<20x32xf32>
    %get3A_3585 = arith.constant 160 : index
    %get3A_3586 = arith.constant 0 : index
    %get3A_3587 = arith.constant 0 : index
    %get3A_3588 = vector.load %arg1[%get3A_3585, %get3A_3586, %get3A_3587] : memref<200x32x128xf32, #tpu.memory_space<vmem>>, vector<1x32x128xf32>
    %get3A_3589 = vector.shape_cast %get3A_3588 : vector<1x32x128xf32> to vector<32x128xf32>
    %dot_general3A_3590 = arith.constant dense<0.000000e+00> : vector<20x128xf32>
    %dot_general3A_3591 = tpu.matmul %get3A_3584, %get3A_3589, %dot_general3A_3590 {dimension_numbers = #tpu.dot_dimension_numbers<[1], [0], [0], [1], [0, 0, 1, 1], [], []>, transpose_lhs_hint = false} : vector<20x32xf32>, vector<32x128xf32>, vector<20x128xf32> -> vector<20x128xf32>
    %swap3A_3592 = arith.constant 160 : index
    %swap3A_3593 = arith.constant 0 : index
    %swap3A_3594 = arith.constant 0 : index
    %swap3A_3595 = vector.load %arg13[%swap3A_3592, %swap3A_3593, %swap3A_3594] : memref<200x20x128xf32, #tpu.memory_space<vmem>>, vector<1x20x128xf32>
    %swap3A_3596 = vector.shape_cast %swap3A_3595 : vector<1x20x128xf32> to vector<20x128xf32>
    %swap3A_3597 = vector.shape_cast %dot_general3A_3591 : vector<20x128xf32> to vector<1x20x128xf32>
    tpu.vector_store %arg13[%swap3A_3592, %swap3A_3593, %swap3A_3594], %swap3A_3597 {strides = array<i32>} : memref<200x20x128xf32, #tpu.memory_space<vmem>>, vector<1x20x128xf32>,
    %get3A_3598 = arith.constant 161 : index
    %get3A_3599 = arith.constant 0 : index
    %get3A_3600 = arith.constant 0 : index
    %get3A_3601 = vector.load %arg12[%get3A_3598, %get3A_3599, %get3A_3600] : memref<200x20x32xf32, #tpu.memory_space<vmem>>, vector<1x20x32xf32>
    %get3A_3602 = vector.shape_cast %get3A_3601 : vector<1x20x32xf32> to vector<20x32xf32>
    %get3A_3603 = arith.constant 161 : index
    %get3A_3604 = arith.constant 0 : index
    %get3A_3605 = arith.constant 0 : index
    %get3A_3606 = vector.load %arg1[%get3A_3603, %get3A_3604, %get3A_3605] : memref<200x32x128xf32, #tpu.memory_space<vmem>>, vector<1x32x128xf32>
    %get3A_3607 = vector.shape_cast %get3A_3606 : vector<1x32x128xf32> to vector<32x128xf32>
    %dot_general3A_3608 = arith.constant dense<0.000000e+00> : vector<20x128xf32>
    %dot_general3A_3609 = tpu.matmul %get3A_3602, %get3A_3607, %dot_general3A_3608 {dimension_numbers = #tpu.dot_dimension_numbers<[1], [0], [0], [1], [0, 0, 1, 1], [], []>, transpose_lhs_hint = false} : vector<20x32xf32>, vector<32x128xf32>, vector<20x128xf32> -> vector<20x128xf32>
    %swap3A_3610 = arith.constant 161 : index
    %swap3A_3611 = arith.constant 0 : index
    %swap3A_3612 = arith.constant 0 : index
    %swap3A_3613 = vector.load %arg13[%swap3A_3610, %swap3A_3611, %swap3A_3612] : memref<200x20x128xf32, #tpu.memory_space<vmem>>, vector<1x20x128xf32>
    %swap3A_3614 = vector.shape_cast %swap3A_3613 : vector<1x20x128xf32> to vector<20x128xf32>
    %swap3A_3615 = vector.shape_cast %dot_general3A_3609 : vector<20x128xf32> to vector<1x20x128xf32>
    tpu.vector_store %arg13[%swap3A_3610, %swap3A_3611, %swap3A_3612], %swap3A_3615 {strides = array<i32>} : memref<200x20x128xf32, #tpu.memory_space<vmem>>, vector<1x20x128xf32>,
    %get3A_3616 = arith.constant 162 : index
    %get3A_3617 = arith.constant 0 : index
    %get3A_3618 = arith.constant 0 : index
    %get3A_3619 = vector.load %arg12[%get3A_3616, %get3A_3617, %get3A_3618] : memref<200x20x32xf32, #tpu.memory_space<vmem>>, vector<1x20x32xf32>
    %get3A_3620 = vector.shape_cast %get3A_3619 : vector<1x20x32xf32> to vector<20x32xf32>
    %get3A_3621 = arith.constant 162 : index
    %get3A_3622 = arith.constant 0 : index
    %get3A_3623 = arith.constant 0 : index
    %get3A_3624 = vector.load %arg1[%get3A_3621, %get3A_3622, %get3A_3623] : memref<200x32x128xf32, #tpu.memory_space<vmem>>, vector<1x32x128xf32>
    %get3A_3625 = vector.shape_cast %get3A_3624 : vector<1x32x128xf32> to vector<32x128xf32>
    %dot_general3A_3626 = arith.constant dense<0.000000e+00> : vector<20x128xf32>
    %dot_general3A_3627 = tpu.matmul %get3A_3620, %get3A_3625, %dot_general3A_3626 {dimension_numbers = #tpu.dot_dimension_numbers<[1], [0], [0], [1], [0, 0, 1, 1], [], []>, transpose_lhs_hint = false} : vector<20x32xf32>, vector<32x128xf32>, vector<20x128xf32> -> vector<20x128xf32>
    %swap3A_3628 = arith.constant 162 : index
    %swap3A_3629 = arith.constant 0 : index
    %swap3A_3630 = arith.constant 0 : index
    %swap3A_3631 = vector.load %arg13[%swap3A_3628, %swap3A_3629, %swap3A_3630] : memref<200x20x128xf32, #tpu.memory_space<vmem>>, vector<1x20x128xf32>
    %swap3A_3632 = vector.shape_cast %swap3A_3631 : vector<1x20x128xf32> to vector<20x128xf32>
    %swap3A_3633 = vector.shape_cast %dot_general3A_3627 : vector<20x128xf32> to vector<1x20x128xf32>
    tpu.vector_store %arg13[%swap3A_3628, %swap3A_3629, %swap3A_3630], %swap3A_3633 {strides = array<i32>} : memref<200x20x128xf32, #tpu.memory_space<vmem>>, vector<1x20x128xf32>,
    %get3A_3634 = arith.constant 163 : index
    %get3A_3635 = arith.constant 0 : index
    %get3A_3636 = arith.constant 0 : index
    %get3A_3637 = vector.load %arg12[%get3A_3634, %get3A_3635, %get3A_3636] : memref<200x20x32xf32, #tpu.memory_space<vmem>>, vector<1x20x32xf32>
    %get3A_3638 = vector.shape_cast %get3A_3637 : vector<1x20x32xf32> to vector<20x32xf32>
    %get3A_3639 = arith.constant 163 : index
    %get3A_3640 = arith.constant 0 : index
    %get3A_3641 = arith.constant 0 : index
    %get3A_3642 = vector.load %arg1[%get3A_3639, %get3A_3640, %get3A_3641] : memref<200x32x128xf32, #tpu.memory_space<vmem>>, vector<1x32x128xf32>
    %get3A_3643 = vector.shape_cast %get3A_3642 : vector<1x32x128xf32> to vector<32x128xf32>
    %dot_general3A_3644 = arith.constant dense<0.000000e+00> : vector<20x128xf32>
    %dot_general3A_3645 = tpu.matmul %get3A_3638, %get3A_3643, %dot_general3A_3644 {dimension_numbers = #tpu.dot_dimension_numbers<[1], [0], [0], [1], [0, 0, 1, 1], [], []>, transpose_lhs_hint = false} : vector<20x32xf32>, vector<32x128xf32>, vector<20x128xf32> -> vector<20x128xf32>
    %swap3A_3646 = arith.constant 163 : index
    %swap3A_3647 = arith.constant 0 : index
    %swap3A_3648 = arith.constant 0 : index
    %swap3A_3649 = vector.load %arg13[%swap3A_3646, %swap3A_3647, %swap3A_3648] : memref<200x20x128xf32, #tpu.memory_space<vmem>>, vector<1x20x128xf32>
    %swap3A_3650 = vector.shape_cast %swap3A_3649 : vector<1x20x128xf32> to vector<20x128xf32>
    %swap3A_3651 = vector.shape_cast %dot_general3A_3645 : vector<20x128xf32> to vector<1x20x128xf32>
    tpu.vector_store %arg13[%swap3A_3646, %swap3A_3647, %swap3A_3648], %swap3A_3651 {strides = array<i32>} : memref<200x20x128xf32, #tpu.memory_space<vmem>>, vector<1x20x128xf32>,
    %get3A_3652 = arith.constant 164 : index
    %get3A_3653 = arith.constant 0 : index
    %get3A_3654 = arith.constant 0 : index
    %get3A_3655 = vector.load %arg12[%get3A_3652, %get3A_3653, %get3A_3654] : memref<200x20x32xf32, #tpu.memory_space<vmem>>, vector<1x20x32xf32>
    %get3A_3656 = vector.shape_cast %get3A_3655 : vector<1x20x32xf32> to vector<20x32xf32>
    %get3A_3657 = arith.constant 164 : index
    %get3A_3658 = arith.constant 0 : index
    %get3A_3659 = arith.constant 0 : index
    %get3A_3660 = vector.load %arg1[%get3A_3657, %get3A_3658, %get3A_3659] : memref<200x32x128xf32, #tpu.memory_space<vmem>>, vector<1x32x128xf32>
    %get3A_3661 = vector.shape_cast %get3A_3660 : vector<1x32x128xf32> to vector<32x128xf32>
    %dot_general3A_3662 = arith.constant dense<0.000000e+00> : vector<20x128xf32>
    %dot_general3A_3663 = tpu.matmul %get3A_3656, %get3A_3661, %dot_general3A_3662 {dimension_numbers = #tpu.dot_dimension_numbers<[1], [0], [0], [1], [0, 0, 1, 1], [], []>, transpose_lhs_hint = false} : vector<20x32xf32>, vector<32x128xf32>, vector<20x128xf32> -> vector<20x128xf32>
    %swap3A_3664 = arith.constant 164 : index
    %swap3A_3665 = arith.constant 0 : index
    %swap3A_3666 = arith.constant 0 : index
    %swap3A_3667 = vector.load %arg13[%swap3A_3664, %swap3A_3665, %swap3A_3666] : memref<200x20x128xf32, #tpu.memory_space<vmem>>, vector<1x20x128xf32>
    %swap3A_3668 = vector.shape_cast %swap3A_3667 : vector<1x20x128xf32> to vector<20x128xf32>
    %swap3A_3669 = vector.shape_cast %dot_general3A_3663 : vector<20x128xf32> to vector<1x20x128xf32>
    tpu.vector_store %arg13[%swap3A_3664, %swap3A_3665, %swap3A_3666], %swap3A_3669 {strides = array<i32>} : memref<200x20x128xf32, #tpu.memory_space<vmem>>, vector<1x20x128xf32>,
    %get3A_3670 = arith.constant 165 : index
    %get3A_3671 = arith.constant 0 : index
    %get3A_3672 = arith.constant 0 : index
    %get3A_3673 = vector.load %arg12[%get3A_3670, %get3A_3671, %get3A_3672] : memref<200x20x32xf32, #tpu.memory_space<vmem>>, vector<1x20x32xf32>
    %get3A_3674 = vector.shape_cast %get3A_3673 : vector<1x20x32xf32> to vector<20x32xf32>
    %get3A_3675 = arith.constant 165 : index
    %get3A_3676 = arith.constant 0 : index
    %get3A_3677 = arith.constant 0 : index
    %get3A_3678 = vector.load %arg1[%get3A_3675, %get3A_3676, %get3A_3677] : memref<200x32x128xf32, #tpu.memory_space<vmem>>, vector<1x32x128xf32>
    %get3A_3679 = vector.shape_cast %get3A_3678 : vector<1x32x128xf32> to vector<32x128xf32>
    %dot_general3A_3680 = arith.constant dense<0.000000e+00> : vector<20x128xf32>
    %dot_general3A_3681 = tpu.matmul %get3A_3674, %get3A_3679, %dot_general3A_3680 {dimension_numbers = #tpu.dot_dimension_numbers<[1], [0], [0], [1], [0, 0, 1, 1], [], []>, transpose_lhs_hint = false} : vector<20x32xf32>, vector<32x128xf32>, vector<20x128xf32> -> vector<20x128xf32>
    %swap3A_3682 = arith.constant 165 : index
    %swap3A_3683 = arith.constant 0 : index
    %swap3A_3684 = arith.constant 0 : index
    %swap3A_3685 = vector.load %arg13[%swap3A_3682, %swap3A_3683, %swap3A_3684] : memref<200x20x128xf32, #tpu.memory_space<vmem>>, vector<1x20x128xf32>
    %swap3A_3686 = vector.shape_cast %swap3A_3685 : vector<1x20x128xf32> to vector<20x128xf32>
    %swap3A_3687 = vector.shape_cast %dot_general3A_3681 : vector<20x128xf32> to vector<1x20x128xf32>
    tpu.vector_store %arg13[%swap3A_3682, %swap3A_3683, %swap3A_3684], %swap3A_3687 {strides = array<i32>} : memref<200x20x128xf32, #tpu.memory_space<vmem>>, vector<1x20x128xf32>,
    %get3A_3688 = arith.constant 166 : index
    %get3A_3689 = arith.constant 0 : index
    %get3A_3690 = arith.constant 0 : index
    %get3A_3691 = vector.load %arg12[%get3A_3688, %get3A_3689, %get3A_3690] : memref<200x20x32xf32, #tpu.memory_space<vmem>>, vector<1x20x32xf32>
    %get3A_3692 = vector.shape_cast %get3A_3691 : vector<1x20x32xf32> to vector<20x32xf32>
    %get3A_3693 = arith.constant 166 : index
    %get3A_3694 = arith.constant 0 : index
    %get3A_3695 = arith.constant 0 : index
    %get3A_3696 = vector.load %arg1[%get3A_3693, %get3A_3694, %get3A_3695] : memref<200x32x128xf32, #tpu.memory_space<vmem>>, vector<1x32x128xf32>
    %get3A_3697 = vector.shape_cast %get3A_3696 : vector<1x32x128xf32> to vector<32x128xf32>
    %dot_general3A_3698 = arith.constant dense<0.000000e+00> : vector<20x128xf32>
    %dot_general3A_3699 = tpu.matmul %get3A_3692, %get3A_3697, %dot_general3A_3698 {dimension_numbers = #tpu.dot_dimension_numbers<[1], [0], [0], [1], [0, 0, 1, 1], [], []>, transpose_lhs_hint = false} : vector<20x32xf32>, vector<32x128xf32>, vector<20x128xf32> -> vector<20x128xf32>
    %swap3A_3700 = arith.constant 166 : index
    %swap3A_3701 = arith.constant 0 : index
    %swap3A_3702 = arith.constant 0 : index
    %swap3A_3703 = vector.load %arg13[%swap3A_3700, %swap3A_3701, %swap3A_3702] : memref<200x20x128xf32, #tpu.memory_space<vmem>>, vector<1x20x128xf32>
    %swap3A_3704 = vector.shape_cast %swap3A_3703 : vector<1x20x128xf32> to vector<20x128xf32>
    %swap3A_3705 = vector.shape_cast %dot_general3A_3699 : vector<20x128xf32> to vector<1x20x128xf32>
    tpu.vector_store %arg13[%swap3A_3700, %swap3A_3701, %swap3A_3702], %swap3A_3705 {strides = array<i32>} : memref<200x20x128xf32, #tpu.memory_space<vmem>>, vector<1x20x128xf32>,
    %get3A_3706 = arith.constant 167 : index
    %get3A_3707 = arith.constant 0 : index
    %get3A_3708 = arith.constant 0 : index
    %get3A_3709 = vector.load %arg12[%get3A_3706, %get3A_3707, %get3A_3708] : memref<200x20x32xf32, #tpu.memory_space<vmem>>, vector<1x20x32xf32>
    %get3A_3710 = vector.shape_cast %get3A_3709 : vector<1x20x32xf32> to vector<20x32xf32>
    %get3A_3711 = arith.constant 167 : index
    %get3A_3712 = arith.constant 0 : index
    %get3A_3713 = arith.constant 0 : index
    %get3A_3714 = vector.load %arg1[%get3A_3711, %get3A_3712, %get3A_3713] : memref<200x32x128xf32, #tpu.memory_space<vmem>>, vector<1x32x128xf32>
    %get3A_3715 = vector.shape_cast %get3A_3714 : vector<1x32x128xf32> to vector<32x128xf32>
    %dot_general3A_3716 = arith.constant dense<0.000000e+00> : vector<20x128xf32>
    %dot_general3A_3717 = tpu.matmul %get3A_3710, %get3A_3715, %dot_general3A_3716 {dimension_numbers = #tpu.dot_dimension_numbers<[1], [0], [0], [1], [0, 0, 1, 1], [], []>, transpose_lhs_hint = false} : vector<20x32xf32>, vector<32x128xf32>, vector<20x128xf32> -> vector<20x128xf32>
    %swap3A_3718 = arith.constant 167 : index
    %swap3A_3719 = arith.constant 0 : index
    %swap3A_3720 = arith.constant 0 : index
    %swap3A_3721 = vector.load %arg13[%swap3A_3718, %swap3A_3719, %swap3A_3720] : memref<200x20x128xf32, #tpu.memory_space<vmem>>, vector<1x20x128xf32>
    %swap3A_3722 = vector.shape_cast %swap3A_3721 : vector<1x20x128xf32> to vector<20x128xf32>
    %swap3A_3723 = vector.shape_cast %dot_general3A_3717 : vector<20x128xf32> to vector<1x20x128xf32>
    tpu.vector_store %arg13[%swap3A_3718, %swap3A_3719, %swap3A_3720], %swap3A_3723 {strides = array<i32>} : memref<200x20x128xf32, #tpu.memory_space<vmem>>, vector<1x20x128xf32>,
    %get3A_3724 = arith.constant 168 : index
    %get3A_3725 = arith.constant 0 : index
    %get3A_3726 = arith.constant 0 : index
    %get3A_3727 = vector.load %arg12[%get3A_3724, %get3A_3725, %get3A_3726] : memref<200x20x32xf32, #tpu.memory_space<vmem>>, vector<1x20x32xf32>
    %get3A_3728 = vector.shape_cast %get3A_3727 : vector<1x20x32xf32> to vector<20x32xf32>
    %get3A_3729 = arith.constant 168 : index
    %get3A_3730 = arith.constant 0 : index
    %get3A_3731 = arith.constant 0 : index
    %get3A_3732 = vector.load %arg1[%get3A_3729, %get3A_3730, %get3A_3731] : memref<200x32x128xf32, #tpu.memory_space<vmem>>, vector<1x32x128xf32>
    %get3A_3733 = vector.shape_cast %get3A_3732 : vector<1x32x128xf32> to vector<32x128xf32>
    %dot_general3A_3734 = arith.constant dense<0.000000e+00> : vector<20x128xf32>
    %dot_general3A_3735 = tpu.matmul %get3A_3728, %get3A_3733, %dot_general3A_3734 {dimension_numbers = #tpu.dot_dimension_numbers<[1], [0], [0], [1], [0, 0, 1, 1], [], []>, transpose_lhs_hint = false} : vector<20x32xf32>, vector<32x128xf32>, vector<20x128xf32> -> vector<20x128xf32>
    %swap3A_3736 = arith.constant 168 : index
    %swap3A_3737 = arith.constant 0 : index
    %swap3A_3738 = arith.constant 0 : index
    %swap3A_3739 = vector.load %arg13[%swap3A_3736, %swap3A_3737, %swap3A_3738] : memref<200x20x128xf32, #tpu.memory_space<vmem>>, vector<1x20x128xf32>
    %swap3A_3740 = vector.shape_cast %swap3A_3739 : vector<1x20x128xf32> to vector<20x128xf32>
    %swap3A_3741 = vector.shape_cast %dot_general3A_3735 : vector<20x128xf32> to vector<1x20x128xf32>
    tpu.vector_store %arg13[%swap3A_3736, %swap3A_3737, %swap3A_3738], %swap3A_3741 {strides = array<i32>} : memref<200x20x128xf32, #tpu.memory_space<vmem>>, vector<1x20x128xf32>,
    %get3A_3742 = arith.constant 169 : index
    %get3A_3743 = arith.constant 0 : index
    %get3A_3744 = arith.constant 0 : index
    %get3A_3745 = vector.load %arg12[%get3A_3742, %get3A_3743, %get3A_3744] : memref<200x20x32xf32, #tpu.memory_space<vmem>>, vector<1x20x32xf32>
    %get3A_3746 = vector.shape_cast %get3A_3745 : vector<1x20x32xf32> to vector<20x32xf32>
    %get3A_3747 = arith.constant 169 : index
    %get3A_3748 = arith.constant 0 : index
    %get3A_3749 = arith.constant 0 : index
    %get3A_3750 = vector.load %arg1[%get3A_3747, %get3A_3748, %get3A_3749] : memref<200x32x128xf32, #tpu.memory_space<vmem>>, vector<1x32x128xf32>
    %get3A_3751 = vector.shape_cast %get3A_3750 : vector<1x32x128xf32> to vector<32x128xf32>
    %dot_general3A_3752 = arith.constant dense<0.000000e+00> : vector<20x128xf32>
    %dot_general3A_3753 = tpu.matmul %get3A_3746, %get3A_3751, %dot_general3A_3752 {dimension_numbers = #tpu.dot_dimension_numbers<[1], [0], [0], [1], [0, 0, 1, 1], [], []>, transpose_lhs_hint = false} : vector<20x32xf32>, vector<32x128xf32>, vector<20x128xf32> -> vector<20x128xf32>
    %swap3A_3754 = arith.constant 169 : index
    %swap3A_3755 = arith.constant 0 : index
    %swap3A_3756 = arith.constant 0 : index
    %swap3A_3757 = vector.load %arg13[%swap3A_3754, %swap3A_3755, %swap3A_3756] : memref<200x20x128xf32, #tpu.memory_space<vmem>>, vector<1x20x128xf32>
    %swap3A_3758 = vector.shape_cast %swap3A_3757 : vector<1x20x128xf32> to vector<20x128xf32>
    %swap3A_3759 = vector.shape_cast %dot_general3A_3753 : vector<20x128xf32> to vector<1x20x128xf32>
    tpu.vector_store %arg13[%swap3A_3754, %swap3A_3755, %swap3A_3756], %swap3A_3759 {strides = array<i32>} : memref<200x20x128xf32, #tpu.memory_space<vmem>>, vector<1x20x128xf32>,
    %get3A_3760 = arith.constant 170 : index
    %get3A_3761 = arith.constant 0 : index
    %get3A_3762 = arith.constant 0 : index
    %get3A_3763 = vector.load %arg12[%get3A_3760, %get3A_3761, %get3A_3762] : memref<200x20x32xf32, #tpu.memory_space<vmem>>, vector<1x20x32xf32>
    %get3A_3764 = vector.shape_cast %get3A_3763 : vector<1x20x32xf32> to vector<20x32xf32>
    %get3A_3765 = arith.constant 170 : index
    %get3A_3766 = arith.constant 0 : index
    %get3A_3767 = arith.constant 0 : index
    %get3A_3768 = vector.load %arg1[%get3A_3765, %get3A_3766, %get3A_3767] : memref<200x32x128xf32, #tpu.memory_space<vmem>>, vector<1x32x128xf32>
    %get3A_3769 = vector.shape_cast %get3A_3768 : vector<1x32x128xf32> to vector<32x128xf32>
    %dot_general3A_3770 = arith.constant dense<0.000000e+00> : vector<20x128xf32>
    %dot_general3A_3771 = tpu.matmul %get3A_3764, %get3A_3769, %dot_general3A_3770 {dimension_numbers = #tpu.dot_dimension_numbers<[1], [0], [0], [1], [0, 0, 1, 1], [], []>, transpose_lhs_hint = false} : vector<20x32xf32>, vector<32x128xf32>, vector<20x128xf32> -> vector<20x128xf32>
    %swap3A_3772 = arith.constant 170 : index
    %swap3A_3773 = arith.constant 0 : index
    %swap3A_3774 = arith.constant 0 : index
    %swap3A_3775 = vector.load %arg13[%swap3A_3772, %swap3A_3773, %swap3A_3774] : memref<200x20x128xf32, #tpu.memory_space<vmem>>, vector<1x20x128xf32>
    %swap3A_3776 = vector.shape_cast %swap3A_3775 : vector<1x20x128xf32> to vector<20x128xf32>
    %swap3A_3777 = vector.shape_cast %dot_general3A_3771 : vector<20x128xf32> to vector<1x20x128xf32>
    tpu.vector_store %arg13[%swap3A_3772, %swap3A_3773, %swap3A_3774], %swap3A_3777 {strides = array<i32>} : memref<200x20x128xf32, #tpu.memory_space<vmem>>, vector<1x20x128xf32>,
    %get3A_3778 = arith.constant 171 : index
    %get3A_3779 = arith.constant 0 : index
    %get3A_3780 = arith.constant 0 : index
    %get3A_3781 = vector.load %arg12[%get3A_3778, %get3A_3779, %get3A_3780] : memref<200x20x32xf32, #tpu.memory_space<vmem>>, vector<1x20x32xf32>
    %get3A_3782 = vector.shape_cast %get3A_3781 : vector<1x20x32xf32> to vector<20x32xf32>
    %get3A_3783 = arith.constant 171 : index
    %get3A_3784 = arith.constant 0 : index
    %get3A_3785 = arith.constant 0 : index
    %get3A_3786 = vector.load %arg1[%get3A_3783, %get3A_3784, %get3A_3785] : memref<200x32x128xf32, #tpu.memory_space<vmem>>, vector<1x32x128xf32>
    %get3A_3787 = vector.shape_cast %get3A_3786 : vector<1x32x128xf32> to vector<32x128xf32>
    %dot_general3A_3788 = arith.constant dense<0.000000e+00> : vector<20x128xf32>
    %dot_general3A_3789 = tpu.matmul %get3A_3782, %get3A_3787, %dot_general3A_3788 {dimension_numbers = #tpu.dot_dimension_numbers<[1], [0], [0], [1], [0, 0, 1, 1], [], []>, transpose_lhs_hint = false} : vector<20x32xf32>, vector<32x128xf32>, vector<20x128xf32> -> vector<20x128xf32>
    %swap3A_3790 = arith.constant 171 : index
    %swap3A_3791 = arith.constant 0 : index
    %swap3A_3792 = arith.constant 0 : index
    %swap3A_3793 = vector.load %arg13[%swap3A_3790, %swap3A_3791, %swap3A_3792] : memref<200x20x128xf32, #tpu.memory_space<vmem>>, vector<1x20x128xf32>
    %swap3A_3794 = vector.shape_cast %swap3A_3793 : vector<1x20x128xf32> to vector<20x128xf32>
    %swap3A_3795 = vector.shape_cast %dot_general3A_3789 : vector<20x128xf32> to vector<1x20x128xf32>
    tpu.vector_store %arg13[%swap3A_3790, %swap3A_3791, %swap3A_3792], %swap3A_3795 {strides = array<i32>} : memref<200x20x128xf32, #tpu.memory_space<vmem>>, vector<1x20x128xf32>,
    %get3A_3796 = arith.constant 172 : index
    %get3A_3797 = arith.constant 0 : index
    %get3A_3798 = arith.constant 0 : index
    %get3A_3799 = vector.load %arg12[%get3A_3796, %get3A_3797, %get3A_3798] : memref<200x20x32xf32, #tpu.memory_space<vmem>>, vector<1x20x32xf32>
    %get3A_3800 = vector.shape_cast %get3A_3799 : vector<1x20x32xf32> to vector<20x32xf32>
    %get3A_3801 = arith.constant 172 : index
    %get3A_3802 = arith.constant 0 : index
    %get3A_3803 = arith.constant 0 : index
    %get3A_3804 = vector.load %arg1[%get3A_3801, %get3A_3802, %get3A_3803] : memref<200x32x128xf32, #tpu.memory_space<vmem>>, vector<1x32x128xf32>
    %get3A_3805 = vector.shape_cast %get3A_3804 : vector<1x32x128xf32> to vector<32x128xf32>
    %dot_general3A_3806 = arith.constant dense<0.000000e+00> : vector<20x128xf32>
    %dot_general3A_3807 = tpu.matmul %get3A_3800, %get3A_3805, %dot_general3A_3806 {dimension_numbers = #tpu.dot_dimension_numbers<[1], [0], [0], [1], [0, 0, 1, 1], [], []>, transpose_lhs_hint = false} : vector<20x32xf32>, vector<32x128xf32>, vector<20x128xf32> -> vector<20x128xf32>
    %swap3A_3808 = arith.constant 172 : index
    %swap3A_3809 = arith.constant 0 : index
    %swap3A_3810 = arith.constant 0 : index
    %swap3A_3811 = vector.load %arg13[%swap3A_3808, %swap3A_3809, %swap3A_3810] : memref<200x20x128xf32, #tpu.memory_space<vmem>>, vector<1x20x128xf32>
    %swap3A_3812 = vector.shape_cast %swap3A_3811 : vector<1x20x128xf32> to vector<20x128xf32>
    %swap3A_3813 = vector.shape_cast %dot_general3A_3807 : vector<20x128xf32> to vector<1x20x128xf32>
    tpu.vector_store %arg13[%swap3A_3808, %swap3A_3809, %swap3A_3810], %swap3A_3813 {strides = array<i32>} : memref<200x20x128xf32, #tpu.memory_space<vmem>>, vector<1x20x128xf32>,
    %get3A_3814 = arith.constant 173 : index
    %get3A_3815 = arith.constant 0 : index
    %get3A_3816 = arith.constant 0 : index
    %get3A_3817 = vector.load %arg12[%get3A_3814, %get3A_3815, %get3A_3816] : memref<200x20x32xf32, #tpu.memory_space<vmem>>, vector<1x20x32xf32>
    %get3A_3818 = vector.shape_cast %get3A_3817 : vector<1x20x32xf32> to vector<20x32xf32>
    %get3A_3819 = arith.constant 173 : index
    %get3A_3820 = arith.constant 0 : index
    %get3A_3821 = arith.constant 0 : index
    %get3A_3822 = vector.load %arg1[%get3A_3819, %get3A_3820, %get3A_3821] : memref<200x32x128xf32, #tpu.memory_space<vmem>>, vector<1x32x128xf32>
    %get3A_3823 = vector.shape_cast %get3A_3822 : vector<1x32x128xf32> to vector<32x128xf32>
    %dot_general3A_3824 = arith.constant dense<0.000000e+00> : vector<20x128xf32>
    %dot_general3A_3825 = tpu.matmul %get3A_3818, %get3A_3823, %dot_general3A_3824 {dimension_numbers = #tpu.dot_dimension_numbers<[1], [0], [0], [1], [0, 0, 1, 1], [], []>, transpose_lhs_hint = false} : vector<20x32xf32>, vector<32x128xf32>, vector<20x128xf32> -> vector<20x128xf32>
    %swap3A_3826 = arith.constant 173 : index
    %swap3A_3827 = arith.constant 0 : index
    %swap3A_3828 = arith.constant 0 : index
    %swap3A_3829 = vector.load %arg13[%swap3A_3826, %swap3A_3827, %swap3A_3828] : memref<200x20x128xf32, #tpu.memory_space<vmem>>, vector<1x20x128xf32>
    %swap3A_3830 = vector.shape_cast %swap3A_3829 : vector<1x20x128xf32> to vector<20x128xf32>
    %swap3A_3831 = vector.shape_cast %dot_general3A_3825 : vector<20x128xf32> to vector<1x20x128xf32>
    tpu.vector_store %arg13[%swap3A_3826, %swap3A_3827, %swap3A_3828], %swap3A_3831 {strides = array<i32>} : memref<200x20x128xf32, #tpu.memory_space<vmem>>, vector<1x20x128xf32>,
    %get3A_3832 = arith.constant 174 : index
    %get3A_3833 = arith.constant 0 : index
    %get3A_3834 = arith.constant 0 : index
    %get3A_3835 = vector.load %arg12[%get3A_3832, %get3A_3833, %get3A_3834] : memref<200x20x32xf32, #tpu.memory_space<vmem>>, vector<1x20x32xf32>
    %get3A_3836 = vector.shape_cast %get3A_3835 : vector<1x20x32xf32> to vector<20x32xf32>
    %get3A_3837 = arith.constant 174 : index
    %get3A_3838 = arith.constant 0 : index
    %get3A_3839 = arith.constant 0 : index
    %get3A_3840 = vector.load %arg1[%get3A_3837, %get3A_3838, %get3A_3839] : memref<200x32x128xf32, #tpu.memory_space<vmem>>, vector<1x32x128xf32>
    %get3A_3841 = vector.shape_cast %get3A_3840 : vector<1x32x128xf32> to vector<32x128xf32>
    %dot_general3A_3842 = arith.constant dense<0.000000e+00> : vector<20x128xf32>
    %dot_general3A_3843 = tpu.matmul %get3A_3836, %get3A_3841, %dot_general3A_3842 {dimension_numbers = #tpu.dot_dimension_numbers<[1], [0], [0], [1], [0, 0, 1, 1], [], []>, transpose_lhs_hint = false} : vector<20x32xf32>, vector<32x128xf32>, vector<20x128xf32> -> vector<20x128xf32>
    %swap3A_3844 = arith.constant 174 : index
    %swap3A_3845 = arith.constant 0 : index
    %swap3A_3846 = arith.constant 0 : index
    %swap3A_3847 = vector.load %arg13[%swap3A_3844, %swap3A_3845, %swap3A_3846] : memref<200x20x128xf32, #tpu.memory_space<vmem>>, vector<1x20x128xf32>
    %swap3A_3848 = vector.shape_cast %swap3A_3847 : vector<1x20x128xf32> to vector<20x128xf32>
    %swap3A_3849 = vector.shape_cast %dot_general3A_3843 : vector<20x128xf32> to vector<1x20x128xf32>
    tpu.vector_store %arg13[%swap3A_3844, %swap3A_3845, %swap3A_3846], %swap3A_3849 {strides = array<i32>} : memref<200x20x128xf32, #tpu.memory_space<vmem>>, vector<1x20x128xf32>,
    %get3A_3850 = arith.constant 175 : index
    %get3A_3851 = arith.constant 0 : index
    %get3A_3852 = arith.constant 0 : index
    %get3A_3853 = vector.load %arg12[%get3A_3850, %get3A_3851, %get3A_3852] : memref<200x20x32xf32, #tpu.memory_space<vmem>>, vector<1x20x32xf32>
    %get3A_3854 = vector.shape_cast %get3A_3853 : vector<1x20x32xf32> to vector<20x32xf32>
    %get3A_3855 = arith.constant 175 : index
    %get3A_3856 = arith.constant 0 : index
    %get3A_3857 = arith.constant 0 : index
    %get3A_3858 = vector.load %arg1[%get3A_3855, %get3A_3856, %get3A_3857] : memref<200x32x128xf32, #tpu.memory_space<vmem>>, vector<1x32x128xf32>
    %get3A_3859 = vector.shape_cast %get3A_3858 : vector<1x32x128xf32> to vector<32x128xf32>
    %dot_general3A_3860 = arith.constant dense<0.000000e+00> : vector<20x128xf32>
    %dot_general3A_3861 = tpu.matmul %get3A_3854, %get3A_3859, %dot_general3A_3860 {dimension_numbers = #tpu.dot_dimension_numbers<[1], [0], [0], [1], [0, 0, 1, 1], [], []>, transpose_lhs_hint = false} : vector<20x32xf32>, vector<32x128xf32>, vector<20x128xf32> -> vector<20x128xf32>
    %swap3A_3862 = arith.constant 175 : index
    %swap3A_3863 = arith.constant 0 : index
    %swap3A_3864 = arith.constant 0 : index
    %swap3A_3865 = vector.load %arg13[%swap3A_3862, %swap3A_3863, %swap3A_3864] : memref<200x20x128xf32, #tpu.memory_space<vmem>>, vector<1x20x128xf32>
    %swap3A_3866 = vector.shape_cast %swap3A_3865 : vector<1x20x128xf32> to vector<20x128xf32>
    %swap3A_3867 = vector.shape_cast %dot_general3A_3861 : vector<20x128xf32> to vector<1x20x128xf32>
    tpu.vector_store %arg13[%swap3A_3862, %swap3A_3863, %swap3A_3864], %swap3A_3867 {strides = array<i32>} : memref<200x20x128xf32, #tpu.memory_space<vmem>>, vector<1x20x128xf32>,
    %get3A_3868 = arith.constant 176 : index
    %get3A_3869 = arith.constant 0 : index
    %get3A_3870 = arith.constant 0 : index
    %get3A_3871 = vector.load %arg12[%get3A_3868, %get3A_3869, %get3A_3870] : memref<200x20x32xf32, #tpu.memory_space<vmem>>, vector<1x20x32xf32>
    %get3A_3872 = vector.shape_cast %get3A_3871 : vector<1x20x32xf32> to vector<20x32xf32>
    %get3A_3873 = arith.constant 176 : index
    %get3A_3874 = arith.constant 0 : index
    %get3A_3875 = arith.constant 0 : index
    %get3A_3876 = vector.load %arg1[%get3A_3873, %get3A_3874, %get3A_3875] : memref<200x32x128xf32, #tpu.memory_space<vmem>>, vector<1x32x128xf32>
    %get3A_3877 = vector.shape_cast %get3A_3876 : vector<1x32x128xf32> to vector<32x128xf32>
    %dot_general3A_3878 = arith.constant dense<0.000000e+00> : vector<20x128xf32>
    %dot_general3A_3879 = tpu.matmul %get3A_3872, %get3A_3877, %dot_general3A_3878 {dimension_numbers = #tpu.dot_dimension_numbers<[1], [0], [0], [1], [0, 0, 1, 1], [], []>, transpose_lhs_hint = false} : vector<20x32xf32>, vector<32x128xf32>, vector<20x128xf32> -> vector<20x128xf32>
    %swap3A_3880 = arith.constant 176 : index
    %swap3A_3881 = arith.constant 0 : index
    %swap3A_3882 = arith.constant 0 : index
    %swap3A_3883 = vector.load %arg13[%swap3A_3880, %swap3A_3881, %swap3A_3882] : memref<200x20x128xf32, #tpu.memory_space<vmem>>, vector<1x20x128xf32>
    %swap3A_3884 = vector.shape_cast %swap3A_3883 : vector<1x20x128xf32> to vector<20x128xf32>
    %swap3A_3885 = vector.shape_cast %dot_general3A_3879 : vector<20x128xf32> to vector<1x20x128xf32>
    tpu.vector_store %arg13[%swap3A_3880, %swap3A_3881, %swap3A_3882], %swap3A_3885 {strides = array<i32>} : memref<200x20x128xf32, #tpu.memory_space<vmem>>, vector<1x20x128xf32>,
    %get3A_3886 = arith.constant 177 : index
    %get3A_3887 = arith.constant 0 : index
    %get3A_3888 = arith.constant 0 : index
    %get3A_3889 = vector.load %arg12[%get3A_3886, %get3A_3887, %get3A_3888] : memref<200x20x32xf32, #tpu.memory_space<vmem>>, vector<1x20x32xf32>
    %get3A_3890 = vector.shape_cast %get3A_3889 : vector<1x20x32xf32> to vector<20x32xf32>
    %get3A_3891 = arith.constant 177 : index
    %get3A_3892 = arith.constant 0 : index
    %get3A_3893 = arith.constant 0 : index
    %get3A_3894 = vector.load %arg1[%get3A_3891, %get3A_3892, %get3A_3893] : memref<200x32x128xf32, #tpu.memory_space<vmem>>, vector<1x32x128xf32>
    %get3A_3895 = vector.shape_cast %get3A_3894 : vector<1x32x128xf32> to vector<32x128xf32>
    %dot_general3A_3896 = arith.constant dense<0.000000e+00> : vector<20x128xf32>
    %dot_general3A_3897 = tpu.matmul %get3A_3890, %get3A_3895, %dot_general3A_3896 {dimension_numbers = #tpu.dot_dimension_numbers<[1], [0], [0], [1], [0, 0, 1, 1], [], []>, transpose_lhs_hint = false} : vector<20x32xf32>, vector<32x128xf32>, vector<20x128xf32> -> vector<20x128xf32>
    %swap3A_3898 = arith.constant 177 : index
    %swap3A_3899 = arith.constant 0 : index
    %swap3A_3900 = arith.constant 0 : index
    %swap3A_3901 = vector.load %arg13[%swap3A_3898, %swap3A_3899, %swap3A_3900] : memref<200x20x128xf32, #tpu.memory_space<vmem>>, vector<1x20x128xf32>
    %swap3A_3902 = vector.shape_cast %swap3A_3901 : vector<1x20x128xf32> to vector<20x128xf32>
    %swap3A_3903 = vector.shape_cast %dot_general3A_3897 : vector<20x128xf32> to vector<1x20x128xf32>
    tpu.vector_store %arg13[%swap3A_3898, %swap3A_3899, %swap3A_3900], %swap3A_3903 {strides = array<i32>} : memref<200x20x128xf32, #tpu.memory_space<vmem>>, vector<1x20x128xf32>,
    %get3A_3904 = arith.constant 178 : index
    %get3A_3905 = arith.constant 0 : index
    %get3A_3906 = arith.constant 0 : index
    %get3A_3907 = vector.load %arg12[%get3A_3904, %get3A_3905, %get3A_3906] : memref<200x20x32xf32, #tpu.memory_space<vmem>>, vector<1x20x32xf32>
    %get3A_3908 = vector.shape_cast %get3A_3907 : vector<1x20x32xf32> to vector<20x32xf32>
    %get3A_3909 = arith.constant 178 : index
    %get3A_3910 = arith.constant 0 : index
    %get3A_3911 = arith.constant 0 : index
    %get3A_3912 = vector.load %arg1[%get3A_3909, %get3A_3910, %get3A_3911] : memref<200x32x128xf32, #tpu.memory_space<vmem>>, vector<1x32x128xf32>
    %get3A_3913 = vector.shape_cast %get3A_3912 : vector<1x32x128xf32> to vector<32x128xf32>
    %dot_general3A_3914 = arith.constant dense<0.000000e+00> : vector<20x128xf32>
    %dot_general3A_3915 = tpu.matmul %get3A_3908, %get3A_3913, %dot_general3A_3914 {dimension_numbers = #tpu.dot_dimension_numbers<[1], [0], [0], [1], [0, 0, 1, 1], [], []>, transpose_lhs_hint = false} : vector<20x32xf32>, vector<32x128xf32>, vector<20x128xf32> -> vector<20x128xf32>
    %swap3A_3916 = arith.constant 178 : index
    %swap3A_3917 = arith.constant 0 : index
    %swap3A_3918 = arith.constant 0 : index
    %swap3A_3919 = vector.load %arg13[%swap3A_3916, %swap3A_3917, %swap3A_3918] : memref<200x20x128xf32, #tpu.memory_space<vmem>>, vector<1x20x128xf32>
    %swap3A_3920 = vector.shape_cast %swap3A_3919 : vector<1x20x128xf32> to vector<20x128xf32>
    %swap3A_3921 = vector.shape_cast %dot_general3A_3915 : vector<20x128xf32> to vector<1x20x128xf32>
    tpu.vector_store %arg13[%swap3A_3916, %swap3A_3917, %swap3A_3918], %swap3A_3921 {strides = array<i32>} : memref<200x20x128xf32, #tpu.memory_space<vmem>>, vector<1x20x128xf32>,
    %get3A_3922 = arith.constant 179 : index
    %get3A_3923 = arith.constant 0 : index
    %get3A_3924 = arith.constant 0 : index
    %get3A_3925 = vector.load %arg12[%get3A_3922, %get3A_3923, %get3A_3924] : memref<200x20x32xf32, #tpu.memory_space<vmem>>, vector<1x20x32xf32>
    %get3A_3926 = vector.shape_cast %get3A_3925 : vector<1x20x32xf32> to vector<20x32xf32>
    %get3A_3927 = arith.constant 179 : index
    %get3A_3928 = arith.constant 0 : index
    %get3A_3929 = arith.constant 0 : index
    %get3A_3930 = vector.load %arg1[%get3A_3927, %get3A_3928, %get3A_3929] : memref<200x32x128xf32, #tpu.memory_space<vmem>>, vector<1x32x128xf32>
    %get3A_3931 = vector.shape_cast %get3A_3930 : vector<1x32x128xf32> to vector<32x128xf32>
    %dot_general3A_3932 = arith.constant dense<0.000000e+00> : vector<20x128xf32>
    %dot_general3A_3933 = tpu.matmul %get3A_3926, %get3A_3931, %dot_general3A_3932 {dimension_numbers = #tpu.dot_dimension_numbers<[1], [0], [0], [1], [0, 0, 1, 1], [], []>, transpose_lhs_hint = false} : vector<20x32xf32>, vector<32x128xf32>, vector<20x128xf32> -> vector<20x128xf32>
    %swap3A_3934 = arith.constant 179 : index
    %swap3A_3935 = arith.constant 0 : index
    %swap3A_3936 = arith.constant 0 : index
    %swap3A_3937 = vector.load %arg13[%swap3A_3934, %swap3A_3935, %swap3A_3936] : memref<200x20x128xf32, #tpu.memory_space<vmem>>, vector<1x20x128xf32>
    %swap3A_3938 = vector.shape_cast %swap3A_3937 : vector<1x20x128xf32> to vector<20x128xf32>
    %swap3A_3939 = vector.shape_cast %dot_general3A_3933 : vector<20x128xf32> to vector<1x20x128xf32>
    tpu.vector_store %arg13[%swap3A_3934, %swap3A_3935, %swap3A_3936], %swap3A_3939 {strides = array<i32>} : memref<200x20x128xf32, #tpu.memory_space<vmem>>, vector<1x20x128xf32>,
    %get3A_3940 = arith.constant 180 : index
    %get3A_3941 = arith.constant 0 : index
    %get3A_3942 = arith.constant 0 : index
    %get3A_3943 = vector.load %arg12[%get3A_3940, %get3A_3941, %get3A_3942] : memref<200x20x32xf32, #tpu.memory_space<vmem>>, vector<1x20x32xf32>
    %get3A_3944 = vector.shape_cast %get3A_3943 : vector<1x20x32xf32> to vector<20x32xf32>
    %get3A_3945 = arith.constant 180 : index
    %get3A_3946 = arith.constant 0 : index
    %get3A_3947 = arith.constant 0 : index
    %get3A_3948 = vector.load %arg1[%get3A_3945, %get3A_3946, %get3A_3947] : memref<200x32x128xf32, #tpu.memory_space<vmem>>, vector<1x32x128xf32>
    %get3A_3949 = vector.shape_cast %get3A_3948 : vector<1x32x128xf32> to vector<32x128xf32>
    %dot_general3A_3950 = arith.constant dense<0.000000e+00> : vector<20x128xf32>
    %dot_general3A_3951 = tpu.matmul %get3A_3944, %get3A_3949, %dot_general3A_3950 {dimension_numbers = #tpu.dot_dimension_numbers<[1], [0], [0], [1], [0, 0, 1, 1], [], []>, transpose_lhs_hint = false} : vector<20x32xf32>, vector<32x128xf32>, vector<20x128xf32> -> vector<20x128xf32>
    %swap3A_3952 = arith.constant 180 : index
    %swap3A_3953 = arith.constant 0 : index
    %swap3A_3954 = arith.constant 0 : index
    %swap3A_3955 = vector.load %arg13[%swap3A_3952, %swap3A_3953, %swap3A_3954] : memref<200x20x128xf32, #tpu.memory_space<vmem>>, vector<1x20x128xf32>
    %swap3A_3956 = vector.shape_cast %swap3A_3955 : vector<1x20x128xf32> to vector<20x128xf32>
    %swap3A_3957 = vector.shape_cast %dot_general3A_3951 : vector<20x128xf32> to vector<1x20x128xf32>
    tpu.vector_store %arg13[%swap3A_3952, %swap3A_3953, %swap3A_3954], %swap3A_3957 {strides = array<i32>} : memref<200x20x128xf32, #tpu.memory_space<vmem>>, vector<1x20x128xf32>,
    %get3A_3958 = arith.constant 181 : index
    %get3A_3959 = arith.constant 0 : index
    %get3A_3960 = arith.constant 0 : index
    %get3A_3961 = vector.load %arg12[%get3A_3958, %get3A_3959, %get3A_3960] : memref<200x20x32xf32, #tpu.memory_space<vmem>>, vector<1x20x32xf32>
    %get3A_3962 = vector.shape_cast %get3A_3961 : vector<1x20x32xf32> to vector<20x32xf32>
    %get3A_3963 = arith.constant 181 : index
    %get3A_3964 = arith.constant 0 : index
    %get3A_3965 = arith.constant 0 : index
    %get3A_3966 = vector.load %arg1[%get3A_3963, %get3A_3964, %get3A_3965] : memref<200x32x128xf32, #tpu.memory_space<vmem>>, vector<1x32x128xf32>
    %get3A_3967 = vector.shape_cast %get3A_3966 : vector<1x32x128xf32> to vector<32x128xf32>
    %dot_general3A_3968 = arith.constant dense<0.000000e+00> : vector<20x128xf32>
    %dot_general3A_3969 = tpu.matmul %get3A_3962, %get3A_3967, %dot_general3A_3968 {dimension_numbers = #tpu.dot_dimension_numbers<[1], [0], [0], [1], [0, 0, 1, 1], [], []>, transpose_lhs_hint = false} : vector<20x32xf32>, vector<32x128xf32>, vector<20x128xf32> -> vector<20x128xf32>
    %swap3A_3970 = arith.constant 181 : index
    %swap3A_3971 = arith.constant 0 : index
    %swap3A_3972 = arith.constant 0 : index
    %swap3A_3973 = vector.load %arg13[%swap3A_3970, %swap3A_3971, %swap3A_3972] : memref<200x20x128xf32, #tpu.memory_space<vmem>>, vector<1x20x128xf32>
    %swap3A_3974 = vector.shape_cast %swap3A_3973 : vector<1x20x128xf32> to vector<20x128xf32>
    %swap3A_3975 = vector.shape_cast %dot_general3A_3969 : vector<20x128xf32> to vector<1x20x128xf32>
    tpu.vector_store %arg13[%swap3A_3970, %swap3A_3971, %swap3A_3972], %swap3A_3975 {strides = array<i32>} : memref<200x20x128xf32, #tpu.memory_space<vmem>>, vector<1x20x128xf32>,
    %get3A_3976 = arith.constant 182 : index
    %get3A_3977 = arith.constant 0 : index
    %get3A_3978 = arith.constant 0 : index
    %get3A_3979 = vector.load %arg12[%get3A_3976, %get3A_3977, %get3A_3978] : memref<200x20x32xf32, #tpu.memory_space<vmem>>, vector<1x20x32xf32>
    %get3A_3980 = vector.shape_cast %get3A_3979 : vector<1x20x32xf32> to vector<20x32xf32>
    %get3A_3981 = arith.constant 182 : index
    %get3A_3982 = arith.constant 0 : index
    %get3A_3983 = arith.constant 0 : index
    %get3A_3984 = vector.load %arg1[%get3A_3981, %get3A_3982, %get3A_3983] : memref<200x32x128xf32, #tpu.memory_space<vmem>>, vector<1x32x128xf32>
    %get3A_3985 = vector.shape_cast %get3A_3984 : vector<1x32x128xf32> to vector<32x128xf32>
    %dot_general3A_3986 = arith.constant dense<0.000000e+00> : vector<20x128xf32>
    %dot_general3A_3987 = tpu.matmul %get3A_3980, %get3A_3985, %dot_general3A_3986 {dimension_numbers = #tpu.dot_dimension_numbers<[1], [0], [0], [1], [0, 0, 1, 1], [], []>, transpose_lhs_hint = false} : vector<20x32xf32>, vector<32x128xf32>, vector<20x128xf32> -> vector<20x128xf32>
    %swap3A_3988 = arith.constant 182 : index
    %swap3A_3989 = arith.constant 0 : index
    %swap3A_3990 = arith.constant 0 : index
    %swap3A_3991 = vector.load %arg13[%swap3A_3988, %swap3A_3989, %swap3A_3990] : memref<200x20x128xf32, #tpu.memory_space<vmem>>, vector<1x20x128xf32>
    %swap3A_3992 = vector.shape_cast %swap3A_3991 : vector<1x20x128xf32> to vector<20x128xf32>
    %swap3A_3993 = vector.shape_cast %dot_general3A_3987 : vector<20x128xf32> to vector<1x20x128xf32>
    tpu.vector_store %arg13[%swap3A_3988, %swap3A_3989, %swap3A_3990], %swap3A_3993 {strides = array<i32>} : memref<200x20x128xf32, #tpu.memory_space<vmem>>, vector<1x20x128xf32>,
    %get3A_3994 = arith.constant 183 : index
    %get3A_3995 = arith.constant 0 : index
    %get3A_3996 = arith.constant 0 : index
    %get3A_3997 = vector.load %arg12[%get3A_3994, %get3A_3995, %get3A_3996] : memref<200x20x32xf32, #tpu.memory_space<vmem>>, vector<1x20x32xf32>
    %get3A_3998 = vector.shape_cast %get3A_3997 : vector<1x20x32xf32> to vector<20x32xf32>
    %get3A_3999 = arith.constant 183 : index
    %get3A_4000 = arith.constant 0 : index
    %get3A_4001 = arith.constant 0 : index
    %get3A_4002 = vector.load %arg1[%get3A_3999, %get3A_4000, %get3A_4001] : memref<200x32x128xf32, #tpu.memory_space<vmem>>, vector<1x32x128xf32>
    %get3A_4003 = vector.shape_cast %get3A_4002 : vector<1x32x128xf32> to vector<32x128xf32>
    %dot_general3A_4004 = arith.constant dense<0.000000e+00> : vector<20x128xf32>
    %dot_general3A_4005 = tpu.matmul %get3A_3998, %get3A_4003, %dot_general3A_4004 {dimension_numbers = #tpu.dot_dimension_numbers<[1], [0], [0], [1], [0, 0, 1, 1], [], []>, transpose_lhs_hint = false} : vector<20x32xf32>, vector<32x128xf32>, vector<20x128xf32> -> vector<20x128xf32>
    %swap3A_4006 = arith.constant 183 : index
    %swap3A_4007 = arith.constant 0 : index
    %swap3A_4008 = arith.constant 0 : index
    %swap3A_4009 = vector.load %arg13[%swap3A_4006, %swap3A_4007, %swap3A_4008] : memref<200x20x128xf32, #tpu.memory_space<vmem>>, vector<1x20x128xf32>
    %swap3A_4010 = vector.shape_cast %swap3A_4009 : vector<1x20x128xf32> to vector<20x128xf32>
    %swap3A_4011 = vector.shape_cast %dot_general3A_4005 : vector<20x128xf32> to vector<1x20x128xf32>
    tpu.vector_store %arg13[%swap3A_4006, %swap3A_4007, %swap3A_4008], %swap3A_4011 {strides = array<i32>} : memref<200x20x128xf32, #tpu.memory_space<vmem>>, vector<1x20x128xf32>,
    %get3A_4012 = arith.constant 184 : index
    %get3A_4013 = arith.constant 0 : index
    %get3A_4014 = arith.constant 0 : index
    %get3A_4015 = vector.load %arg12[%get3A_4012, %get3A_4013, %get3A_4014] : memref<200x20x32xf32, #tpu.memory_space<vmem>>, vector<1x20x32xf32>
    %get3A_4016 = vector.shape_cast %get3A_4015 : vector<1x20x32xf32> to vector<20x32xf32>
    %get3A_4017 = arith.constant 184 : index
    %get3A_4018 = arith.constant 0 : index
    %get3A_4019 = arith.constant 0 : index
    %get3A_4020 = vector.load %arg1[%get3A_4017, %get3A_4018, %get3A_4019] : memref<200x32x128xf32, #tpu.memory_space<vmem>>, vector<1x32x128xf32>
    %get3A_4021 = vector.shape_cast %get3A_4020 : vector<1x32x128xf32> to vector<32x128xf32>
    %dot_general3A_4022 = arith.constant dense<0.000000e+00> : vector<20x128xf32>
    %dot_general3A_4023 = tpu.matmul %get3A_4016, %get3A_4021, %dot_general3A_4022 {dimension_numbers = #tpu.dot_dimension_numbers<[1], [0], [0], [1], [0, 0, 1, 1], [], []>, transpose_lhs_hint = false} : vector<20x32xf32>, vector<32x128xf32>, vector<20x128xf32> -> vector<20x128xf32>
    %swap3A_4024 = arith.constant 184 : index
    %swap3A_4025 = arith.constant 0 : index
    %swap3A_4026 = arith.constant 0 : index
    %swap3A_4027 = vector.load %arg13[%swap3A_4024, %swap3A_4025, %swap3A_4026] : memref<200x20x128xf32, #tpu.memory_space<vmem>>, vector<1x20x128xf32>
    %swap3A_4028 = vector.shape_cast %swap3A_4027 : vector<1x20x128xf32> to vector<20x128xf32>
    %swap3A_4029 = vector.shape_cast %dot_general3A_4023 : vector<20x128xf32> to vector<1x20x128xf32>
    tpu.vector_store %arg13[%swap3A_4024, %swap3A_4025, %swap3A_4026], %swap3A_4029 {strides = array<i32>} : memref<200x20x128xf32, #tpu.memory_space<vmem>>, vector<1x20x128xf32>,
    %get3A_4030 = arith.constant 185 : index
    %get3A_4031 = arith.constant 0 : index
    %get3A_4032 = arith.constant 0 : index
    %get3A_4033 = vector.load %arg12[%get3A_4030, %get3A_4031, %get3A_4032] : memref<200x20x32xf32, #tpu.memory_space<vmem>>, vector<1x20x32xf32>
    %get3A_4034 = vector.shape_cast %get3A_4033 : vector<1x20x32xf32> to vector<20x32xf32>
    %get3A_4035 = arith.constant 185 : index
    %get3A_4036 = arith.constant 0 : index
    %get3A_4037 = arith.constant 0 : index
    %get3A_4038 = vector.load %arg1[%get3A_4035, %get3A_4036, %get3A_4037] : memref<200x32x128xf32, #tpu.memory_space<vmem>>, vector<1x32x128xf32>
    %get3A_4039 = vector.shape_cast %get3A_4038 : vector<1x32x128xf32> to vector<32x128xf32>
    %dot_general3A_4040 = arith.constant dense<0.000000e+00> : vector<20x128xf32>
    %dot_general3A_4041 = tpu.matmul %get3A_4034, %get3A_4039, %dot_general3A_4040 {dimension_numbers = #tpu.dot_dimension_numbers<[1], [0], [0], [1], [0, 0, 1, 1], [], []>, transpose_lhs_hint = false} : vector<20x32xf32>, vector<32x128xf32>, vector<20x128xf32> -> vector<20x128xf32>
    %swap3A_4042 = arith.constant 185 : index
    %swap3A_4043 = arith.constant 0 : index
    %swap3A_4044 = arith.constant 0 : index
    %swap3A_4045 = vector.load %arg13[%swap3A_4042, %swap3A_4043, %swap3A_4044] : memref<200x20x128xf32, #tpu.memory_space<vmem>>, vector<1x20x128xf32>
    %swap3A_4046 = vector.shape_cast %swap3A_4045 : vector<1x20x128xf32> to vector<20x128xf32>
    %swap3A_4047 = vector.shape_cast %dot_general3A_4041 : vector<20x128xf32> to vector<1x20x128xf32>
    tpu.vector_store %arg13[%swap3A_4042, %swap3A_4043, %swap3A_4044], %swap3A_4047 {strides = array<i32>} : memref<200x20x128xf32, #tpu.memory_space<vmem>>, vector<1x20x128xf32>,
    %get3A_4048 = arith.constant 186 : index
    %get3A_4049 = arith.constant 0 : index
    %get3A_4050 = arith.constant 0 : index
    %get3A_4051 = vector.load %arg12[%get3A_4048, %get3A_4049, %get3A_4050] : memref<200x20x32xf32, #tpu.memory_space<vmem>>, vector<1x20x32xf32>
    %get3A_4052 = vector.shape_cast %get3A_4051 : vector<1x20x32xf32> to vector<20x32xf32>
    %get3A_4053 = arith.constant 186 : index
    %get3A_4054 = arith.constant 0 : index
    %get3A_4055 = arith.constant 0 : index
    %get3A_4056 = vector.load %arg1[%get3A_4053, %get3A_4054, %get3A_4055] : memref<200x32x128xf32, #tpu.memory_space<vmem>>, vector<1x32x128xf32>
    %get3A_4057 = vector.shape_cast %get3A_4056 : vector<1x32x128xf32> to vector<32x128xf32>
    %dot_general3A_4058 = arith.constant dense<0.000000e+00> : vector<20x128xf32>
    %dot_general3A_4059 = tpu.matmul %get3A_4052, %get3A_4057, %dot_general3A_4058 {dimension_numbers = #tpu.dot_dimension_numbers<[1], [0], [0], [1], [0, 0, 1, 1], [], []>, transpose_lhs_hint = false} : vector<20x32xf32>, vector<32x128xf32>, vector<20x128xf32> -> vector<20x128xf32>
    %swap3A_4060 = arith.constant 186 : index
    %swap3A_4061 = arith.constant 0 : index
    %swap3A_4062 = arith.constant 0 : index
    %swap3A_4063 = vector.load %arg13[%swap3A_4060, %swap3A_4061, %swap3A_4062] : memref<200x20x128xf32, #tpu.memory_space<vmem>>, vector<1x20x128xf32>
    %swap3A_4064 = vector.shape_cast %swap3A_4063 : vector<1x20x128xf32> to vector<20x128xf32>
    %swap3A_4065 = vector.shape_cast %dot_general3A_4059 : vector<20x128xf32> to vector<1x20x128xf32>
    tpu.vector_store %arg13[%swap3A_4060, %swap3A_4061, %swap3A_4062], %swap3A_4065 {strides = array<i32>} : memref<200x20x128xf32, #tpu.memory_space<vmem>>, vector<1x20x128xf32>,
    %get3A_4066 = arith.constant 187 : index
    %get3A_4067 = arith.constant 0 : index
    %get3A_4068 = arith.constant 0 : index
    %get3A_4069 = vector.load %arg12[%get3A_4066, %get3A_4067, %get3A_4068] : memref<200x20x32xf32, #tpu.memory_space<vmem>>, vector<1x20x32xf32>
    %get3A_4070 = vector.shape_cast %get3A_4069 : vector<1x20x32xf32> to vector<20x32xf32>
    %get3A_4071 = arith.constant 187 : index
    %get3A_4072 = arith.constant 0 : index
    %get3A_4073 = arith.constant 0 : index
    %get3A_4074 = vector.load %arg1[%get3A_4071, %get3A_4072, %get3A_4073] : memref<200x32x128xf32, #tpu.memory_space<vmem>>, vector<1x32x128xf32>
    %get3A_4075 = vector.shape_cast %get3A_4074 : vector<1x32x128xf32> to vector<32x128xf32>
    %dot_general3A_4076 = arith.constant dense<0.000000e+00> : vector<20x128xf32>
    %dot_general3A_4077 = tpu.matmul %get3A_4070, %get3A_4075, %dot_general3A_4076 {dimension_numbers = #tpu.dot_dimension_numbers<[1], [0], [0], [1], [0, 0, 1, 1], [], []>, transpose_lhs_hint = false} : vector<20x32xf32>, vector<32x128xf32>, vector<20x128xf32> -> vector<20x128xf32>
    %swap3A_4078 = arith.constant 187 : index
    %swap3A_4079 = arith.constant 0 : index
    %swap3A_4080 = arith.constant 0 : index
    %swap3A_4081 = vector.load %arg13[%swap3A_4078, %swap3A_4079, %swap3A_4080] : memref<200x20x128xf32, #tpu.memory_space<vmem>>, vector<1x20x128xf32>
    %swap3A_4082 = vector.shape_cast %swap3A_4081 : vector<1x20x128xf32> to vector<20x128xf32>
    %swap3A_4083 = vector.shape_cast %dot_general3A_4077 : vector<20x128xf32> to vector<1x20x128xf32>
    tpu.vector_store %arg13[%swap3A_4078, %swap3A_4079, %swap3A_4080], %swap3A_4083 {strides = array<i32>} : memref<200x20x128xf32, #tpu.memory_space<vmem>>, vector<1x20x128xf32>,
    %get3A_4084 = arith.constant 188 : index
    %get3A_4085 = arith.constant 0 : index
    %get3A_4086 = arith.constant 0 : index
    %get3A_4087 = vector.load %arg12[%get3A_4084, %get3A_4085, %get3A_4086] : memref<200x20x32xf32, #tpu.memory_space<vmem>>, vector<1x20x32xf32>
    %get3A_4088 = vector.shape_cast %get3A_4087 : vector<1x20x32xf32> to vector<20x32xf32>
    %get3A_4089 = arith.constant 188 : index
    %get3A_4090 = arith.constant 0 : index
    %get3A_4091 = arith.constant 0 : index
    %get3A_4092 = vector.load %arg1[%get3A_4089, %get3A_4090, %get3A_4091] : memref<200x32x128xf32, #tpu.memory_space<vmem>>, vector<1x32x128xf32>
    %get3A_4093 = vector.shape_cast %get3A_4092 : vector<1x32x128xf32> to vector<32x128xf32>
    %dot_general3A_4094 = arith.constant dense<0.000000e+00> : vector<20x128xf32>
    %dot_general3A_4095 = tpu.matmul %get3A_4088, %get3A_4093, %dot_general3A_4094 {dimension_numbers = #tpu.dot_dimension_numbers<[1], [0], [0], [1], [0, 0, 1, 1], [], []>, transpose_lhs_hint = false} : vector<20x32xf32>, vector<32x128xf32>, vector<20x128xf32> -> vector<20x128xf32>
    %swap3A_4096 = arith.constant 188 : index
    %swap3A_4097 = arith.constant 0 : index
    %swap3A_4098 = arith.constant 0 : index
    %swap3A_4099 = vector.load %arg13[%swap3A_4096, %swap3A_4097, %swap3A_4098] : memref<200x20x128xf32, #tpu.memory_space<vmem>>, vector<1x20x128xf32>
    %swap3A_4100 = vector.shape_cast %swap3A_4099 : vector<1x20x128xf32> to vector<20x128xf32>
    %swap3A_4101 = vector.shape_cast %dot_general3A_4095 : vector<20x128xf32> to vector<1x20x128xf32>
    tpu.vector_store %arg13[%swap3A_4096, %swap3A_4097, %swap3A_4098], %swap3A_4101 {strides = array<i32>} : memref<200x20x128xf32, #tpu.memory_space<vmem>>, vector<1x20x128xf32>,
    %get3A_4102 = arith.constant 189 : index
    %get3A_4103 = arith.constant 0 : index
    %get3A_4104 = arith.constant 0 : index
    %get3A_4105 = vector.load %arg12[%get3A_4102, %get3A_4103, %get3A_4104] : memref<200x20x32xf32, #tpu.memory_space<vmem>>, vector<1x20x32xf32>
    %get3A_4106 = vector.shape_cast %get3A_4105 : vector<1x20x32xf32> to vector<20x32xf32>
    %get3A_4107 = arith.constant 189 : index
    %get3A_4108 = arith.constant 0 : index
    %get3A_4109 = arith.constant 0 : index
    %get3A_4110 = vector.load %arg1[%get3A_4107, %get3A_4108, %get3A_4109] : memref<200x32x128xf32, #tpu.memory_space<vmem>>, vector<1x32x128xf32>
    %get3A_4111 = vector.shape_cast %get3A_4110 : vector<1x32x128xf32> to vector<32x128xf32>
    %dot_general3A_4112 = arith.constant dense<0.000000e+00> : vector<20x128xf32>
    %dot_general3A_4113 = tpu.matmul %get3A_4106, %get3A_4111, %dot_general3A_4112 {dimension_numbers = #tpu.dot_dimension_numbers<[1], [0], [0], [1], [0, 0, 1, 1], [], []>, transpose_lhs_hint = false} : vector<20x32xf32>, vector<32x128xf32>, vector<20x128xf32> -> vector<20x128xf32>
    %swap3A_4114 = arith.constant 189 : index
    %swap3A_4115 = arith.constant 0 : index
    %swap3A_4116 = arith.constant 0 : index
    %swap3A_4117 = vector.load %arg13[%swap3A_4114, %swap3A_4115, %swap3A_4116] : memref<200x20x128xf32, #tpu.memory_space<vmem>>, vector<1x20x128xf32>
    %swap3A_4118 = vector.shape_cast %swap3A_4117 : vector<1x20x128xf32> to vector<20x128xf32>
    %swap3A_4119 = vector.shape_cast %dot_general3A_4113 : vector<20x128xf32> to vector<1x20x128xf32>
    tpu.vector_store %arg13[%swap3A_4114, %swap3A_4115, %swap3A_4116], %swap3A_4119 {strides = array<i32>} : memref<200x20x128xf32, #tpu.memory_space<vmem>>, vector<1x20x128xf32>,
    %get3A_4120 = arith.constant 190 : index
    %get3A_4121 = arith.constant 0 : index
    %get3A_4122 = arith.constant 0 : index
    %get3A_4123 = vector.load %arg12[%get3A_4120, %get3A_4121, %get3A_4122] : memref<200x20x32xf32, #tpu.memory_space<vmem>>, vector<1x20x32xf32>
    %get3A_4124 = vector.shape_cast %get3A_4123 : vector<1x20x32xf32> to vector<20x32xf32>
    %get3A_4125 = arith.constant 190 : index
    %get3A_4126 = arith.constant 0 : index
    %get3A_4127 = arith.constant 0 : index
    %get3A_4128 = vector.load %arg1[%get3A_4125, %get3A_4126, %get3A_4127] : memref<200x32x128xf32, #tpu.memory_space<vmem>>, vector<1x32x128xf32>
    %get3A_4129 = vector.shape_cast %get3A_4128 : vector<1x32x128xf32> to vector<32x128xf32>
    %dot_general3A_4130 = arith.constant dense<0.000000e+00> : vector<20x128xf32>
    %dot_general3A_4131 = tpu.matmul %get3A_4124, %get3A_4129, %dot_general3A_4130 {dimension_numbers = #tpu.dot_dimension_numbers<[1], [0], [0], [1], [0, 0, 1, 1], [], []>, transpose_lhs_hint = false} : vector<20x32xf32>, vector<32x128xf32>, vector<20x128xf32> -> vector<20x128xf32>
    %swap3A_4132 = arith.constant 190 : index
    %swap3A_4133 = arith.constant 0 : index
    %swap3A_4134 = arith.constant 0 : index
    %swap3A_4135 = vector.load %arg13[%swap3A_4132, %swap3A_4133, %swap3A_4134] : memref<200x20x128xf32, #tpu.memory_space<vmem>>, vector<1x20x128xf32>
    %swap3A_4136 = vector.shape_cast %swap3A_4135 : vector<1x20x128xf32> to vector<20x128xf32>
    %swap3A_4137 = vector.shape_cast %dot_general3A_4131 : vector<20x128xf32> to vector<1x20x128xf32>
    tpu.vector_store %arg13[%swap3A_4132, %swap3A_4133, %swap3A_4134], %swap3A_4137 {strides = array<i32>} : memref<200x20x128xf32, #tpu.memory_space<vmem>>, vector<1x20x128xf32>,
    %get3A_4138 = arith.constant 191 : index
    %get3A_4139 = arith.constant 0 : index
    %get3A_4140 = arith.constant 0 : index
    %get3A_4141 = vector.load %arg12[%get3A_4138, %get3A_4139, %get3A_4140] : memref<200x20x32xf32, #tpu.memory_space<vmem>>, vector<1x20x32xf32>
    %get3A_4142 = vector.shape_cast %get3A_4141 : vector<1x20x32xf32> to vector<20x32xf32>
    %get3A_4143 = arith.constant 191 : index
    %get3A_4144 = arith.constant 0 : index
    %get3A_4145 = arith.constant 0 : index
    %get3A_4146 = vector.load %arg1[%get3A_4143, %get3A_4144, %get3A_4145] : memref<200x32x128xf32, #tpu.memory_space<vmem>>, vector<1x32x128xf32>
    %get3A_4147 = vector.shape_cast %get3A_4146 : vector<1x32x128xf32> to vector<32x128xf32>
    %dot_general3A_4148 = arith.constant dense<0.000000e+00> : vector<20x128xf32>
    %dot_general3A_4149 = tpu.matmul %get3A_4142, %get3A_4147, %dot_general3A_4148 {dimension_numbers = #tpu.dot_dimension_numbers<[1], [0], [0], [1], [0, 0, 1, 1], [], []>, transpose_lhs_hint = false} : vector<20x32xf32>, vector<32x128xf32>, vector<20x128xf32> -> vector<20x128xf32>
    %swap3A_4150 = arith.constant 191 : index
    %swap3A_4151 = arith.constant 0 : index
    %swap3A_4152 = arith.constant 0 : index
    %swap3A_4153 = vector.load %arg13[%swap3A_4150, %swap3A_4151, %swap3A_4152] : memref<200x20x128xf32, #tpu.memory_space<vmem>>, vector<1x20x128xf32>
    %swap3A_4154 = vector.shape_cast %swap3A_4153 : vector<1x20x128xf32> to vector<20x128xf32>
    %swap3A_4155 = vector.shape_cast %dot_general3A_4149 : vector<20x128xf32> to vector<1x20x128xf32>
    tpu.vector_store %arg13[%swap3A_4150, %swap3A_4151, %swap3A_4152], %swap3A_4155 {strides = array<i32>} : memref<200x20x128xf32, #tpu.memory_space<vmem>>, vector<1x20x128xf32>,
    %get3A_4156 = arith.constant 192 : index
    %get3A_4157 = arith.constant 0 : index
    %get3A_4158 = arith.constant 0 : index
    %get3A_4159 = vector.load %arg12[%get3A_4156, %get3A_4157, %get3A_4158] : memref<200x20x32xf32, #tpu.memory_space<vmem>>, vector<1x20x32xf32>
    %get3A_4160 = vector.shape_cast %get3A_4159 : vector<1x20x32xf32> to vector<20x32xf32>
    %get3A_4161 = arith.constant 192 : index
    %get3A_4162 = arith.constant 0 : index
    %get3A_4163 = arith.constant 0 : index
    %get3A_4164 = vector.load %arg1[%get3A_4161, %get3A_4162, %get3A_4163] : memref<200x32x128xf32, #tpu.memory_space<vmem>>, vector<1x32x128xf32>
    %get3A_4165 = vector.shape_cast %get3A_4164 : vector<1x32x128xf32> to vector<32x128xf32>
    %dot_general3A_4166 = arith.constant dense<0.000000e+00> : vector<20x128xf32>
    %dot_general3A_4167 = tpu.matmul %get3A_4160, %get3A_4165, %dot_general3A_4166 {dimension_numbers = #tpu.dot_dimension_numbers<[1], [0], [0], [1], [0, 0, 1, 1], [], []>, transpose_lhs_hint = false} : vector<20x32xf32>, vector<32x128xf32>, vector<20x128xf32> -> vector<20x128xf32>
    %swap3A_4168 = arith.constant 192 : index
    %swap3A_4169 = arith.constant 0 : index
    %swap3A_4170 = arith.constant 0 : index
    %swap3A_4171 = vector.load %arg13[%swap3A_4168, %swap3A_4169, %swap3A_4170] : memref<200x20x128xf32, #tpu.memory_space<vmem>>, vector<1x20x128xf32>
    %swap3A_4172 = vector.shape_cast %swap3A_4171 : vector<1x20x128xf32> to vector<20x128xf32>
    %swap3A_4173 = vector.shape_cast %dot_general3A_4167 : vector<20x128xf32> to vector<1x20x128xf32>
    tpu.vector_store %arg13[%swap3A_4168, %swap3A_4169, %swap3A_4170], %swap3A_4173 {strides = array<i32>} : memref<200x20x128xf32, #tpu.memory_space<vmem>>, vector<1x20x128xf32>,
    %get3A_4174 = arith.constant 193 : index
    %get3A_4175 = arith.constant 0 : index
    %get3A_4176 = arith.constant 0 : index
    %get3A_4177 = vector.load %arg12[%get3A_4174, %get3A_4175, %get3A_4176] : memref<200x20x32xf32, #tpu.memory_space<vmem>>, vector<1x20x32xf32>
    %get3A_4178 = vector.shape_cast %get3A_4177 : vector<1x20x32xf32> to vector<20x32xf32>
    %get3A_4179 = arith.constant 193 : index
    %get3A_4180 = arith.constant 0 : index
    %get3A_4181 = arith.constant 0 : index
    %get3A_4182 = vector.load %arg1[%get3A_4179, %get3A_4180, %get3A_4181] : memref<200x32x128xf32, #tpu.memory_space<vmem>>, vector<1x32x128xf32>
    %get3A_4183 = vector.shape_cast %get3A_4182 : vector<1x32x128xf32> to vector<32x128xf32>
    %dot_general3A_4184 = arith.constant dense<0.000000e+00> : vector<20x128xf32>
    %dot_general3A_4185 = tpu.matmul %get3A_4178, %get3A_4183, %dot_general3A_4184 {dimension_numbers = #tpu.dot_dimension_numbers<[1], [0], [0], [1], [0, 0, 1, 1], [], []>, transpose_lhs_hint = false} : vector<20x32xf32>, vector<32x128xf32>, vector<20x128xf32> -> vector<20x128xf32>
    %swap3A_4186 = arith.constant 193 : index
    %swap3A_4187 = arith.constant 0 : index
    %swap3A_4188 = arith.constant 0 : index
    %swap3A_4189 = vector.load %arg13[%swap3A_4186, %swap3A_4187, %swap3A_4188] : memref<200x20x128xf32, #tpu.memory_space<vmem>>, vector<1x20x128xf32>
    %swap3A_4190 = vector.shape_cast %swap3A_4189 : vector<1x20x128xf32> to vector<20x128xf32>
    %swap3A_4191 = vector.shape_cast %dot_general3A_4185 : vector<20x128xf32> to vector<1x20x128xf32>
    tpu.vector_store %arg13[%swap3A_4186, %swap3A_4187, %swap3A_4188], %swap3A_4191 {strides = array<i32>} : memref<200x20x128xf32, #tpu.memory_space<vmem>>, vector<1x20x128xf32>,
    %get3A_4192 = arith.constant 194 : index
    %get3A_4193 = arith.constant 0 : index
    %get3A_4194 = arith.constant 0 : index
    %get3A_4195 = vector.load %arg12[%get3A_4192, %get3A_4193, %get3A_4194] : memref<200x20x32xf32, #tpu.memory_space<vmem>>, vector<1x20x32xf32>
    %get3A_4196 = vector.shape_cast %get3A_4195 : vector<1x20x32xf32> to vector<20x32xf32>
    %get3A_4197 = arith.constant 194 : index
    %get3A_4198 = arith.constant 0 : index
    %get3A_4199 = arith.constant 0 : index
    %get3A_4200 = vector.load %arg1[%get3A_4197, %get3A_4198, %get3A_4199] : memref<200x32x128xf32, #tpu.memory_space<vmem>>, vector<1x32x128xf32>
    %get3A_4201 = vector.shape_cast %get3A_4200 : vector<1x32x128xf32> to vector<32x128xf32>
    %dot_general3A_4202 = arith.constant dense<0.000000e+00> : vector<20x128xf32>
    %dot_general3A_4203 = tpu.matmul %get3A_4196, %get3A_4201, %dot_general3A_4202 {dimension_numbers = #tpu.dot_dimension_numbers<[1], [0], [0], [1], [0, 0, 1, 1], [], []>, transpose_lhs_hint = false} : vector<20x32xf32>, vector<32x128xf32>, vector<20x128xf32> -> vector<20x128xf32>
    %swap3A_4204 = arith.constant 194 : index
    %swap3A_4205 = arith.constant 0 : index
    %swap3A_4206 = arith.constant 0 : index
    %swap3A_4207 = vector.load %arg13[%swap3A_4204, %swap3A_4205, %swap3A_4206] : memref<200x20x128xf32, #tpu.memory_space<vmem>>, vector<1x20x128xf32>
    %swap3A_4208 = vector.shape_cast %swap3A_4207 : vector<1x20x128xf32> to vector<20x128xf32>
    %swap3A_4209 = vector.shape_cast %dot_general3A_4203 : vector<20x128xf32> to vector<1x20x128xf32>
    tpu.vector_store %arg13[%swap3A_4204, %swap3A_4205, %swap3A_4206], %swap3A_4209 {strides = array<i32>} : memref<200x20x128xf32, #tpu.memory_space<vmem>>, vector<1x20x128xf32>,
    %get3A_4210 = arith.constant 195 : index
    %get3A_4211 = arith.constant 0 : index
    %get3A_4212 = arith.constant 0 : index
    %get3A_4213 = vector.load %arg12[%get3A_4210, %get3A_4211, %get3A_4212] : memref<200x20x32xf32, #tpu.memory_space<vmem>>, vector<1x20x32xf32>
    %get3A_4214 = vector.shape_cast %get3A_4213 : vector<1x20x32xf32> to vector<20x32xf32>
    %get3A_4215 = arith.constant 195 : index
    %get3A_4216 = arith.constant 0 : index
    %get3A_4217 = arith.constant 0 : index
    %get3A_4218 = vector.load %arg1[%get3A_4215, %get3A_4216, %get3A_4217] : memref<200x32x128xf32, #tpu.memory_space<vmem>>, vector<1x32x128xf32>
    %get3A_4219 = vector.shape_cast %get3A_4218 : vector<1x32x128xf32> to vector<32x128xf32>
    %dot_general3A_4220 = arith.constant dense<0.000000e+00> : vector<20x128xf32>
    %dot_general3A_4221 = tpu.matmul %get3A_4214, %get3A_4219, %dot_general3A_4220 {dimension_numbers = #tpu.dot_dimension_numbers<[1], [0], [0], [1], [0, 0, 1, 1], [], []>, transpose_lhs_hint = false} : vector<20x32xf32>, vector<32x128xf32>, vector<20x128xf32> -> vector<20x128xf32>
    %swap3A_4222 = arith.constant 195 : index
    %swap3A_4223 = arith.constant 0 : index
    %swap3A_4224 = arith.constant 0 : index
    %swap3A_4225 = vector.load %arg13[%swap3A_4222, %swap3A_4223, %swap3A_4224] : memref<200x20x128xf32, #tpu.memory_space<vmem>>, vector<1x20x128xf32>
    %swap3A_4226 = vector.shape_cast %swap3A_4225 : vector<1x20x128xf32> to vector<20x128xf32>
    %swap3A_4227 = vector.shape_cast %dot_general3A_4221 : vector<20x128xf32> to vector<1x20x128xf32>
    tpu.vector_store %arg13[%swap3A_4222, %swap3A_4223, %swap3A_4224], %swap3A_4227 {strides = array<i32>} : memref<200x20x128xf32, #tpu.memory_space<vmem>>, vector<1x20x128xf32>,
    %get3A_4228 = arith.constant 196 : index
    %get3A_4229 = arith.constant 0 : index
    %get3A_4230 = arith.constant 0 : index
    %get3A_4231 = vector.load %arg12[%get3A_4228, %get3A_4229, %get3A_4230] : memref<200x20x32xf32, #tpu.memory_space<vmem>>, vector<1x20x32xf32>
    %get3A_4232 = vector.shape_cast %get3A_4231 : vector<1x20x32xf32> to vector<20x32xf32>
    %get3A_4233 = arith.constant 196 : index
    %get3A_4234 = arith.constant 0 : index
    %get3A_4235 = arith.constant 0 : index
    %get3A_4236 = vector.load %arg1[%get3A_4233, %get3A_4234, %get3A_4235] : memref<200x32x128xf32, #tpu.memory_space<vmem>>, vector<1x32x128xf32>
    %get3A_4237 = vector.shape_cast %get3A_4236 : vector<1x32x128xf32> to vector<32x128xf32>
    %dot_general3A_4238 = arith.constant dense<0.000000e+00> : vector<20x128xf32>
    %dot_general3A_4239 = tpu.matmul %get3A_4232, %get3A_4237, %dot_general3A_4238 {dimension_numbers = #tpu.dot_dimension_numbers<[1], [0], [0], [1], [0, 0, 1, 1], [], []>, transpose_lhs_hint = false} : vector<20x32xf32>, vector<32x128xf32>, vector<20x128xf32> -> vector<20x128xf32>
    %swap3A_4240 = arith.constant 196 : index
    %swap3A_4241 = arith.constant 0 : index
    %swap3A_4242 = arith.constant 0 : index
    %swap3A_4243 = vector.load %arg13[%swap3A_4240, %swap3A_4241, %swap3A_4242] : memref<200x20x128xf32, #tpu.memory_space<vmem>>, vector<1x20x128xf32>
    %swap3A_4244 = vector.shape_cast %swap3A_4243 : vector<1x20x128xf32> to vector<20x128xf32>
    %swap3A_4245 = vector.shape_cast %dot_general3A_4239 : vector<20x128xf32> to vector<1x20x128xf32>
    tpu.vector_store %arg13[%swap3A_4240, %swap3A_4241, %swap3A_4242], %swap3A_4245 {strides = array<i32>} : memref<200x20x128xf32, #tpu.memory_space<vmem>>, vector<1x20x128xf32>,
    %get3A_4246 = arith.constant 197 : index
    %get3A_4247 = arith.constant 0 : index
    %get3A_4248 = arith.constant 0 : index
    %get3A_4249 = vector.load %arg12[%get3A_4246, %get3A_4247, %get3A_4248] : memref<200x20x32xf32, #tpu.memory_space<vmem>>, vector<1x20x32xf32>
    %get3A_4250 = vector.shape_cast %get3A_4249 : vector<1x20x32xf32> to vector<20x32xf32>
    %get3A_4251 = arith.constant 197 : index
    %get3A_4252 = arith.constant 0 : index
    %get3A_4253 = arith.constant 0 : index
    %get3A_4254 = vector.load %arg1[%get3A_4251, %get3A_4252, %get3A_4253] : memref<200x32x128xf32, #tpu.memory_space<vmem>>, vector<1x32x128xf32>
    %get3A_4255 = vector.shape_cast %get3A_4254 : vector<1x32x128xf32> to vector<32x128xf32>
    %dot_general3A_4256 = arith.constant dense<0.000000e+00> : vector<20x128xf32>
    %dot_general3A_4257 = tpu.matmul %get3A_4250, %get3A_4255, %dot_general3A_4256 {dimension_numbers = #tpu.dot_dimension_numbers<[1], [0], [0], [1], [0, 0, 1, 1], [], []>, transpose_lhs_hint = false} : vector<20x32xf32>, vector<32x128xf32>, vector<20x128xf32> -> vector<20x128xf32>
    %swap3A_4258 = arith.constant 197 : index
    %swap3A_4259 = arith.constant 0 : index
    %swap3A_4260 = arith.constant 0 : index
    %swap3A_4261 = vector.load %arg13[%swap3A_4258, %swap3A_4259, %swap3A_4260] : memref<200x20x128xf32, #tpu.memory_space<vmem>>, vector<1x20x128xf32>
    %swap3A_4262 = vector.shape_cast %swap3A_4261 : vector<1x20x128xf32> to vector<20x128xf32>
    %swap3A_4263 = vector.shape_cast %dot_general3A_4257 : vector<20x128xf32> to vector<1x20x128xf32>
    tpu.vector_store %arg13[%swap3A_4258, %swap3A_4259, %swap3A_4260], %swap3A_4263 {strides = array<i32>} : memref<200x20x128xf32, #tpu.memory_space<vmem>>, vector<1x20x128xf32>,
    %get3A_4264 = arith.constant 198 : index
    %get3A_4265 = arith.constant 0 : index
    %get3A_4266 = arith.constant 0 : index
    %get3A_4267 = vector.load %arg12[%get3A_4264, %get3A_4265, %get3A_4266] : memref<200x20x32xf32, #tpu.memory_space<vmem>>, vector<1x20x32xf32>
    %get3A_4268 = vector.shape_cast %get3A_4267 : vector<1x20x32xf32> to vector<20x32xf32>
    %get3A_4269 = arith.constant 198 : index
    %get3A_4270 = arith.constant 0 : index
    %get3A_4271 = arith.constant 0 : index
    %get3A_4272 = vector.load %arg1[%get3A_4269, %get3A_4270, %get3A_4271] : memref<200x32x128xf32, #tpu.memory_space<vmem>>, vector<1x32x128xf32>
    %get3A_4273 = vector.shape_cast %get3A_4272 : vector<1x32x128xf32> to vector<32x128xf32>
    %dot_general3A_4274 = arith.constant dense<0.000000e+00> : vector<20x128xf32>
    %dot_general3A_4275 = tpu.matmul %get3A_4268, %get3A_4273, %dot_general3A_4274 {dimension_numbers = #tpu.dot_dimension_numbers<[1], [0], [0], [1], [0, 0, 1, 1], [], []>, transpose_lhs_hint = false} : vector<20x32xf32>, vector<32x128xf32>, vector<20x128xf32> -> vector<20x128xf32>
    %swap3A_4276 = arith.constant 198 : index
    %swap3A_4277 = arith.constant 0 : index
    %swap3A_4278 = arith.constant 0 : index
    %swap3A_4279 = vector.load %arg13[%swap3A_4276, %swap3A_4277, %swap3A_4278] : memref<200x20x128xf32, #tpu.memory_space<vmem>>, vector<1x20x128xf32>
    %swap3A_4280 = vector.shape_cast %swap3A_4279 : vector<1x20x128xf32> to vector<20x128xf32>
    %swap3A_4281 = vector.shape_cast %dot_general3A_4275 : vector<20x128xf32> to vector<1x20x128xf32>
    tpu.vector_store %arg13[%swap3A_4276, %swap3A_4277, %swap3A_4278], %swap3A_4281 {strides = array<i32>} : memref<200x20x128xf32, #tpu.memory_space<vmem>>, vector<1x20x128xf32>,
    %get3A_4282 = arith.constant 199 : index
    %get3A_4283 = arith.constant 0 : index
    %get3A_4284 = arith.constant 0 : index
    %get3A_4285 = vector.load %arg12[%get3A_4282, %get3A_4283, %get3A_4284] : memref<200x20x32xf32, #tpu.memory_space<vmem>>, vector<1x20x32xf32>
    %get3A_4286 = vector.shape_cast %get3A_4285 : vector<1x20x32xf32> to vector<20x32xf32>
    %get3A_4287 = arith.constant 199 : index
    %get3A_4288 = arith.constant 0 : index
    %get3A_4289 = arith.constant 0 : index
    %get3A_4290 = vector.load %arg1[%get3A_4287, %get3A_4288, %get3A_4289] : memref<200x32x128xf32, #tpu.memory_space<vmem>>, vector<1x32x128xf32>
    %get3A_4291 = vector.shape_cast %get3A_4290 : vector<1x32x128xf32> to vector<32x128xf32>
    %dot_general3A_4292 = arith.constant dense<0.000000e+00> : vector<20x128xf32>
    %dot_general3A_4293 = tpu.matmul %get3A_4286, %get3A_4291, %dot_general3A_4292 {dimension_numbers = #tpu.dot_dimension_numbers<[1], [0], [0], [1], [0, 0, 1, 1], [], []>, transpose_lhs_hint = false} : vector<20x32xf32>, vector<32x128xf32>, vector<20x128xf32> -> vector<20x128xf32>
    %swap3A_4294 = arith.constant 199 : index
    %swap3A_4295 = arith.constant 0 : index
    %swap3A_4296 = arith.constant 0 : index
    %swap3A_4297 = vector.load %arg13[%swap3A_4294, %swap3A_4295, %swap3A_4296] : memref<200x20x128xf32, #tpu.memory_space<vmem>>, vector<1x20x128xf32>
    %swap3A_4298 = vector.shape_cast %swap3A_4297 : vector<1x20x128xf32> to vector<20x128xf32>
    %swap3A_4299 = vector.shape_cast %dot_general3A_4293 : vector<20x128xf32> to vector<1x20x128xf32>
    tpu.vector_store %arg13[%swap3A_4294, %swap3A_4295, %swap3A_4296], %swap3A_4299 {strides = array<i32>} : memref<200x20x128xf32, #tpu.memory_space<vmem>>, vector<1x20x128xf32>,
    %get3A_4300 = arith.constant 0 : index
    %get3A_4301 = arith.constant 0 : index
    %get3A_4302 = arith.constant 0 : index
    %get3A_4303 = vector.load %arg13[%get3A_4300, %get3A_4301, %get3A_4302] : memref<200x20x128xf32, #tpu.memory_space<vmem>>, vector<200x20x128xf32>
    %broadcast_in_dim3A = arith.constant 0.000000e+00 : f32
    %broadcast_in_dim3A_4304 = vector.broadcast %broadcast_in_dim3A : f32 to vector<200x64xf32>
    %broadcast_in_dim3A_4305 = arith.constant 0.000000e+00 : f32
    %broadcast_in_dim3A_4306 = vector.broadcast %broadcast_in_dim3A_4305 : f32 to vector<200x64xf32>
    %slice3A = vector.extract_strided_slice %get3A_4303 {offsets = [0, 0, 0], sizes = [200, 1, 128], strides = [1, 1, 1]} : vector<200x20x128xf32> to vector<200x1x128xf32>
    %squeeze3A = vector.shape_cast %slice3A : vector<200x1x128xf32> to vector<200x128xf32>
    %get3A_4307 = arith.constant 0 : index
    %get3A_4308 = arith.constant 0 : index
    %get3A_4309 = arith.constant 0 : index
    %get3A_4310 = vector.load %arg7[%get3A_4307, %get3A_4308, %get3A_4309] : memref<7x128x64xf32, #tpu.memory_space<vmem>>, vector<1x128x64xf32>
    %get3A_4311 = vector.shape_cast %get3A_4310 : vector<1x128x64xf32> to vector<128x64xf32>
    %dot_general3A_4312 = arith.constant dense<0.000000e+00> : vector<200x64xf32>
    %dot_general3A_4313 = tpu.matmul %squeeze3A, %get3A_4311, %dot_general3A_4312 {dimension_numbers = #tpu.dot_dimension_numbers<[1], [0], [0], [1], [0, 0, 1, 1], [], []>, transpose_lhs_hint = false} : vector<200x128xf32>, vector<128x64xf32>, vector<200x64xf32> -> vector<200x64xf32>
    %add3A_4314 = arith.addf %broadcast_in_dim3A_4304, %dot_general3A_4313 : vector<200x64xf32>
    %slice3A_4315 = vector.extract_strided_slice %get3A_4303 {offsets = [0, 1, 0], sizes = [200, 1, 128], strides = [1, 1, 1]} : vector<200x20x128xf32> to vector<200x1x128xf32>
    %squeeze3A_4316 = vector.shape_cast %slice3A_4315 : vector<200x1x128xf32> to vector<200x128xf32>
    %get3A_4317 = arith.constant 1 : index
    %get3A_4318 = arith.constant 0 : index
    %get3A_4319 = arith.constant 0 : index
    %get3A_4320 = vector.load %arg7[%get3A_4317, %get3A_4318, %get3A_4319] : memref<7x128x64xf32, #tpu.memory_space<vmem>>, vector<1x128x64xf32>
    %get3A_4321 = vector.shape_cast %get3A_4320 : vector<1x128x64xf32> to vector<128x64xf32>
    %dot_general3A_4322 = arith.constant dense<0.000000e+00> : vector<200x64xf32>
    %dot_general3A_4323 = tpu.matmul %squeeze3A_4316, %get3A_4321, %dot_general3A_4322 {dimension_numbers = #tpu.dot_dimension_numbers<[1], [0], [0], [1], [0, 0, 1, 1], [], []>, transpose_lhs_hint = false} : vector<200x128xf32>, vector<128x64xf32>, vector<200x64xf32> -> vector<200x64xf32>
    %add3A_4324 = arith.addf %add3A_4314, %dot_general3A_4323 : vector<200x64xf32>
    %slice3A_4325 = vector.extract_strided_slice %get3A_4303 {offsets = [0, 2, 0], sizes = [200, 1, 128], strides = [1, 1, 1]} : vector<200x20x128xf32> to vector<200x1x128xf32>
    %squeeze3A_4326 = vector.shape_cast %slice3A_4325 : vector<200x1x128xf32> to vector<200x128xf32>
    %get3A_4327 = arith.constant 2 : index
    %get3A_4328 = arith.constant 0 : index
    %get3A_4329 = arith.constant 0 : index
    %get3A_4330 = vector.load %arg7[%get3A_4327, %get3A_4328, %get3A_4329] : memref<7x128x64xf32, #tpu.memory_space<vmem>>, vector<1x128x64xf32>
    %get3A_4331 = vector.shape_cast %get3A_4330 : vector<1x128x64xf32> to vector<128x64xf32>
    %dot_general3A_4332 = arith.constant dense<0.000000e+00> : vector<200x64xf32>
    %dot_general3A_4333 = tpu.matmul %squeeze3A_4326, %get3A_4331, %dot_general3A_4332 {dimension_numbers = #tpu.dot_dimension_numbers<[1], [0], [0], [1], [0, 0, 1, 1], [], []>, transpose_lhs_hint = false} : vector<200x128xf32>, vector<128x64xf32>, vector<200x64xf32> -> vector<200x64xf32>
    %add3A_4334 = arith.addf %add3A_4324, %dot_general3A_4333 : vector<200x64xf32>
    %slice3A_4335 = vector.extract_strided_slice %get3A_4303 {offsets = [0, 3, 0], sizes = [200, 1, 128], strides = [1, 1, 1]} : vector<200x20x128xf32> to vector<200x1x128xf32>
    %squeeze3A_4336 = vector.shape_cast %slice3A_4335 : vector<200x1x128xf32> to vector<200x128xf32>
    %get3A_4337 = arith.constant 3 : index
    %get3A_4338 = arith.constant 0 : index
    %get3A_4339 = arith.constant 0 : index
    %get3A_4340 = vector.load %arg7[%get3A_4337, %get3A_4338, %get3A_4339] : memref<7x128x64xf32, #tpu.memory_space<vmem>>, vector<1x128x64xf32>
    %get3A_4341 = vector.shape_cast %get3A_4340 : vector<1x128x64xf32> to vector<128x64xf32>
    %dot_general3A_4342 = arith.constant dense<0.000000e+00> : vector<200x64xf32>
    %dot_general3A_4343 = tpu.matmul %squeeze3A_4336, %get3A_4341, %dot_general3A_4342 {dimension_numbers = #tpu.dot_dimension_numbers<[1], [0], [0], [1], [0, 0, 1, 1], [], []>, transpose_lhs_hint = false} : vector<200x128xf32>, vector<128x64xf32>, vector<200x64xf32> -> vector<200x64xf32>
    %add3A_4344 = arith.addf %add3A_4334, %dot_general3A_4343 : vector<200x64xf32>
    %slice3A_4345 = vector.extract_strided_slice %get3A_4303 {offsets = [0, 4, 0], sizes = [200, 1, 128], strides = [1, 1, 1]} : vector<200x20x128xf32> to vector<200x1x128xf32>
    %squeeze3A_4346 = vector.shape_cast %slice3A_4345 : vector<200x1x128xf32> to vector<200x128xf32>
    %get3A_4347 = arith.constant 4 : index
    %get3A_4348 = arith.constant 0 : index
    %get3A_4349 = arith.constant 0 : index
    %get3A_4350 = vector.load %arg7[%get3A_4347, %get3A_4348, %get3A_4349] : memref<7x128x64xf32, #tpu.memory_space<vmem>>, vector<1x128x64xf32>
    %get3A_4351 = vector.shape_cast %get3A_4350 : vector<1x128x64xf32> to vector<128x64xf32>
    %dot_general3A_4352 = arith.constant dense<0.000000e+00> : vector<200x64xf32>
    %dot_general3A_4353 = tpu.matmul %squeeze3A_4346, %get3A_4351, %dot_general3A_4352 {dimension_numbers = #tpu.dot_dimension_numbers<[1], [0], [0], [1], [0, 0, 1, 1], [], []>, transpose_lhs_hint = false} : vector<200x128xf32>, vector<128x64xf32>, vector<200x64xf32> -> vector<200x64xf32>
    %add3A_4354 = arith.addf %add3A_4344, %dot_general3A_4353 : vector<200x64xf32>
    %slice3A_4355 = vector.extract_strided_slice %get3A_4303 {offsets = [0, 5, 0], sizes = [200, 1, 128], strides = [1, 1, 1]} : vector<200x20x128xf32> to vector<200x1x128xf32>
    %squeeze3A_4356 = vector.shape_cast %slice3A_4355 : vector<200x1x128xf32> to vector<200x128xf32>
    %get3A_4357 = arith.constant 5 : index
    %get3A_4358 = arith.constant 0 : index
    %get3A_4359 = arith.constant 0 : index
    %get3A_4360 = vector.load %arg7[%get3A_4357, %get3A_4358, %get3A_4359] : memref<7x128x64xf32, #tpu.memory_space<vmem>>, vector<1x128x64xf32>
    %get3A_4361 = vector.shape_cast %get3A_4360 : vector<1x128x64xf32> to vector<128x64xf32>
    %dot_general3A_4362 = arith.constant dense<0.000000e+00> : vector<200x64xf32>
    %dot_general3A_4363 = tpu.matmul %squeeze3A_4356, %get3A_4361, %dot_general3A_4362 {dimension_numbers = #tpu.dot_dimension_numbers<[1], [0], [0], [1], [0, 0, 1, 1], [], []>, transpose_lhs_hint = false} : vector<200x128xf32>, vector<128x64xf32>, vector<200x64xf32> -> vector<200x64xf32>
    %add3A_4364 = arith.addf %add3A_4354, %dot_general3A_4363 : vector<200x64xf32>
    %slice3A_4365 = vector.extract_strided_slice %get3A_4303 {offsets = [0, 6, 0], sizes = [200, 1, 128], strides = [1, 1, 1]} : vector<200x20x128xf32> to vector<200x1x128xf32>
    %squeeze3A_4366 = vector.shape_cast %slice3A_4365 : vector<200x1x128xf32> to vector<200x128xf32>
    %get3A_4367 = arith.constant 6 : index
    %get3A_4368 = arith.constant 0 : index
    %get3A_4369 = arith.constant 0 : index
    %get3A_4370 = vector.load %arg7[%get3A_4367, %get3A_4368, %get3A_4369] : memref<7x128x64xf32, #tpu.memory_space<vmem>>, vector<1x128x64xf32>
    %get3A_4371 = vector.shape_cast %get3A_4370 : vector<1x128x64xf32> to vector<128x64xf32>
    %dot_general3A_4372 = arith.constant dense<0.000000e+00> : vector<200x64xf32>
    %dot_general3A_4373 = tpu.matmul %squeeze3A_4366, %get3A_4371, %dot_general3A_4372 {dimension_numbers = #tpu.dot_dimension_numbers<[1], [0], [0], [1], [0, 0, 1, 1], [], []>, transpose_lhs_hint = false} : vector<200x128xf32>, vector<128x64xf32>, vector<200x64xf32> -> vector<200x64xf32>
    %add3A_4374 = arith.addf %add3A_4364, %dot_general3A_4373 : vector<200x64xf32>
    %slice3A_4375 = vector.extract_strided_slice %get3A_4303 {offsets = [0, 7, 0], sizes = [200, 1, 128], strides = [1, 1, 1]} : vector<200x20x128xf32> to vector<200x1x128xf32>
    %squeeze3A_4376 = vector.shape_cast %slice3A_4375 : vector<200x1x128xf32> to vector<200x128xf32>
    %get3A_4377 = arith.constant 0 : index
    %get3A_4378 = arith.constant 0 : index
    %get3A_4379 = arith.constant 0 : index
    %get3A_4380 = vector.load %arg8[%get3A_4377, %get3A_4378, %get3A_4379] : memref<13x128x64xf32, #tpu.memory_space<vmem>>, vector<1x128x64xf32>
    %get3A_4381 = vector.shape_cast %get3A_4380 : vector<1x128x64xf32> to vector<128x64xf32>
    %dot_general3A_4382 = arith.constant dense<0.000000e+00> : vector<200x64xf32>
    %dot_general3A_4383 = tpu.matmul %squeeze3A_4376, %get3A_4381, %dot_general3A_4382 {dimension_numbers = #tpu.dot_dimension_numbers<[1], [0], [0], [1], [0, 0, 1, 1], [], []>, transpose_lhs_hint = false} : vector<200x128xf32>, vector<128x64xf32>, vector<200x64xf32> -> vector<200x64xf32>
    %add3A_4384 = arith.addf %broadcast_in_dim3A_4306, %dot_general3A_4383 : vector<200x64xf32>
    %slice3A_4385 = vector.extract_strided_slice %get3A_4303 {offsets = [0, 8, 0], sizes = [200, 1, 128], strides = [1, 1, 1]} : vector<200x20x128xf32> to vector<200x1x128xf32>
    %squeeze3A_4386 = vector.shape_cast %slice3A_4385 : vector<200x1x128xf32> to vector<200x128xf32>
    %get3A_4387 = arith.constant 1 : index
    %get3A_4388 = arith.constant 0 : index
    %get3A_4389 = arith.constant 0 : index
    %get3A_4390 = vector.load %arg8[%get3A_4387, %get3A_4388, %get3A_4389] : memref<13x128x64xf32, #tpu.memory_space<vmem>>, vector<1x128x64xf32>
    %get3A_4391 = vector.shape_cast %get3A_4390 : vector<1x128x64xf32> to vector<128x64xf32>
    %dot_general3A_4392 = arith.constant dense<0.000000e+00> : vector<200x64xf32>
    %dot_general3A_4393 = tpu.matmul %squeeze3A_4386, %get3A_4391, %dot_general3A_4392 {dimension_numbers = #tpu.dot_dimension_numbers<[1], [0], [0], [1], [0, 0, 1, 1], [], []>, transpose_lhs_hint = false} : vector<200x128xf32>, vector<128x64xf32>, vector<200x64xf32> -> vector<200x64xf32>
    %add3A_4394 = arith.addf %add3A_4384, %dot_general3A_4393 : vector<200x64xf32>
    %slice3A_4395 = vector.extract_strided_slice %get3A_4303 {offsets = [0, 9, 0], sizes = [200, 1, 128], strides = [1, 1, 1]} : vector<200x20x128xf32> to vector<200x1x128xf32>
    %squeeze3A_4396 = vector.shape_cast %slice3A_4395 : vector<200x1x128xf32> to vector<200x128xf32>
    %get3A_4397 = arith.constant 2 : index
    %get3A_4398 = arith.constant 0 : index
    %get3A_4399 = arith.constant 0 : index
    %get3A_4400 = vector.load %arg8[%get3A_4397, %get3A_4398, %get3A_4399] : memref<13x128x64xf32, #tpu.memory_space<vmem>>, vector<1x128x64xf32>
    %get3A_4401 = vector.shape_cast %get3A_4400 : vector<1x128x64xf32> to vector<128x64xf32>
    %dot_general3A_4402 = arith.constant dense<0.000000e+00> : vector<200x64xf32>
    %dot_general3A_4403 = tpu.matmul %squeeze3A_4396, %get3A_4401, %dot_general3A_4402 {dimension_numbers = #tpu.dot_dimension_numbers<[1], [0], [0], [1], [0, 0, 1, 1], [], []>, transpose_lhs_hint = false} : vector<200x128xf32>, vector<128x64xf32>, vector<200x64xf32> -> vector<200x64xf32>
    %add3A_4404 = arith.addf %add3A_4394, %dot_general3A_4403 : vector<200x64xf32>
    %slice3A_4405 = vector.extract_strided_slice %get3A_4303 {offsets = [0, 10, 0], sizes = [200, 1, 128], strides = [1, 1, 1]} : vector<200x20x128xf32> to vector<200x1x128xf32>
    %squeeze3A_4406 = vector.shape_cast %slice3A_4405 : vector<200x1x128xf32> to vector<200x128xf32>
    %get3A_4407 = arith.constant 3 : index
    %get3A_4408 = arith.constant 0 : index
    %get3A_4409 = arith.constant 0 : index
    %get3A_4410 = vector.load %arg8[%get3A_4407, %get3A_4408, %get3A_4409] : memref<13x128x64xf32, #tpu.memory_space<vmem>>, vector<1x128x64xf32>
    %get3A_4411 = vector.shape_cast %get3A_4410 : vector<1x128x64xf32> to vector<128x64xf32>
    %dot_general3A_4412 = arith.constant dense<0.000000e+00> : vector<200x64xf32>
    %dot_general3A_4413 = tpu.matmul %squeeze3A_4406, %get3A_4411, %dot_general3A_4412 {dimension_numbers = #tpu.dot_dimension_numbers<[1], [0], [0], [1], [0, 0, 1, 1], [], []>, transpose_lhs_hint = false} : vector<200x128xf32>, vector<128x64xf32>, vector<200x64xf32> -> vector<200x64xf32>
    %add3A_4414 = arith.addf %add3A_4404, %dot_general3A_4413 : vector<200x64xf32>
    %slice3A_4415 = vector.extract_strided_slice %get3A_4303 {offsets = [0, 11, 0], sizes = [200, 1, 128], strides = [1, 1, 1]} : vector<200x20x128xf32> to vector<200x1x128xf32>
    %squeeze3A_4416 = vector.shape_cast %slice3A_4415 : vector<200x1x128xf32> to vector<200x128xf32>
    %get3A_4417 = arith.constant 4 : index
    %get3A_4418 = arith.constant 0 : index
    %get3A_4419 = arith.constant 0 : index
    %get3A_4420 = vector.load %arg8[%get3A_4417, %get3A_4418, %get3A_4419] : memref<13x128x64xf32, #tpu.memory_space<vmem>>, vector<1x128x64xf32>
    %get3A_4421 = vector.shape_cast %get3A_4420 : vector<1x128x64xf32> to vector<128x64xf32>
    %dot_general3A_4422 = arith.constant dense<0.000000e+00> : vector<200x64xf32>
    %dot_general3A_4423 = tpu.matmul %squeeze3A_4416, %get3A_4421, %dot_general3A_4422 {dimension_numbers = #tpu.dot_dimension_numbers<[1], [0], [0], [1], [0, 0, 1, 1], [], []>, transpose_lhs_hint = false} : vector<200x128xf32>, vector<128x64xf32>, vector<200x64xf32> -> vector<200x64xf32>
    %add3A_4424 = arith.addf %add3A_4414, %dot_general3A_4423 : vector<200x64xf32>
    %slice3A_4425 = vector.extract_strided_slice %get3A_4303 {offsets = [0, 12, 0], sizes = [200, 1, 128], strides = [1, 1, 1]} : vector<200x20x128xf32> to vector<200x1x128xf32>
    %squeeze3A_4426 = vector.shape_cast %slice3A_4425 : vector<200x1x128xf32> to vector<200x128xf32>
    %get3A_4427 = arith.constant 5 : index
    %get3A_4428 = arith.constant 0 : index
    %get3A_4429 = arith.constant 0 : index
    %get3A_4430 = vector.load %arg8[%get3A_4427, %get3A_4428, %get3A_4429] : memref<13x128x64xf32, #tpu.memory_space<vmem>>, vector<1x128x64xf32>
    %get3A_4431 = vector.shape_cast %get3A_4430 : vector<1x128x64xf32> to vector<128x64xf32>
    %dot_general3A_4432 = arith.constant dense<0.000000e+00> : vector<200x64xf32>
    %dot_general3A_4433 = tpu.matmul %squeeze3A_4426, %get3A_4431, %dot_general3A_4432 {dimension_numbers = #tpu.dot_dimension_numbers<[1], [0], [0], [1], [0, 0, 1, 1], [], []>, transpose_lhs_hint = false} : vector<200x128xf32>, vector<128x64xf32>, vector<200x64xf32> -> vector<200x64xf32>
    %add3A_4434 = arith.addf %add3A_4424, %dot_general3A_4433 : vector<200x64xf32>
    %slice3A_4435 = vector.extract_strided_slice %get3A_4303 {offsets = [0, 13, 0], sizes = [200, 1, 128], strides = [1, 1, 1]} : vector<200x20x128xf32> to vector<200x1x128xf32>
    %squeeze3A_4436 = vector.shape_cast %slice3A_4435 : vector<200x1x128xf32> to vector<200x128xf32>
    %get3A_4437 = arith.constant 6 : index
    %get3A_4438 = arith.constant 0 : index
    %get3A_4439 = arith.constant 0 : index
    %get3A_4440 = vector.load %arg8[%get3A_4437, %get3A_4438, %get3A_4439] : memref<13x128x64xf32, #tpu.memory_space<vmem>>, vector<1x128x64xf32>
    %get3A_4441 = vector.shape_cast %get3A_4440 : vector<1x128x64xf32> to vector<128x64xf32>
    %dot_general3A_4442 = arith.constant dense<0.000000e+00> : vector<200x64xf32>
    %dot_general3A_4443 = tpu.matmul %squeeze3A_4436, %get3A_4441, %dot_general3A_4442 {dimension_numbers = #tpu.dot_dimension_numbers<[1], [0], [0], [1], [0, 0, 1, 1], [], []>, transpose_lhs_hint = false} : vector<200x128xf32>, vector<128x64xf32>, vector<200x64xf32> -> vector<200x64xf32>
    %add3A_4444 = arith.addf %add3A_4434, %dot_general3A_4443 : vector<200x64xf32>
    %slice3A_4445 = vector.extract_strided_slice %get3A_4303 {offsets = [0, 14, 0], sizes = [200, 1, 128], strides = [1, 1, 1]} : vector<200x20x128xf32> to vector<200x1x128xf32>
    %squeeze3A_4446 = vector.shape_cast %slice3A_4445 : vector<200x1x128xf32> to vector<200x128xf32>
    %get3A_4447 = arith.constant 7 : index
    %get3A_4448 = arith.constant 0 : index
    %get3A_4449 = arith.constant 0 : index
    %get3A_4450 = vector.load %arg8[%get3A_4447, %get3A_4448, %get3A_4449] : memref<13x128x64xf32, #tpu.memory_space<vmem>>, vector<1x128x64xf32>
    %get3A_4451 = vector.shape_cast %get3A_4450 : vector<1x128x64xf32> to vector<128x64xf32>
    %dot_general3A_4452 = arith.constant dense<0.000000e+00> : vector<200x64xf32>
    %dot_general3A_4453 = tpu.matmul %squeeze3A_4446, %get3A_4451, %dot_general3A_4452 {dimension_numbers = #tpu.dot_dimension_numbers<[1], [0], [0], [1], [0, 0, 1, 1], [], []>, transpose_lhs_hint = false} : vector<200x128xf32>, vector<128x64xf32>, vector<200x64xf32> -> vector<200x64xf32>
    %add3A_4454 = arith.addf %add3A_4444, %dot_general3A_4453 : vector<200x64xf32>
    %slice3A_4455 = vector.extract_strided_slice %get3A_4303 {offsets = [0, 15, 0], sizes = [200, 1, 128], strides = [1, 1, 1]} : vector<200x20x128xf32> to vector<200x1x128xf32>
    %squeeze3A_4456 = vector.shape_cast %slice3A_4455 : vector<200x1x128xf32> to vector<200x128xf32>
    %get3A_4457 = arith.constant 8 : index
    %get3A_4458 = arith.constant 0 : index
    %get3A_4459 = arith.constant 0 : index
    %get3A_4460 = vector.load %arg8[%get3A_4457, %get3A_4458, %get3A_4459] : memref<13x128x64xf32, #tpu.memory_space<vmem>>, vector<1x128x64xf32>
    %get3A_4461 = vector.shape_cast %get3A_4460 : vector<1x128x64xf32> to vector<128x64xf32>
    %dot_general3A_4462 = arith.constant dense<0.000000e+00> : vector<200x64xf32>
    %dot_general3A_4463 = tpu.matmul %squeeze3A_4456, %get3A_4461, %dot_general3A_4462 {dimension_numbers = #tpu.dot_dimension_numbers<[1], [0], [0], [1], [0, 0, 1, 1], [], []>, transpose_lhs_hint = false} : vector<200x128xf32>, vector<128x64xf32>, vector<200x64xf32> -> vector<200x64xf32>
    %add3A_4464 = arith.addf %add3A_4454, %dot_general3A_4463 : vector<200x64xf32>
    %slice3A_4465 = vector.extract_strided_slice %get3A_4303 {offsets = [0, 16, 0], sizes = [200, 1, 128], strides = [1, 1, 1]} : vector<200x20x128xf32> to vector<200x1x128xf32>
    %squeeze3A_4466 = vector.shape_cast %slice3A_4465 : vector<200x1x128xf32> to vector<200x128xf32>
    %get3A_4467 = arith.constant 9 : index
    %get3A_4468 = arith.constant 0 : index
    %get3A_4469 = arith.constant 0 : index
    %get3A_4470 = vector.load %arg8[%get3A_4467, %get3A_4468, %get3A_4469] : memref<13x128x64xf32, #tpu.memory_space<vmem>>, vector<1x128x64xf32>
    %get3A_4471 = vector.shape_cast %get3A_4470 : vector<1x128x64xf32> to vector<128x64xf32>
    %dot_general3A_4472 = arith.constant dense<0.000000e+00> : vector<200x64xf32>
    %dot_general3A_4473 = tpu.matmul %squeeze3A_4466, %get3A_4471, %dot_general3A_4472 {dimension_numbers = #tpu.dot_dimension_numbers<[1], [0], [0], [1], [0, 0, 1, 1], [], []>, transpose_lhs_hint = false} : vector<200x128xf32>, vector<128x64xf32>, vector<200x64xf32> -> vector<200x64xf32>
    %add3A_4474 = arith.addf %add3A_4464, %dot_general3A_4473 : vector<200x64xf32>
    %slice3A_4475 = vector.extract_strided_slice %get3A_4303 {offsets = [0, 17, 0], sizes = [200, 1, 128], strides = [1, 1, 1]} : vector<200x20x128xf32> to vector<200x1x128xf32>
    %squeeze3A_4476 = vector.shape_cast %slice3A_4475 : vector<200x1x128xf32> to vector<200x128xf32>
    %get3A_4477 = arith.constant 10 : index
    %get3A_4478 = arith.constant 0 : index
    %get3A_4479 = arith.constant 0 : index
    %get3A_4480 = vector.load %arg8[%get3A_4477, %get3A_4478, %get3A_4479] : memref<13x128x64xf32, #tpu.memory_space<vmem>>, vector<1x128x64xf32>
    %get3A_4481 = vector.shape_cast %get3A_4480 : vector<1x128x64xf32> to vector<128x64xf32>
    %dot_general3A_4482 = arith.constant dense<0.000000e+00> : vector<200x64xf32>
    %dot_general3A_4483 = tpu.matmul %squeeze3A_4476, %get3A_4481, %dot_general3A_4482 {dimension_numbers = #tpu.dot_dimension_numbers<[1], [0], [0], [1], [0, 0, 1, 1], [], []>, transpose_lhs_hint = false} : vector<200x128xf32>, vector<128x64xf32>, vector<200x64xf32> -> vector<200x64xf32>
    %add3A_4484 = arith.addf %add3A_4474, %dot_general3A_4483 : vector<200x64xf32>
    %slice3A_4485 = vector.extract_strided_slice %get3A_4303 {offsets = [0, 18, 0], sizes = [200, 1, 128], strides = [1, 1, 1]} : vector<200x20x128xf32> to vector<200x1x128xf32>
    %squeeze3A_4486 = vector.shape_cast %slice3A_4485 : vector<200x1x128xf32> to vector<200x128xf32>
    %get3A_4487 = arith.constant 11 : index
    %get3A_4488 = arith.constant 0 : index
    %get3A_4489 = arith.constant 0 : index
    %get3A_4490 = vector.load %arg8[%get3A_4487, %get3A_4488, %get3A_4489] : memref<13x128x64xf32, #tpu.memory_space<vmem>>, vector<1x128x64xf32>
    %get3A_4491 = vector.shape_cast %get3A_4490 : vector<1x128x64xf32> to vector<128x64xf32>
    %dot_general3A_4492 = arith.constant dense<0.000000e+00> : vector<200x64xf32>
    %dot_general3A_4493 = tpu.matmul %squeeze3A_4486, %get3A_4491, %dot_general3A_4492 {dimension_numbers = #tpu.dot_dimension_numbers<[1], [0], [0], [1], [0, 0, 1, 1], [], []>, transpose_lhs_hint = false} : vector<200x128xf32>, vector<128x64xf32>, vector<200x64xf32> -> vector<200x64xf32>
    %add3A_4494 = arith.addf %add3A_4484, %dot_general3A_4493 : vector<200x64xf32>
    %slice3A_4495 = vector.extract_strided_slice %get3A_4303 {offsets = [0, 19, 0], sizes = [200, 1, 128], strides = [1, 1, 1]} : vector<200x20x128xf32> to vector<200x1x128xf32>
    %squeeze3A_4496 = vector.shape_cast %slice3A_4495 : vector<200x1x128xf32> to vector<200x128xf32>
    %get3A_4497 = arith.constant 12 : index
    %get3A_4498 = arith.constant 0 : index
    %get3A_4499 = arith.constant 0 : index
    %get3A_4500 = vector.load %arg8[%get3A_4497, %get3A_4498, %get3A_4499] : memref<13x128x64xf32, #tpu.memory_space<vmem>>, vector<1x128x64xf32>
    %get3A_4501 = vector.shape_cast %get3A_4500 : vector<1x128x64xf32> to vector<128x64xf32>
    %dot_general3A_4502 = arith.constant dense<0.000000e+00> : vector<200x64xf32>
    %dot_general3A_4503 = tpu.matmul %squeeze3A_4496, %get3A_4501, %dot_general3A_4502 {dimension_numbers = #tpu.dot_dimension_numbers<[1], [0], [0], [1], [0, 0, 1, 1], [], []>, transpose_lhs_hint = false} : vector<200x128xf32>, vector<128x64xf32>, vector<200x64xf32> -> vector<200x64xf32>
    %add3A_4504 = arith.addf %add3A_4494, %dot_general3A_4503 : vector<200x64xf32>
    %swap3A_4505 = arith.constant 0 : index
    %swap3A_4506 = arith.constant 0 : index
    %swap3A_4507 = vector.load %arg9[%swap3A_4505, %swap3A_4506] : memref<200x64xf32, #tpu.memory_space<vmem>>, vector<200x64xf32>
    tpu.vector_store %arg9[%swap3A_4505, %swap3A_4506], %add3A_4374 {strides = array<i32>} : memref<200x64xf32, #tpu.memory_space<vmem>>, vector<200x64xf32>,
    %swap3A_4508 = arith.constant 0 : index
    %swap3A_4509 = arith.constant 0 : index
    %swap3A_4510 = vector.load %arg10[%swap3A_4508, %swap3A_4509] : memref<200x64xf32, #tpu.memory_space<vmem>>, vector<200x64xf32>
    tpu.vector_store %arg10[%swap3A_4508, %swap3A_4509], %add3A_4504 {strides = array<i32>} : memref<200x64xf32, #tpu.memory_space<vmem>>, vector<200x64xf32>,
    %reduce_sum3A = arith.constant dense<0.000000e+00> : vector<64xf32>
    %reduce_sum3A_4511 = vector.multi_reduction <add>, %add3A_4374, %reduce_sum3A [0] : vector<200x64xf32> to vector<64xf32>
    %broadcast_in_dim3A_4512 = vector.shape_cast %reduce_sum3A_4511 : vector<64xf32> to vector<1x64xf32>
    %mul3A_4513 = arith.mulf %add3A_4374, %add3A_4374 : vector<200x64xf32>
    %reduce_sum3A_4514 = arith.constant dense<0.000000e+00> : vector<64xf32>
    %reduce_sum3A_4515 = vector.multi_reduction <add>, %mul3A_4513, %reduce_sum3A_4514 [0] : vector<200x64xf32> to vector<64xf32>
    %broadcast_in_dim3A_4516 = vector.shape_cast %reduce_sum3A_4515 : vector<64xf32> to vector<1x64xf32>
    %reduce_sum3A_4517 = arith.constant dense<0.000000e+00> : vector<64xf32>
    %reduce_sum3A_4518 = vector.multi_reduction <add>, %add3A_4504, %reduce_sum3A_4517 [0] : vector<200x64xf32> to vector<64xf32>
    %broadcast_in_dim3A_4519 = vector.shape_cast %reduce_sum3A_4518 : vector<64xf32> to vector<1x64xf32>
    %mul3A_4520 = arith.mulf %add3A_4504, %add3A_4504 : vector<200x64xf32>
    %reduce_sum3A_4521 = arith.constant dense<0.000000e+00> : vector<64xf32>
    %reduce_sum3A_4522 = vector.multi_reduction <add>, %mul3A_4520, %reduce_sum3A_4521 [0] : vector<200x64xf32> to vector<64xf32>
    %broadcast_in_dim3A_4523 = vector.shape_cast %reduce_sum3A_4522 : vector<64xf32> to vector<1x64xf32>
    %broadcast_in_dim3A_4524 = arith.constant 0.000000e+00 : f32
    %broadcast_in_dim3A_4525 = vector.broadcast %broadcast_in_dim3A_4524 : f32 to vector<4x64xf32>
    %concatenate3A = tpu.concatenate %broadcast_in_dim3A_4512, %broadcast_in_dim3A_4516, %broadcast_in_dim3A_4519, %broadcast_in_dim3A_4523, %broadcast_in_dim3A_4525 in 0 : vector<1x64xf32>, vector<1x64xf32>, vector<1x64xf32>, vector<1x64xf32>, vector<4x64xf32> -> vector<8x64xf32>
    %eq3A = arith.constant 0 : i32
    %eq3A_4526 = arith.cmpi eq, %arg0, %eq3A : i32
    %convert_element_type3A = arith.extui %eq3A_4526 : i1 to i32
    %cond3A = arith.constant 0 : i32
    %cond3A_4527 = arith.cmpi ne, %convert_element_type3A, %cond3A : i32
    scf.if %cond3A_4527 {
      %broadcast_in_dim3A_4535 = arith.constant 0.000000e+00 : f32
      %broadcast_in_dim3A_4536 = vector.broadcast %broadcast_in_dim3A_4535 : f32 to vector<8x64xf32>
      %swap3A_4537 = arith.constant 0 : index
      %swap3A_4538 = arith.constant 0 : index
      %swap3A_4539 = vector.load %arg11[%swap3A_4537, %swap3A_4538] : memref<8x64xf32, #tpu.memory_space<vmem>>, vector<8x64xf32>
      tpu.vector_store %arg11[%swap3A_4537, %swap3A_4538], %broadcast_in_dim3A_4536 {strides = array<i32>} : memref<8x64xf32, #tpu.memory_space<vmem>>, vector<8x64xf32>,
    } else {
    }
    %get3A_4528 = arith.constant 0 : index
    %get3A_4529 = arith.constant 0 : index
    %get3A_4530 = vector.load %arg11[%get3A_4528, %get3A_4529] : memref<8x64xf32, #tpu.memory_space<vmem>>, vector<8x64xf32>
    %add3A_4531 = arith.addf %get3A_4530, %concatenate3A : vector<8x64xf32>
    %swap3A_4532 = arith.constant 0 : index
    %swap3A_4533 = arith.constant 0 : index
    %swap3A_4534 = vector.load %arg11[%swap3A_4532, %swap3A_4533] : memref<8x64xf32, #tpu.memory_space<vmem>>, vector<8x64xf32>
    tpu.vector_store %arg11[%swap3A_4532, %swap3A_4533], %add3A_4531 {strides = array<i32>} : memref<8x64xf32, #tpu.memory_space<vmem>>, vector<8x64xf32>,
    return
  }
  func.func @transform_0(%arg0: i32) -> (i32, i32, i32) {
    %c0_i32 = arith.constant 0 : i32
    %c0_i32_0 = arith.constant 0 : i32
    %c0_i32_1 = arith.constant 0 : i32
    return %arg0, %c0_i32, %c0_i32_0 : i32, i32, i32
  }
  func.func @transform_1(%arg0: i32) -> (i32, i32) {
    %c0_i32 = arith.constant 0 : i32
    %c0_i32_0 = arith.constant 0 : i32
    return %arg0, %c0_i32 : i32, i32
  }
  func.func @transform_2(%arg0: i32) -> (i32, i32) {
    %c0_i32 = arith.constant 0 : i32
    %c0_i32_0 = arith.constant 0 : i32
    return %arg0, %c0_i32 : i32, i32
  }
  func.func @transform_3(%arg0: i32) -> (i32, i32) {
    %c0_i32 = arith.constant 0 : i32
    %c0_i32_0 = arith.constant 0 : i32
    return %arg0, %c0_i32 : i32, i32
  }
  func.func @transform_4(%arg0: i32) -> (i32, i32) {
    %c0_i32 = arith.constant 0 : i32
    %c0_i32_0 = arith.constant 0 : i32
    return %arg0, %c0_i32 : i32, i32
  }
  func.func @transform_5(%arg0: i32) -> (i32, i32) {
    %c0_i32 = arith.constant 0 : i32
    %c0_i32_0 = arith.constant 0 : i32
    %c0_i32_1 = arith.constant 0 : i32
    return %c0_i32, %c0_i32_0 : i32, i32
  }
  func.func @transform_6(%arg0: i32) -> (i32, i32, i32) {
    %c0_i32 = arith.constant 0 : i32
    %c0_i32_0 = arith.constant 0 : i32
    %c0_i32_1 = arith.constant 0 : i32
    %c0_i32_2 = arith.constant 0 : i32
    return %c0_i32, %c0_i32_0, %c0_i32_1 : i32, i32, i32
  }
  func.func @transform_7(%arg0: i32) -> (i32, i32, i32) {
    %c0_i32 = arith.constant 0 : i32
    %c0_i32_0 = arith.constant 0 : i32
    %c0_i32_1 = arith.constant 0 : i32
    %c0_i32_2 = arith.constant 0 : i32
    return %c0_i32, %c0_i32_0, %c0_i32_1 : i32, i32, i32
  }
  func.func @transform_8(%arg0: i32) -> (i32, i32) {
    %c0_i32 = arith.constant 0 : i32
    %c0_i32_0 = arith.constant 0 : i32
    return %arg0, %c0_i32 : i32, i32
  }
  func.func @transform_9(%arg0: i32) -> (i32, i32) {
    %c0_i32 = arith.constant 0 : i32
    %c0_i32_0 = arith.constant 0 : i32
    return %arg0, %c0_i32 : i32, i32
  }
  func.func @transform_10(%arg0: i32) -> (i32, i32) {
    %c0_i32 = arith.constant 0 : i32
    %c0_i32_0 = arith.constant 0 : i32
    %c0_i32_1 = arith.constant 0 : i32
    return %c0_i32, %c0_i32_0 : i32, i32
  }
}

module attributes {stable_mosaic.version = 14 : i64} {
  func.func @_p3_body(%arg0: i32, %arg1: memref<200x128xf32, #tpu.memory_space<vmem>>, %arg2: memref<8x128xf32, #tpu.memory_space<vmem>>, %arg3: memref<1x128xf32, #tpu.memory_space<vmem>>, %arg4: memref<1x128xf32, #tpu.memory_space<vmem>>, %arg5: memref<200x128xf32, #tpu.memory_space<vmem>>) attributes {dimension_semantics = [#tpu.dimension_semantics<arbitrary>], iteration_bounds = array<i64: 50>, scalar_prefetch = 0 : i64, scratch_operands = 0 : i64, tpu.core_type = #tpu.core_type<tc>, window_params = [{transform_indices = @transform_0, window_bounds = array<i64: 200, 128>}, {pipeline_mode = #tpu.pipeline_mode<synchronous>, transform_indices = @transform_1, window_bounds = array<i64: 8, 128>}, {pipeline_mode = #tpu.pipeline_mode<synchronous>, transform_indices = @transform_2, window_bounds = array<i64: 1, 128>}, {pipeline_mode = #tpu.pipeline_mode<synchronous>, transform_indices = @transform_3, window_bounds = array<i64: 1, 128>}, {transform_indices = @transform_4, window_bounds = array<i64: 200, 128>}]} {
    %get3A = arith.constant 0 : index
    %get3A_0 = arith.constant 0 : index
    %get3A_1 = vector.load %arg2[%get3A, %get3A_0] : memref<8x128xf32, #tpu.memory_space<vmem>>, vector<8x128xf32>
    %slice3A = vector.extract_strided_slice %get3A_1 {offsets = [0, 0], sizes = [1, 128], strides = [1, 1]} : vector<8x128xf32> to vector<1x128xf32>
    %mul3A = arith.constant 9.99999974E-5 : f32
    %mul3A_2 = vector.broadcast %mul3A : f32 to vector<1x128xf32>
    %mul3A_3 = arith.mulf %slice3A, %mul3A_2 : vector<1x128xf32>
    %slice3A_4 = vector.extract_strided_slice %get3A_1 {offsets = [1, 0], sizes = [1, 128], strides = [1, 1]} : vector<8x128xf32> to vector<1x128xf32>
    %mul3A_5 = arith.constant 9.99999974E-5 : f32
    %mul3A_6 = vector.broadcast %mul3A_5 : f32 to vector<1x128xf32>
    %mul3A_7 = arith.mulf %slice3A_4, %mul3A_6 : vector<1x128xf32>
    %mul3A_8 = arith.mulf %mul3A_3, %mul3A_3 : vector<1x128xf32>
    %sub3A = arith.subf %mul3A_7, %mul3A_8 : vector<1x128xf32>
    %get3A_9 = arith.constant 0 : index
    %get3A_10 = arith.constant 0 : index
    %get3A_11 = vector.load %arg3[%get3A_9, %get3A_10] : memref<1x128xf32, #tpu.memory_space<vmem>>, vector<1x128xf32>
    %add3A = arith.constant 9.99999974E-6 : f32
    %add3A_12 = vector.broadcast %add3A : f32 to vector<1x128xf32>
    %add3A_13 = arith.addf %sub3A, %add3A_12 : vector<1x128xf32>
    %sqrt3A = math.sqrt %add3A_13 : vector<1x128xf32>
    %div3A = arith.divf %get3A_11, %sqrt3A : vector<1x128xf32>
    %get3A_14 = arith.constant 0 : index
    %get3A_15 = arith.constant 0 : index
    %get3A_16 = vector.load %arg4[%get3A_14, %get3A_15] : memref<1x128xf32, #tpu.memory_space<vmem>>, vector<1x128xf32>
    %mul3A_17 = arith.mulf %div3A, %mul3A_3 : vector<1x128xf32>
    %sub3A_18 = arith.subf %get3A_16, %mul3A_17 : vector<1x128xf32>
    %get3A_19 = arith.constant 0 : index
    %get3A_20 = arith.constant 0 : index
    %get3A_21 = vector.load %arg1[%get3A_19, %get3A_20] : memref<200x128xf32, #tpu.memory_space<vmem>>, vector<200x128xf32>
    %mul3A_22 = vector.broadcast %div3A : vector<1x128xf32> to vector<200x128xf32>
    %mul3A_23 = arith.mulf %get3A_21, %mul3A_22 : vector<200x128xf32>
    %add3A_24 = vector.broadcast %sub3A_18 : vector<1x128xf32> to vector<200x128xf32>
    %add3A_25 = arith.addf %mul3A_23, %add3A_24 : vector<200x128xf32>
    %max3A = arith.constant 0.000000e+00 : f32
    %max3A_26 = vector.broadcast %max3A : f32 to vector<200x128xf32>
    %max3A_27 = arith.maximumf %add3A_25, %max3A_26 : vector<200x128xf32>
    %swap3A = arith.constant 0 : index
    %swap3A_28 = arith.constant 0 : index
    %swap3A_29 = vector.load %arg5[%swap3A, %swap3A_28] : memref<200x128xf32, #tpu.memory_space<vmem>>, vector<200x128xf32>
    tpu.vector_store %arg5[%swap3A, %swap3A_28], %max3A_27 {strides = array<i32>} : memref<200x128xf32, #tpu.memory_space<vmem>>, vector<200x128xf32>,
    return
  }
  func.func @transform_0(%arg0: i32) -> (i32, i32) {
    %c0_i32 = arith.constant 0 : i32
    %c0_i32_0 = arith.constant 0 : i32
    return %arg0, %c0_i32 : i32, i32
  }
  func.func @transform_1(%arg0: i32) -> (i32, i32) {
    %c0_i32 = arith.constant 0 : i32
    %c0_i32_0 = arith.constant 0 : i32
    %c0_i32_1 = arith.constant 0 : i32
    return %c0_i32, %c0_i32_0 : i32, i32
  }
  func.func @transform_2(%arg0: i32) -> (i32, i32) {
    %c0_i32 = arith.constant 0 : i32
    %c0_i32_0 = arith.constant 0 : i32
    %c0_i32_1 = arith.constant 0 : i32
    return %c0_i32, %c0_i32_0 : i32, i32
  }
  func.func @transform_3(%arg0: i32) -> (i32, i32) {
    %c0_i32 = arith.constant 0 : i32
    %c0_i32_0 = arith.constant 0 : i32
    %c0_i32_1 = arith.constant 0 : i32
    return %c0_i32, %c0_i32_0 : i32, i32
  }
  func.func @transform_4(%arg0: i32) -> (i32, i32) {
    %c0_i32 = arith.constant 0 : i32
    %c0_i32_0 = arith.constant 0 : i32
    return %arg0, %c0_i32 : i32, i32
  }
}

</mosaic_0001>

<sc_bundles>
// kernel: kernel.6.cloned.1.call-start
scs
__scs_entry_jumppad:
0x0: {  	(pc) =	sbr.rel $0x88, $3  }
0x1: {  	(tag) =	ssettag $0x0;
	lr =	simm.s32 $0x1  }
0x2: {  	[smem:$0x3F91] =	sst lr;
	_ =	strace $0xD0000000  }
0x3: {  	_ = 	snop  }
0x4: {  	_ = 	snop  }
0x5: {  	_ = 	snop  }
0x6: {  	_ = 	snop  }
0x7: {  	_ = 	snop  }
__scs_overlays_trampoline_lowered:
0x8: {  	[smem:$0x3FA0] =	sst s0  }
0x9: {  	[smem:$0x3FA1] =	sst s1  }
0xa: {  	[smem:$0x3FA2] =	sst s2  }
0xb: {  	[smem:$0x3FA3] =	sst s3  }
0xc: {  	[smem:$0x3FA4] =	sst s4  }
0xd: {  	[smem:$0x3FA5] =	sst s5  }
0xe: {  	[smem:$0x3FA6] =	sst s6  }
0xf: {  	[smem:$0x3FA7] =	sst s7  }
0x10: {  	[smem:$0x3FA8] =	sst s8  }
0x11: {  	[smem:$0x3FA9] =	sst s9;
	s0 =	simm.s32 @!p0 $0x0  }
0x12: {  	s1 =	sld [smem:$0x3F8F];
	s0 =	simm.s32 @p0 $0x1  }
0x13: {  	[smem:$0x3FAA] =	sst s0;
	s0 =	simm.s32 @!p1 $0x0  }
0x14: {  	s2 =	sld [smem:$0x3F8E];
	s0 =	simm.s32 @p1 $0x1  }
0x15: {  	[smem:$0x3FAB] =	sst s0;
	s0 =	simm.s32 @!p2 $0x0  }
0x16: {  	s3 =	sld [smem:$0x3FDB];
	s0 =	simm.s32 @p2 $0x1  }
0x17: {  	s4 =	simm.s32 $0x1BF5;
	[smem:$0x3FAD] =	sst s0  }
0x18: {  	s0 =	sld [smem:$0x3F90];
	_ =	swait.ge [sflag:s4], $0x0  }
0x19: {  	s7 =	sld [smem:$0x3F91]  }
0x1a: {  	s8 =	sadd.s32 $0xFFFFE003, lr  }
0x1b: {  	s9 =	sadd.s32 $0xFFFFFEF7, lr;
	s5 =	simm.s32 $0xFFFFFFFF;
	p2 =	slt.u32 s8, $0xFFFFF086  }
0x1c: {  	p1 =	slt.u32 s9, $0xF7A;
	s5 =	simm.s32 @!p2 $0x0  }
0x1d: {  	s5 =	simm.s32 @p1 $0x1;
	p0 =	seq.s32 s7, s2  }
0x1e: {  	s7 =	smul.u32 @!p0 $0xF7A, s2;
	p2 =	seq.s32 @!p0 s5, $0x0  }
0x1f: {  	s9 =	smul.u32 $0xF7A, s1;
	s8 =	simm.s32 @!p0 $0x1BF5;
	p2 =	por !p2, p0  }
0x20: {  	[sflag:s8] =	ssyncset.s32 @!p0 $0xFFFFF086;
	s6 =	sadd.s32 @!p0 s3, s7;
	s7 =	simm.s32 @!p0 $0x108  }
0x21: {  	s3 =	sadd.s32 s3, s9;
	s6 =	sadd.s32 @!p0 $0x88, s6;
	s7 =	simm.s32 @p2 $0x1082  }
0x22: {  	[simem:s7], [sflag:s8] =	dma.local @!p0 [hbm:s6], $0xF7A  }
0x23: {  	s9 =	sor.u32 $0xD0000000, s2;
	s6 =	simm.s32 $0x108;
	_ =	swait.ge @!p0 [sflag:s8], $0x0  }
0x24: {  	s3 =	sadd.s32 $0x88, s3;
	s6 =	simm.s32 @!p1 $0x1082;
	[sflag:s4] =	ssyncset.s32 $0xFFFFF086  }
0x25: {  	[simem:s6], [sflag:s4] =	dma.local [hbm:s3], $0xF7A  }
0x26: {  	[smem:$0x3F91] =	sst s1;
	(tag) =	ssettag s2;
	_ =	strace s9  }
0x27: {  	s1 =	sld [smem:$0x3FA1]  }
0x28: {  	s2 =	sld [smem:$0x3FA2]  }
0x29: {  	s4 =	sld [smem:$0x3FA4]  }
0x2a: {  	p0 =	seq.s32 s5, $0x0;
	s5 =	sld [smem:$0x3FA5]  }
0x2b: {  	s6 =	sld [smem:$0x3FA6]  }
0x2c: {  	s7 =	sld [smem:$0x3FA7]  }
0x2d: {  	s3 =	simm.s32 $0x108;
	s8 =	sld [smem:$0x3FA8]  }
0x2e: {  	s3 =	simm.s32 @!p0 $0x1082;
	s9 =	sld [smem:$0x3FA9]  }
0x2f: {  	lr =	sadd.s32 s0, s3;
	s0 =	sld [smem:$0x3FA0]  }
0x30: {  	s3 =	sld [smem:$0x3FA3]  }
0x31: {  	[smem:$0x3FAC] =	sst s10  }
0x32: {  	s10 =	sld [smem:$0x3FAA];
	_ =	sdelay $0x3  }
0x33: {  	p0 =	seq.s32 s10, $0x1;
	s10 =	sld [smem:$0x3FAC];
	_ =	sdelay $0x3  }
0x34: {  	[smem:$0x3FAC] =	sst s10  }
0x35: {  	s10 =	sld [smem:$0x3FAB];
	_ =	sdelay $0x3  }
0x36: {  	p1 =	seq.s32 s10, $0x1;
	s10 =	sld [smem:$0x3FAC];
	_ =	sdelay $0x3  }
0x37: {  	[smem:$0x3FAC] =	sst s10  }
0x38: {  	s10 =	sld [smem:$0x3FAD]  }
0x39: {  	_ = 	snop;
	(pc) =	sbr.ind lr, $3  }
0x3a: {  	_ = 	snop  }
0x3b: {  	_ = 	snop  }
0x3c: {  	p2 =	seq.s32 s10, $0x1;
	s10 =	sld [smem:$0x3FAC]  }
0x3d: {  	_ =	shalt  }
0x3e: {  	_ =	shalt  }
0x3f: {  	_ =	shalt  }
0x40: {  	_ =	shalt  }
0x41: {  	_ =	shalt  }
0x42: {  	_ =	shalt  }
0x43: {  	_ =	shalt  }
0x44: {  	_ =	shalt  }
0x45: {  	_ =	shalt  }
0x46: {  	_ =	shalt  }
0x47: {  	_ =	shalt  }
0x48: {  	_ =	shalt  }
0x49: {  	_ =	shalt  }
0x4a: {  	_ =	shalt  }
0x4b: {  	_ =	shalt  }
0x4c: {  	_ =	shalt  }
0x4d: {  	_ =	shalt  }
0x4e: {  	_ =	shalt  }
0x4f: {  	_ =	shalt  }
0x50: {  	_ =	shalt  }
0x51: {  	_ =	shalt  }
0x52: {  	_ =	shalt  }
0x53: {  	_ =	shalt  }
0x54: {  	_ =	shalt  }
0x55: {  	_ =	shalt  }
0x56: {  	_ =	shalt  }
0x57: {  	_ =	shalt  }
0x58: {  	_ =	shalt  }
0x59: {  	_ =	shalt  }
0x5a: {  	_ =	shalt  }
0x5b: {  	_ =	shalt  }
0x5c: {  	_ =	shalt  }
0x5d: {  	_ =	shalt  }
0x5e: {  	_ =	shalt  }
0x5f: {  	_ =	shalt  }
0x60: {  	_ =	shalt  }
0x61: {  	_ =	shalt  }
0x62: {  	_ =	shalt  }
0x63: {  	_ =	shalt  }
0x64: {  	_ =	shalt  }
0x65: {  	_ =	shalt  }
0x66: {  	_ =	shalt  }
0x67: {  	_ =	shalt  }
0x68: {  	_ =	shalt  }
0x69: {  	_ =	shalt  }
0x6a: {  	_ =	shalt  }
0x6b: {  	_ =	shalt  }
0x6c: {  	_ =	shalt  }
0x6d: {  	_ =	shalt  }
0x6e: {  	_ =	shalt  }
0x6f: {  	_ =	shalt  }
0x70: {  	_ =	shalt  }
0x71: {  	_ =	shalt  }
0x72: {  	_ =	shalt  }
0x73: {  	_ =	shalt  }
0x74: {  	_ =	shalt  }
0x75: {  	_ =	shalt  }
0x76: {  	_ =	shalt  }
0x77: {  	_ =	shalt  }
0x78: {  	_ =	shalt  }
0x79: {  	_ =	shalt  }
0x7a: {  	_ =	shalt  }
0x7b: {  	_ =	shalt  }
0x7c: {  	_ =	shalt  }
0x7d: {  	_ =	shalt  }
0x7e: {  	_ =	shalt  }
0x7f: {  	_ =	shalt  }
0x80: {  	_ =	shalt  }
0x81: {  	_ =	shalt  }
0x82: {  	_ =	shalt  }
0x83: {  	_ =	shalt  }
0x84: {  	_ =	shalt  }
0x85: {  	_ =	shalt  }
0x86: {  	_ =	shalt  }
0x87: {  	_ =	shalt  }
.Lfunc_end0:
.L_simem_size_0:
called_computation_lowered:
.L_overlay_start_0:
0x88: {  	s2 =	sld [smem:$0x3FD9]  }
0x89: {  	s3 =	sld [smem:$0x3FFE];
	_ =	sdelay $0x1  }
0x8a: {  	s1 =	srdreg.scid  }
0x8b: {  	s0 =	sand.u32 $0x1, s1  }
0x8c: {  	s17 =	sshll.u32 s0, $0xA;
	s2 =	sadd.s32 s3, s2  }
0x8d: {  	s2 =	sadd.s32 s2, s17  }
0x8e: {  	[smem:$0x3FB8] =	sst s2  }
0x8f: {  	_ = 	snop  }
0x90: {  	s2 =	sld [smem:$0x3FC6]  }
0x91: {  	s18 =	sld [smem:$0x3FD0];
	(tm) =	ssettm $0x1  }
0x92: {  	s4 =	sld [smem:$0x3FFB];
	_ =	sdelay $0x3  }
0x93: {  	_ =	strace s4  }
0x94: {  	s4 =	sld [smem:$0x3FFC];
	_ =	sdelay $0x3  }
0x95: {  	_ =	strace s4  }
0x96: {  	s4 =	sld [smem:$0x3FFD];
	_ =	sdelay $0x3  }
0x97: {  	_ =	strace s4  }
0x98: {  	_ =	strace $0x8FFFFFFF  }
0x99: {  	s19 =	sld [smem:$0x3FDB];
	_ =	sdelay $0x1  }
0x9a: {  	s5 =	simm.s32 $_scs_section_size  }
0x9b: {  	s6 =	simm.s32 $_size__tile_overlayer_lowered;
	s7 =	simm.s32 $_tile_overlayer_lowered  }
0x9c: {  	s22 =	simm.s32 $0x1BFF;
	s21 =	sshll.u32 s7, $0x1;
	s4 =	sadd.s32 s5, s19  }
0x9d: {  	s8 =	simm.s32 $0x0;
	s20 =	sshll.u32 s6, $0x1;
	s6 =	sadd.s32 s21, s4  }
0x9e: {  	[timem:s8], [sflag:s22] =	dma.local [hbm:s6], s20  }
0x9f: {  	_ =	swait.ge [sflag:s22], s20  }
0xa0: {  	s5 =	ssub.s32 $0x0, s20;
	[sflag:s22] =	ssyncset.done $0x0  }
0xa1: {  	[sflag:s22] =	ssyncadd.s32 s5;
	_ =	sdelay $0x1  }
0xa2: {  	s23 =	simm.s32 $0x1B8B  }
0xa3: {  	_ =	swait.ge [sflag:s23], $0x1  }
0xa4: {  	[sflag:s23] =	ssyncset.done $0x0  }
0xa5: {  	s25 =	simm.s32 $0x1B8E;
	s24 =	sld [smem:$0x3FFE];
	[sflag:s23] =	ssyncadd.s32 $0xFFFFFFFF  }
0xa6: {  	s26 =	simm.s32 $execute0_lowered;
	[smem:$0x3FD2] =	sst s25  }
0xa7: {  	s6 =	sshll.u32 s26, $0x1;
	_ =	strace $0x80000046;
	[dreg:$0x1] =	wrdreg $0xFFFFFFFF  }
0xa8: {  	s28 =	simm.s32 $_size_execute0_lowered;
	s4 =	sadd.s32 s4, s6;
	[dreg:$0x0] =	wrdreg $0x0  }
0xa9: {  	s6 =	sshll.u32 s28, $0x1;
	[dreg:$0x2] =	wrdreg s4  }
0xaa: {  	[dreg:$0x3] =	wrdreg s6  }
0xab: {  	[dreg:$0x4] =	wrdreg $0xC0  }
0xac: {  	_ =	task [dreg:s8], $0x5FFFF  }
0xad: {  	[dreg:$0x1] =	wrdreg $0xFFFFFFFF  }
0xae: {  	[dreg:$0x0] =	wrdreg $0x60  }
0xaf: {  	[dreg:$0x2] =	wrdreg s2  }
0xb0: {  	[dreg:$0x3] =	wrdreg s24  }
0xb1: {  	[dreg:$0x4] =	wrdreg s18  }
0xb2: {  	[dreg:$0x5] =	wrdreg $0x9  }
0xb3: {  	_ =	task.clear_ibuf [dreg:s8], $0x6FFFF;
	_ =	strace $0x90000046  }
0xb4: {  	s29 =	simm.s32 $0x9;
	_ =	strace $0x80000048  }
0xb5: {  	_ =	swait.ge [sflag:s29], $0x1  }
0xb6: {  	[sflag:s29] =	ssyncadd.s32 $0xFFFFFFFF  }
0xb7: {  	_ =	strace $0x90000048  }
0xb8: {  	_ =	sfence  }
0xb9: {  	s30 =	sld [smem:$0x0];
	_ =	sdelay $0x2  }
0xba: {  	s31 =	sshll.u32 s1, $0xD;
	s1 =	sshrl.u32 s1, $0x2  }
0xbb: {  	s3 =	sand.u32 $0x4000, s31;
	s1 =	sadd.s32 s1, s30  }
0xbc: {  	s0 =	sor.u32 s3, s0;
	s1 =	sshll.u32 s1, $0x11  }
0xbd: {  	s0 =	sor.u32 s1, s0  }
0xbe: {  	s0 =	sadd.s32 $0x8F2B, s0  }
0xbf: {  	[sflag:s0] =	ssyncadd.remote.s32 $0x1  }
0xc0: {  	_ =	sfence.sel $0xFFFF  }
0xc1: {  	[dreg:$0x0] =	wrdreg $0xFFFFFFFF;
	(pc) =	sbr.abs _section_cstart, $3  }
0xc2: {  	[dreg:$0x1] =	wrdreg $0xFFFFFFFF  }
0xc3: {  	_ =	task.clear_ibuf [dreg:s8], $0x2FFFF;
	_ =	strace $0x9FFFFFFF  }
0xc4: {  	(tm) =	ssettm $0x7FFFFFFF  }
0xc5: {  	_ =	shalt  }
tec
execute0_lowered:
.L_overlay_start_1:
0x0: {  	(tag) =	ssettag $0x1  }
0x1: {  	s1 =	rddreg [dreg:$0x0]  }
0x2: {  	s11 =	rddreg [dreg:$0x1]  }
0x3: {  	s2 =	rddreg [dreg:$0x2]  }
0x4: {  	s0 =	rddreg [dreg:$0x3];
	s3 =	simm.s32 $0x0  }
0x5: {  	s9 =	srdreg.scid;
	s5 =	stileid.u32;
	s16 =	simm.s32 $0xF180  }
0x6: {  	s17 =	simm.s32 $0x11900;
	s18 =	simm.s32 $0x190;
	s19 =	simm.s32 $0x200  }
0x7: {  	s20 =	simm.s32 $0x1;
	s21 =	simm.s32 $0x14080;
	s22 =	simm.s32 $0x14280  }
0x8: {  	s23 =	simm.s32 $0x14480;
	s24 =	simm.s32 $0x0;
	[smem:$0x7FF] =	sst s3  }
0x9: {  	s4 =	sadd.s32 $0x2A00, s11;
	s6 =	sadd.s32 $0x2400, s11;
	s7 =	sadd.s32 $0x1E00, s11  }
0xa: {  	s8 =	sadd.s32 $0x20A00, s11;
	s12 =	sand.u32 $0x1, s9;
	s9 =	sadd.s32 $0x3000, s11  }
0xb: {  	s14 =	sshll.u32 s5, $0x1;
	s10 =	sadd.s32 $0xCE00, s11;
	s13 =	ssub.s32 $0x2, s12  }
0xc: {  	s11 =	sadd.s32 $0x16C00, s11;
	_ =	strace $0x80000047;
	s15 =	sshrl.u32 s13, $0x1  }
0xd: {  	s12 =	sor.u32 s12, s14;
	s14 =	simm.s32 $0xCA00;
	s13 =	ssub.s32 s13, s15  }
0xe: {  	s12 =	smul.u32 $0x2710, s12;
	s15 =	simm.s32 $0x2;
	s13 =	smax.u32 s13, $0x1  }
.LBB2_1:
0xf: {  	[tilespmem:s14], [sflag:$0x2] =	stream.linear.gather [hbm4b:s4+s3], $0x2780, $0x38;
	[tilespmem:$0x14680] =	vst v63  }
0x10: {  	_ =	swait.ge [sflag:s15], $0x2780  }
0x11: {  	[sflag:s15] =	ssyncset.done $0x0  }
0x12: {  	[sflag:s15] =	ssyncadd.s32 $0xFFFFD880  }
0x13: {  	[tilespmem:s16], [sflag:$0x2] =	stream.linear.gather [hbm4b:s6+s3], $0x2780, $0x38;
	[tilespmem:$0x14680] =	vst v63  }
0x14: {  	_ =	swait.ge [sflag:s15], $0x2780  }
0x15: {  	[sflag:s15] =	ssyncset.done $0x0  }
0x16: {  	[sflag:s15] =	ssyncadd.s32 $0xFFFFD880  }
0x17: {  	[tilespmem:s17], [sflag:$0x2] =	stream.linear.gather [hbm4b:s7+s3], $0x2780, $0x38;
	[tilespmem:$0x14680] =	vst v63  }
0x18: {  	_ =	swait.ge [sflag:s15], $0x2780  }
0x19: {  	[sflag:s15] =	ssyncset.done $0x0  }
0x1a: {  	s25 =	simm.s32 $0x0;
	[sflag:s15] =	ssyncadd.s32 $0xFFFFD880  }
.LBB2_2:
0x1b: {  	s26 =	smul.u32 $0x190, s25;
	_ =	sdelay $0x1  }
0x1c: {  	s28 =	sadd.s32 s12, s26  }
0x1d: {  	s26 =	sshrl.u32 s28, $0x3  }
0x1e: {  	s30 =	simm.s32 $0x0;
	s29 =	sadd.s32 s2, s26  }
0x1f: {  	[tilespmem:s30], [sflag:$0x2] =	stream.linear.gather [hbm4b:s29+s30], $0x190, $0x38;
	[tilespmem:$0x14680] =	vst v63  }
0x20: {  	_ =	swait.ge [sflag:s15], $0x190  }
0x21: {  	[sflag:s15] =	ssyncset.done $0x0  }
0x22: {  	[sflag:s15] =	ssyncadd.s32 $0xFFFFFE70  }
0x23: {  	[tilespmem:s19], [sflag:$0x1] =	stream.indirect.gather [hbm4b:s1+s18], $0x80, s30, s18, $0xb8;
	[tilespmem:$0x14680] =	vst v63  }
0x24: {  	_ =	swait.ge [sflag:s20], $0xC800  }
0x25: {  	[sflag:s20] =	ssyncset.done $0x0  }
0x26: {  	s29 =	simm.s32 $0x0;
	[sflag:s20] =	ssyncadd.s32 $0xFFFF3800  }
0x27: {  	v0 =	vld [tilespmem:s29+$0x0];
	_ =	sdelay $0x7  }
0x28: {  	v1 =	vld.idx.msk [tilespmem:v0+s14+$0x0], $0xffff;
	_ =	sdelay $0x4  }
0x29: {  	[tilespmem:s29+$0x14080] =	vst v1  }
0x2a: {  	v1 =	vld.idx.msk [tilespmem:v0+s16+$0x0], $0xffff;
	_ =	sdelay $0x3  }
0x2b: {  	s31 =	simm.s32 $0x10;
	s30 =	simm.s32 $0x80  }
.LBB2_3:
0x2c: {  	p0 =	sne.s32 s30, $0x600;
	v2 =	vld [tilespmem:s31+$0x0];
	[tilespmem:s29+$0x14280] =	vst v1  }
0x2d: {  	v1 =	vld.idx.msk [tilespmem:v0+s17+$0x0], $0xffff;
	_ =	sdelay $0x3  }
0x2e: {  	v0 =	vmov v2;
	_ =	sdelay $0x1  }
0x2f: {  	[tilespmem:s29+$0x14480] =	vst v1;
	s29 =	smov.u32 s31  }
0x30: {  	v1 =	vld.idx.msk [tilespmem:v2+s14+$0x0], $0xffff;
	_ =	sdelay $0x5  }
0x31: {  	[tilespmem:s29+$0x14080] =	vst v1  }
0x32: {  	v1 =	vld.idx.msk [tilespmem:v2+s16+$0x0], $0xffff  }
.Ltmp0:
0x33: {  	(pc) =	sbr.rel @p0 .LBB2_3-.Ltmp0, $2  }
0x34: {  	_ =	sdelay $0x2  }
0x35: {  	s31 =	sshra.s32 s30, $0x2;
	s30 =	sadd.s32 $0x40, s30  }
0x36: {  	_ =	sdelay $0x1  }
0x37: {  	v2 =	vld [tilespmem:s31+$0x0]  }
0x38: {  	[tilespmem:s29+$0x14280] =	vst v1  }
0x39: {  	v0 =	vld.idx.msk [tilespmem:v0+s17+$0x0], $0xffff;
	_ =	sdelay $0x4  }
0x3a: {  	[tilespmem:s29+$0x14480] =	vst v0  }
0x3b: {  	v0 =	vld.idx.msk [tilespmem:v2+s14+$0x0], $0xffff;
	_ =	sdelay $0x4  }
0x3c: {  	[tilespmem:s31+$0x14080] =	vst v0  }
0x3d: {  	v0 =	vld.idx.msk [tilespmem:v2+s16+$0x0], $0xffff;
	_ =	sdelay $0x4  }
0x3e: {  	[tilespmem:s31+$0x14280] =	vst v0  }
0x3f: {  	v0 =	vld.idx.msk [tilespmem:v2+s17+$0x0], $0xffff;
	_ =	sdelay $0x3  }
0x40: {  	s28 =	sshll.u32 s28, $0x4  }
0x41: {  	s28 =	sadd.s32 s8, s28;
	[tilespmem:s31+$0x14480] =	vst v0  }
0x42: {  	[hbm4b:s28+s3] =	stream.linear.scatter [tilespmem:s19], [sflag:$0x2], $0xC800, $0x38;
	[tilespmem:$0x14680] =	vst v63  }
0x43: {  	_ =	swait.ge [sflag:s15], $0xC800  }
0x44: {  	[sflag:s15] =	ssyncset.done $0x0  }
0x45: {  	s29 =	sadd.s32 s9, s26;
	[sflag:s15] =	ssyncadd.s32 $0xFFFF3800  }
0x46: {  	[hbm4b:s29+s3] =	stream.linear.scatter [tilespmem:s21], [sflag:$0x2], $0x190, $0x38;
	[tilespmem:$0x14680] =	vst v63  }
0x47: {  	_ =	swait.ge [sflag:s15], $0x190  }
0x48: {  	[sflag:s15] =	ssyncset.done $0x0  }
0x49: {  	s30 =	sadd.s32 s10, s26;
	[sflag:s15] =	ssyncadd.s32 $0xFFFFFE70  }
0x4a: {  	[hbm4b:s30+s3] =	stream.linear.scatter [tilespmem:s22], [sflag:$0x2], $0x190, $0x38;
	[tilespmem:$0x14680] =	vst v63  }
0x4b: {  	s25 =	sadd.s32 $0x1, s25;
	_ =	swait.ge [sflag:s15], $0x190  }
0x4c: {  	p0 =	sne.s32 s25, $0x19;
	[sflag:s15] =	ssyncset.done $0x0  }
.Ltmp1:
0x4d: {  	s31 =	sadd.s32 s11, s26;
	[sflag:s15] =	ssyncadd.s32 $0xFFFFFE70;
	(pc) =	sbr.rel @p0 .LBB2_2-.Ltmp1, $4  }
0x4e: {  	[hbm4b:s31+s3] =	stream.linear.scatter [tilespmem:s23], [sflag:$0x2], $0x190, $0x38;
	[tilespmem:$0x14680] =	vst v63  }
0x4f: {  	_ =	swait.ge [sflag:s15], $0x190  }
0x50: {  	[sflag:s15] =	ssyncset.done $0x0  }
0x51: {  	[sflag:s15] =	ssyncadd.s32 $0xFFFFFE70  }
0x52: {  	s24 =	sadd.s32 $0x1, s24  }
0x53: {  	p0 =	sne.s32 s24, s13  }
.Ltmp2:
0x54: {  	_ = 	snop;
	(pc) =	sbr.rel @p0 .LBB2_1-.Ltmp2, $1  }
0x55: {  	_ =	sdelay $0x3  }
0x56: {  	_ =	sfence.sel $0x180000  }
0x57: {  	[bflag:$0x0] =	sbarrier.arrive $0xFFFF  }
0x58: {  	p0 =	sne.s32 s5, $0x0;
	_ =	strace $0x90000047  }
0x59: {  	s0 =	sadd.s32 @!p0 $0x100000, s0;
	[bflag:$0x2] =	sbarrier.arrive $0xFFFF  }
0x5a: {  	[sflag:s0] =	ssyncadd.tile.s32 @!p0 $0x1;
	_ =	shalt  }
.Lfunc_end2:
_tile_overlayer_lowered:
.L_overlay_start_2:
0x5b: {  	(tag) =	ssettag $0x2  }
0x5c: {  	s0 =	rddreg [dreg:$0x0];
	s2 =	stileid.u32  }
0x5d: {  	s1 =	rddreg [dreg:$0x1];
	p0 =	sne.s32 s2, $0x0  }
0x5e: {  	s3 =	rddreg [dreg:$0x2];
	[bflag:$0x3] =	sbarrier.arrive $0xFFFF;
	s2 =	simm.s32 @!p0 $0x1C02  }
0x5f: {  	[timem:s3], [sflag:s2] =	dma.local @!p0 [hbm:s0], s1  }
0x60: {  	s0 =	simm.s32 @!p0 $0x2  }
0x61: {  	_ =	swait.ge @!p0 [sflag:s0], s1  }
0x62: {  	s1 =	ssub.s32 @!p0 $0x0, s1;
	[sflag:s0] =	ssyncset.done @!p0 $0x0  }
0x63: {  	[sflag:s0] =	ssyncadd.s32 @!p0 s1  }
0x64: {  	[bflag:$0x3] =	sbarrier.arrive $0xFFFF  }
0x65: {  	_ =	shalt  }

</sc_bundles>
